<compile_context>
chip_gen: v7x
topology: tpu7x:2x2x1
jax: 0.10.2.dev20260603
libtpu: 0.0.44.dev20260713+nightly
codegen_flags: <defaults>
</compile_context>

<pallas_src>
import functools

import jax
import jax.numpy as jnp
from jax import lax
from jax.experimental import pallas as pl
from jax.experimental.pallas import tpu as pltpu
from jax.experimental.pallas import tpu_sc as plsc

N = 10000
E = 320000
D = 128
G = 16
NC, NS = 2, 16
NW = NC * NS
CHUNK = 128
NCHUNK = 80
E_PAD = NW * NCHUNK * CHUNK
NBUF = 2
ACC_ROWS = 10240
ROWS_A = 632
ROWS_LAST = N - (NS - 1) * ROWS_A
DEG_PS = 640
DEGN = NS * DEG_PS
DEG_F = 16

_MESH = plsc.VectorSubcoreMesh(
    core_axis_name="c", subcore_axis_name="s", num_cores=NC, num_subcores=NS)



@functools.partial(
    pl.kernel,
    out_type=jax.ShapeDtypeStruct((NC, DEGN, DEG_F), jnp.float32),
    mesh=_MESH,
    scratch_types=[
        pltpu.VMEM_SHARED((DEGN, DEG_F), jnp.float32),
        pltpu.VMEM((NCHUNK, CHUNK), jnp.int32),
        pltpu.VMEM((CHUNK, DEG_F), jnp.float32),
    ],
)
def _deg_kernel(dst_hbm, ones_hbm, zeros_hbm, out_hbm, acc, didx, ones_v):
    c = lax.axis_index("c")
    s = lax.axis_index("s")
    wid = s * NC + c
    pltpu.sync_copy(zeros_hbm, acc.at[pl.ds(s * DEG_PS, DEG_PS)])
    pltpu.sync_copy(ones_hbm, ones_v)
    pltpu.sync_copy(dst_hbm.at[wid], didx)
    plsc.subcore_barrier()

    def body(j, carry):
        pltpu.sync_copy(ones_v, acc.at[didx.at[j]], add=True)
        return carry

    lax.fori_loop(0, NCHUNK, body, 0)
    plsc.subcore_barrier()
    pltpu.sync_copy(acc.at[pl.ds(s * DEG_PS, DEG_PS)],
                    out_hbm.at[c, pl.ds(s * DEG_PS, DEG_PS)])


@functools.partial(
    pl.kernel,
    out_type=jax.ShapeDtypeStruct((NC, N, D), jnp.float32),
    mesh=_MESH,
    scratch_types=[
        pltpu.VMEM_SHARED((ACC_ROWS, D), jnp.float32),
        pltpu.VMEM((NCHUNK, CHUNK), jnp.int32),
    ] + [pltpu.VMEM((1, CHUNK), jnp.int32) for _ in range(2 * NBUF)]
      + [pltpu.VMEM((CHUNK, D), jnp.float32) for _ in range(NBUF)]
      + [pltpu.SemaphoreType.DMA for _ in range(NBUF)],
)
def _scatter_kernel(t_hbm, pidx_hbm, out_hbm, acc, pidx, *bufs):
    sidx_c = bufs[:NBUF]
    didx_c = bufs[NBUF:2 * NBUF]
    rows = bufs[2 * NBUF:3 * NBUF]
    sems = bufs[3 * NBUF:]
    c = lax.axis_index("c")
    s = lax.axis_index("s")
    wid = s * NC + c
    base = s * ROWS_A

    @pl.when(s < NS - 1)
    def _():
        pltpu.sync_copy(t_hbm.at[pl.ds(base, ROWS_A)],
                        acc.at[pl.ds(base, ROWS_A)])

    @pl.when(s == NS - 1)
    def _():
        pltpu.sync_copy(t_hbm.at[pl.ds(base, ROWS_LAST)],
                        acc.at[pl.ds(base, ROWS_LAST)])

    pltpu.sync_copy(pidx_hbm.at[wid], pidx)
    plsc.subcore_barrier()

    def unpack(j, b):
        for i in range(CHUNK // 16):
            p = pidx[j, pl.ds(i * 16, 16)]
            sidx_c[b][0, pl.ds(i * 16, 16)] = p >> 16
            didx_c[b][0, pl.ds(i * 16, 16)] = p & 0xFFFF

    for b in range(NBUF):
        unpack(b, b)
        pltpu.async_copy(t_hbm.at[sidx_c[b].at[0]], rows[b], sems[b])

    def body(jj, carry):
        bb = jj * NBUF
        for b in range(NBUF):
            j = bb + b
            pltpu.make_async_copy(
                t_hbm.at[sidx_c[b].at[0]], rows[b], sems[b]).wait()
            pltpu.sync_copy(rows[b], acc.at[didx_c[b].at[0]], add=True)
            nj = j + NBUF

            @pl.when(nj < NCHUNK)
            def _():
                unpack(nj, b)
                pltpu.async_copy(t_hbm.at[sidx_c[b].at[0]], rows[b], sems[b])

        return carry

    lax.fori_loop(0, NCHUNK // NBUF, body, 0)
    plsc.subcore_barrier()

    @pl.when(s < NS - 1)
    def _():
        pltpu.sync_copy(acc.at[pl.ds(base, ROWS_A)],
                        out_hbm.at[c, pl.ds(base, ROWS_A)])

    @pl.when(s == NS - 1)
    def _():
        pltpu.sync_copy(acc.at[pl.ds(base, ROWS_LAST)],
                        out_hbm.at[c, pl.ds(base, ROWS_LAST)])



def _mm1_body(x_ref, w_ref, o_ref):
    o_ref[...] = jnp.dot(x_ref[...], w_ref[...],
                         preferred_element_type=jnp.float32)


def _prep_body(degp_ref, m_ref, t_ref, dinv_ref):
    deg2d = degp_ref[0] + degp_ref[1]
    deg = jnp.sum(deg2d, axis=1, keepdims=True) + 1.0
    dinv = lax.rsqrt(deg)[:N]
    dinv_ref[...] = dinv
    t_ref[...] = m_ref[...] * dinv


def _mid_body(p_ref, tprev_ref, dinv_ref, b_ref, w_ref, t_ref):
    dinv = dinv_ref[...]
    h = jax.nn.relu((p_ref[0] + p_ref[1] - tprev_ref[...]) * dinv
                    + b_ref[...])
    t_ref[...] = jnp.dot(h, w_ref[...],
                         preferred_element_type=jnp.float32) * dinv


def _final_body(p_ref, tprev_ref, dinv_ref, b_ref, batch_ref, lw_ref, lb_ref,
                o_ref):
    h = jax.nn.relu((p_ref[0] + p_ref[1] - tprev_ref[...]) * dinv_ref[...]
                    + b_ref[...])
    gids = lax.broadcasted_iota(jnp.int32, (N, G), 1)
    onehot = (batch_ref[...] == gids).astype(jnp.float32)
    summed = lax.dot_general(onehot, h, (((0,), (0,)), ((), ())),
                             preferred_element_type=jnp.float32)
    counts = jnp.sum(onehot, axis=0, keepdims=True)
    pooled = summed / jnp.maximum(counts, 1.0).T
    o_ref[...] = jnp.dot(pooled, lw_ref[...],
                         preferred_element_type=jnp.float32) + lb_ref[...]


def kernel(x, edge_index, batch, W1, b1, W2, b2, W3, b3, lin_W, lin_b):
    npad = E_PAD - E
    pad_dst = N + (jnp.arange(npad, dtype=jnp.int32) % (ACC_ROWS - N))
    packed = jnp.concatenate(
        [(edge_index[0] << 16) | edge_index[1],
         pad_dst]).reshape(NW, NCHUNK, CHUNK)
    dst_deg = jnp.concatenate(
        [edge_index[1], N + (jnp.arange(npad, dtype=jnp.int32) % (DEGN - N))]
    ).reshape(NW, NCHUNK, CHUNK)
    ones_c = jnp.ones((CHUNK, DEG_F), jnp.float32)
    zeros_c = jnp.zeros((DEG_PS, DEG_F), jnp.float32)

    degp = _deg_kernel(dst_deg, ones_c, zeros_c)

    m1 = pl.pallas_call(
        _mm1_body,
        out_shape=jax.ShapeDtypeStruct((N, D), jnp.float32),
    )(x, W1)

    t1, dinv = pl.pallas_call(
        _prep_body,
        out_shape=[jax.ShapeDtypeStruct((N, D), jnp.float32),
                   jax.ShapeDtypeStruct((N, 1), jnp.float32)],
    )(degp, m1)

    p1 = _scatter_kernel(t1, packed)
    t2 = pl.pallas_call(
        _mid_body,
        out_shape=jax.ShapeDtypeStruct((N, D), jnp.float32),
    )(p1, t1, dinv, b1.reshape(1, D), W2)

    p2 = _scatter_kernel(t2, packed)
    t3 = pl.pallas_call(
        _mid_body,
        out_shape=jax.ShapeDtypeStruct((N, D), jnp.float32),
    )(p2, t2, dinv, b2.reshape(1, D), W3)

    p3 = _scatter_kernel(t3, packed)
    out = pl.pallas_call(
        _final_body,
        out_shape=jax.ShapeDtypeStruct((G, 2), jnp.float32),
    )(p3, t3, dinv, b3.reshape(1, D), batch.reshape(N, 1), lin_W,
      lin_b.reshape(1, 2))
    return out

# --- scband reference (transcript-rebuilt; emitter-appended) ---
"""Pipeline reference for scband-graph-net-32564442038772 (READ-ONLY COPY).

The authoritative reference and input builder live on the scoring server;
editing this copy changes nothing except your own understanding.
"""

import jax, jax.numpy as jnp
import numpy as np

N_NODES = 10000
N_EDGES = 320000
D_IN = 128
D_HID = 128
NUM_GRAPHS = 16


def _gcn_layer(x, src, dst, norm, W, b):
    # PyG GCNConv: linear transform, then normalized scatter-add aggregation, then bias
    h = x @ W
    msg = h[src] * norm[:, None]
    out = jnp.zeros((x.shape[0], W.shape[1]), dtype=x.dtype).at[dst].add(msg)
    return out + b


def setup_inputs(seed: int = 0) -> dict:
    key = jax.random.key(seed)
    ks = jax.random.split(key, 12)
    x = jax.random.normal(ks[0], (N_NODES, D_IN), dtype=jnp.float32)
    edge_index = jax.random.randint(ks[1], (2, N_EDGES), 0, N_NODES, dtype=jnp.int32)
    batch = jnp.sort(jax.random.randint(ks[2], (N_NODES,), 0, NUM_GRAPHS, dtype=jnp.int32))
    s1 = 1.0 / np.sqrt(D_IN)
    s2 = 1.0 / np.sqrt(D_HID)
    W1 = jax.random.normal(ks[3], (D_IN, D_HID), dtype=jnp.float32) * s1
    b1 = jnp.zeros((D_HID,), dtype=jnp.float32)
    W2 = jax.random.normal(ks[4], (D_HID, D_HID), dtype=jnp.float32) * s2
    b2 = jnp.zeros((D_HID,), dtype=jnp.float32)
    W3 = jax.random.normal(ks[5], (D_HID, D_HID), dtype=jnp.float32) * s2
    b3 = jnp.zeros((D_HID,), dtype=jnp.float32)
    lin_W = jax.random.normal(ks[6], (D_HID, 2), dtype=jnp.float32) * s2
    lin_b = jnp.zeros((2,), dtype=jnp.float32)
    return {"x": x, "edge_index": edge_index, "batch": batch,
            "W1": W1, "b1": b1, "W2": W2, "b2": b2, "W3": W3, "b3": b3,
            "lin_W": lin_W, "lin_b": lin_b}


def reference(x, edge_index, batch, W1, b1, W2, b2, W3, b3, lin_W, lin_b):
    n = x.shape[0]
    loop = jnp.arange(n, dtype=edge_index.dtype)
    src = jnp.concatenate([edge_index[0], loop])
    dst = jnp.concatenate([edge_index[1], loop])
    # symmetric GCN normalization with self-loops (edge_weight = 1)
    deg = jnp.zeros((n,), dtype=x.dtype).at[dst].add(1.0)
    dinv = jnp.where(deg > 0, 1.0 / jnp.sqrt(deg), 0.0)
    norm = dinv[src] * dinv[dst]
    h = jax.nn.relu(_gcn_layer(x, src, dst, norm, W1, b1))
    h = jax.nn.relu(_gcn_layer(h, src, dst, norm, W2, b2))
    h = jax.nn.relu(_gcn_layer(h, src, dst, norm, W3, b3))
    # global mean pool over graph assignment `batch`
    summed = jax.ops.segment_sum(h, batch, num_segments=NUM_GRAPHS)
    counts = jax.ops.segment_sum(jnp.ones((n,), dtype=h.dtype), batch, num_segments=NUM_GRAPHS)
    pooled = summed / jnp.clip(counts, 1.0, None)[:, None]
    # dropout is identity in eval mode
    return pooled @ lin_W + lin_b

if __name__ == "__main__":
    import jax
    _d = setup_inputs()
    print(jax.jit(kernel)(*tuple(_d.values())))

</pallas_src>

<mosaic_0001>
#map = affine_map<(d0, d1) -> (0, 0)>
#map1 = affine_map<(d0, d1) -> (0, 0, 0)>
module attributes {stable_mosaic.version = 14 : i64} {
  func.func @_scatter_kernel(%arg0: i32, %arg1: i32, %arg2: memref<10000x128xf32, #tpu.memory_space<hbm>>, %arg3: memref<32x80x128xi32, #tpu.memory_space<hbm>>, %arg4: memref<2x10000x128xf32, #tpu.memory_space<hbm>>, %arg5: memref<10240x128xf32, #tpu.memory_space<vmem_shared>>, %arg6: memref<80x128xi32, #tpu.memory_space<vmem>>, %arg7: memref<1x128xi32, #tpu.memory_space<vmem>>, %arg8: memref<1x128xi32, #tpu.memory_space<vmem>>, %arg9: memref<1x128xi32, #tpu.memory_space<vmem>>, %arg10: memref<1x128xi32, #tpu.memory_space<vmem>>, %arg11: memref<128x128xf32, #tpu.memory_space<vmem>>, %arg12: memref<128x128xf32, #tpu.memory_space<vmem>>, %arg13: memref<!tpu.dma_semaphore, #tpu.memory_space<semaphore_mem>>, %arg14: memref<!tpu.dma_semaphore, #tpu.memory_space<semaphore_mem>>) attributes {dimension_semantics = [#tpu.dimension_semantics<core_parallel>, #tpu.dimension_semantics<subcore_parallel>], iteration_bounds = array<i64: 2, 16>, scalar_prefetch = 0 : i64, scratch_operands = 10 : i64, tpu.core_type = #tpu.core_type<sc_vector_subcore>, window_params = [{transform_indices = #map}, {transform_indices = #map1}, {transform_indices = #map1}]} {
    %mul3A = arith.constant 2 : i32
    %mul3A_0 = arith.muli %arg1, %mul3A : i32
    %add3A = arith.addi %mul3A_0, %arg0 : i32
    %mul3A_1 = arith.constant 632 : i32
    %mul3A_2 = arith.muli %arg1, %mul3A_1 : i32
    %lt3A = arith.constant 15 : i32
    %lt3A_3 = arith.cmpi slt, %arg1, %lt3A : i32
    %convert_element_type3A = arith.extui %lt3A_3 : i1 to i32
    %cond3A = arith.constant 0 : i32
    %cond3A_4 = arith.cmpi ne, %convert_element_type3A, %cond3A : i32
    scf.if %cond3A_4 {
      "tpu.region"() ({
        %run_scoped3A = tpu.sem_alloc : memref<!tpu.dma_semaphore, #tpu.memory_space<semaphore_mem>>
        %dma_start3A_402 = arith.constant 0 : i32
        %dma_start3A_403 = tpu.memref_slice %arg5[%mul3A_2, %dma_start3A_402] : memref<10240x128xf32, #tpu.memory_space<vmem_shared>> -> memref<632x128xf32, #tpu.memory_space<vmem_shared>>
        %dma_start3A_404 = arith.constant 0 : i32
        %dma_start3A_405 = tpu.memref_slice %arg2[%mul3A_2, %dma_start3A_404] : memref<10000x128xf32, #tpu.memory_space<hbm>> -> memref<632x128xf32, #tpu.memory_space<hbm>>
        tpu.enqueue_dma source(%dma_start3A_405 : memref<632x128xf32, #tpu.memory_space<hbm>>) target(%dma_start3A_403 : memref<632x128xf32, #tpu.memory_space<vmem_shared>>) target_semaphore(%run_scoped3A : memref<!tpu.dma_semaphore, #tpu.memory_space<semaphore_mem>>)
        %dma_wait3A = arith.constant 0 : i32
        %dma_wait3A_406 = tpu.memref_slice %arg5[%mul3A_2, %dma_wait3A] : memref<10240x128xf32, #tpu.memory_space<vmem_shared>> -> memref<632x128xf32, #tpu.memory_space<vmem_shared>>
        %dma_wait3A_407 = arith.constant 0 : i32
        %dma_wait3A_408 = tpu.memref_slice %arg2[%mul3A_2, %dma_wait3A_407] : memref<10000x128xf32, #tpu.memory_space<hbm>> -> memref<632x128xf32, #tpu.memory_space<hbm>>
        tpu.wait_dma2 semaphore(%run_scoped3A : memref<!tpu.dma_semaphore, #tpu.memory_space<semaphore_mem>>) src(%dma_wait3A_408 : memref<632x128xf32, #tpu.memory_space<hbm>>) dst(%dma_wait3A_406 : memref<632x128xf32, #tpu.memory_space<vmem_shared>>)
        tpu.yield
      }) : () -> ()
    } else {
    }
    %eq3A = arith.constant 15 : i32
    %eq3A_5 = arith.cmpi eq, %arg1, %eq3A : i32
    %convert_element_type3A_6 = arith.extui %eq3A_5 : i1 to i32
    %cond3A_7 = arith.constant 0 : i32
    %cond3A_8 = arith.cmpi ne, %convert_element_type3A_6, %cond3A_7 : i32
    scf.if %cond3A_8 {
      "tpu.region"() ({
        %run_scoped3A = tpu.sem_alloc : memref<!tpu.dma_semaphore, #tpu.memory_space<semaphore_mem>>
        %dma_start3A_402 = arith.constant 0 : i32
        %dma_start3A_403 = tpu.memref_slice %arg5[%mul3A_2, %dma_start3A_402] : memref<10240x128xf32, #tpu.memory_space<vmem_shared>> -> memref<520x128xf32, #tpu.memory_space<vmem_shared>>
        %dma_start3A_404 = arith.constant 0 : i32
        %dma_start3A_405 = tpu.memref_slice %arg2[%mul3A_2, %dma_start3A_404] : memref<10000x128xf32, #tpu.memory_space<hbm>> -> memref<520x128xf32, #tpu.memory_space<hbm>>
        tpu.enqueue_dma source(%dma_start3A_405 : memref<520x128xf32, #tpu.memory_space<hbm>>) target(%dma_start3A_403 : memref<520x128xf32, #tpu.memory_space<vmem_shared>>) target_semaphore(%run_scoped3A : memref<!tpu.dma_semaphore, #tpu.memory_space<semaphore_mem>>)
        %dma_wait3A = arith.constant 0 : i32
        %dma_wait3A_406 = tpu.memref_slice %arg5[%mul3A_2, %dma_wait3A] : memref<10240x128xf32, #tpu.memory_space<vmem_shared>> -> memref<520x128xf32, #tpu.memory_space<vmem_shared>>
        %dma_wait3A_407 = arith.constant 0 : i32
        %dma_wait3A_408 = tpu.memref_slice %arg2[%mul3A_2, %dma_wait3A_407] : memref<10000x128xf32, #tpu.memory_space<hbm>> -> memref<520x128xf32, #tpu.memory_space<hbm>>
        tpu.wait_dma2 semaphore(%run_scoped3A : memref<!tpu.dma_semaphore, #tpu.memory_space<semaphore_mem>>) src(%dma_wait3A_408 : memref<520x128xf32, #tpu.memory_space<hbm>>) dst(%dma_wait3A_406 : memref<520x128xf32, #tpu.memory_space<vmem_shared>>)
        tpu.yield
      }) : () -> ()
    } else {
    }
    "tpu.region"() ({
      %run_scoped3A = tpu.sem_alloc : memref<!tpu.dma_semaphore, #tpu.memory_space<semaphore_mem>>
      %dma_start3A_402 = arith.constant 0 : i32
      %dma_start3A_403 = arith.constant 0 : i32
      %dma_start3A_404 = tpu.memref_slice %arg3[%add3A, %dma_start3A_402, %dma_start3A_403] : memref<32x80x128xi32, #tpu.memory_space<hbm>> -> memref<1x80x128xi32, #tpu.memory_space<hbm>>
      %dma_start3A_405 = tpu.memref_squeeze %dma_start3A_404 : memref<1x80x128xi32, #tpu.memory_space<hbm>> -> memref<80x128xi32, #tpu.memory_space<hbm>>
      %dma_start3A_406 = arith.constant 0 : i32
      %dma_start3A_407 = arith.constant 0 : i32
      %dma_start3A_408 = tpu.memref_slice %arg3[%add3A, %dma_start3A_406, %dma_start3A_407] : memref<32x80x128xi32, #tpu.memory_space<hbm>> -> memref<1x80x128xi32, #tpu.memory_space<hbm>>
      %dma_start3A_409 = tpu.memref_squeeze %dma_start3A_408 : memref<1x80x128xi32, #tpu.memory_space<hbm>> -> memref<80x128xi32, #tpu.memory_space<hbm>>
      tpu.enqueue_dma source(%dma_start3A_409 : memref<80x128xi32, #tpu.memory_space<hbm>>) target(%arg6 : memref<80x128xi32, #tpu.memory_space<vmem>>) target_semaphore(%run_scoped3A : memref<!tpu.dma_semaphore, #tpu.memory_space<semaphore_mem>>)
      %dma_wait3A = arith.constant 0 : i32
      %dma_wait3A_410 = arith.constant 0 : i32
      %dma_wait3A_411 = tpu.memref_slice %arg3[%add3A, %dma_wait3A, %dma_wait3A_410] : memref<32x80x128xi32, #tpu.memory_space<hbm>> -> memref<1x80x128xi32, #tpu.memory_space<hbm>>
      %dma_wait3A_412 = tpu.memref_squeeze %dma_wait3A_411 : memref<1x80x128xi32, #tpu.memory_space<hbm>> -> memref<80x128xi32, #tpu.memory_space<hbm>>
      %dma_wait3A_413 = arith.constant 0 : i32
      %dma_wait3A_414 = arith.constant 0 : i32
      %dma_wait3A_415 = tpu.memref_slice %arg3[%add3A, %dma_wait3A_413, %dma_wait3A_414] : memref<32x80x128xi32, #tpu.memory_space<hbm>> -> memref<1x80x128xi32, #tpu.memory_space<hbm>>
      %dma_wait3A_416 = tpu.memref_squeeze %dma_wait3A_415 : memref<1x80x128xi32, #tpu.memory_space<hbm>> -> memref<80x128xi32, #tpu.memory_space<hbm>>
      tpu.wait_dma2 semaphore(%run_scoped3A : memref<!tpu.dma_semaphore, #tpu.memory_space<semaphore_mem>>) src(%dma_wait3A_416 : memref<80x128xi32, #tpu.memory_space<hbm>>) dst(%arg6 : memref<80x128xi32, #tpu.memory_space<vmem>>)
      tpu.yield
    }) : () -> ()
    %barrier3A = arith.constant 0 : index
    tpu.barrier barrier_id(%barrier3A)
    %get3A = arith.constant 0 : i32
    %get3A_9 = arith.index_cast %get3A : i32 to index
    %get3A_10 = arith.constant 0 : index
    %get3A_11 = tpu.vector_load %arg6[%get3A_9, %get3A_10] {strides = array<i32>} : memref<80x128xi32, #tpu.memory_space<vmem>>, vector<1x16xi32>,
    %get3A_12 = vector.shape_cast %get3A_11 : vector<1x16xi32> to vector<16xi32>
    %shift_right_arithmetic3A = arith.constant 16 : i32
    %shift_right_arithmetic3A_13 = vector.broadcast %shift_right_arithmetic3A : i32 to vector<16xi32>
    %shift_right_arithmetic3A_14 = arith.shrsi %get3A_12, %shift_right_arithmetic3A_13 : vector<16xi32>
    %swap3A = arith.constant 0 : i32
    %swap3A_15 = arith.index_cast %swap3A : i32 to index
    %swap3A_16 = arith.constant 0 : index
    %swap3A_17 = tpu.vector_load %arg7[%swap3A_15, %swap3A_16] {strides = array<i32>} : memref<1x128xi32, #tpu.memory_space<vmem>>, vector<1x16xi32>,
    %swap3A_18 = vector.shape_cast %swap3A_17 : vector<1x16xi32> to vector<16xi32>
    %swap3A_19 = vector.shape_cast %shift_right_arithmetic3A_14 : vector<16xi32> to vector<1x16xi32>
    tpu.vector_store %arg7[%swap3A_15, %swap3A_16], %swap3A_19 {strides = array<i32>} : memref<1x128xi32, #tpu.memory_space<vmem>>, vector<1x16xi32>,
    %and3A = arith.constant 65535 : i32
    %and3A_20 = vector.broadcast %and3A : i32 to vector<16xi32>
    %and3A_21 = arith.andi %get3A_12, %and3A_20 : vector<16xi32>
    %swap3A_22 = arith.constant 0 : i32
    %swap3A_23 = arith.index_cast %swap3A_22 : i32 to index
    %swap3A_24 = arith.constant 0 : index
    %swap3A_25 = tpu.vector_load %arg9[%swap3A_23, %swap3A_24] {strides = array<i32>} : memref<1x128xi32, #tpu.memory_space<vmem>>, vector<1x16xi32>,
    %swap3A_26 = vector.shape_cast %swap3A_25 : vector<1x16xi32> to vector<16xi32>
    %swap3A_27 = vector.shape_cast %and3A_21 : vector<16xi32> to vector<1x16xi32>
    tpu.vector_store %arg9[%swap3A_23, %swap3A_24], %swap3A_27 {strides = array<i32>} : memref<1x128xi32, #tpu.memory_space<vmem>>, vector<1x16xi32>,
    %get3A_28 = arith.constant 0 : i32
    %get3A_29 = arith.index_cast %get3A_28 : i32 to index
    %get3A_30 = arith.constant 16 : index
    %get3A_31 = tpu.vector_load %arg6[%get3A_29, %get3A_30] {strides = array<i32>} : memref<80x128xi32, #tpu.memory_space<vmem>>, vector<1x16xi32>,
    %get3A_32 = vector.shape_cast %get3A_31 : vector<1x16xi32> to vector<16xi32>
    %shift_right_arithmetic3A_33 = arith.constant 16 : i32
    %shift_right_arithmetic3A_34 = vector.broadcast %shift_right_arithmetic3A_33 : i32 to vector<16xi32>
    %shift_right_arithmetic3A_35 = arith.shrsi %get3A_32, %shift_right_arithmetic3A_34 : vector<16xi32>
    %swap3A_36 = arith.constant 0 : i32
    %swap3A_37 = arith.index_cast %swap3A_36 : i32 to index
    %swap3A_38 = arith.constant 16 : index
    %swap3A_39 = tpu.vector_load %arg7[%swap3A_37, %swap3A_38] {strides = array<i32>} : memref<1x128xi32, #tpu.memory_space<vmem>>, vector<1x16xi32>,
    %swap3A_40 = vector.shape_cast %swap3A_39 : vector<1x16xi32> to vector<16xi32>
    %swap3A_41 = vector.shape_cast %shift_right_arithmetic3A_35 : vector<16xi32> to vector<1x16xi32>
    tpu.vector_store %arg7[%swap3A_37, %swap3A_38], %swap3A_41 {strides = array<i32>} : memref<1x128xi32, #tpu.memory_space<vmem>>, vector<1x16xi32>,
    %and3A_42 = arith.constant 65535 : i32
    %and3A_43 = vector.broadcast %and3A_42 : i32 to vector<16xi32>
    %and3A_44 = arith.andi %get3A_32, %and3A_43 : vector<16xi32>
    %swap3A_45 = arith.constant 0 : i32
    %swap3A_46 = arith.index_cast %swap3A_45 : i32 to index
    %swap3A_47 = arith.constant 16 : index
    %swap3A_48 = tpu.vector_load %arg9[%swap3A_46, %swap3A_47] {strides = array<i32>} : memref<1x128xi32, #tpu.memory_space<vmem>>, vector<1x16xi32>,
    %swap3A_49 = vector.shape_cast %swap3A_48 : vector<1x16xi32> to vector<16xi32>
    %swap3A_50 = vector.shape_cast %and3A_44 : vector<16xi32> to vector<1x16xi32>
    tpu.vector_store %arg9[%swap3A_46, %swap3A_47], %swap3A_50 {strides = array<i32>} : memref<1x128xi32, #tpu.memory_space<vmem>>, vector<1x16xi32>,
    %get3A_51 = arith.constant 0 : i32
    %get3A_52 = arith.index_cast %get3A_51 : i32 to index
    %get3A_53 = arith.constant 32 : index
    %get3A_54 = tpu.vector_load %arg6[%get3A_52, %get3A_53] {strides = array<i32>} : memref<80x128xi32, #tpu.memory_space<vmem>>, vector<1x16xi32>,
    %get3A_55 = vector.shape_cast %get3A_54 : vector<1x16xi32> to vector<16xi32>
    %shift_right_arithmetic3A_56 = arith.constant 16 : i32
    %shift_right_arithmetic3A_57 = vector.broadcast %shift_right_arithmetic3A_56 : i32 to vector<16xi32>
    %shift_right_arithmetic3A_58 = arith.shrsi %get3A_55, %shift_right_arithmetic3A_57 : vector<16xi32>
    %swap3A_59 = arith.constant 0 : i32
    %swap3A_60 = arith.index_cast %swap3A_59 : i32 to index
    %swap3A_61 = arith.constant 32 : index
    %swap3A_62 = tpu.vector_load %arg7[%swap3A_60, %swap3A_61] {strides = array<i32>} : memref<1x128xi32, #tpu.memory_space<vmem>>, vector<1x16xi32>,
    %swap3A_63 = vector.shape_cast %swap3A_62 : vector<1x16xi32> to vector<16xi32>
    %swap3A_64 = vector.shape_cast %shift_right_arithmetic3A_58 : vector<16xi32> to vector<1x16xi32>
    tpu.vector_store %arg7[%swap3A_60, %swap3A_61], %swap3A_64 {strides = array<i32>} : memref<1x128xi32, #tpu.memory_space<vmem>>, vector<1x16xi32>,
    %and3A_65 = arith.constant 65535 : i32
    %and3A_66 = vector.broadcast %and3A_65 : i32 to vector<16xi32>
    %and3A_67 = arith.andi %get3A_55, %and3A_66 : vector<16xi32>
    %swap3A_68 = arith.constant 0 : i32
    %swap3A_69 = arith.index_cast %swap3A_68 : i32 to index
    %swap3A_70 = arith.constant 32 : index
    %swap3A_71 = tpu.vector_load %arg9[%swap3A_69, %swap3A_70] {strides = array<i32>} : memref<1x128xi32, #tpu.memory_space<vmem>>, vector<1x16xi32>,
    %swap3A_72 = vector.shape_cast %swap3A_71 : vector<1x16xi32> to vector<16xi32>
    %swap3A_73 = vector.shape_cast %and3A_67 : vector<16xi32> to vector<1x16xi32>
    tpu.vector_store %arg9[%swap3A_69, %swap3A_70], %swap3A_73 {strides = array<i32>} : memref<1x128xi32, #tpu.memory_space<vmem>>, vector<1x16xi32>,
    %get3A_74 = arith.constant 0 : i32
    %get3A_75 = arith.index_cast %get3A_74 : i32 to index
    %get3A_76 = arith.constant 48 : index
    %get3A_77 = tpu.vector_load %arg6[%get3A_75, %get3A_76] {strides = array<i32>} : memref<80x128xi32, #tpu.memory_space<vmem>>, vector<1x16xi32>,
    %get3A_78 = vector.shape_cast %get3A_77 : vector<1x16xi32> to vector<16xi32>
    %shift_right_arithmetic3A_79 = arith.constant 16 : i32
    %shift_right_arithmetic3A_80 = vector.broadcast %shift_right_arithmetic3A_79 : i32 to vector<16xi32>
    %shift_right_arithmetic3A_81 = arith.shrsi %get3A_78, %shift_right_arithmetic3A_80 : vector<16xi32>
    %swap3A_82 = arith.constant 0 : i32
    %swap3A_83 = arith.index_cast %swap3A_82 : i32 to index
    %swap3A_84 = arith.constant 48 : index
    %swap3A_85 = tpu.vector_load %arg7[%swap3A_83, %swap3A_84] {strides = array<i32>} : memref<1x128xi32, #tpu.memory_space<vmem>>, vector<1x16xi32>,
    %swap3A_86 = vector.shape_cast %swap3A_85 : vector<1x16xi32> to vector<16xi32>
    %swap3A_87 = vector.shape_cast %shift_right_arithmetic3A_81 : vector<16xi32> to vector<1x16xi32>
    tpu.vector_store %arg7[%swap3A_83, %swap3A_84], %swap3A_87 {strides = array<i32>} : memref<1x128xi32, #tpu.memory_space<vmem>>, vector<1x16xi32>,
    %and3A_88 = arith.constant 65535 : i32
    %and3A_89 = vector.broadcast %and3A_88 : i32 to vector<16xi32>
    %and3A_90 = arith.andi %get3A_78, %and3A_89 : vector<16xi32>
    %swap3A_91 = arith.constant 0 : i32
    %swap3A_92 = arith.index_cast %swap3A_91 : i32 to index
    %swap3A_93 = arith.constant 48 : index
    %swap3A_94 = tpu.vector_load %arg9[%swap3A_92, %swap3A_93] {strides = array<i32>} : memref<1x128xi32, #tpu.memory_space<vmem>>, vector<1x16xi32>,
    %swap3A_95 = vector.shape_cast %swap3A_94 : vector<1x16xi32> to vector<16xi32>
    %swap3A_96 = vector.shape_cast %and3A_90 : vector<16xi32> to vector<1x16xi32>
    tpu.vector_store %arg9[%swap3A_92, %swap3A_93], %swap3A_96 {strides = array<i32>} : memref<1x128xi32, #tpu.memory_space<vmem>>, vector<1x16xi32>,
    %get3A_97 = arith.constant 0 : i32
    %get3A_98 = arith.index_cast %get3A_97 : i32 to index
    %get3A_99 = arith.constant 64 : index
    %get3A_100 = tpu.vector_load %arg6[%get3A_98, %get3A_99] {strides = array<i32>} : memref<80x128xi32, #tpu.memory_space<vmem>>, vector<1x16xi32>,
    %get3A_101 = vector.shape_cast %get3A_100 : vector<1x16xi32> to vector<16xi32>
    %shift_right_arithmetic3A_102 = arith.constant 16 : i32
    %shift_right_arithmetic3A_103 = vector.broadcast %shift_right_arithmetic3A_102 : i32 to vector<16xi32>
    %shift_right_arithmetic3A_104 = arith.shrsi %get3A_101, %shift_right_arithmetic3A_103 : vector<16xi32>
    %swap3A_105 = arith.constant 0 : i32
    %swap3A_106 = arith.index_cast %swap3A_105 : i32 to index
    %swap3A_107 = arith.constant 64 : index
    %swap3A_108 = tpu.vector_load %arg7[%swap3A_106, %swap3A_107] {strides = array<i32>} : memref<1x128xi32, #tpu.memory_space<vmem>>, vector<1x16xi32>,
    %swap3A_109 = vector.shape_cast %swap3A_108 : vector<1x16xi32> to vector<16xi32>
    %swap3A_110 = vector.shape_cast %shift_right_arithmetic3A_104 : vector<16xi32> to vector<1x16xi32>
    tpu.vector_store %arg7[%swap3A_106, %swap3A_107], %swap3A_110 {strides = array<i32>} : memref<1x128xi32, #tpu.memory_space<vmem>>, vector<1x16xi32>,
    %and3A_111 = arith.constant 65535 : i32
    %and3A_112 = vector.broadcast %and3A_111 : i32 to vector<16xi32>
    %and3A_113 = arith.andi %get3A_101, %and3A_112 : vector<16xi32>
    %swap3A_114 = arith.constant 0 : i32
    %swap3A_115 = arith.index_cast %swap3A_114 : i32 to index
    %swap3A_116 = arith.constant 64 : index
    %swap3A_117 = tpu.vector_load %arg9[%swap3A_115, %swap3A_116] {strides = array<i32>} : memref<1x128xi32, #tpu.memory_space<vmem>>, vector<1x16xi32>,
    %swap3A_118 = vector.shape_cast %swap3A_117 : vector<1x16xi32> to vector<16xi32>
    %swap3A_119 = vector.shape_cast %and3A_113 : vector<16xi32> to vector<1x16xi32>
    tpu.vector_store %arg9[%swap3A_115, %swap3A_116], %swap3A_119 {strides = array<i32>} : memref<1x128xi32, #tpu.memory_space<vmem>>, vector<1x16xi32>,
    %get3A_120 = arith.constant 0 : i32
    %get3A_121 = arith.index_cast %get3A_120 : i32 to index
    %get3A_122 = arith.constant 80 : index
    %get3A_123 = tpu.vector_load %arg6[%get3A_121, %get3A_122] {strides = array<i32>} : memref<80x128xi32, #tpu.memory_space<vmem>>, vector<1x16xi32>,
    %get3A_124 = vector.shape_cast %get3A_123 : vector<1x16xi32> to vector<16xi32>
    %shift_right_arithmetic3A_125 = arith.constant 16 : i32
    %shift_right_arithmetic3A_126 = vector.broadcast %shift_right_arithmetic3A_125 : i32 to vector<16xi32>
    %shift_right_arithmetic3A_127 = arith.shrsi %get3A_124, %shift_right_arithmetic3A_126 : vector<16xi32>
    %swap3A_128 = arith.constant 0 : i32
    %swap3A_129 = arith.index_cast %swap3A_128 : i32 to index
    %swap3A_130 = arith.constant 80 : index
    %swap3A_131 = tpu.vector_load %arg7[%swap3A_129, %swap3A_130] {strides = array<i32>} : memref<1x128xi32, #tpu.memory_space<vmem>>, vector<1x16xi32>,
    %swap3A_132 = vector.shape_cast %swap3A_131 : vector<1x16xi32> to vector<16xi32>
    %swap3A_133 = vector.shape_cast %shift_right_arithmetic3A_127 : vector<16xi32> to vector<1x16xi32>
    tpu.vector_store %arg7[%swap3A_129, %swap3A_130], %swap3A_133 {strides = array<i32>} : memref<1x128xi32, #tpu.memory_space<vmem>>, vector<1x16xi32>,
    %and3A_134 = arith.constant 65535 : i32
    %and3A_135 = vector.broadcast %and3A_134 : i32 to vector<16xi32>
    %and3A_136 = arith.andi %get3A_124, %and3A_135 : vector<16xi32>
    %swap3A_137 = arith.constant 0 : i32
    %swap3A_138 = arith.index_cast %swap3A_137 : i32 to index
    %swap3A_139 = arith.constant 80 : index
    %swap3A_140 = tpu.vector_load %arg9[%swap3A_138, %swap3A_139] {strides = array<i32>} : memref<1x128xi32, #tpu.memory_space<vmem>>, vector<1x16xi32>,
    %swap3A_141 = vector.shape_cast %swap3A_140 : vector<1x16xi32> to vector<16xi32>
    %swap3A_142 = vector.shape_cast %and3A_136 : vector<16xi32> to vector<1x16xi32>
    tpu.vector_store %arg9[%swap3A_138, %swap3A_139], %swap3A_142 {strides = array<i32>} : memref<1x128xi32, #tpu.memory_space<vmem>>, vector<1x16xi32>,
    %get3A_143 = arith.constant 0 : i32
    %get3A_144 = arith.index_cast %get3A_143 : i32 to index
    %get3A_145 = arith.constant 96 : index
    %get3A_146 = tpu.vector_load %arg6[%get3A_144, %get3A_145] {strides = array<i32>} : memref<80x128xi32, #tpu.memory_space<vmem>>, vector<1x16xi32>,
    %get3A_147 = vector.shape_cast %get3A_146 : vector<1x16xi32> to vector<16xi32>
    %shift_right_arithmetic3A_148 = arith.constant 16 : i32
    %shift_right_arithmetic3A_149 = vector.broadcast %shift_right_arithmetic3A_148 : i32 to vector<16xi32>
    %shift_right_arithmetic3A_150 = arith.shrsi %get3A_147, %shift_right_arithmetic3A_149 : vector<16xi32>
    %swap3A_151 = arith.constant 0 : i32
    %swap3A_152 = arith.index_cast %swap3A_151 : i32 to index
    %swap3A_153 = arith.constant 96 : index
    %swap3A_154 = tpu.vector_load %arg7[%swap3A_152, %swap3A_153] {strides = array<i32>} : memref<1x128xi32, #tpu.memory_space<vmem>>, vector<1x16xi32>,
    %swap3A_155 = vector.shape_cast %swap3A_154 : vector<1x16xi32> to vector<16xi32>
    %swap3A_156 = vector.shape_cast %shift_right_arithmetic3A_150 : vector<16xi32> to vector<1x16xi32>
    tpu.vector_store %arg7[%swap3A_152, %swap3A_153], %swap3A_156 {strides = array<i32>} : memref<1x128xi32, #tpu.memory_space<vmem>>, vector<1x16xi32>,
    %and3A_157 = arith.constant 65535 : i32
    %and3A_158 = vector.broadcast %and3A_157 : i32 to vector<16xi32>
    %and3A_159 = arith.andi %get3A_147, %and3A_158 : vector<16xi32>
    %swap3A_160 = arith.constant 0 : i32
    %swap3A_161 = arith.index_cast %swap3A_160 : i32 to index
    %swap3A_162 = arith.constant 96 : index
    %swap3A_163 = tpu.vector_load %arg9[%swap3A_161, %swap3A_162] {strides = array<i32>} : memref<1x128xi32, #tpu.memory_space<vmem>>, vector<1x16xi32>,
    %swap3A_164 = vector.shape_cast %swap3A_163 : vector<1x16xi32> to vector<16xi32>
    %swap3A_165 = vector.shape_cast %and3A_159 : vector<16xi32> to vector<1x16xi32>
    tpu.vector_store %arg9[%swap3A_161, %swap3A_162], %swap3A_165 {strides = array<i32>} : memref<1x128xi32, #tpu.memory_space<vmem>>, vector<1x16xi32>,
    %get3A_166 = arith.constant 0 : i32
    %get3A_167 = arith.index_cast %get3A_166 : i32 to index
    %get3A_168 = arith.constant 112 : index
    %get3A_169 = tpu.vector_load %arg6[%get3A_167, %get3A_168] {strides = array<i32>} : memref<80x128xi32, #tpu.memory_space<vmem>>, vector<1x16xi32>,
    %get3A_170 = vector.shape_cast %get3A_169 : vector<1x16xi32> to vector<16xi32>
    %shift_right_arithmetic3A_171 = arith.constant 16 : i32
    %shift_right_arithmetic3A_172 = vector.broadcast %shift_right_arithmetic3A_171 : i32 to vector<16xi32>
    %shift_right_arithmetic3A_173 = arith.shrsi %get3A_170, %shift_right_arithmetic3A_172 : vector<16xi32>
    %swap3A_174 = arith.constant 0 : i32
    %swap3A_175 = arith.index_cast %swap3A_174 : i32 to index
    %swap3A_176 = arith.constant 112 : index
    %swap3A_177 = tpu.vector_load %arg7[%swap3A_175, %swap3A_176] {strides = array<i32>} : memref<1x128xi32, #tpu.memory_space<vmem>>, vector<1x16xi32>,
    %swap3A_178 = vector.shape_cast %swap3A_177 : vector<1x16xi32> to vector<16xi32>
    %swap3A_179 = vector.shape_cast %shift_right_arithmetic3A_173 : vector<16xi32> to vector<1x16xi32>
    tpu.vector_store %arg7[%swap3A_175, %swap3A_176], %swap3A_179 {strides = array<i32>} : memref<1x128xi32, #tpu.memory_space<vmem>>, vector<1x16xi32>,
    %and3A_180 = arith.constant 65535 : i32
    %and3A_181 = vector.broadcast %and3A_180 : i32 to vector<16xi32>
    %and3A_182 = arith.andi %get3A_170, %and3A_181 : vector<16xi32>
    %swap3A_183 = arith.constant 0 : i32
    %swap3A_184 = arith.index_cast %swap3A_183 : i32 to index
    %swap3A_185 = arith.constant 112 : index
    %swap3A_186 = tpu.vector_load %arg9[%swap3A_184, %swap3A_185] {strides = array<i32>} : memref<1x128xi32, #tpu.memory_space<vmem>>, vector<1x16xi32>,
    %swap3A_187 = vector.shape_cast %swap3A_186 : vector<1x16xi32> to vector<16xi32>
    %swap3A_188 = vector.shape_cast %and3A_182 : vector<16xi32> to vector<1x16xi32>
    tpu.vector_store %arg9[%swap3A_184, %swap3A_185], %swap3A_188 {strides = array<i32>} : memref<1x128xi32, #tpu.memory_space<vmem>>, vector<1x16xi32>,
    %dma_start3A = arith.constant 0 : i32
    %dma_start3A_189 = arith.constant 0 : i32
    %dma_start3A_190 = tpu.memref_slice %arg7[%dma_start3A, %dma_start3A_189] : memref<1x128xi32, #tpu.memory_space<vmem>> -> memref<1x128xi32, #tpu.memory_space<vmem>>
    %dma_start3A_191 = tpu.memref_squeeze %dma_start3A_190 : memref<1x128xi32, #tpu.memory_space<vmem>> -> memref<128xi32, #tpu.memory_space<vmem>>
    %dma_start3A_192 = arith.constant 0 : i32
    %dma_start3A_193 = arith.constant 0 : i32
    %dma_start3A_194 = tpu.memref_slice %arg2[%dma_start3A_192, %dma_start3A_193] : memref<10000x128xf32, #tpu.memory_space<hbm>> -> memref<10000x128xf32, #tpu.memory_space<hbm>>
    tpu.enqueue_indirect_dma source(%dma_start3A_194 : memref<10000x128xf32, #tpu.memory_space<hbm>>) target(%arg11 : memref<128x128xf32, #tpu.memory_space<vmem>>) offsets(%dma_start3A_191 : memref<128xi32, #tpu.memory_space<vmem>>) semaphore(%arg13 : memref<!tpu.dma_semaphore, #tpu.memory_space<semaphore_mem>>)
    %get3A_195 = arith.constant 1 : i32
    %get3A_196 = arith.index_cast %get3A_195 : i32 to index
    %get3A_197 = arith.constant 0 : index
    %get3A_198 = tpu.vector_load %arg6[%get3A_196, %get3A_197] {strides = array<i32>} : memref<80x128xi32, #tpu.memory_space<vmem>>, vector<1x16xi32>,
    %get3A_199 = vector.shape_cast %get3A_198 : vector<1x16xi32> to vector<16xi32>
    %shift_right_arithmetic3A_200 = arith.constant 16 : i32
    %shift_right_arithmetic3A_201 = vector.broadcast %shift_right_arithmetic3A_200 : i32 to vector<16xi32>
    %shift_right_arithmetic3A_202 = arith.shrsi %get3A_199, %shift_right_arithmetic3A_201 : vector<16xi32>
    %swap3A_203 = arith.constant 0 : i32
    %swap3A_204 = arith.index_cast %swap3A_203 : i32 to index
    %swap3A_205 = arith.constant 0 : index
    %swap3A_206 = tpu.vector_load %arg8[%swap3A_204, %swap3A_205] {strides = array<i32>} : memref<1x128xi32, #tpu.memory_space<vmem>>, vector<1x16xi32>,
    %swap3A_207 = vector.shape_cast %swap3A_206 : vector<1x16xi32> to vector<16xi32>
    %swap3A_208 = vector.shape_cast %shift_right_arithmetic3A_202 : vector<16xi32> to vector<1x16xi32>
    tpu.vector_store %arg8[%swap3A_204, %swap3A_205], %swap3A_208 {strides = array<i32>} : memref<1x128xi32, #tpu.memory_space<vmem>>, vector<1x16xi32>,
    %and3A_209 = arith.constant 65535 : i32
    %and3A_210 = vector.broadcast %and3A_209 : i32 to vector<16xi32>
    %and3A_211 = arith.andi %get3A_199, %and3A_210 : vector<16xi32>
    %swap3A_212 = arith.constant 0 : i32
    %swap3A_213 = arith.index_cast %swap3A_212 : i32 to index
    %swap3A_214 = arith.constant 0 : index
    %swap3A_215 = tpu.vector_load %arg10[%swap3A_213, %swap3A_214] {strides = array<i32>} : memref<1x128xi32, #tpu.memory_space<vmem>>, vector<1x16xi32>,
    %swap3A_216 = vector.shape_cast %swap3A_215 : vector<1x16xi32> to vector<16xi32>
    %swap3A_217 = vector.shape_cast %and3A_211 : vector<16xi32> to vector<1x16xi32>
    tpu.vector_store %arg10[%swap3A_213, %swap3A_214], %swap3A_217 {strides = array<i32>} : memref<1x128xi32, #tpu.memory_space<vmem>>, vector<1x16xi32>,
    %get3A_218 = arith.constant 1 : i32
    %get3A_219 = arith.index_cast %get3A_218 : i32 to index
    %get3A_220 = arith.constant 16 : index
    %get3A_221 = tpu.vector_load %arg6[%get3A_219, %get3A_220] {strides = array<i32>} : memref<80x128xi32, #tpu.memory_space<vmem>>, vector<1x16xi32>,
    %get3A_222 = vector.shape_cast %get3A_221 : vector<1x16xi32> to vector<16xi32>
    %shift_right_arithmetic3A_223 = arith.constant 16 : i32
    %shift_right_arithmetic3A_224 = vector.broadcast %shift_right_arithmetic3A_223 : i32 to vector<16xi32>
    %shift_right_arithmetic3A_225 = arith.shrsi %get3A_222, %shift_right_arithmetic3A_224 : vector<16xi32>
    %swap3A_226 = arith.constant 0 : i32
    %swap3A_227 = arith.index_cast %swap3A_226 : i32 to index
    %swap3A_228 = arith.constant 16 : index
    %swap3A_229 = tpu.vector_load %arg8[%swap3A_227, %swap3A_228] {strides = array<i32>} : memref<1x128xi32, #tpu.memory_space<vmem>>, vector<1x16xi32>,
    %swap3A_230 = vector.shape_cast %swap3A_229 : vector<1x16xi32> to vector<16xi32>
    %swap3A_231 = vector.shape_cast %shift_right_arithmetic3A_225 : vector<16xi32> to vector<1x16xi32>
    tpu.vector_store %arg8[%swap3A_227, %swap3A_228], %swap3A_231 {strides = array<i32>} : memref<1x128xi32, #tpu.memory_space<vmem>>, vector<1x16xi32>,
    %and3A_232 = arith.constant 65535 : i32
    %and3A_233 = vector.broadcast %and3A_232 : i32 to vector<16xi32>
    %and3A_234 = arith.andi %get3A_222, %and3A_233 : vector<16xi32>
    %swap3A_235 = arith.constant 0 : i32
    %swap3A_236 = arith.index_cast %swap3A_235 : i32 to index
    %swap3A_237 = arith.constant 16 : index
    %swap3A_238 = tpu.vector_load %arg10[%swap3A_236, %swap3A_237] {strides = array<i32>} : memref<1x128xi32, #tpu.memory_space<vmem>>, vector<1x16xi32>,
    %swap3A_239 = vector.shape_cast %swap3A_238 : vector<1x16xi32> to vector<16xi32>
    %swap3A_240 = vector.shape_cast %and3A_234 : vector<16xi32> to vector<1x16xi32>
    tpu.vector_store %arg10[%swap3A_236, %swap3A_237], %swap3A_240 {strides = array<i32>} : memref<1x128xi32, #tpu.memory_space<vmem>>, vector<1x16xi32>,
    %get3A_241 = arith.constant 1 : i32
    %get3A_242 = arith.index_cast %get3A_241 : i32 to index
    %get3A_243 = arith.constant 32 : index
    %get3A_244 = tpu.vector_load %arg6[%get3A_242, %get3A_243] {strides = array<i32>} : memref<80x128xi32, #tpu.memory_space<vmem>>, vector<1x16xi32>,
    %get3A_245 = vector.shape_cast %get3A_244 : vector<1x16xi32> to vector<16xi32>
    %shift_right_arithmetic3A_246 = arith.constant 16 : i32
    %shift_right_arithmetic3A_247 = vector.broadcast %shift_right_arithmetic3A_246 : i32 to vector<16xi32>
    %shift_right_arithmetic3A_248 = arith.shrsi %get3A_245, %shift_right_arithmetic3A_247 : vector<16xi32>
    %swap3A_249 = arith.constant 0 : i32
    %swap3A_250 = arith.index_cast %swap3A_249 : i32 to index
    %swap3A_251 = arith.constant 32 : index
    %swap3A_252 = tpu.vector_load %arg8[%swap3A_250, %swap3A_251] {strides = array<i32>} : memref<1x128xi32, #tpu.memory_space<vmem>>, vector<1x16xi32>,
    %swap3A_253 = vector.shape_cast %swap3A_252 : vector<1x16xi32> to vector<16xi32>
    %swap3A_254 = vector.shape_cast %shift_right_arithmetic3A_248 : vector<16xi32> to vector<1x16xi32>
    tpu.vector_store %arg8[%swap3A_250, %swap3A_251], %swap3A_254 {strides = array<i32>} : memref<1x128xi32, #tpu.memory_space<vmem>>, vector<1x16xi32>,
    %and3A_255 = arith.constant 65535 : i32
    %and3A_256 = vector.broadcast %and3A_255 : i32 to vector<16xi32>
    %and3A_257 = arith.andi %get3A_245, %and3A_256 : vector<16xi32>
    %swap3A_258 = arith.constant 0 : i32
    %swap3A_259 = arith.index_cast %swap3A_258 : i32 to index
    %swap3A_260 = arith.constant 32 : index
    %swap3A_261 = tpu.vector_load %arg10[%swap3A_259, %swap3A_260] {strides = array<i32>} : memref<1x128xi32, #tpu.memory_space<vmem>>, vector<1x16xi32>,
    %swap3A_262 = vector.shape_cast %swap3A_261 : vector<1x16xi32> to vector<16xi32>
    %swap3A_263 = vector.shape_cast %and3A_257 : vector<16xi32> to vector<1x16xi32>
    tpu.vector_store %arg10[%swap3A_259, %swap3A_260], %swap3A_263 {strides = array<i32>} : memref<1x128xi32, #tpu.memory_space<vmem>>, vector<1x16xi32>,
    %get3A_264 = arith.constant 1 : i32
    %get3A_265 = arith.index_cast %get3A_264 : i32 to index
    %get3A_266 = arith.constant 48 : index
    %get3A_267 = tpu.vector_load %arg6[%get3A_265, %get3A_266] {strides = array<i32>} : memref<80x128xi32, #tpu.memory_space<vmem>>, vector<1x16xi32>,
    %get3A_268 = vector.shape_cast %get3A_267 : vector<1x16xi32> to vector<16xi32>
    %shift_right_arithmetic3A_269 = arith.constant 16 : i32
    %shift_right_arithmetic3A_270 = vector.broadcast %shift_right_arithmetic3A_269 : i32 to vector<16xi32>
    %shift_right_arithmetic3A_271 = arith.shrsi %get3A_268, %shift_right_arithmetic3A_270 : vector<16xi32>
    %swap3A_272 = arith.constant 0 : i32
    %swap3A_273 = arith.index_cast %swap3A_272 : i32 to index
    %swap3A_274 = arith.constant 48 : index
    %swap3A_275 = tpu.vector_load %arg8[%swap3A_273, %swap3A_274] {strides = array<i32>} : memref<1x128xi32, #tpu.memory_space<vmem>>, vector<1x16xi32>,
    %swap3A_276 = vector.shape_cast %swap3A_275 : vector<1x16xi32> to vector<16xi32>
    %swap3A_277 = vector.shape_cast %shift_right_arithmetic3A_271 : vector<16xi32> to vector<1x16xi32>
    tpu.vector_store %arg8[%swap3A_273, %swap3A_274], %swap3A_277 {strides = array<i32>} : memref<1x128xi32, #tpu.memory_space<vmem>>, vector<1x16xi32>,
    %and3A_278 = arith.constant 65535 : i32
    %and3A_279 = vector.broadcast %and3A_278 : i32 to vector<16xi32>
    %and3A_280 = arith.andi %get3A_268, %and3A_279 : vector<16xi32>
    %swap3A_281 = arith.constant 0 : i32
    %swap3A_282 = arith.index_cast %swap3A_281 : i32 to index
    %swap3A_283 = arith.constant 48 : index
    %swap3A_284 = tpu.vector_load %arg10[%swap3A_282, %swap3A_283] {strides = array<i32>} : memref<1x128xi32, #tpu.memory_space<vmem>>, vector<1x16xi32>,
    %swap3A_285 = vector.shape_cast %swap3A_284 : vector<1x16xi32> to vector<16xi32>
    %swap3A_286 = vector.shape_cast %and3A_280 : vector<16xi32> to vector<1x16xi32>
    tpu.vector_store %arg10[%swap3A_282, %swap3A_283], %swap3A_286 {strides = array<i32>} : memref<1x128xi32, #tpu.memory_space<vmem>>, vector<1x16xi32>,
    %get3A_287 = arith.constant 1 : i32
    %get3A_288 = arith.index_cast %get3A_287 : i32 to index
    %get3A_289 = arith.constant 64 : index
    %get3A_290 = tpu.vector_load %arg6[%get3A_288, %get3A_289] {strides = array<i32>} : memref<80x128xi32, #tpu.memory_space<vmem>>, vector<1x16xi32>,
    %get3A_291 = vector.shape_cast %get3A_290 : vector<1x16xi32> to vector<16xi32>
    %shift_right_arithmetic3A_292 = arith.constant 16 : i32
    %shift_right_arithmetic3A_293 = vector.broadcast %shift_right_arithmetic3A_292 : i32 to vector<16xi32>
    %shift_right_arithmetic3A_294 = arith.shrsi %get3A_291, %shift_right_arithmetic3A_293 : vector<16xi32>
    %swap3A_295 = arith.constant 0 : i32
    %swap3A_296 = arith.index_cast %swap3A_295 : i32 to index
    %swap3A_297 = arith.constant 64 : index
    %swap3A_298 = tpu.vector_load %arg8[%swap3A_296, %swap3A_297] {strides = array<i32>} : memref<1x128xi32, #tpu.memory_space<vmem>>, vector<1x16xi32>,
    %swap3A_299 = vector.shape_cast %swap3A_298 : vector<1x16xi32> to vector<16xi32>
    %swap3A_300 = vector.shape_cast %shift_right_arithmetic3A_294 : vector<16xi32> to vector<1x16xi32>
    tpu.vector_store %arg8[%swap3A_296, %swap3A_297], %swap3A_300 {strides = array<i32>} : memref<1x128xi32, #tpu.memory_space<vmem>>, vector<1x16xi32>,
    %and3A_301 = arith.constant 65535 : i32
    %and3A_302 = vector.broadcast %and3A_301 : i32 to vector<16xi32>
    %and3A_303 = arith.andi %get3A_291, %and3A_302 : vector<16xi32>
    %swap3A_304 = arith.constant 0 : i32
    %swap3A_305 = arith.index_cast %swap3A_304 : i32 to index
    %swap3A_306 = arith.constant 64 : index
    %swap3A_307 = tpu.vector_load %arg10[%swap3A_305, %swap3A_306] {strides = array<i32>} : memref<1x128xi32, #tpu.memory_space<vmem>>, vector<1x16xi32>,
    %swap3A_308 = vector.shape_cast %swap3A_307 : vector<1x16xi32> to vector<16xi32>
    %swap3A_309 = vector.shape_cast %and3A_303 : vector<16xi32> to vector<1x16xi32>
    tpu.vector_store %arg10[%swap3A_305, %swap3A_306], %swap3A_309 {strides = array<i32>} : memref<1x128xi32, #tpu.memory_space<vmem>>, vector<1x16xi32>,
    %get3A_310 = arith.constant 1 : i32
    %get3A_311 = arith.index_cast %get3A_310 : i32 to index
    %get3A_312 = arith.constant 80 : index
    %get3A_313 = tpu.vector_load %arg6[%get3A_311, %get3A_312] {strides = array<i32>} : memref<80x128xi32, #tpu.memory_space<vmem>>, vector<1x16xi32>,
    %get3A_314 = vector.shape_cast %get3A_313 : vector<1x16xi32> to vector<16xi32>
    %shift_right_arithmetic3A_315 = arith.constant 16 : i32
    %shift_right_arithmetic3A_316 = vector.broadcast %shift_right_arithmetic3A_315 : i32 to vector<16xi32>
    %shift_right_arithmetic3A_317 = arith.shrsi %get3A_314, %shift_right_arithmetic3A_316 : vector<16xi32>
    %swap3A_318 = arith.constant 0 : i32
    %swap3A_319 = arith.index_cast %swap3A_318 : i32 to index
    %swap3A_320 = arith.constant 80 : index
    %swap3A_321 = tpu.vector_load %arg8[%swap3A_319, %swap3A_320] {strides = array<i32>} : memref<1x128xi32, #tpu.memory_space<vmem>>, vector<1x16xi32>,
    %swap3A_322 = vector.shape_cast %swap3A_321 : vector<1x16xi32> to vector<16xi32>
    %swap3A_323 = vector.shape_cast %shift_right_arithmetic3A_317 : vector<16xi32> to vector<1x16xi32>
    tpu.vector_store %arg8[%swap3A_319, %swap3A_320], %swap3A_323 {strides = array<i32>} : memref<1x128xi32, #tpu.memory_space<vmem>>, vector<1x16xi32>,
    %and3A_324 = arith.constant 65535 : i32
    %and3A_325 = vector.broadcast %and3A_324 : i32 to vector<16xi32>
    %and3A_326 = arith.andi %get3A_314, %and3A_325 : vector<16xi32>
    %swap3A_327 = arith.constant 0 : i32
    %swap3A_328 = arith.index_cast %swap3A_327 : i32 to index
    %swap3A_329 = arith.constant 80 : index
    %swap3A_330 = tpu.vector_load %arg10[%swap3A_328, %swap3A_329] {strides = array<i32>} : memref<1x128xi32, #tpu.memory_space<vmem>>, vector<1x16xi32>,
    %swap3A_331 = vector.shape_cast %swap3A_330 : vector<1x16xi32> to vector<16xi32>
    %swap3A_332 = vector.shape_cast %and3A_326 : vector<16xi32> to vector<1x16xi32>
    tpu.vector_store %arg10[%swap3A_328, %swap3A_329], %swap3A_332 {strides = array<i32>} : memref<1x128xi32, #tpu.memory_space<vmem>>, vector<1x16xi32>,
    %get3A_333 = arith.constant 1 : i32
    %get3A_334 = arith.index_cast %get3A_333 : i32 to index
    %get3A_335 = arith.constant 96 : index
    %get3A_336 = tpu.vector_load %arg6[%get3A_334, %get3A_335] {strides = array<i32>} : memref<80x128xi32, #tpu.memory_space<vmem>>, vector<1x16xi32>,
    %get3A_337 = vector.shape_cast %get3A_336 : vector<1x16xi32> to vector<16xi32>
    %shift_right_arithmetic3A_338 = arith.constant 16 : i32
    %shift_right_arithmetic3A_339 = vector.broadcast %shift_right_arithmetic3A_338 : i32 to vector<16xi32>
    %shift_right_arithmetic3A_340 = arith.shrsi %get3A_337, %shift_right_arithmetic3A_339 : vector<16xi32>
    %swap3A_341 = arith.constant 0 : i32
    %swap3A_342 = arith.index_cast %swap3A_341 : i32 to index
    %swap3A_343 = arith.constant 96 : index
    %swap3A_344 = tpu.vector_load %arg8[%swap3A_342, %swap3A_343] {strides = array<i32>} : memref<1x128xi32, #tpu.memory_space<vmem>>, vector<1x16xi32>,
    %swap3A_345 = vector.shape_cast %swap3A_344 : vector<1x16xi32> to vector<16xi32>
    %swap3A_346 = vector.shape_cast %shift_right_arithmetic3A_340 : vector<16xi32> to vector<1x16xi32>
    tpu.vector_store %arg8[%swap3A_342, %swap3A_343], %swap3A_346 {strides = array<i32>} : memref<1x128xi32, #tpu.memory_space<vmem>>, vector<1x16xi32>,
    %and3A_347 = arith.constant 65535 : i32
    %and3A_348 = vector.broadcast %and3A_347 : i32 to vector<16xi32>
    %and3A_349 = arith.andi %get3A_337, %and3A_348 : vector<16xi32>
    %swap3A_350 = arith.constant 0 : i32
    %swap3A_351 = arith.index_cast %swap3A_350 : i32 to index
    %swap3A_352 = arith.constant 96 : index
    %swap3A_353 = tpu.vector_load %arg10[%swap3A_351, %swap3A_352] {strides = array<i32>} : memref<1x128xi32, #tpu.memory_space<vmem>>, vector<1x16xi32>,
    %swap3A_354 = vector.shape_cast %swap3A_353 : vector<1x16xi32> to vector<16xi32>
    %swap3A_355 = vector.shape_cast %and3A_349 : vector<16xi32> to vector<1x16xi32>
    tpu.vector_store %arg10[%swap3A_351, %swap3A_352], %swap3A_355 {strides = array<i32>} : memref<1x128xi32, #tpu.memory_space<vmem>>, vector<1x16xi32>,
    %get3A_356 = arith.constant 1 : i32
    %get3A_357 = arith.index_cast %get3A_356 : i32 to index
    %get3A_358 = arith.constant 112 : index
    %get3A_359 = tpu.vector_load %arg6[%get3A_357, %get3A_358] {strides = array<i32>} : memref<80x128xi32, #tpu.memory_space<vmem>>, vector<1x16xi32>,
    %get3A_360 = vector.shape_cast %get3A_359 : vector<1x16xi32> to vector<16xi32>
    %shift_right_arithmetic3A_361 = arith.constant 16 : i32
    %shift_right_arithmetic3A_362 = vector.broadcast %shift_right_arithmetic3A_361 : i32 to vector<16xi32>
    %shift_right_arithmetic3A_363 = arith.shrsi %get3A_360, %shift_right_arithmetic3A_362 : vector<16xi32>
    %swap3A_364 = arith.constant 0 : i32
    %swap3A_365 = arith.index_cast %swap3A_364 : i32 to index
    %swap3A_366 = arith.constant 112 : index
    %swap3A_367 = tpu.vector_load %arg8[%swap3A_365, %swap3A_366] {strides = array<i32>} : memref<1x128xi32, #tpu.memory_space<vmem>>, vector<1x16xi32>,
    %swap3A_368 = vector.shape_cast %swap3A_367 : vector<1x16xi32> to vector<16xi32>
    %swap3A_369 = vector.shape_cast %shift_right_arithmetic3A_363 : vector<16xi32> to vector<1x16xi32>
    tpu.vector_store %arg8[%swap3A_365, %swap3A_366], %swap3A_369 {strides = array<i32>} : memref<1x128xi32, #tpu.memory_space<vmem>>, vector<1x16xi32>,
    %and3A_370 = arith.constant 65535 : i32
    %and3A_371 = vector.broadcast %and3A_370 : i32 to vector<16xi32>
    %and3A_372 = arith.andi %get3A_360, %and3A_371 : vector<16xi32>
    %swap3A_373 = arith.constant 0 : i32
    %swap3A_374 = arith.index_cast %swap3A_373 : i32 to index
    %swap3A_375 = arith.constant 112 : index
    %swap3A_376 = tpu.vector_load %arg10[%swap3A_374, %swap3A_375] {strides = array<i32>} : memref<1x128xi32, #tpu.memory_space<vmem>>, vector<1x16xi32>,
    %swap3A_377 = vector.shape_cast %swap3A_376 : vector<1x16xi32> to vector<16xi32>
    %swap3A_378 = vector.shape_cast %and3A_372 : vector<16xi32> to vector<1x16xi32>
    tpu.vector_store %arg10[%swap3A_374, %swap3A_375], %swap3A_378 {strides = array<i32>} : memref<1x128xi32, #tpu.memory_space<vmem>>, vector<1x16xi32>,
    %dma_start3A_379 = arith.constant 0 : i32
    %dma_start3A_380 = arith.constant 0 : i32
    %dma_start3A_381 = tpu.memref_slice %arg8[%dma_start3A_379, %dma_start3A_380] : memref<1x128xi32, #tpu.memory_space<vmem>> -> memref<1x128xi32, #tpu.memory_space<vmem>>
    %dma_start3A_382 = tpu.memref_squeeze %dma_start3A_381 : memref<1x128xi32, #tpu.memory_space<vmem>> -> memref<128xi32, #tpu.memory_space<vmem>>
    %dma_start3A_383 = arith.constant 0 : i32
    %dma_start3A_384 = arith.constant 0 : i32
    %dma_start3A_385 = tpu.memref_slice %arg2[%dma_start3A_383, %dma_start3A_384] : memref<10000x128xf32, #tpu.memory_space<hbm>> -> memref<10000x128xf32, #tpu.memory_space<hbm>>
    tpu.enqueue_indirect_dma source(%dma_start3A_385 : memref<10000x128xf32, #tpu.memory_space<hbm>>) target(%arg12 : memref<128x128xf32, #tpu.memory_space<vmem>>) offsets(%dma_start3A_382 : memref<128xi32, #tpu.memory_space<vmem>>) semaphore(%arg14 : memref<!tpu.dma_semaphore, #tpu.memory_space<semaphore_mem>>)
    %scan3A = arith.constant 0 : i32
    %scan3A_386 = arith.constant 0 : i32
    %scan3A_387 = arith.constant 40 : i32
    %scan3A_388 = arith.addi %scan3A_386, %scan3A_387 : i32
    %scan3A_389 = arith.constant 1 : i32
    scf.for %scan3A_402 = %scan3A_386 to %scan3A_388 step %scan3A_389  : i32 {
      %mul3A_403 = arith.constant 2 : i32
      %mul3A_404 = arith.muli %scan3A_402, %mul3A_403 : i32
      %add3A_405 = arith.constant 0 : i32
      %add3A_406 = arith.addi %mul3A_404, %add3A_405 : i32
      %dma_wait3A = arith.constant 0 : i32
      %dma_wait3A_407 = arith.constant 0 : i32
      %dma_wait3A_408 = tpu.memref_slice %arg7[%dma_wait3A, %dma_wait3A_407] : memref<1x128xi32, #tpu.memory_space<vmem>> -> memref<1x128xi32, #tpu.memory_space<vmem>>
      %dma_wait3A_409 = tpu.memref_squeeze %dma_wait3A_408 : memref<1x128xi32, #tpu.memory_space<vmem>> -> memref<128xi32, #tpu.memory_space<vmem>>
      %dma_wait3A_410 = arith.constant 0 : i32
      %dma_wait3A_411 = arith.constant 0 : i32
      %dma_wait3A_412 = tpu.memref_slice %arg2[%dma_wait3A_410, %dma_wait3A_411] : memref<10000x128xf32, #tpu.memory_space<hbm>> -> memref<10000x128xf32, #tpu.memory_space<hbm>>
      tpu.wait_indirect_dma semaphore(%arg13 : memref<!tpu.dma_semaphore, #tpu.memory_space<semaphore_mem>>) src(%dma_wait3A_412 : memref<10000x128xf32, #tpu.memory_space<hbm>>) dst(%arg11 : memref<128x128xf32, #tpu.memory_space<vmem>>)
      %run_scoped3A = arith.constant 0 : i32
      "tpu.region"() ({
        %run_scoped3A_437 = tpu.sem_alloc : memref<!tpu.dma_semaphore, #tpu.memory_space<semaphore_mem>>
        %dma_start3A_438 = arith.constant 0 : i32
        %dma_start3A_439 = tpu.memref_slice %arg9[%run_scoped3A, %dma_start3A_438] : memref<1x128xi32, #tpu.memory_space<vmem>> -> memref<1x128xi32, #tpu.memory_space<vmem>>
        %dma_start3A_440 = tpu.memref_squeeze %dma_start3A_439 : memref<1x128xi32, #tpu.memory_space<vmem>> -> memref<128xi32, #tpu.memory_space<vmem>>
        %dma_start3A_441 = arith.constant 0 : i32
        %dma_start3A_442 = arith.constant 0 : i32
        %dma_start3A_443 = tpu.memref_slice %arg5[%dma_start3A_441, %dma_start3A_442] : memref<10240x128xf32, #tpu.memory_space<vmem_shared>> -> memref<10240x128xf32, #tpu.memory_space<vmem_shared>>
        tpu.enqueue_indirect_dma source(%arg11 : memref<128x128xf32, #tpu.memory_space<vmem>>) target(%dma_start3A_443 : memref<10240x128xf32, #tpu.memory_space<vmem_shared>>) offsets(%dma_start3A_440 : memref<128xi32, #tpu.memory_space<vmem>>) semaphore(%run_scoped3A_437 : memref<!tpu.dma_semaphore, #tpu.memory_space<semaphore_mem>>) {add = true}
        %dma_wait3A_444 = arith.constant 0 : i32
        %dma_wait3A_445 = tpu.memref_slice %arg9[%run_scoped3A, %dma_wait3A_444] : memref<1x128xi32, #tpu.memory_space<vmem>> -> memref<1x128xi32, #tpu.memory_space<vmem>>
        %dma_wait3A_446 = tpu.memref_squeeze %dma_wait3A_445 : memref<1x128xi32, #tpu.memory_space<vmem>> -> memref<128xi32, #tpu.memory_space<vmem>>
        %dma_wait3A_447 = arith.constant 0 : i32
        %dma_wait3A_448 = arith.constant 0 : i32
        %dma_wait3A_449 = tpu.memref_slice %arg5[%dma_wait3A_447, %dma_wait3A_448] : memref<10240x128xf32, #tpu.memory_space<vmem_shared>> -> memref<10240x128xf32, #tpu.memory_space<vmem_shared>>
        tpu.wait_indirect_dma semaphore(%run_scoped3A_437 : memref<!tpu.dma_semaphore, #tpu.memory_space<semaphore_mem>>) src(%arg11 : memref<128x128xf32, #tpu.memory_space<vmem>>) dst(%dma_wait3A_449 : memref<10240x128xf32, #tpu.memory_space<vmem_shared>>)
        tpu.yield
      }) : () -> ()
      %add3A_413 = arith.constant 2 : i32
      %add3A_414 = arith.addi %add3A_406, %add3A_413 : i32
      %lt3A_415 = arith.constant 80 : i32
      %lt3A_416 = arith.cmpi slt, %add3A_414, %lt3A_415 : i32
      %convert_element_type3A_417 = arith.extui %lt3A_416 : i1 to i32
      %cond3A_418 = arith.constant 0 : i32
      %cond3A_419 = arith.cmpi ne, %convert_element_type3A_417, %cond3A_418 : i32
      scf.if %cond3A_419 {
        %get3A_437 = arith.index_cast %add3A_414 : i32 to index
        %get3A_438 = arith.constant 0 : index
        %get3A_439 = tpu.vector_load %arg6[%get3A_437, %get3A_438] {strides = array<i32>} : memref<80x128xi32, #tpu.memory_space<vmem>>, vector<1x16xi32>,
        %get3A_440 = vector.shape_cast %get3A_439 : vector<1x16xi32> to vector<16xi32>
        %shift_right_arithmetic3A_441 = arith.constant 16 : i32
        %shift_right_arithmetic3A_442 = vector.broadcast %shift_right_arithmetic3A_441 : i32 to vector<16xi32>
        %shift_right_arithmetic3A_443 = arith.shrsi %get3A_440, %shift_right_arithmetic3A_442 : vector<16xi32>
        %swap3A_444 = arith.constant 0 : i32
        %swap3A_445 = arith.index_cast %swap3A_444 : i32 to index
        %swap3A_446 = arith.constant 0 : index
        %swap3A_447 = tpu.vector_load %arg7[%swap3A_445, %swap3A_446] {strides = array<i32>} : memref<1x128xi32, #tpu.memory_space<vmem>>, vector<1x16xi32>,
        %swap3A_448 = vector.shape_cast %swap3A_447 : vector<1x16xi32> to vector<16xi32>
        %swap3A_449 = vector.shape_cast %shift_right_arithmetic3A_443 : vector<16xi32> to vector<1x16xi32>
        tpu.vector_store %arg7[%swap3A_445, %swap3A_446], %swap3A_449 {strides = array<i32>} : memref<1x128xi32, #tpu.memory_space<vmem>>, vector<1x16xi32>,
        %and3A_450 = arith.constant 65535 : i32
        %and3A_451 = vector.broadcast %and3A_450 : i32 to vector<16xi32>
        %and3A_452 = arith.andi %get3A_440, %and3A_451 : vector<16xi32>
        %swap3A_453 = arith.constant 0 : i32
        %swap3A_454 = arith.index_cast %swap3A_453 : i32 to index
        %swap3A_455 = arith.constant 0 : index
        %swap3A_456 = tpu.vector_load %arg9[%swap3A_454, %swap3A_455] {strides = array<i32>} : memref<1x128xi32, #tpu.memory_space<vmem>>, vector<1x16xi32>,
        %swap3A_457 = vector.shape_cast %swap3A_456 : vector<1x16xi32> to vector<16xi32>
        %swap3A_458 = vector.shape_cast %and3A_452 : vector<16xi32> to vector<1x16xi32>
        tpu.vector_store %arg9[%swap3A_454, %swap3A_455], %swap3A_458 {strides = array<i32>} : memref<1x128xi32, #tpu.memory_space<vmem>>, vector<1x16xi32>,
        %get3A_459 = arith.index_cast %add3A_414 : i32 to index
        %get3A_460 = arith.constant 16 : index
        %get3A_461 = tpu.vector_load %arg6[%get3A_459, %get3A_460] {strides = array<i32>} : memref<80x128xi32, #tpu.memory_space<vmem>>, vector<1x16xi32>,
        %get3A_462 = vector.shape_cast %get3A_461 : vector<1x16xi32> to vector<16xi32>
        %shift_right_arithmetic3A_463 = arith.constant 16 : i32
        %shift_right_arithmetic3A_464 = vector.broadcast %shift_right_arithmetic3A_463 : i32 to vector<16xi32>
        %shift_right_arithmetic3A_465 = arith.shrsi %get3A_462, %shift_right_arithmetic3A_464 : vector<16xi32>
        %swap3A_466 = arith.constant 0 : i32
        %swap3A_467 = arith.index_cast %swap3A_466 : i32 to index
        %swap3A_468 = arith.constant 16 : index
        %swap3A_469 = tpu.vector_load %arg7[%swap3A_467, %swap3A_468] {strides = array<i32>} : memref<1x128xi32, #tpu.memory_space<vmem>>, vector<1x16xi32>,
        %swap3A_470 = vector.shape_cast %swap3A_469 : vector<1x16xi32> to vector<16xi32>
        %swap3A_471 = vector.shape_cast %shift_right_arithmetic3A_465 : vector<16xi32> to vector<1x16xi32>
        tpu.vector_store %arg7[%swap3A_467, %swap3A_468], %swap3A_471 {strides = array<i32>} : memref<1x128xi32, #tpu.memory_space<vmem>>, vector<1x16xi32>,
        %and3A_472 = arith.constant 65535 : i32
        %and3A_473 = vector.broadcast %and3A_472 : i32 to vector<16xi32>
        %and3A_474 = arith.andi %get3A_462, %and3A_473 : vector<16xi32>
        %swap3A_475 = arith.constant 0 : i32
        %swap3A_476 = arith.index_cast %swap3A_475 : i32 to index
        %swap3A_477 = arith.constant 16 : index
        %swap3A_478 = tpu.vector_load %arg9[%swap3A_476, %swap3A_477] {strides = array<i32>} : memref<1x128xi32, #tpu.memory_space<vmem>>, vector<1x16xi32>,
        %swap3A_479 = vector.shape_cast %swap3A_478 : vector<1x16xi32> to vector<16xi32>
        %swap3A_480 = vector.shape_cast %and3A_474 : vector<16xi32> to vector<1x16xi32>
        tpu.vector_store %arg9[%swap3A_476, %swap3A_477], %swap3A_480 {strides = array<i32>} : memref<1x128xi32, #tpu.memory_space<vmem>>, vector<1x16xi32>,
        %get3A_481 = arith.index_cast %add3A_414 : i32 to index
        %get3A_482 = arith.constant 32 : index
        %get3A_483 = tpu.vector_load %arg6[%get3A_481, %get3A_482] {strides = array<i32>} : memref<80x128xi32, #tpu.memory_space<vmem>>, vector<1x16xi32>,
        %get3A_484 = vector.shape_cast %get3A_483 : vector<1x16xi32> to vector<16xi32>
        %shift_right_arithmetic3A_485 = arith.constant 16 : i32
        %shift_right_arithmetic3A_486 = vector.broadcast %shift_right_arithmetic3A_485 : i32 to vector<16xi32>
        %shift_right_arithmetic3A_487 = arith.shrsi %get3A_484, %shift_right_arithmetic3A_486 : vector<16xi32>
        %swap3A_488 = arith.constant 0 : i32
        %swap3A_489 = arith.index_cast %swap3A_488 : i32 to index
        %swap3A_490 = arith.constant 32 : index
        %swap3A_491 = tpu.vector_load %arg7[%swap3A_489, %swap3A_490] {strides = array<i32>} : memref<1x128xi32, #tpu.memory_space<vmem>>, vector<1x16xi32>,
        %swap3A_492 = vector.shape_cast %swap3A_491 : vector<1x16xi32> to vector<16xi32>
        %swap3A_493 = vector.shape_cast %shift_right_arithmetic3A_487 : vector<16xi32> to vector<1x16xi32>
        tpu.vector_store %arg7[%swap3A_489, %swap3A_490], %swap3A_493 {strides = array<i32>} : memref<1x128xi32, #tpu.memory_space<vmem>>, vector<1x16xi32>,
        %and3A_494 = arith.constant 65535 : i32
        %and3A_495 = vector.broadcast %and3A_494 : i32 to vector<16xi32>
        %and3A_496 = arith.andi %get3A_484, %and3A_495 : vector<16xi32>
        %swap3A_497 = arith.constant 0 : i32
        %swap3A_498 = arith.index_cast %swap3A_497 : i32 to index
        %swap3A_499 = arith.constant 32 : index
        %swap3A_500 = tpu.vector_load %arg9[%swap3A_498, %swap3A_499] {strides = array<i32>} : memref<1x128xi32, #tpu.memory_space<vmem>>, vector<1x16xi32>,
        %swap3A_501 = vector.shape_cast %swap3A_500 : vector<1x16xi32> to vector<16xi32>
        %swap3A_502 = vector.shape_cast %and3A_496 : vector<16xi32> to vector<1x16xi32>
        tpu.vector_store %arg9[%swap3A_498, %swap3A_499], %swap3A_502 {strides = array<i32>} : memref<1x128xi32, #tpu.memory_space<vmem>>, vector<1x16xi32>,
        %get3A_503 = arith.index_cast %add3A_414 : i32 to index
        %get3A_504 = arith.constant 48 : index
        %get3A_505 = tpu.vector_load %arg6[%get3A_503, %get3A_504] {strides = array<i32>} : memref<80x128xi32, #tpu.memory_space<vmem>>, vector<1x16xi32>,
        %get3A_506 = vector.shape_cast %get3A_505 : vector<1x16xi32> to vector<16xi32>
        %shift_right_arithmetic3A_507 = arith.constant 16 : i32
        %shift_right_arithmetic3A_508 = vector.broadcast %shift_right_arithmetic3A_507 : i32 to vector<16xi32>
        %shift_right_arithmetic3A_509 = arith.shrsi %get3A_506, %shift_right_arithmetic3A_508 : vector<16xi32>
        %swap3A_510 = arith.constant 0 : i32
        %swap3A_511 = arith.index_cast %swap3A_510 : i32 to index
        %swap3A_512 = arith.constant 48 : index
        %swap3A_513 = tpu.vector_load %arg7[%swap3A_511, %swap3A_512] {strides = array<i32>} : memref<1x128xi32, #tpu.memory_space<vmem>>, vector<1x16xi32>,
        %swap3A_514 = vector.shape_cast %swap3A_513 : vector<1x16xi32> to vector<16xi32>
        %swap3A_515 = vector.shape_cast %shift_right_arithmetic3A_509 : vector<16xi32> to vector<1x16xi32>
        tpu.vector_store %arg7[%swap3A_511, %swap3A_512], %swap3A_515 {strides = array<i32>} : memref<1x128xi32, #tpu.memory_space<vmem>>, vector<1x16xi32>,
        %and3A_516 = arith.constant 65535 : i32
        %and3A_517 = vector.broadcast %and3A_516 : i32 to vector<16xi32>
        %and3A_518 = arith.andi %get3A_506, %and3A_517 : vector<16xi32>
        %swap3A_519 = arith.constant 0 : i32
        %swap3A_520 = arith.index_cast %swap3A_519 : i32 to index
        %swap3A_521 = arith.constant 48 : index
        %swap3A_522 = tpu.vector_load %arg9[%swap3A_520, %swap3A_521] {strides = array<i32>} : memref<1x128xi32, #tpu.memory_space<vmem>>, vector<1x16xi32>,
        %swap3A_523 = vector.shape_cast %swap3A_522 : vector<1x16xi32> to vector<16xi32>
        %swap3A_524 = vector.shape_cast %and3A_518 : vector<16xi32> to vector<1x16xi32>
        tpu.vector_store %arg9[%swap3A_520, %swap3A_521], %swap3A_524 {strides = array<i32>} : memref<1x128xi32, #tpu.memory_space<vmem>>, vector<1x16xi32>,
        %get3A_525 = arith.index_cast %add3A_414 : i32 to index
        %get3A_526 = arith.constant 64 : index
        %get3A_527 = tpu.vector_load %arg6[%get3A_525, %get3A_526] {strides = array<i32>} : memref<80x128xi32, #tpu.memory_space<vmem>>, vector<1x16xi32>,
        %get3A_528 = vector.shape_cast %get3A_527 : vector<1x16xi32> to vector<16xi32>
        %shift_right_arithmetic3A_529 = arith.constant 16 : i32
        %shift_right_arithmetic3A_530 = vector.broadcast %shift_right_arithmetic3A_529 : i32 to vector<16xi32>
        %shift_right_arithmetic3A_531 = arith.shrsi %get3A_528, %shift_right_arithmetic3A_530 : vector<16xi32>
        %swap3A_532 = arith.constant 0 : i32
        %swap3A_533 = arith.index_cast %swap3A_532 : i32 to index
        %swap3A_534 = arith.constant 64 : index
        %swap3A_535 = tpu.vector_load %arg7[%swap3A_533, %swap3A_534] {strides = array<i32>} : memref<1x128xi32, #tpu.memory_space<vmem>>, vector<1x16xi32>,
        %swap3A_536 = vector.shape_cast %swap3A_535 : vector<1x16xi32> to vector<16xi32>
        %swap3A_537 = vector.shape_cast %shift_right_arithmetic3A_531 : vector<16xi32> to vector<1x16xi32>
        tpu.vector_store %arg7[%swap3A_533, %swap3A_534], %swap3A_537 {strides = array<i32>} : memref<1x128xi32, #tpu.memory_space<vmem>>, vector<1x16xi32>,
        %and3A_538 = arith.constant 65535 : i32
        %and3A_539 = vector.broadcast %and3A_538 : i32 to vector<16xi32>
        %and3A_540 = arith.andi %get3A_528, %and3A_539 : vector<16xi32>
        %swap3A_541 = arith.constant 0 : i32
        %swap3A_542 = arith.index_cast %swap3A_541 : i32 to index
        %swap3A_543 = arith.constant 64 : index
        %swap3A_544 = tpu.vector_load %arg9[%swap3A_542, %swap3A_543] {strides = array<i32>} : memref<1x128xi32, #tpu.memory_space<vmem>>, vector<1x16xi32>,
        %swap3A_545 = vector.shape_cast %swap3A_544 : vector<1x16xi32> to vector<16xi32>
        %swap3A_546 = vector.shape_cast %and3A_540 : vector<16xi32> to vector<1x16xi32>
        tpu.vector_store %arg9[%swap3A_542, %swap3A_543], %swap3A_546 {strides = array<i32>} : memref<1x128xi32, #tpu.memory_space<vmem>>, vector<1x16xi32>,
        %get3A_547 = arith.index_cast %add3A_414 : i32 to index
        %get3A_548 = arith.constant 80 : index
        %get3A_549 = tpu.vector_load %arg6[%get3A_547, %get3A_548] {strides = array<i32>} : memref<80x128xi32, #tpu.memory_space<vmem>>, vector<1x16xi32>,
        %get3A_550 = vector.shape_cast %get3A_549 : vector<1x16xi32> to vector<16xi32>
        %shift_right_arithmetic3A_551 = arith.constant 16 : i32
        %shift_right_arithmetic3A_552 = vector.broadcast %shift_right_arithmetic3A_551 : i32 to vector<16xi32>
        %shift_right_arithmetic3A_553 = arith.shrsi %get3A_550, %shift_right_arithmetic3A_552 : vector<16xi32>
        %swap3A_554 = arith.constant 0 : i32
        %swap3A_555 = arith.index_cast %swap3A_554 : i32 to index
        %swap3A_556 = arith.constant 80 : index
        %swap3A_557 = tpu.vector_load %arg7[%swap3A_555, %swap3A_556] {strides = array<i32>} : memref<1x128xi32, #tpu.memory_space<vmem>>, vector<1x16xi32>,
        %swap3A_558 = vector.shape_cast %swap3A_557 : vector<1x16xi32> to vector<16xi32>
        %swap3A_559 = vector.shape_cast %shift_right_arithmetic3A_553 : vector<16xi32> to vector<1x16xi32>
        tpu.vector_store %arg7[%swap3A_555, %swap3A_556], %swap3A_559 {strides = array<i32>} : memref<1x128xi32, #tpu.memory_space<vmem>>, vector<1x16xi32>,
        %and3A_560 = arith.constant 65535 : i32
        %and3A_561 = vector.broadcast %and3A_560 : i32 to vector<16xi32>
        %and3A_562 = arith.andi %get3A_550, %and3A_561 : vector<16xi32>
        %swap3A_563 = arith.constant 0 : i32
        %swap3A_564 = arith.index_cast %swap3A_563 : i32 to index
        %swap3A_565 = arith.constant 80 : index
        %swap3A_566 = tpu.vector_load %arg9[%swap3A_564, %swap3A_565] {strides = array<i32>} : memref<1x128xi32, #tpu.memory_space<vmem>>, vector<1x16xi32>,
        %swap3A_567 = vector.shape_cast %swap3A_566 : vector<1x16xi32> to vector<16xi32>
        %swap3A_568 = vector.shape_cast %and3A_562 : vector<16xi32> to vector<1x16xi32>
        tpu.vector_store %arg9[%swap3A_564, %swap3A_565], %swap3A_568 {strides = array<i32>} : memref<1x128xi32, #tpu.memory_space<vmem>>, vector<1x16xi32>,
        %get3A_569 = arith.index_cast %add3A_414 : i32 to index
        %get3A_570 = arith.constant 96 : index
        %get3A_571 = tpu.vector_load %arg6[%get3A_569, %get3A_570] {strides = array<i32>} : memref<80x128xi32, #tpu.memory_space<vmem>>, vector<1x16xi32>,
        %get3A_572 = vector.shape_cast %get3A_571 : vector<1x16xi32> to vector<16xi32>
        %shift_right_arithmetic3A_573 = arith.constant 16 : i32
        %shift_right_arithmetic3A_574 = vector.broadcast %shift_right_arithmetic3A_573 : i32 to vector<16xi32>
        %shift_right_arithmetic3A_575 = arith.shrsi %get3A_572, %shift_right_arithmetic3A_574 : vector<16xi32>
        %swap3A_576 = arith.constant 0 : i32
        %swap3A_577 = arith.index_cast %swap3A_576 : i32 to index
        %swap3A_578 = arith.constant 96 : index
        %swap3A_579 = tpu.vector_load %arg7[%swap3A_577, %swap3A_578] {strides = array<i32>} : memref<1x128xi32, #tpu.memory_space<vmem>>, vector<1x16xi32>,
        %swap3A_580 = vector.shape_cast %swap3A_579 : vector<1x16xi32> to vector<16xi32>
        %swap3A_581 = vector.shape_cast %shift_right_arithmetic3A_575 : vector<16xi32> to vector<1x16xi32>
        tpu.vector_store %arg7[%swap3A_577, %swap3A_578], %swap3A_581 {strides = array<i32>} : memref<1x128xi32, #tpu.memory_space<vmem>>, vector<1x16xi32>,
        %and3A_582 = arith.constant 65535 : i32
        %and3A_583 = vector.broadcast %and3A_582 : i32 to vector<16xi32>
        %and3A_584 = arith.andi %get3A_572, %and3A_583 : vector<16xi32>
        %swap3A_585 = arith.constant 0 : i32
        %swap3A_586 = arith.index_cast %swap3A_585 : i32 to index
        %swap3A_587 = arith.constant 96 : index
        %swap3A_588 = tpu.vector_load %arg9[%swap3A_586, %swap3A_587] {strides = array<i32>} : memref<1x128xi32, #tpu.memory_space<vmem>>, vector<1x16xi32>,
        %swap3A_589 = vector.shape_cast %swap3A_588 : vector<1x16xi32> to vector<16xi32>
        %swap3A_590 = vector.shape_cast %and3A_584 : vector<16xi32> to vector<1x16xi32>
        tpu.vector_store %arg9[%swap3A_586, %swap3A_587], %swap3A_590 {strides = array<i32>} : memref<1x128xi32, #tpu.memory_space<vmem>>, vector<1x16xi32>,
        %get3A_591 = arith.index_cast %add3A_414 : i32 to index
        %get3A_592 = arith.constant 112 : index
        %get3A_593 = tpu.vector_load %arg6[%get3A_591, %get3A_592] {strides = array<i32>} : memref<80x128xi32, #tpu.memory_space<vmem>>, vector<1x16xi32>,
        %get3A_594 = vector.shape_cast %get3A_593 : vector<1x16xi32> to vector<16xi32>
        %shift_right_arithmetic3A_595 = arith.constant 16 : i32
        %shift_right_arithmetic3A_596 = vector.broadcast %shift_right_arithmetic3A_595 : i32 to vector<16xi32>
        %shift_right_arithmetic3A_597 = arith.shrsi %get3A_594, %shift_right_arithmetic3A_596 : vector<16xi32>
        %swap3A_598 = arith.constant 0 : i32
        %swap3A_599 = arith.index_cast %swap3A_598 : i32 to index
        %swap3A_600 = arith.constant 112 : index
        %swap3A_601 = tpu.vector_load %arg7[%swap3A_599, %swap3A_600] {strides = array<i32>} : memref<1x128xi32, #tpu.memory_space<vmem>>, vector<1x16xi32>,
        %swap3A_602 = vector.shape_cast %swap3A_601 : vector<1x16xi32> to vector<16xi32>
        %swap3A_603 = vector.shape_cast %shift_right_arithmetic3A_597 : vector<16xi32> to vector<1x16xi32>
        tpu.vector_store %arg7[%swap3A_599, %swap3A_600], %swap3A_603 {strides = array<i32>} : memref<1x128xi32, #tpu.memory_space<vmem>>, vector<1x16xi32>,
        %and3A_604 = arith.constant 65535 : i32
        %and3A_605 = vector.broadcast %and3A_604 : i32 to vector<16xi32>
        %and3A_606 = arith.andi %get3A_594, %and3A_605 : vector<16xi32>
        %swap3A_607 = arith.constant 0 : i32
        %swap3A_608 = arith.index_cast %swap3A_607 : i32 to index
        %swap3A_609 = arith.constant 112 : index
        %swap3A_610 = tpu.vector_load %arg9[%swap3A_608, %swap3A_609] {strides = array<i32>} : memref<1x128xi32, #tpu.memory_space<vmem>>, vector<1x16xi32>,
        %swap3A_611 = vector.shape_cast %swap3A_610 : vector<1x16xi32> to vector<16xi32>
        %swap3A_612 = vector.shape_cast %and3A_606 : vector<16xi32> to vector<1x16xi32>
        tpu.vector_store %arg9[%swap3A_608, %swap3A_609], %swap3A_612 {strides = array<i32>} : memref<1x128xi32, #tpu.memory_space<vmem>>, vector<1x16xi32>,
        %dma_start3A_613 = arith.constant 0 : i32
        %dma_start3A_614 = arith.constant 0 : i32
        %dma_start3A_615 = tpu.memref_slice %arg7[%dma_start3A_613, %dma_start3A_614] : memref<1x128xi32, #tpu.memory_space<vmem>> -> memref<1x128xi32, #tpu.memory_space<vmem>>
        %dma_start3A_616 = tpu.memref_squeeze %dma_start3A_615 : memref<1x128xi32, #tpu.memory_space<vmem>> -> memref<128xi32, #tpu.memory_space<vmem>>
        %dma_start3A_617 = arith.constant 0 : i32
        %dma_start3A_618 = arith.constant 0 : i32
        %dma_start3A_619 = tpu.memref_slice %arg2[%dma_start3A_617, %dma_start3A_618] : memref<10000x128xf32, #tpu.memory_space<hbm>> -> memref<10000x128xf32, #tpu.memory_space<hbm>>
        tpu.enqueue_indirect_dma source(%dma_start3A_619 : memref<10000x128xf32, #tpu.memory_space<hbm>>) target(%arg11 : memref<128x128xf32, #tpu.memory_space<vmem>>) offsets(%dma_start3A_616 : memref<128xi32, #tpu.memory_space<vmem>>) semaphore(%arg13 : memref<!tpu.dma_semaphore, #tpu.memory_space<semaphore_mem>>)
      } else {
      }
      %add3A_420 = arith.constant 1 : i32
      %add3A_421 = arith.addi %mul3A_404, %add3A_420 : i32
      %dma_wait3A_422 = arith.constant 0 : i32
      %dma_wait3A_423 = arith.constant 0 : i32
      %dma_wait3A_424 = tpu.memref_slice %arg8[%dma_wait3A_422, %dma_wait3A_423] : memref<1x128xi32, #tpu.memory_space<vmem>> -> memref<1x128xi32, #tpu.memory_space<vmem>>
      %dma_wait3A_425 = tpu.memref_squeeze %dma_wait3A_424 : memref<1x128xi32, #tpu.memory_space<vmem>> -> memref<128xi32, #tpu.memory_space<vmem>>
      %dma_wait3A_426 = arith.constant 0 : i32
      %dma_wait3A_427 = arith.constant 0 : i32
      %dma_wait3A_428 = tpu.memref_slice %arg2[%dma_wait3A_426, %dma_wait3A_427] : memref<10000x128xf32, #tpu.memory_space<hbm>> -> memref<10000x128xf32, #tpu.memory_space<hbm>>
      tpu.wait_indirect_dma semaphore(%arg14 : memref<!tpu.dma_semaphore, #tpu.memory_space<semaphore_mem>>) src(%dma_wait3A_428 : memref<10000x128xf32, #tpu.memory_space<hbm>>) dst(%arg12 : memref<128x128xf32, #tpu.memory_space<vmem>>)
      %run_scoped3A_429 = arith.constant 0 : i32
      "tpu.region"() ({
        %run_scoped3A_437 = tpu.sem_alloc : memref<!tpu.dma_semaphore, #tpu.memory_space<semaphore_mem>>
        %dma_start3A_438 = arith.constant 0 : i32
        %dma_start3A_439 = tpu.memref_slice %arg10[%run_scoped3A_429, %dma_start3A_438] : memref<1x128xi32, #tpu.memory_space<vmem>> -> memref<1x128xi32, #tpu.memory_space<vmem>>
        %dma_start3A_440 = tpu.memref_squeeze %dma_start3A_439 : memref<1x128xi32, #tpu.memory_space<vmem>> -> memref<128xi32, #tpu.memory_space<vmem>>
        %dma_start3A_441 = arith.constant 0 : i32
        %dma_start3A_442 = arith.constant 0 : i32
        %dma_start3A_443 = tpu.memref_slice %arg5[%dma_start3A_441, %dma_start3A_442] : memref<10240x128xf32, #tpu.memory_space<vmem_shared>> -> memref<10240x128xf32, #tpu.memory_space<vmem_shared>>
        tpu.enqueue_indirect_dma source(%arg12 : memref<128x128xf32, #tpu.memory_space<vmem>>) target(%dma_start3A_443 : memref<10240x128xf32, #tpu.memory_space<vmem_shared>>) offsets(%dma_start3A_440 : memref<128xi32, #tpu.memory_space<vmem>>) semaphore(%run_scoped3A_437 : memref<!tpu.dma_semaphore, #tpu.memory_space<semaphore_mem>>) {add = true}
        %dma_wait3A_444 = arith.constant 0 : i32
        %dma_wait3A_445 = tpu.memref_slice %arg10[%run_scoped3A_429, %dma_wait3A_444] : memref<1x128xi32, #tpu.memory_space<vmem>> -> memref<1x128xi32, #tpu.memory_space<vmem>>
        %dma_wait3A_446 = tpu.memref_squeeze %dma_wait3A_445 : memref<1x128xi32, #tpu.memory_space<vmem>> -> memref<128xi32, #tpu.memory_space<vmem>>
        %dma_wait3A_447 = arith.constant 0 : i32
        %dma_wait3A_448 = arith.constant 0 : i32
        %dma_wait3A_449 = tpu.memref_slice %arg5[%dma_wait3A_447, %dma_wait3A_448] : memref<10240x128xf32, #tpu.memory_space<vmem_shared>> -> memref<10240x128xf32, #tpu.memory_space<vmem_shared>>
        tpu.wait_indirect_dma semaphore(%run_scoped3A_437 : memref<!tpu.dma_semaphore, #tpu.memory_space<semaphore_mem>>) src(%arg12 : memref<128x128xf32, #tpu.memory_space<vmem>>) dst(%dma_wait3A_449 : memref<10240x128xf32, #tpu.memory_space<vmem_shared>>)
        tpu.yield
      }) : () -> ()
      %add3A_430 = arith.constant 2 : i32
      %add3A_431 = arith.addi %add3A_421, %add3A_430 : i32
      %lt3A_432 = arith.constant 80 : i32
      %lt3A_433 = arith.cmpi slt, %add3A_431, %lt3A_432 : i32
      %convert_element_type3A_434 = arith.extui %lt3A_433 : i1 to i32
      %cond3A_435 = arith.constant 0 : i32
      %cond3A_436 = arith.cmpi ne, %convert_element_type3A_434, %cond3A_435 : i32
      scf.if %cond3A_436 {
        %get3A_437 = arith.index_cast %add3A_431 : i32 to index
        %get3A_438 = arith.constant 0 : index
        %get3A_439 = tpu.vector_load %arg6[%get3A_437, %get3A_438] {strides = array<i32>} : memref<80x128xi32, #tpu.memory_space<vmem>>, vector<1x16xi32>,
        %get3A_440 = vector.shape_cast %get3A_439 : vector<1x16xi32> to vector<16xi32>
        %shift_right_arithmetic3A_441 = arith.constant 16 : i32
        %shift_right_arithmetic3A_442 = vector.broadcast %shift_right_arithmetic3A_441 : i32 to vector<16xi32>
        %shift_right_arithmetic3A_443 = arith.shrsi %get3A_440, %shift_right_arithmetic3A_442 : vector<16xi32>
        %swap3A_444 = arith.constant 0 : i32
        %swap3A_445 = arith.index_cast %swap3A_444 : i32 to index
        %swap3A_446 = arith.constant 0 : index
        %swap3A_447 = tpu.vector_load %arg8[%swap3A_445, %swap3A_446] {strides = array<i32>} : memref<1x128xi32, #tpu.memory_space<vmem>>, vector<1x16xi32>,
        %swap3A_448 = vector.shape_cast %swap3A_447 : vector<1x16xi32> to vector<16xi32>
        %swap3A_449 = vector.shape_cast %shift_right_arithmetic3A_443 : vector<16xi32> to vector<1x16xi32>
        tpu.vector_store %arg8[%swap3A_445, %swap3A_446], %swap3A_449 {strides = array<i32>} : memref<1x128xi32, #tpu.memory_space<vmem>>, vector<1x16xi32>,
        %and3A_450 = arith.constant 65535 : i32
        %and3A_451 = vector.broadcast %and3A_450 : i32 to vector<16xi32>
        %and3A_452 = arith.andi %get3A_440, %and3A_451 : vector<16xi32>
        %swap3A_453 = arith.constant 0 : i32
        %swap3A_454 = arith.index_cast %swap3A_453 : i32 to index
        %swap3A_455 = arith.constant 0 : index
        %swap3A_456 = tpu.vector_load %arg10[%swap3A_454, %swap3A_455] {strides = array<i32>} : memref<1x128xi32, #tpu.memory_space<vmem>>, vector<1x16xi32>,
        %swap3A_457 = vector.shape_cast %swap3A_456 : vector<1x16xi32> to vector<16xi32>
        %swap3A_458 = vector.shape_cast %and3A_452 : vector<16xi32> to vector<1x16xi32>
        tpu.vector_store %arg10[%swap3A_454, %swap3A_455], %swap3A_458 {strides = array<i32>} : memref<1x128xi32, #tpu.memory_space<vmem>>, vector<1x16xi32>,
        %get3A_459 = arith.index_cast %add3A_431 : i32 to index
        %get3A_460 = arith.constant 16 : index
        %get3A_461 = tpu.vector_load %arg6[%get3A_459, %get3A_460] {strides = array<i32>} : memref<80x128xi32, #tpu.memory_space<vmem>>, vector<1x16xi32>,
        %get3A_462 = vector.shape_cast %get3A_461 : vector<1x16xi32> to vector<16xi32>
        %shift_right_arithmetic3A_463 = arith.constant 16 : i32
        %shift_right_arithmetic3A_464 = vector.broadcast %shift_right_arithmetic3A_463 : i32 to vector<16xi32>
        %shift_right_arithmetic3A_465 = arith.shrsi %get3A_462, %shift_right_arithmetic3A_464 : vector<16xi32>
        %swap3A_466 = arith.constant 0 : i32
        %swap3A_467 = arith.index_cast %swap3A_466 : i32 to index
        %swap3A_468 = arith.constant 16 : index
        %swap3A_469 = tpu.vector_load %arg8[%swap3A_467, %swap3A_468] {strides = array<i32>} : memref<1x128xi32, #tpu.memory_space<vmem>>, vector<1x16xi32>,
        %swap3A_470 = vector.shape_cast %swap3A_469 : vector<1x16xi32> to vector<16xi32>
        %swap3A_471 = vector.shape_cast %shift_right_arithmetic3A_465 : vector<16xi32> to vector<1x16xi32>
        tpu.vector_store %arg8[%swap3A_467, %swap3A_468], %swap3A_471 {strides = array<i32>} : memref<1x128xi32, #tpu.memory_space<vmem>>, vector<1x16xi32>,
        %and3A_472 = arith.constant 65535 : i32
        %and3A_473 = vector.broadcast %and3A_472 : i32 to vector<16xi32>
        %and3A_474 = arith.andi %get3A_462, %and3A_473 : vector<16xi32>
        %swap3A_475 = arith.constant 0 : i32
        %swap3A_476 = arith.index_cast %swap3A_475 : i32 to index
        %swap3A_477 = arith.constant 16 : index
        %swap3A_478 = tpu.vector_load %arg10[%swap3A_476, %swap3A_477] {strides = array<i32>} : memref<1x128xi32, #tpu.memory_space<vmem>>, vector<1x16xi32>,
        %swap3A_479 = vector.shape_cast %swap3A_478 : vector<1x16xi32> to vector<16xi32>
        %swap3A_480 = vector.shape_cast %and3A_474 : vector<16xi32> to vector<1x16xi32>
        tpu.vector_store %arg10[%swap3A_476, %swap3A_477], %swap3A_480 {strides = array<i32>} : memref<1x128xi32, #tpu.memory_space<vmem>>, vector<1x16xi32>,
        %get3A_481 = arith.index_cast %add3A_431 : i32 to index
        %get3A_482 = arith.constant 32 : index
        %get3A_483 = tpu.vector_load %arg6[%get3A_481, %get3A_482] {strides = array<i32>} : memref<80x128xi32, #tpu.memory_space<vmem>>, vector<1x16xi32>,
        %get3A_484 = vector.shape_cast %get3A_483 : vector<1x16xi32> to vector<16xi32>
        %shift_right_arithmetic3A_485 = arith.constant 16 : i32
        %shift_right_arithmetic3A_486 = vector.broadcast %shift_right_arithmetic3A_485 : i32 to vector<16xi32>
        %shift_right_arithmetic3A_487 = arith.shrsi %get3A_484, %shift_right_arithmetic3A_486 : vector<16xi32>
        %swap3A_488 = arith.constant 0 : i32
        %swap3A_489 = arith.index_cast %swap3A_488 : i32 to index
        %swap3A_490 = arith.constant 32 : index
        %swap3A_491 = tpu.vector_load %arg8[%swap3A_489, %swap3A_490] {strides = array<i32>} : memref<1x128xi32, #tpu.memory_space<vmem>>, vector<1x16xi32>,
        %swap3A_492 = vector.shape_cast %swap3A_491 : vector<1x16xi32> to vector<16xi32>
        %swap3A_493 = vector.shape_cast %shift_right_arithmetic3A_487 : vector<16xi32> to vector<1x16xi32>
        tpu.vector_store %arg8[%swap3A_489, %swap3A_490], %swap3A_493 {strides = array<i32>} : memref<1x128xi32, #tpu.memory_space<vmem>>, vector<1x16xi32>,
        %and3A_494 = arith.constant 65535 : i32
        %and3A_495 = vector.broadcast %and3A_494 : i32 to vector<16xi32>
        %and3A_496 = arith.andi %get3A_484, %and3A_495 : vector<16xi32>
        %swap3A_497 = arith.constant 0 : i32
        %swap3A_498 = arith.index_cast %swap3A_497 : i32 to index
        %swap3A_499 = arith.constant 32 : index
        %swap3A_500 = tpu.vector_load %arg10[%swap3A_498, %swap3A_499] {strides = array<i32>} : memref<1x128xi32, #tpu.memory_space<vmem>>, vector<1x16xi32>,
        %swap3A_501 = vector.shape_cast %swap3A_500 : vector<1x16xi32> to vector<16xi32>
        %swap3A_502 = vector.shape_cast %and3A_496 : vector<16xi32> to vector<1x16xi32>
        tpu.vector_store %arg10[%swap3A_498, %swap3A_499], %swap3A_502 {strides = array<i32>} : memref<1x128xi32, #tpu.memory_space<vmem>>, vector<1x16xi32>,
        %get3A_503 = arith.index_cast %add3A_431 : i32 to index
        %get3A_504 = arith.constant 48 : index
        %get3A_505 = tpu.vector_load %arg6[%get3A_503, %get3A_504] {strides = array<i32>} : memref<80x128xi32, #tpu.memory_space<vmem>>, vector<1x16xi32>,
        %get3A_506 = vector.shape_cast %get3A_505 : vector<1x16xi32> to vector<16xi32>
        %shift_right_arithmetic3A_507 = arith.constant 16 : i32
        %shift_right_arithmetic3A_508 = vector.broadcast %shift_right_arithmetic3A_507 : i32 to vector<16xi32>
        %shift_right_arithmetic3A_509 = arith.shrsi %get3A_506, %shift_right_arithmetic3A_508 : vector<16xi32>
        %swap3A_510 = arith.constant 0 : i32
        %swap3A_511 = arith.index_cast %swap3A_510 : i32 to index
        %swap3A_512 = arith.constant 48 : index
        %swap3A_513 = tpu.vector_load %arg8[%swap3A_511, %swap3A_512] {strides = array<i32>} : memref<1x128xi32, #tpu.memory_space<vmem>>, vector<1x16xi32>,
        %swap3A_514 = vector.shape_cast %swap3A_513 : vector<1x16xi32> to vector<16xi32>
        %swap3A_515 = vector.shape_cast %shift_right_arithmetic3A_509 : vector<16xi32> to vector<1x16xi32>
        tpu.vector_store %arg8[%swap3A_511, %swap3A_512], %swap3A_515 {strides = array<i32>} : memref<1x128xi32, #tpu.memory_space<vmem>>, vector<1x16xi32>,
        %and3A_516 = arith.constant 65535 : i32
        %and3A_517 = vector.broadcast %and3A_516 : i32 to vector<16xi32>
        %and3A_518 = arith.andi %get3A_506, %and3A_517 : vector<16xi32>
        %swap3A_519 = arith.constant 0 : i32
        %swap3A_520 = arith.index_cast %swap3A_519 : i32 to index
        %swap3A_521 = arith.constant 48 : index
        %swap3A_522 = tpu.vector_load %arg10[%swap3A_520, %swap3A_521] {strides = array<i32>} : memref<1x128xi32, #tpu.memory_space<vmem>>, vector<1x16xi32>,
        %swap3A_523 = vector.shape_cast %swap3A_522 : vector<1x16xi32> to vector<16xi32>
        %swap3A_524 = vector.shape_cast %and3A_518 : vector<16xi32> to vector<1x16xi32>
        tpu.vector_store %arg10[%swap3A_520, %swap3A_521], %swap3A_524 {strides = array<i32>} : memref<1x128xi32, #tpu.memory_space<vmem>>, vector<1x16xi32>,
        %get3A_525 = arith.index_cast %add3A_431 : i32 to index
        %get3A_526 = arith.constant 64 : index
        %get3A_527 = tpu.vector_load %arg6[%get3A_525, %get3A_526] {strides = array<i32>} : memref<80x128xi32, #tpu.memory_space<vmem>>, vector<1x16xi32>,
        %get3A_528 = vector.shape_cast %get3A_527 : vector<1x16xi32> to vector<16xi32>
        %shift_right_arithmetic3A_529 = arith.constant 16 : i32
        %shift_right_arithmetic3A_530 = vector.broadcast %shift_right_arithmetic3A_529 : i32 to vector<16xi32>
        %shift_right_arithmetic3A_531 = arith.shrsi %get3A_528, %shift_right_arithmetic3A_530 : vector<16xi32>
        %swap3A_532 = arith.constant 0 : i32
        %swap3A_533 = arith.index_cast %swap3A_532 : i32 to index
        %swap3A_534 = arith.constant 64 : index
        %swap3A_535 = tpu.vector_load %arg8[%swap3A_533, %swap3A_534] {strides = array<i32>} : memref<1x128xi32, #tpu.memory_space<vmem>>, vector<1x16xi32>,
        %swap3A_536 = vector.shape_cast %swap3A_535 : vector<1x16xi32> to vector<16xi32>
        %swap3A_537 = vector.shape_cast %shift_right_arithmetic3A_531 : vector<16xi32> to vector<1x16xi32>
        tpu.vector_store %arg8[%swap3A_533, %swap3A_534], %swap3A_537 {strides = array<i32>} : memref<1x128xi32, #tpu.memory_space<vmem>>, vector<1x16xi32>,
        %and3A_538 = arith.constant 65535 : i32
        %and3A_539 = vector.broadcast %and3A_538 : i32 to vector<16xi32>
        %and3A_540 = arith.andi %get3A_528, %and3A_539 : vector<16xi32>
        %swap3A_541 = arith.constant 0 : i32
        %swap3A_542 = arith.index_cast %swap3A_541 : i32 to index
        %swap3A_543 = arith.constant 64 : index
        %swap3A_544 = tpu.vector_load %arg10[%swap3A_542, %swap3A_543] {strides = array<i32>} : memref<1x128xi32, #tpu.memory_space<vmem>>, vector<1x16xi32>,
        %swap3A_545 = vector.shape_cast %swap3A_544 : vector<1x16xi32> to vector<16xi32>
        %swap3A_546 = vector.shape_cast %and3A_540 : vector<16xi32> to vector<1x16xi32>
        tpu.vector_store %arg10[%swap3A_542, %swap3A_543], %swap3A_546 {strides = array<i32>} : memref<1x128xi32, #tpu.memory_space<vmem>>, vector<1x16xi32>,
        %get3A_547 = arith.index_cast %add3A_431 : i32 to index
        %get3A_548 = arith.constant 80 : index
        %get3A_549 = tpu.vector_load %arg6[%get3A_547, %get3A_548] {strides = array<i32>} : memref<80x128xi32, #tpu.memory_space<vmem>>, vector<1x16xi32>,
        %get3A_550 = vector.shape_cast %get3A_549 : vector<1x16xi32> to vector<16xi32>
        %shift_right_arithmetic3A_551 = arith.constant 16 : i32
        %shift_right_arithmetic3A_552 = vector.broadcast %shift_right_arithmetic3A_551 : i32 to vector<16xi32>
        %shift_right_arithmetic3A_553 = arith.shrsi %get3A_550, %shift_right_arithmetic3A_552 : vector<16xi32>
        %swap3A_554 = arith.constant 0 : i32
        %swap3A_555 = arith.index_cast %swap3A_554 : i32 to index
        %swap3A_556 = arith.constant 80 : index
        %swap3A_557 = tpu.vector_load %arg8[%swap3A_555, %swap3A_556] {strides = array<i32>} : memref<1x128xi32, #tpu.memory_space<vmem>>, vector<1x16xi32>,
        %swap3A_558 = vector.shape_cast %swap3A_557 : vector<1x16xi32> to vector<16xi32>
        %swap3A_559 = vector.shape_cast %shift_right_arithmetic3A_553 : vector<16xi32> to vector<1x16xi32>
        tpu.vector_store %arg8[%swap3A_555, %swap3A_556], %swap3A_559 {strides = array<i32>} : memref<1x128xi32, #tpu.memory_space<vmem>>, vector<1x16xi32>,
        %and3A_560 = arith.constant 65535 : i32
        %and3A_561 = vector.broadcast %and3A_560 : i32 to vector<16xi32>
        %and3A_562 = arith.andi %get3A_550, %and3A_561 : vector<16xi32>
        %swap3A_563 = arith.constant 0 : i32
        %swap3A_564 = arith.index_cast %swap3A_563 : i32 to index
        %swap3A_565 = arith.constant 80 : index
        %swap3A_566 = tpu.vector_load %arg10[%swap3A_564, %swap3A_565] {strides = array<i32>} : memref<1x128xi32, #tpu.memory_space<vmem>>, vector<1x16xi32>,
        %swap3A_567 = vector.shape_cast %swap3A_566 : vector<1x16xi32> to vector<16xi32>
        %swap3A_568 = vector.shape_cast %and3A_562 : vector<16xi32> to vector<1x16xi32>
        tpu.vector_store %arg10[%swap3A_564, %swap3A_565], %swap3A_568 {strides = array<i32>} : memref<1x128xi32, #tpu.memory_space<vmem>>, vector<1x16xi32>,
        %get3A_569 = arith.index_cast %add3A_431 : i32 to index
        %get3A_570 = arith.constant 96 : index
        %get3A_571 = tpu.vector_load %arg6[%get3A_569, %get3A_570] {strides = array<i32>} : memref<80x128xi32, #tpu.memory_space<vmem>>, vector<1x16xi32>,
        %get3A_572 = vector.shape_cast %get3A_571 : vector<1x16xi32> to vector<16xi32>
        %shift_right_arithmetic3A_573 = arith.constant 16 : i32
        %shift_right_arithmetic3A_574 = vector.broadcast %shift_right_arithmetic3A_573 : i32 to vector<16xi32>
        %shift_right_arithmetic3A_575 = arith.shrsi %get3A_572, %shift_right_arithmetic3A_574 : vector<16xi32>
        %swap3A_576 = arith.constant 0 : i32
        %swap3A_577 = arith.index_cast %swap3A_576 : i32 to index
        %swap3A_578 = arith.constant 96 : index
        %swap3A_579 = tpu.vector_load %arg8[%swap3A_577, %swap3A_578] {strides = array<i32>} : memref<1x128xi32, #tpu.memory_space<vmem>>, vector<1x16xi32>,
        %swap3A_580 = vector.shape_cast %swap3A_579 : vector<1x16xi32> to vector<16xi32>
        %swap3A_581 = vector.shape_cast %shift_right_arithmetic3A_575 : vector<16xi32> to vector<1x16xi32>
        tpu.vector_store %arg8[%swap3A_577, %swap3A_578], %swap3A_581 {strides = array<i32>} : memref<1x128xi32, #tpu.memory_space<vmem>>, vector<1x16xi32>,
        %and3A_582 = arith.constant 65535 : i32
        %and3A_583 = vector.broadcast %and3A_582 : i32 to vector<16xi32>
        %and3A_584 = arith.andi %get3A_572, %and3A_583 : vector<16xi32>
        %swap3A_585 = arith.constant 0 : i32
        %swap3A_586 = arith.index_cast %swap3A_585 : i32 to index
        %swap3A_587 = arith.constant 96 : index
        %swap3A_588 = tpu.vector_load %arg10[%swap3A_586, %swap3A_587] {strides = array<i32>} : memref<1x128xi32, #tpu.memory_space<vmem>>, vector<1x16xi32>,
        %swap3A_589 = vector.shape_cast %swap3A_588 : vector<1x16xi32> to vector<16xi32>
        %swap3A_590 = vector.shape_cast %and3A_584 : vector<16xi32> to vector<1x16xi32>
        tpu.vector_store %arg10[%swap3A_586, %swap3A_587], %swap3A_590 {strides = array<i32>} : memref<1x128xi32, #tpu.memory_space<vmem>>, vector<1x16xi32>,
        %get3A_591 = arith.index_cast %add3A_431 : i32 to index
        %get3A_592 = arith.constant 112 : index
        %get3A_593 = tpu.vector_load %arg6[%get3A_591, %get3A_592] {strides = array<i32>} : memref<80x128xi32, #tpu.memory_space<vmem>>, vector<1x16xi32>,
        %get3A_594 = vector.shape_cast %get3A_593 : vector<1x16xi32> to vector<16xi32>
        %shift_right_arithmetic3A_595 = arith.constant 16 : i32
        %shift_right_arithmetic3A_596 = vector.broadcast %shift_right_arithmetic3A_595 : i32 to vector<16xi32>
        %shift_right_arithmetic3A_597 = arith.shrsi %get3A_594, %shift_right_arithmetic3A_596 : vector<16xi32>
        %swap3A_598 = arith.constant 0 : i32
        %swap3A_599 = arith.index_cast %swap3A_598 : i32 to index
        %swap3A_600 = arith.constant 112 : index
        %swap3A_601 = tpu.vector_load %arg8[%swap3A_599, %swap3A_600] {strides = array<i32>} : memref<1x128xi32, #tpu.memory_space<vmem>>, vector<1x16xi32>,
        %swap3A_602 = vector.shape_cast %swap3A_601 : vector<1x16xi32> to vector<16xi32>
        %swap3A_603 = vector.shape_cast %shift_right_arithmetic3A_597 : vector<16xi32> to vector<1x16xi32>
        tpu.vector_store %arg8[%swap3A_599, %swap3A_600], %swap3A_603 {strides = array<i32>} : memref<1x128xi32, #tpu.memory_space<vmem>>, vector<1x16xi32>,
        %and3A_604 = arith.constant 65535 : i32
        %and3A_605 = vector.broadcast %and3A_604 : i32 to vector<16xi32>
        %and3A_606 = arith.andi %get3A_594, %and3A_605 : vector<16xi32>
        %swap3A_607 = arith.constant 0 : i32
        %swap3A_608 = arith.index_cast %swap3A_607 : i32 to index
        %swap3A_609 = arith.constant 112 : index
        %swap3A_610 = tpu.vector_load %arg10[%swap3A_608, %swap3A_609] {strides = array<i32>} : memref<1x128xi32, #tpu.memory_space<vmem>>, vector<1x16xi32>,
        %swap3A_611 = vector.shape_cast %swap3A_610 : vector<1x16xi32> to vector<16xi32>
        %swap3A_612 = vector.shape_cast %and3A_606 : vector<16xi32> to vector<1x16xi32>
        tpu.vector_store %arg10[%swap3A_608, %swap3A_609], %swap3A_612 {strides = array<i32>} : memref<1x128xi32, #tpu.memory_space<vmem>>, vector<1x16xi32>,
        %dma_start3A_613 = arith.constant 0 : i32
        %dma_start3A_614 = arith.constant 0 : i32
        %dma_start3A_615 = tpu.memref_slice %arg8[%dma_start3A_613, %dma_start3A_614] : memref<1x128xi32, #tpu.memory_space<vmem>> -> memref<1x128xi32, #tpu.memory_space<vmem>>
        %dma_start3A_616 = tpu.memref_squeeze %dma_start3A_615 : memref<1x128xi32, #tpu.memory_space<vmem>> -> memref<128xi32, #tpu.memory_space<vmem>>
        %dma_start3A_617 = arith.constant 0 : i32
        %dma_start3A_618 = arith.constant 0 : i32
        %dma_start3A_619 = tpu.memref_slice %arg2[%dma_start3A_617, %dma_start3A_618] : memref<10000x128xf32, #tpu.memory_space<hbm>> -> memref<10000x128xf32, #tpu.memory_space<hbm>>
        tpu.enqueue_indirect_dma source(%dma_start3A_619 : memref<10000x128xf32, #tpu.memory_space<hbm>>) target(%arg12 : memref<128x128xf32, #tpu.memory_space<vmem>>) offsets(%dma_start3A_616 : memref<128xi32, #tpu.memory_space<vmem>>) semaphore(%arg14 : memref<!tpu.dma_semaphore, #tpu.memory_space<semaphore_mem>>)
      } else {
      }
    }
    %scan3A_390 = arith.constant 40 : i32
    %barrier3A_391 = arith.constant 0 : index
    tpu.barrier barrier_id(%barrier3A_391)
    %lt3A_392 = arith.constant 15 : i32
    %lt3A_393 = arith.cmpi slt, %arg1, %lt3A_392 : i32
    %convert_element_type3A_394 = arith.extui %lt3A_393 : i1 to i32
    %cond3A_395 = arith.constant 0 : i32
    %cond3A_396 = arith.cmpi ne, %convert_element_type3A_394, %cond3A_395 : i32
    scf.if %cond3A_396 {
      "tpu.region"() ({
        %run_scoped3A = tpu.sem_alloc : memref<!tpu.dma_semaphore, #tpu.memory_space<semaphore_mem>>
        %dma_start3A_402 = arith.constant 0 : i32
        %dma_start3A_403 = tpu.memref_slice %arg4[%arg0, %mul3A_2, %dma_start3A_402] : memref<2x10000x128xf32, #tpu.memory_space<hbm>> -> memref<1x632x128xf32, #tpu.memory_space<hbm>>
        %dma_start3A_404 = tpu.memref_squeeze %dma_start3A_403 : memref<1x632x128xf32, #tpu.memory_space<hbm>> -> memref<632x128xf32, #tpu.memory_space<hbm>>
        %dma_start3A_405 = arith.constant 0 : i32
        %dma_start3A_406 = tpu.memref_slice %arg5[%mul3A_2, %dma_start3A_405] : memref<10240x128xf32, #tpu.memory_space<vmem_shared>> -> memref<632x128xf32, #tpu.memory_space<vmem_shared>>
        tpu.enqueue_dma source(%dma_start3A_406 : memref<632x128xf32, #tpu.memory_space<vmem_shared>>) target(%dma_start3A_404 : memref<632x128xf32, #tpu.memory_space<hbm>>) target_semaphore(%run_scoped3A : memref<!tpu.dma_semaphore, #tpu.memory_space<semaphore_mem>>)
        %dma_wait3A = arith.constant 0 : i32
        %dma_wait3A_407 = tpu.memref_slice %arg4[%arg0, %mul3A_2, %dma_wait3A] : memref<2x10000x128xf32, #tpu.memory_space<hbm>> -> memref<1x632x128xf32, #tpu.memory_space<hbm>>
        %dma_wait3A_408 = tpu.memref_squeeze %dma_wait3A_407 : memref<1x632x128xf32, #tpu.memory_space<hbm>> -> memref<632x128xf32, #tpu.memory_space<hbm>>
        %dma_wait3A_409 = arith.constant 0 : i32
        %dma_wait3A_410 = tpu.memref_slice %arg5[%mul3A_2, %dma_wait3A_409] : memref<10240x128xf32, #tpu.memory_space<vmem_shared>> -> memref<632x128xf32, #tpu.memory_space<vmem_shared>>
        tpu.wait_dma2 semaphore(%run_scoped3A : memref<!tpu.dma_semaphore, #tpu.memory_space<semaphore_mem>>) src(%dma_wait3A_410 : memref<632x128xf32, #tpu.memory_space<vmem_shared>>) dst(%dma_wait3A_408 : memref<632x128xf32, #tpu.memory_space<hbm>>)
        tpu.yield
      }) : () -> ()
    } else {
    }
    %eq3A_397 = arith.constant 15 : i32
    %eq3A_398 = arith.cmpi eq, %arg1, %eq3A_397 : i32
    %convert_element_type3A_399 = arith.extui %eq3A_398 : i1 to i32
    %cond3A_400 = arith.constant 0 : i32
    %cond3A_401 = arith.cmpi ne, %convert_element_type3A_399, %cond3A_400 : i32
    scf.if %cond3A_401 {
      "tpu.region"() ({
        %run_scoped3A = tpu.sem_alloc : memref<!tpu.dma_semaphore, #tpu.memory_space<semaphore_mem>>
        %dma_start3A_402 = arith.constant 0 : i32
        %dma_start3A_403 = tpu.memref_slice %arg4[%arg0, %mul3A_2, %dma_start3A_402] : memref<2x10000x128xf32, #tpu.memory_space<hbm>> -> memref<1x520x128xf32, #tpu.memory_space<hbm>>
        %dma_start3A_404 = tpu.memref_squeeze %dma_start3A_403 : memref<1x520x128xf32, #tpu.memory_space<hbm>> -> memref<520x128xf32, #tpu.memory_space<hbm>>
        %dma_start3A_405 = arith.constant 0 : i32
        %dma_start3A_406 = tpu.memref_slice %arg5[%mul3A_2, %dma_start3A_405] : memref<10240x128xf32, #tpu.memory_space<vmem_shared>> -> memref<520x128xf32, #tpu.memory_space<vmem_shared>>
        tpu.enqueue_dma source(%dma_start3A_406 : memref<520x128xf32, #tpu.memory_space<vmem_shared>>) target(%dma_start3A_404 : memref<520x128xf32, #tpu.memory_space<hbm>>) target_semaphore(%run_scoped3A : memref<!tpu.dma_semaphore, #tpu.memory_space<semaphore_mem>>)
        %dma_wait3A = arith.constant 0 : i32
        %dma_wait3A_407 = tpu.memref_slice %arg4[%arg0, %mul3A_2, %dma_wait3A] : memref<2x10000x128xf32, #tpu.memory_space<hbm>> -> memref<1x520x128xf32, #tpu.memory_space<hbm>>
        %dma_wait3A_408 = tpu.memref_squeeze %dma_wait3A_407 : memref<1x520x128xf32, #tpu.memory_space<hbm>> -> memref<520x128xf32, #tpu.memory_space<hbm>>
        %dma_wait3A_409 = arith.constant 0 : i32
        %dma_wait3A_410 = tpu.memref_slice %arg5[%mul3A_2, %dma_wait3A_409] : memref<10240x128xf32, #tpu.memory_space<vmem_shared>> -> memref<520x128xf32, #tpu.memory_space<vmem_shared>>
        tpu.wait_dma2 semaphore(%run_scoped3A : memref<!tpu.dma_semaphore, #tpu.memory_space<semaphore_mem>>) src(%dma_wait3A_410 : memref<520x128xf32, #tpu.memory_space<vmem_shared>>) dst(%dma_wait3A_408 : memref<520x128xf32, #tpu.memory_space<hbm>>)
        tpu.yield
      }) : () -> ()
    } else {
    }
    return
  }
}

#map = affine_map<(d0, d1) -> (0, 0, 0)>
#map1 = affine_map<(d0, d1) -> (0, 0)>
module attributes {stable_mosaic.version = 14 : i64} {
  func.func @_deg_kernel(%arg0: i32, %arg1: i32, %arg2: memref<32x80x128xi32, #tpu.memory_space<hbm>>, %arg3: memref<128x16xf32, #tpu.memory_space<hbm>>, %arg4: memref<640x16xf32, #tpu.memory_space<hbm>>, %arg5: memref<2x10240x16xf32, #tpu.memory_space<hbm>>, %arg6: memref<10240x16xf32, #tpu.memory_space<vmem_shared>>, %arg7: memref<80x128xi32, #tpu.memory_space<vmem>>, %arg8: memref<128x16xf32, #tpu.memory_space<vmem>>) attributes {dimension_semantics = [#tpu.dimension_semantics<core_parallel>, #tpu.dimension_semantics<subcore_parallel>], iteration_bounds = array<i64: 2, 16>, scalar_prefetch = 0 : i64, scratch_operands = 3 : i64, tpu.core_type = #tpu.core_type<sc_vector_subcore>, window_params = [{transform_indices = #map}, {transform_indices = #map1}, {transform_indices = #map1}, {transform_indices = #map}]} {
    %mul3A = arith.constant 2 : i32
    %mul3A_0 = arith.muli %arg1, %mul3A : i32
    %add3A = arith.addi %mul3A_0, %arg0 : i32
    %mul3A_1 = arith.constant 640 : i32
    %mul3A_2 = arith.muli %arg1, %mul3A_1 : i32
    "tpu.region"() ({
      %run_scoped3A = tpu.sem_alloc : memref<!tpu.dma_semaphore, #tpu.memory_space<semaphore_mem>>
      %dma_start3A = arith.constant 0 : i32
      %dma_start3A_13 = tpu.memref_slice %arg6[%mul3A_2, %dma_start3A] : memref<10240x16xf32, #tpu.memory_space<vmem_shared>> -> memref<640x16xf32, #tpu.memory_space<vmem_shared>>
      tpu.enqueue_dma source(%arg4 : memref<640x16xf32, #tpu.memory_space<hbm>>) target(%dma_start3A_13 : memref<640x16xf32, #tpu.memory_space<vmem_shared>>) target_semaphore(%run_scoped3A : memref<!tpu.dma_semaphore, #tpu.memory_space<semaphore_mem>>)
      %dma_wait3A = arith.constant 0 : i32
      %dma_wait3A_14 = tpu.memref_slice %arg6[%mul3A_2, %dma_wait3A] : memref<10240x16xf32, #tpu.memory_space<vmem_shared>> -> memref<640x16xf32, #tpu.memory_space<vmem_shared>>
      tpu.wait_dma2 semaphore(%run_scoped3A : memref<!tpu.dma_semaphore, #tpu.memory_space<semaphore_mem>>) src(%arg4 : memref<640x16xf32, #tpu.memory_space<hbm>>) dst(%dma_wait3A_14 : memref<640x16xf32, #tpu.memory_space<vmem_shared>>)
      tpu.yield
    }) : () -> ()
    "tpu.region"() ({
      %run_scoped3A = tpu.sem_alloc : memref<!tpu.dma_semaphore, #tpu.memory_space<semaphore_mem>>
      tpu.enqueue_dma source(%arg3 : memref<128x16xf32, #tpu.memory_space<hbm>>) target(%arg8 : memref<128x16xf32, #tpu.memory_space<vmem>>) target_semaphore(%run_scoped3A : memref<!tpu.dma_semaphore, #tpu.memory_space<semaphore_mem>>)
      tpu.wait_dma2 semaphore(%run_scoped3A : memref<!tpu.dma_semaphore, #tpu.memory_space<semaphore_mem>>) src(%arg3 : memref<128x16xf32, #tpu.memory_space<hbm>>) dst(%arg8 : memref<128x16xf32, #tpu.memory_space<vmem>>)
      tpu.yield
    }) : () -> ()
    "tpu.region"() ({
      %run_scoped3A = tpu.sem_alloc : memref<!tpu.dma_semaphore, #tpu.memory_space<semaphore_mem>>
      %dma_start3A = arith.constant 0 : i32
      %dma_start3A_13 = arith.constant 0 : i32
      %dma_start3A_14 = tpu.memref_slice %arg2[%add3A, %dma_start3A, %dma_start3A_13] : memref<32x80x128xi32, #tpu.memory_space<hbm>> -> memref<1x80x128xi32, #tpu.memory_space<hbm>>
      %dma_start3A_15 = tpu.memref_squeeze %dma_start3A_14 : memref<1x80x128xi32, #tpu.memory_space<hbm>> -> memref<80x128xi32, #tpu.memory_space<hbm>>
      %dma_start3A_16 = arith.constant 0 : i32
      %dma_start3A_17 = arith.constant 0 : i32
      %dma_start3A_18 = tpu.memref_slice %arg2[%add3A, %dma_start3A_16, %dma_start3A_17] : memref<32x80x128xi32, #tpu.memory_space<hbm>> -> memref<1x80x128xi32, #tpu.memory_space<hbm>>
      %dma_start3A_19 = tpu.memref_squeeze %dma_start3A_18 : memref<1x80x128xi32, #tpu.memory_space<hbm>> -> memref<80x128xi32, #tpu.memory_space<hbm>>
      tpu.enqueue_dma source(%dma_start3A_19 : memref<80x128xi32, #tpu.memory_space<hbm>>) target(%arg7 : memref<80x128xi32, #tpu.memory_space<vmem>>) target_semaphore(%run_scoped3A : memref<!tpu.dma_semaphore, #tpu.memory_space<semaphore_mem>>)
      %dma_wait3A = arith.constant 0 : i32
      %dma_wait3A_20 = arith.constant 0 : i32
      %dma_wait3A_21 = tpu.memref_slice %arg2[%add3A, %dma_wait3A, %dma_wait3A_20] : memref<32x80x128xi32, #tpu.memory_space<hbm>> -> memref<1x80x128xi32, #tpu.memory_space<hbm>>
      %dma_wait3A_22 = tpu.memref_squeeze %dma_wait3A_21 : memref<1x80x128xi32, #tpu.memory_space<hbm>> -> memref<80x128xi32, #tpu.memory_space<hbm>>
      %dma_wait3A_23 = arith.constant 0 : i32
      %dma_wait3A_24 = arith.constant 0 : i32
      %dma_wait3A_25 = tpu.memref_slice %arg2[%add3A, %dma_wait3A_23, %dma_wait3A_24] : memref<32x80x128xi32, #tpu.memory_space<hbm>> -> memref<1x80x128xi32, #tpu.memory_space<hbm>>
      %dma_wait3A_26 = tpu.memref_squeeze %dma_wait3A_25 : memref<1x80x128xi32, #tpu.memory_space<hbm>> -> memref<80x128xi32, #tpu.memory_space<hbm>>
      tpu.wait_dma2 semaphore(%run_scoped3A : memref<!tpu.dma_semaphore, #tpu.memory_space<semaphore_mem>>) src(%dma_wait3A_26 : memref<80x128xi32, #tpu.memory_space<hbm>>) dst(%arg7 : memref<80x128xi32, #tpu.memory_space<vmem>>)
      tpu.yield
    }) : () -> ()
    %barrier3A = arith.constant 0 : index
    tpu.barrier barrier_id(%barrier3A)
    %scan3A = arith.constant 0 : i32
    %scan3A_3 = arith.constant 0 : i32
    %scan3A_4 = arith.constant 80 : i32
    %scan3A_5 = arith.addi %scan3A_3, %scan3A_4 : i32
    %scan3A_6 = arith.constant 1 : i32
    scf.for %scan3A_13 = %scan3A_3 to %scan3A_5 step %scan3A_6  : i32 {
      "tpu.region"() ({
        %run_scoped3A = tpu.sem_alloc : memref<!tpu.dma_semaphore, #tpu.memory_space<semaphore_mem>>
        %dma_start3A = arith.constant 0 : i32
        %dma_start3A_14 = tpu.memref_slice %arg7[%scan3A_13, %dma_start3A] : memref<80x128xi32, #tpu.memory_space<vmem>> -> memref<1x128xi32, #tpu.memory_space<vmem>>
        %dma_start3A_15 = tpu.memref_squeeze %dma_start3A_14 : memref<1x128xi32, #tpu.memory_space<vmem>> -> memref<128xi32, #tpu.memory_space<vmem>>
        %dma_start3A_16 = arith.constant 0 : i32
        %dma_start3A_17 = arith.constant 0 : i32
        %dma_start3A_18 = tpu.memref_slice %arg6[%dma_start3A_16, %dma_start3A_17] : memref<10240x16xf32, #tpu.memory_space<vmem_shared>> -> memref<10240x16xf32, #tpu.memory_space<vmem_shared>>
        tpu.enqueue_indirect_dma source(%arg8 : memref<128x16xf32, #tpu.memory_space<vmem>>) target(%dma_start3A_18 : memref<10240x16xf32, #tpu.memory_space<vmem_shared>>) offsets(%dma_start3A_15 : memref<128xi32, #tpu.memory_space<vmem>>) semaphore(%run_scoped3A : memref<!tpu.dma_semaphore, #tpu.memory_space<semaphore_mem>>) {add = true}
        %dma_wait3A = arith.constant 0 : i32
        %dma_wait3A_19 = tpu.memref_slice %arg7[%scan3A_13, %dma_wait3A] : memref<80x128xi32, #tpu.memory_space<vmem>> -> memref<1x128xi32, #tpu.memory_space<vmem>>
        %dma_wait3A_20 = tpu.memref_squeeze %dma_wait3A_19 : memref<1x128xi32, #tpu.memory_space<vmem>> -> memref<128xi32, #tpu.memory_space<vmem>>
        %dma_wait3A_21 = arith.constant 0 : i32
        %dma_wait3A_22 = arith.constant 0 : i32
        %dma_wait3A_23 = tpu.memref_slice %arg6[%dma_wait3A_21, %dma_wait3A_22] : memref<10240x16xf32, #tpu.memory_space<vmem_shared>> -> memref<10240x16xf32, #tpu.memory_space<vmem_shared>>
        tpu.wait_indirect_dma semaphore(%run_scoped3A : memref<!tpu.dma_semaphore, #tpu.memory_space<semaphore_mem>>) src(%arg8 : memref<128x16xf32, #tpu.memory_space<vmem>>) dst(%dma_wait3A_23 : memref<10240x16xf32, #tpu.memory_space<vmem_shared>>)
        tpu.yield
      }) : () -> ()
    }
    %scan3A_7 = arith.constant 80 : i32
    %barrier3A_8 = arith.constant 0 : index
    tpu.barrier barrier_id(%barrier3A_8)
    %mul3A_9 = arith.constant 640 : i32
    %mul3A_10 = arith.muli %arg1, %mul3A_9 : i32
    %mul3A_11 = arith.constant 640 : i32
    %mul3A_12 = arith.muli %arg1, %mul3A_11 : i32
    "tpu.region"() ({
      %run_scoped3A = tpu.sem_alloc : memref<!tpu.dma_semaphore, #tpu.memory_space<semaphore_mem>>
      %dma_start3A = arith.constant 0 : i32
      %dma_start3A_13 = tpu.memref_slice %arg5[%arg0, %mul3A_12, %dma_start3A] : memref<2x10240x16xf32, #tpu.memory_space<hbm>> -> memref<1x640x16xf32, #tpu.memory_space<hbm>>
      %dma_start3A_14 = tpu.memref_squeeze %dma_start3A_13 : memref<1x640x16xf32, #tpu.memory_space<hbm>> -> memref<640x16xf32, #tpu.memory_space<hbm>>
      %dma_start3A_15 = arith.constant 0 : i32
      %dma_start3A_16 = tpu.memref_slice %arg6[%mul3A_10, %dma_start3A_15] : memref<10240x16xf32, #tpu.memory_space<vmem_shared>> -> memref<640x16xf32, #tpu.memory_space<vmem_shared>>
      tpu.enqueue_dma source(%dma_start3A_16 : memref<640x16xf32, #tpu.memory_space<vmem_shared>>) target(%dma_start3A_14 : memref<640x16xf32, #tpu.memory_space<hbm>>) target_semaphore(%run_scoped3A : memref<!tpu.dma_semaphore, #tpu.memory_space<semaphore_mem>>)
      %dma_wait3A = arith.constant 0 : i32
      %dma_wait3A_17 = tpu.memref_slice %arg5[%arg0, %mul3A_12, %dma_wait3A] : memref<2x10240x16xf32, #tpu.memory_space<hbm>> -> memref<1x640x16xf32, #tpu.memory_space<hbm>>
      %dma_wait3A_18 = tpu.memref_squeeze %dma_wait3A_17 : memref<1x640x16xf32, #tpu.memory_space<hbm>> -> memref<640x16xf32, #tpu.memory_space<hbm>>
      %dma_wait3A_19 = arith.constant 0 : i32
      %dma_wait3A_20 = tpu.memref_slice %arg6[%mul3A_10, %dma_wait3A_19] : memref<10240x16xf32, #tpu.memory_space<vmem_shared>> -> memref<640x16xf32, #tpu.memory_space<vmem_shared>>
      tpu.wait_dma2 semaphore(%run_scoped3A : memref<!tpu.dma_semaphore, #tpu.memory_space<semaphore_mem>>) src(%dma_wait3A_20 : memref<640x16xf32, #tpu.memory_space<vmem_shared>>) dst(%dma_wait3A_18 : memref<640x16xf32, #tpu.memory_space<hbm>>)
      tpu.yield
    }) : () -> ()
    return
  }
}

#map = affine_map<(d0, d1) -> (0, 0)>
#map1 = affine_map<(d0, d1) -> (0, 0, 0)>
module attributes {stable_mosaic.version = 14 : i64} {
  func.func @_scatter_kernel(%arg0: i32, %arg1: i32, %arg2: memref<10000x128xf32, #tpu.memory_space<hbm>>, %arg3: memref<32x80x128xi32, #tpu.memory_space<hbm>>, %arg4: memref<2x10000x128xf32, #tpu.memory_space<hbm>>, %arg5: memref<10240x128xf32, #tpu.memory_space<vmem_shared>>, %arg6: memref<80x128xi32, #tpu.memory_space<vmem>>, %arg7: memref<1x128xi32, #tpu.memory_space<vmem>>, %arg8: memref<1x128xi32, #tpu.memory_space<vmem>>, %arg9: memref<1x128xi32, #tpu.memory_space<vmem>>, %arg10: memref<1x128xi32, #tpu.memory_space<vmem>>, %arg11: memref<128x128xf32, #tpu.memory_space<vmem>>, %arg12: memref<128x128xf32, #tpu.memory_space<vmem>>, %arg13: memref<!tpu.dma_semaphore, #tpu.memory_space<semaphore_mem>>, %arg14: memref<!tpu.dma_semaphore, #tpu.memory_space<semaphore_mem>>) attributes {dimension_semantics = [#tpu.dimension_semantics<core_parallel>, #tpu.dimension_semantics<subcore_parallel>], iteration_bounds = array<i64: 2, 16>, scalar_prefetch = 0 : i64, scratch_operands = 10 : i64, tpu.core_type = #tpu.core_type<sc_vector_subcore>, window_params = [{transform_indices = #map}, {transform_indices = #map1}, {transform_indices = #map1}]} {
    %mul3A = arith.constant 2 : i32
    %mul3A_0 = arith.muli %arg1, %mul3A : i32
    %add3A = arith.addi %mul3A_0, %arg0 : i32
    %mul3A_1 = arith.constant 632 : i32
    %mul3A_2 = arith.muli %arg1, %mul3A_1 : i32
    %lt3A = arith.constant 15 : i32
    %lt3A_3 = arith.cmpi slt, %arg1, %lt3A : i32
    %convert_element_type3A = arith.extui %lt3A_3 : i1 to i32
    %cond3A = arith.constant 0 : i32
    %cond3A_4 = arith.cmpi ne, %convert_element_type3A, %cond3A : i32
    scf.if %cond3A_4 {
      "tpu.region"() ({
        %run_scoped3A = tpu.sem_alloc : memref<!tpu.dma_semaphore, #tpu.memory_space<semaphore_mem>>
        %dma_start3A_402 = arith.constant 0 : i32
        %dma_start3A_403 = tpu.memref_slice %arg5[%mul3A_2, %dma_start3A_402] : memref<10240x128xf32, #tpu.memory_space<vmem_shared>> -> memref<632x128xf32, #tpu.memory_space<vmem_shared>>
        %dma_start3A_404 = arith.constant 0 : i32
        %dma_start3A_405 = tpu.memref_slice %arg2[%mul3A_2, %dma_start3A_404] : memref<10000x128xf32, #tpu.memory_space<hbm>> -> memref<632x128xf32, #tpu.memory_space<hbm>>
        tpu.enqueue_dma source(%dma_start3A_405 : memref<632x128xf32, #tpu.memory_space<hbm>>) target(%dma_start3A_403 : memref<632x128xf32, #tpu.memory_space<vmem_shared>>) target_semaphore(%run_scoped3A : memref<!tpu.dma_semaphore, #tpu.memory_space<semaphore_mem>>)
        %dma_wait3A = arith.constant 0 : i32
        %dma_wait3A_406 = tpu.memref_slice %arg5[%mul3A_2, %dma_wait3A] : memref<10240x128xf32, #tpu.memory_space<vmem_shared>> -> memref<632x128xf32, #tpu.memory_space<vmem_shared>>
        %dma_wait3A_407 = arith.constant 0 : i32
        %dma_wait3A_408 = tpu.memref_slice %arg2[%mul3A_2, %dma_wait3A_407] : memref<10000x128xf32, #tpu.memory_space<hbm>> -> memref<632x128xf32, #tpu.memory_space<hbm>>
        tpu.wait_dma2 semaphore(%run_scoped3A : memref<!tpu.dma_semaphore, #tpu.memory_space<semaphore_mem>>) src(%dma_wait3A_408 : memref<632x128xf32, #tpu.memory_space<hbm>>) dst(%dma_wait3A_406 : memref<632x128xf32, #tpu.memory_space<vmem_shared>>)
        tpu.yield
      }) : () -> ()
    } else {
    }
    %eq3A = arith.constant 15 : i32
    %eq3A_5 = arith.cmpi eq, %arg1, %eq3A : i32
    %convert_element_type3A_6 = arith.extui %eq3A_5 : i1 to i32
    %cond3A_7 = arith.constant 0 : i32
    %cond3A_8 = arith.cmpi ne, %convert_element_type3A_6, %cond3A_7 : i32
    scf.if %cond3A_8 {
      "tpu.region"() ({
        %run_scoped3A = tpu.sem_alloc : memref<!tpu.dma_semaphore, #tpu.memory_space<semaphore_mem>>
        %dma_start3A_402 = arith.constant 0 : i32
        %dma_start3A_403 = tpu.memref_slice %arg5[%mul3A_2, %dma_start3A_402] : memref<10240x128xf32, #tpu.memory_space<vmem_shared>> -> memref<520x128xf32, #tpu.memory_space<vmem_shared>>
        %dma_start3A_404 = arith.constant 0 : i32
        %dma_start3A_405 = tpu.memref_slice %arg2[%mul3A_2, %dma_start3A_404] : memref<10000x128xf32, #tpu.memory_space<hbm>> -> memref<520x128xf32, #tpu.memory_space<hbm>>
        tpu.enqueue_dma source(%dma_start3A_405 : memref<520x128xf32, #tpu.memory_space<hbm>>) target(%dma_start3A_403 : memref<520x128xf32, #tpu.memory_space<vmem_shared>>) target_semaphore(%run_scoped3A : memref<!tpu.dma_semaphore, #tpu.memory_space<semaphore_mem>>)
        %dma_wait3A = arith.constant 0 : i32
        %dma_wait3A_406 = tpu.memref_slice %arg5[%mul3A_2, %dma_wait3A] : memref<10240x128xf32, #tpu.memory_space<vmem_shared>> -> memref<520x128xf32, #tpu.memory_space<vmem_shared>>
        %dma_wait3A_407 = arith.constant 0 : i32
        %dma_wait3A_408 = tpu.memref_slice %arg2[%mul3A_2, %dma_wait3A_407] : memref<10000x128xf32, #tpu.memory_space<hbm>> -> memref<520x128xf32, #tpu.memory_space<hbm>>
        tpu.wait_dma2 semaphore(%run_scoped3A : memref<!tpu.dma_semaphore, #tpu.memory_space<semaphore_mem>>) src(%dma_wait3A_408 : memref<520x128xf32, #tpu.memory_space<hbm>>) dst(%dma_wait3A_406 : memref<520x128xf32, #tpu.memory_space<vmem_shared>>)
        tpu.yield
      }) : () -> ()
    } else {
    }
    "tpu.region"() ({
      %run_scoped3A = tpu.sem_alloc : memref<!tpu.dma_semaphore, #tpu.memory_space<semaphore_mem>>
      %dma_start3A_402 = arith.constant 0 : i32
      %dma_start3A_403 = arith.constant 0 : i32
      %dma_start3A_404 = tpu.memref_slice %arg3[%add3A, %dma_start3A_402, %dma_start3A_403] : memref<32x80x128xi32, #tpu.memory_space<hbm>> -> memref<1x80x128xi32, #tpu.memory_space<hbm>>
      %dma_start3A_405 = tpu.memref_squeeze %dma_start3A_404 : memref<1x80x128xi32, #tpu.memory_space<hbm>> -> memref<80x128xi32, #tpu.memory_space<hbm>>
      %dma_start3A_406 = arith.constant 0 : i32
      %dma_start3A_407 = arith.constant 0 : i32
      %dma_start3A_408 = tpu.memref_slice %arg3[%add3A, %dma_start3A_406, %dma_start3A_407] : memref<32x80x128xi32, #tpu.memory_space<hbm>> -> memref<1x80x128xi32, #tpu.memory_space<hbm>>
      %dma_start3A_409 = tpu.memref_squeeze %dma_start3A_408 : memref<1x80x128xi32, #tpu.memory_space<hbm>> -> memref<80x128xi32, #tpu.memory_space<hbm>>
      tpu.enqueue_dma source(%dma_start3A_409 : memref<80x128xi32, #tpu.memory_space<hbm>>) target(%arg6 : memref<80x128xi32, #tpu.memory_space<vmem>>) target_semaphore(%run_scoped3A : memref<!tpu.dma_semaphore, #tpu.memory_space<semaphore_mem>>)
      %dma_wait3A = arith.constant 0 : i32
      %dma_wait3A_410 = arith.constant 0 : i32
      %dma_wait3A_411 = tpu.memref_slice %arg3[%add3A, %dma_wait3A, %dma_wait3A_410] : memref<32x80x128xi32, #tpu.memory_space<hbm>> -> memref<1x80x128xi32, #tpu.memory_space<hbm>>
      %dma_wait3A_412 = tpu.memref_squeeze %dma_wait3A_411 : memref<1x80x128xi32, #tpu.memory_space<hbm>> -> memref<80x128xi32, #tpu.memory_space<hbm>>
      %dma_wait3A_413 = arith.constant 0 : i32
      %dma_wait3A_414 = arith.constant 0 : i32
      %dma_wait3A_415 = tpu.memref_slice %arg3[%add3A, %dma_wait3A_413, %dma_wait3A_414] : memref<32x80x128xi32, #tpu.memory_space<hbm>> -> memref<1x80x128xi32, #tpu.memory_space<hbm>>
      %dma_wait3A_416 = tpu.memref_squeeze %dma_wait3A_415 : memref<1x80x128xi32, #tpu.memory_space<hbm>> -> memref<80x128xi32, #tpu.memory_space<hbm>>
      tpu.wait_dma2 semaphore(%run_scoped3A : memref<!tpu.dma_semaphore, #tpu.memory_space<semaphore_mem>>) src(%dma_wait3A_416 : memref<80x128xi32, #tpu.memory_space<hbm>>) dst(%arg6 : memref<80x128xi32, #tpu.memory_space<vmem>>)
      tpu.yield
    }) : () -> ()
    %barrier3A = arith.constant 0 : index
    tpu.barrier barrier_id(%barrier3A)
    %get3A = arith.constant 0 : i32
    %get3A_9 = arith.index_cast %get3A : i32 to index
    %get3A_10 = arith.constant 0 : index
    %get3A_11 = tpu.vector_load %arg6[%get3A_9, %get3A_10] {strides = array<i32>} : memref<80x128xi32, #tpu.memory_space<vmem>>, vector<1x16xi32>,
    %get3A_12 = vector.shape_cast %get3A_11 : vector<1x16xi32> to vector<16xi32>
    %shift_right_arithmetic3A = arith.constant 16 : i32
    %shift_right_arithmetic3A_13 = vector.broadcast %shift_right_arithmetic3A : i32 to vector<16xi32>
    %shift_right_arithmetic3A_14 = arith.shrsi %get3A_12, %shift_right_arithmetic3A_13 : vector<16xi32>
    %swap3A = arith.constant 0 : i32
    %swap3A_15 = arith.index_cast %swap3A : i32 to index
    %swap3A_16 = arith.constant 0 : index
    %swap3A_17 = tpu.vector_load %arg7[%swap3A_15, %swap3A_16] {strides = array<i32>} : memref<1x128xi32, #tpu.memory_space<vmem>>, vector<1x16xi32>,
    %swap3A_18 = vector.shape_cast %swap3A_17 : vector<1x16xi32> to vector<16xi32>
    %swap3A_19 = vector.shape_cast %shift_right_arithmetic3A_14 : vector<16xi32> to vector<1x16xi32>
    tpu.vector_store %arg7[%swap3A_15, %swap3A_16], %swap3A_19 {strides = array<i32>} : memref<1x128xi32, #tpu.memory_space<vmem>>, vector<1x16xi32>,
    %and3A = arith.constant 65535 : i32
    %and3A_20 = vector.broadcast %and3A : i32 to vector<16xi32>
    %and3A_21 = arith.andi %get3A_12, %and3A_20 : vector<16xi32>
    %swap3A_22 = arith.constant 0 : i32
    %swap3A_23 = arith.index_cast %swap3A_22 : i32 to index
    %swap3A_24 = arith.constant 0 : index
    %swap3A_25 = tpu.vector_load %arg9[%swap3A_23, %swap3A_24] {strides = array<i32>} : memref<1x128xi32, #tpu.memory_space<vmem>>, vector<1x16xi32>,
    %swap3A_26 = vector.shape_cast %swap3A_25 : vector<1x16xi32> to vector<16xi32>
    %swap3A_27 = vector.shape_cast %and3A_21 : vector<16xi32> to vector<1x16xi32>
    tpu.vector_store %arg9[%swap3A_23, %swap3A_24], %swap3A_27 {strides = array<i32>} : memref<1x128xi32, #tpu.memory_space<vmem>>, vector<1x16xi32>,
    %get3A_28 = arith.constant 0 : i32
    %get3A_29 = arith.index_cast %get3A_28 : i32 to index
    %get3A_30 = arith.constant 16 : index
    %get3A_31 = tpu.vector_load %arg6[%get3A_29, %get3A_30] {strides = array<i32>} : memref<80x128xi32, #tpu.memory_space<vmem>>, vector<1x16xi32>,
    %get3A_32 = vector.shape_cast %get3A_31 : vector<1x16xi32> to vector<16xi32>
    %shift_right_arithmetic3A_33 = arith.constant 16 : i32
    %shift_right_arithmetic3A_34 = vector.broadcast %shift_right_arithmetic3A_33 : i32 to vector<16xi32>
    %shift_right_arithmetic3A_35 = arith.shrsi %get3A_32, %shift_right_arithmetic3A_34 : vector<16xi32>
    %swap3A_36 = arith.constant 0 : i32
    %swap3A_37 = arith.index_cast %swap3A_36 : i32 to index
    %swap3A_38 = arith.constant 16 : index
    %swap3A_39 = tpu.vector_load %arg7[%swap3A_37, %swap3A_38] {strides = array<i32>} : memref<1x128xi32, #tpu.memory_space<vmem>>, vector<1x16xi32>,
    %swap3A_40 = vector.shape_cast %swap3A_39 : vector<1x16xi32> to vector<16xi32>
    %swap3A_41 = vector.shape_cast %shift_right_arithmetic3A_35 : vector<16xi32> to vector<1x16xi32>
    tpu.vector_store %arg7[%swap3A_37, %swap3A_38], %swap3A_41 {strides = array<i32>} : memref<1x128xi32, #tpu.memory_space<vmem>>, vector<1x16xi32>,
    %and3A_42 = arith.constant 65535 : i32
    %and3A_43 = vector.broadcast %and3A_42 : i32 to vector<16xi32>
    %and3A_44 = arith.andi %get3A_32, %and3A_43 : vector<16xi32>
    %swap3A_45 = arith.constant 0 : i32
    %swap3A_46 = arith.index_cast %swap3A_45 : i32 to index
    %swap3A_47 = arith.constant 16 : index
    %swap3A_48 = tpu.vector_load %arg9[%swap3A_46, %swap3A_47] {strides = array<i32>} : memref<1x128xi32, #tpu.memory_space<vmem>>, vector<1x16xi32>,
    %swap3A_49 = vector.shape_cast %swap3A_48 : vector<1x16xi32> to vector<16xi32>
    %swap3A_50 = vector.shape_cast %and3A_44 : vector<16xi32> to vector<1x16xi32>
    tpu.vector_store %arg9[%swap3A_46, %swap3A_47], %swap3A_50 {strides = array<i32>} : memref<1x128xi32, #tpu.memory_space<vmem>>, vector<1x16xi32>,
    %get3A_51 = arith.constant 0 : i32
    %get3A_52 = arith.index_cast %get3A_51 : i32 to index
    %get3A_53 = arith.constant 32 : index
    %get3A_54 = tpu.vector_load %arg6[%get3A_52, %get3A_53] {strides = array<i32>} : memref<80x128xi32, #tpu.memory_space<vmem>>, vector<1x16xi32>,
    %get3A_55 = vector.shape_cast %get3A_54 : vector<1x16xi32> to vector<16xi32>
    %shift_right_arithmetic3A_56 = arith.constant 16 : i32
    %shift_right_arithmetic3A_57 = vector.broadcast %shift_right_arithmetic3A_56 : i32 to vector<16xi32>
    %shift_right_arithmetic3A_58 = arith.shrsi %get3A_55, %shift_right_arithmetic3A_57 : vector<16xi32>
    %swap3A_59 = arith.constant 0 : i32
    %swap3A_60 = arith.index_cast %swap3A_59 : i32 to index
    %swap3A_61 = arith.constant 32 : index
    %swap3A_62 = tpu.vector_load %arg7[%swap3A_60, %swap3A_61] {strides = array<i32>} : memref<1x128xi32, #tpu.memory_space<vmem>>, vector<1x16xi32>,
    %swap3A_63 = vector.shape_cast %swap3A_62 : vector<1x16xi32> to vector<16xi32>
    %swap3A_64 = vector.shape_cast %shift_right_arithmetic3A_58 : vector<16xi32> to vector<1x16xi32>
    tpu.vector_store %arg7[%swap3A_60, %swap3A_61], %swap3A_64 {strides = array<i32>} : memref<1x128xi32, #tpu.memory_space<vmem>>, vector<1x16xi32>,
    %and3A_65 = arith.constant 65535 : i32
    %and3A_66 = vector.broadcast %and3A_65 : i32 to vector<16xi32>
    %and3A_67 = arith.andi %get3A_55, %and3A_66 : vector<16xi32>
    %swap3A_68 = arith.constant 0 : i32
    %swap3A_69 = arith.index_cast %swap3A_68 : i32 to index
    %swap3A_70 = arith.constant 32 : index
    %swap3A_71 = tpu.vector_load %arg9[%swap3A_69, %swap3A_70] {strides = array<i32>} : memref<1x128xi32, #tpu.memory_space<vmem>>, vector<1x16xi32>,
    %swap3A_72 = vector.shape_cast %swap3A_71 : vector<1x16xi32> to vector<16xi32>
    %swap3A_73 = vector.shape_cast %and3A_67 : vector<16xi32> to vector<1x16xi32>
    tpu.vector_store %arg9[%swap3A_69, %swap3A_70], %swap3A_73 {strides = array<i32>} : memref<1x128xi32, #tpu.memory_space<vmem>>, vector<1x16xi32>,
    %get3A_74 = arith.constant 0 : i32
    %get3A_75 = arith.index_cast %get3A_74 : i32 to index
    %get3A_76 = arith.constant 48 : index
    %get3A_77 = tpu.vector_load %arg6[%get3A_75, %get3A_76] {strides = array<i32>} : memref<80x128xi32, #tpu.memory_space<vmem>>, vector<1x16xi32>,
    %get3A_78 = vector.shape_cast %get3A_77 : vector<1x16xi32> to vector<16xi32>
    %shift_right_arithmetic3A_79 = arith.constant 16 : i32
    %shift_right_arithmetic3A_80 = vector.broadcast %shift_right_arithmetic3A_79 : i32 to vector<16xi32>
    %shift_right_arithmetic3A_81 = arith.shrsi %get3A_78, %shift_right_arithmetic3A_80 : vector<16xi32>
    %swap3A_82 = arith.constant 0 : i32
    %swap3A_83 = arith.index_cast %swap3A_82 : i32 to index
    %swap3A_84 = arith.constant 48 : index
    %swap3A_85 = tpu.vector_load %arg7[%swap3A_83, %swap3A_84] {strides = array<i32>} : memref<1x128xi32, #tpu.memory_space<vmem>>, vector<1x16xi32>,
    %swap3A_86 = vector.shape_cast %swap3A_85 : vector<1x16xi32> to vector<16xi32>
    %swap3A_87 = vector.shape_cast %shift_right_arithmetic3A_81 : vector<16xi32> to vector<1x16xi32>
    tpu.vector_store %arg7[%swap3A_83, %swap3A_84], %swap3A_87 {strides = array<i32>} : memref<1x128xi32, #tpu.memory_space<vmem>>, vector<1x16xi32>,
    %and3A_88 = arith.constant 65535 : i32
    %and3A_89 = vector.broadcast %and3A_88 : i32 to vector<16xi32>
    %and3A_90 = arith.andi %get3A_78, %and3A_89 : vector<16xi32>
    %swap3A_91 = arith.constant 0 : i32
    %swap3A_92 = arith.index_cast %swap3A_91 : i32 to index
    %swap3A_93 = arith.constant 48 : index
    %swap3A_94 = tpu.vector_load %arg9[%swap3A_92, %swap3A_93] {strides = array<i32>} : memref<1x128xi32, #tpu.memory_space<vmem>>, vector<1x16xi32>,
    %swap3A_95 = vector.shape_cast %swap3A_94 : vector<1x16xi32> to vector<16xi32>
    %swap3A_96 = vector.shape_cast %and3A_90 : vector<16xi32> to vector<1x16xi32>
    tpu.vector_store %arg9[%swap3A_92, %swap3A_93], %swap3A_96 {strides = array<i32>} : memref<1x128xi32, #tpu.memory_space<vmem>>, vector<1x16xi32>,
    %get3A_97 = arith.constant 0 : i32
    %get3A_98 = arith.index_cast %get3A_97 : i32 to index
    %get3A_99 = arith.constant 64 : index
    %get3A_100 = tpu.vector_load %arg6[%get3A_98, %get3A_99] {strides = array<i32>} : memref<80x128xi32, #tpu.memory_space<vmem>>, vector<1x16xi32>,
    %get3A_101 = vector.shape_cast %get3A_100 : vector<1x16xi32> to vector<16xi32>
    %shift_right_arithmetic3A_102 = arith.constant 16 : i32
    %shift_right_arithmetic3A_103 = vector.broadcast %shift_right_arithmetic3A_102 : i32 to vector<16xi32>
    %shift_right_arithmetic3A_104 = arith.shrsi %get3A_101, %shift_right_arithmetic3A_103 : vector<16xi32>
    %swap3A_105 = arith.constant 0 : i32
    %swap3A_106 = arith.index_cast %swap3A_105 : i32 to index
    %swap3A_107 = arith.constant 64 : index
    %swap3A_108 = tpu.vector_load %arg7[%swap3A_106, %swap3A_107] {strides = array<i32>} : memref<1x128xi32, #tpu.memory_space<vmem>>, vector<1x16xi32>,
    %swap3A_109 = vector.shape_cast %swap3A_108 : vector<1x16xi32> to vector<16xi32>
    %swap3A_110 = vector.shape_cast %shift_right_arithmetic3A_104 : vector<16xi32> to vector<1x16xi32>
    tpu.vector_store %arg7[%swap3A_106, %swap3A_107], %swap3A_110 {strides = array<i32>} : memref<1x128xi32, #tpu.memory_space<vmem>>, vector<1x16xi32>,
    %and3A_111 = arith.constant 65535 : i32
    %and3A_112 = vector.broadcast %and3A_111 : i32 to vector<16xi32>
    %and3A_113 = arith.andi %get3A_101, %and3A_112 : vector<16xi32>
    %swap3A_114 = arith.constant 0 : i32
    %swap3A_115 = arith.index_cast %swap3A_114 : i32 to index
    %swap3A_116 = arith.constant 64 : index
    %swap3A_117 = tpu.vector_load %arg9[%swap3A_115, %swap3A_116] {strides = array<i32>} : memref<1x128xi32, #tpu.memory_space<vmem>>, vector<1x16xi32>,
    %swap3A_118 = vector.shape_cast %swap3A_117 : vector<1x16xi32> to vector<16xi32>
    %swap3A_119 = vector.shape_cast %and3A_113 : vector<16xi32> to vector<1x16xi32>
    tpu.vector_store %arg9[%swap3A_115, %swap3A_116], %swap3A_119 {strides = array<i32>} : memref<1x128xi32, #tpu.memory_space<vmem>>, vector<1x16xi32>,
    %get3A_120 = arith.constant 0 : i32
    %get3A_121 = arith.index_cast %get3A_120 : i32 to index
    %get3A_122 = arith.constant 80 : index
    %get3A_123 = tpu.vector_load %arg6[%get3A_121, %get3A_122] {strides = array<i32>} : memref<80x128xi32, #tpu.memory_space<vmem>>, vector<1x16xi32>,
    %get3A_124 = vector.shape_cast %get3A_123 : vector<1x16xi32> to vector<16xi32>
    %shift_right_arithmetic3A_125 = arith.constant 16 : i32
    %shift_right_arithmetic3A_126 = vector.broadcast %shift_right_arithmetic3A_125 : i32 to vector<16xi32>
    %shift_right_arithmetic3A_127 = arith.shrsi %get3A_124, %shift_right_arithmetic3A_126 : vector<16xi32>
    %swap3A_128 = arith.constant 0 : i32
    %swap3A_129 = arith.index_cast %swap3A_128 : i32 to index
    %swap3A_130 = arith.constant 80 : index
    %swap3A_131 = tpu.vector_load %arg7[%swap3A_129, %swap3A_130] {strides = array<i32>} : memref<1x128xi32, #tpu.memory_space<vmem>>, vector<1x16xi32>,
    %swap3A_132 = vector.shape_cast %swap3A_131 : vector<1x16xi32> to vector<16xi32>
    %swap3A_133 = vector.shape_cast %shift_right_arithmetic3A_127 : vector<16xi32> to vector<1x16xi32>
    tpu.vector_store %arg7[%swap3A_129, %swap3A_130], %swap3A_133 {strides = array<i32>} : memref<1x128xi32, #tpu.memory_space<vmem>>, vector<1x16xi32>,
    %and3A_134 = arith.constant 65535 : i32
    %and3A_135 = vector.broadcast %and3A_134 : i32 to vector<16xi32>
    %and3A_136 = arith.andi %get3A_124, %and3A_135 : vector<16xi32>
    %swap3A_137 = arith.constant 0 : i32
    %swap3A_138 = arith.index_cast %swap3A_137 : i32 to index
    %swap3A_139 = arith.constant 80 : index
    %swap3A_140 = tpu.vector_load %arg9[%swap3A_138, %swap3A_139] {strides = array<i32>} : memref<1x128xi32, #tpu.memory_space<vmem>>, vector<1x16xi32>,
    %swap3A_141 = vector.shape_cast %swap3A_140 : vector<1x16xi32> to vector<16xi32>
    %swap3A_142 = vector.shape_cast %and3A_136 : vector<16xi32> to vector<1x16xi32>
    tpu.vector_store %arg9[%swap3A_138, %swap3A_139], %swap3A_142 {strides = array<i32>} : memref<1x128xi32, #tpu.memory_space<vmem>>, vector<1x16xi32>,
    %get3A_143 = arith.constant 0 : i32
    %get3A_144 = arith.index_cast %get3A_143 : i32 to index
    %get3A_145 = arith.constant 96 : index
    %get3A_146 = tpu.vector_load %arg6[%get3A_144, %get3A_145] {strides = array<i32>} : memref<80x128xi32, #tpu.memory_space<vmem>>, vector<1x16xi32>,
    %get3A_147 = vector.shape_cast %get3A_146 : vector<1x16xi32> to vector<16xi32>
    %shift_right_arithmetic3A_148 = arith.constant 16 : i32
    %shift_right_arithmetic3A_149 = vector.broadcast %shift_right_arithmetic3A_148 : i32 to vector<16xi32>
    %shift_right_arithmetic3A_150 = arith.shrsi %get3A_147, %shift_right_arithmetic3A_149 : vector<16xi32>
    %swap3A_151 = arith.constant 0 : i32
    %swap3A_152 = arith.index_cast %swap3A_151 : i32 to index
    %swap3A_153 = arith.constant 96 : index
    %swap3A_154 = tpu.vector_load %arg7[%swap3A_152, %swap3A_153] {strides = array<i32>} : memref<1x128xi32, #tpu.memory_space<vmem>>, vector<1x16xi32>,
    %swap3A_155 = vector.shape_cast %swap3A_154 : vector<1x16xi32> to vector<16xi32>
    %swap3A_156 = vector.shape_cast %shift_right_arithmetic3A_150 : vector<16xi32> to vector<1x16xi32>
    tpu.vector_store %arg7[%swap3A_152, %swap3A_153], %swap3A_156 {strides = array<i32>} : memref<1x128xi32, #tpu.memory_space<vmem>>, vector<1x16xi32>,
    %and3A_157 = arith.constant 65535 : i32
    %and3A_158 = vector.broadcast %and3A_157 : i32 to vector<16xi32>
    %and3A_159 = arith.andi %get3A_147, %and3A_158 : vector<16xi32>
    %swap3A_160 = arith.constant 0 : i32
    %swap3A_161 = arith.index_cast %swap3A_160 : i32 to index
    %swap3A_162 = arith.constant 96 : index
    %swap3A_163 = tpu.vector_load %arg9[%swap3A_161, %swap3A_162] {strides = array<i32>} : memref<1x128xi32, #tpu.memory_space<vmem>>, vector<1x16xi32>,
    %swap3A_164 = vector.shape_cast %swap3A_163 : vector<1x16xi32> to vector<16xi32>
    %swap3A_165 = vector.shape_cast %and3A_159 : vector<16xi32> to vector<1x16xi32>
    tpu.vector_store %arg9[%swap3A_161, %swap3A_162], %swap3A_165 {strides = array<i32>} : memref<1x128xi32, #tpu.memory_space<vmem>>, vector<1x16xi32>,
    %get3A_166 = arith.constant 0 : i32
    %get3A_167 = arith.index_cast %get3A_166 : i32 to index
    %get3A_168 = arith.constant 112 : index
    %get3A_169 = tpu.vector_load %arg6[%get3A_167, %get3A_168] {strides = array<i32>} : memref<80x128xi32, #tpu.memory_space<vmem>>, vector<1x16xi32>,
    %get3A_170 = vector.shape_cast %get3A_169 : vector<1x16xi32> to vector<16xi32>
    %shift_right_arithmetic3A_171 = arith.constant 16 : i32
    %shift_right_arithmetic3A_172 = vector.broadcast %shift_right_arithmetic3A_171 : i32 to vector<16xi32>
    %shift_right_arithmetic3A_173 = arith.shrsi %get3A_170, %shift_right_arithmetic3A_172 : vector<16xi32>
    %swap3A_174 = arith.constant 0 : i32
    %swap3A_175 = arith.index_cast %swap3A_174 : i32 to index
    %swap3A_176 = arith.constant 112 : index
    %swap3A_177 = tpu.vector_load %arg7[%swap3A_175, %swap3A_176] {strides = array<i32>} : memref<1x128xi32, #tpu.memory_space<vmem>>, vector<1x16xi32>,
    %swap3A_178 = vector.shape_cast %swap3A_177 : vector<1x16xi32> to vector<16xi32>
    %swap3A_179 = vector.shape_cast %shift_right_arithmetic3A_173 : vector<16xi32> to vector<1x16xi32>
    tpu.vector_store %arg7[%swap3A_175, %swap3A_176], %swap3A_179 {strides = array<i32>} : memref<1x128xi32, #tpu.memory_space<vmem>>, vector<1x16xi32>,
    %and3A_180 = arith.constant 65535 : i32
    %and3A_181 = vector.broadcast %and3A_180 : i32 to vector<16xi32>
    %and3A_182 = arith.andi %get3A_170, %and3A_181 : vector<16xi32>
    %swap3A_183 = arith.constant 0 : i32
    %swap3A_184 = arith.index_cast %swap3A_183 : i32 to index
    %swap3A_185 = arith.constant 112 : index
    %swap3A_186 = tpu.vector_load %arg9[%swap3A_184, %swap3A_185] {strides = array<i32>} : memref<1x128xi32, #tpu.memory_space<vmem>>, vector<1x16xi32>,
    %swap3A_187 = vector.shape_cast %swap3A_186 : vector<1x16xi32> to vector<16xi32>
    %swap3A_188 = vector.shape_cast %and3A_182 : vector<16xi32> to vector<1x16xi32>
    tpu.vector_store %arg9[%swap3A_184, %swap3A_185], %swap3A_188 {strides = array<i32>} : memref<1x128xi32, #tpu.memory_space<vmem>>, vector<1x16xi32>,
    %dma_start3A = arith.constant 0 : i32
    %dma_start3A_189 = arith.constant 0 : i32
    %dma_start3A_190 = tpu.memref_slice %arg7[%dma_start3A, %dma_start3A_189] : memref<1x128xi32, #tpu.memory_space<vmem>> -> memref<1x128xi32, #tpu.memory_space<vmem>>
    %dma_start3A_191 = tpu.memref_squeeze %dma_start3A_190 : memref<1x128xi32, #tpu.memory_space<vmem>> -> memref<128xi32, #tpu.memory_space<vmem>>
    %dma_start3A_192 = arith.constant 0 : i32
    %dma_start3A_193 = arith.constant 0 : i32
    %dma_start3A_194 = tpu.memref_slice %arg2[%dma_start3A_192, %dma_start3A_193] : memref<10000x128xf32, #tpu.memory_space<hbm>> -> memref<10000x128xf32, #tpu.memory_space<hbm>>
    tpu.enqueue_indirect_dma source(%dma_start3A_194 : memref<10000x128xf32, #tpu.memory_space<hbm>>) target(%arg11 : memref<128x128xf32, #tpu.memory_space<vmem>>) offsets(%dma_start3A_191 : memref<128xi32, #tpu.memory_space<vmem>>) semaphore(%arg13 : memref<!tpu.dma_semaphore, #tpu.memory_space<semaphore_mem>>)
    %get3A_195 = arith.constant 1 : i32
    %get3A_196 = arith.index_cast %get3A_195 : i32 to index
    %get3A_197 = arith.constant 0 : index
    %get3A_198 = tpu.vector_load %arg6[%get3A_196, %get3A_197] {strides = array<i32>} : memref<80x128xi32, #tpu.memory_space<vmem>>, vector<1x16xi32>,
    %get3A_199 = vector.shape_cast %get3A_198 : vector<1x16xi32> to vector<16xi32>
    %shift_right_arithmetic3A_200 = arith.constant 16 : i32
    %shift_right_arithmetic3A_201 = vector.broadcast %shift_right_arithmetic3A_200 : i32 to vector<16xi32>
    %shift_right_arithmetic3A_202 = arith.shrsi %get3A_199, %shift_right_arithmetic3A_201 : vector<16xi32>
    %swap3A_203 = arith.constant 0 : i32
    %swap3A_204 = arith.index_cast %swap3A_203 : i32 to index
    %swap3A_205 = arith.constant 0 : index
    %swap3A_206 = tpu.vector_load %arg8[%swap3A_204, %swap3A_205] {strides = array<i32>} : memref<1x128xi32, #tpu.memory_space<vmem>>, vector<1x16xi32>,
    %swap3A_207 = vector.shape_cast %swap3A_206 : vector<1x16xi32> to vector<16xi32>
    %swap3A_208 = vector.shape_cast %shift_right_arithmetic3A_202 : vector<16xi32> to vector<1x16xi32>
    tpu.vector_store %arg8[%swap3A_204, %swap3A_205], %swap3A_208 {strides = array<i32>} : memref<1x128xi32, #tpu.memory_space<vmem>>, vector<1x16xi32>,
    %and3A_209 = arith.constant 65535 : i32
    %and3A_210 = vector.broadcast %and3A_209 : i32 to vector<16xi32>
    %and3A_211 = arith.andi %get3A_199, %and3A_210 : vector<16xi32>
    %swap3A_212 = arith.constant 0 : i32
    %swap3A_213 = arith.index_cast %swap3A_212 : i32 to index
    %swap3A_214 = arith.constant 0 : index
    %swap3A_215 = tpu.vector_load %arg10[%swap3A_213, %swap3A_214] {strides = array<i32>} : memref<1x128xi32, #tpu.memory_space<vmem>>, vector<1x16xi32>,
    %swap3A_216 = vector.shape_cast %swap3A_215 : vector<1x16xi32> to vector<16xi32>
    %swap3A_217 = vector.shape_cast %and3A_211 : vector<16xi32> to vector<1x16xi32>
    tpu.vector_store %arg10[%swap3A_213, %swap3A_214], %swap3A_217 {strides = array<i32>} : memref<1x128xi32, #tpu.memory_space<vmem>>, vector<1x16xi32>,
    %get3A_218 = arith.constant 1 : i32
    %get3A_219 = arith.index_cast %get3A_218 : i32 to index
    %get3A_220 = arith.constant 16 : index
    %get3A_221 = tpu.vector_load %arg6[%get3A_219, %get3A_220] {strides = array<i32>} : memref<80x128xi32, #tpu.memory_space<vmem>>, vector<1x16xi32>,
    %get3A_222 = vector.shape_cast %get3A_221 : vector<1x16xi32> to vector<16xi32>
    %shift_right_arithmetic3A_223 = arith.constant 16 : i32
    %shift_right_arithmetic3A_224 = vector.broadcast %shift_right_arithmetic3A_223 : i32 to vector<16xi32>
    %shift_right_arithmetic3A_225 = arith.shrsi %get3A_222, %shift_right_arithmetic3A_224 : vector<16xi32>
    %swap3A_226 = arith.constant 0 : i32
    %swap3A_227 = arith.index_cast %swap3A_226 : i32 to index
    %swap3A_228 = arith.constant 16 : index
    %swap3A_229 = tpu.vector_load %arg8[%swap3A_227, %swap3A_228] {strides = array<i32>} : memref<1x128xi32, #tpu.memory_space<vmem>>, vector<1x16xi32>,
    %swap3A_230 = vector.shape_cast %swap3A_229 : vector<1x16xi32> to vector<16xi32>
    %swap3A_231 = vector.shape_cast %shift_right_arithmetic3A_225 : vector<16xi32> to vector<1x16xi32>
    tpu.vector_store %arg8[%swap3A_227, %swap3A_228], %swap3A_231 {strides = array<i32>} : memref<1x128xi32, #tpu.memory_space<vmem>>, vector<1x16xi32>,
    %and3A_232 = arith.constant 65535 : i32
    %and3A_233 = vector.broadcast %and3A_232 : i32 to vector<16xi32>
    %and3A_234 = arith.andi %get3A_222, %and3A_233 : vector<16xi32>
    %swap3A_235 = arith.constant 0 : i32
    %swap3A_236 = arith.index_cast %swap3A_235 : i32 to index
    %swap3A_237 = arith.constant 16 : index
    %swap3A_238 = tpu.vector_load %arg10[%swap3A_236, %swap3A_237] {strides = array<i32>} : memref<1x128xi32, #tpu.memory_space<vmem>>, vector<1x16xi32>,
    %swap3A_239 = vector.shape_cast %swap3A_238 : vector<1x16xi32> to vector<16xi32>
    %swap3A_240 = vector.shape_cast %and3A_234 : vector<16xi32> to vector<1x16xi32>
    tpu.vector_store %arg10[%swap3A_236, %swap3A_237], %swap3A_240 {strides = array<i32>} : memref<1x128xi32, #tpu.memory_space<vmem>>, vector<1x16xi32>,
    %get3A_241 = arith.constant 1 : i32
    %get3A_242 = arith.index_cast %get3A_241 : i32 to index
    %get3A_243 = arith.constant 32 : index
    %get3A_244 = tpu.vector_load %arg6[%get3A_242, %get3A_243] {strides = array<i32>} : memref<80x128xi32, #tpu.memory_space<vmem>>, vector<1x16xi32>,
    %get3A_245 = vector.shape_cast %get3A_244 : vector<1x16xi32> to vector<16xi32>
    %shift_right_arithmetic3A_246 = arith.constant 16 : i32
    %shift_right_arithmetic3A_247 = vector.broadcast %shift_right_arithmetic3A_246 : i32 to vector<16xi32>
    %shift_right_arithmetic3A_248 = arith.shrsi %get3A_245, %shift_right_arithmetic3A_247 : vector<16xi32>
    %swap3A_249 = arith.constant 0 : i32
    %swap3A_250 = arith.index_cast %swap3A_249 : i32 to index
    %swap3A_251 = arith.constant 32 : index
    %swap3A_252 = tpu.vector_load %arg8[%swap3A_250, %swap3A_251] {strides = array<i32>} : memref<1x128xi32, #tpu.memory_space<vmem>>, vector<1x16xi32>,
    %swap3A_253 = vector.shape_cast %swap3A_252 : vector<1x16xi32> to vector<16xi32>
    %swap3A_254 = vector.shape_cast %shift_right_arithmetic3A_248 : vector<16xi32> to vector<1x16xi32>
    tpu.vector_store %arg8[%swap3A_250, %swap3A_251], %swap3A_254 {strides = array<i32>} : memref<1x128xi32, #tpu.memory_space<vmem>>, vector<1x16xi32>,
    %and3A_255 = arith.constant 65535 : i32
    %and3A_256 = vector.broadcast %and3A_255 : i32 to vector<16xi32>
    %and3A_257 = arith.andi %get3A_245, %and3A_256 : vector<16xi32>
    %swap3A_258 = arith.constant 0 : i32
    %swap3A_259 = arith.index_cast %swap3A_258 : i32 to index
    %swap3A_260 = arith.constant 32 : index
    %swap3A_261 = tpu.vector_load %arg10[%swap3A_259, %swap3A_260] {strides = array<i32>} : memref<1x128xi32, #tpu.memory_space<vmem>>, vector<1x16xi32>,
    %swap3A_262 = vector.shape_cast %swap3A_261 : vector<1x16xi32> to vector<16xi32>
    %swap3A_263 = vector.shape_cast %and3A_257 : vector<16xi32> to vector<1x16xi32>
    tpu.vector_store %arg10[%swap3A_259, %swap3A_260], %swap3A_263 {strides = array<i32>} : memref<1x128xi32, #tpu.memory_space<vmem>>, vector<1x16xi32>,
    %get3A_264 = arith.constant 1 : i32
    %get3A_265 = arith.index_cast %get3A_264 : i32 to index
    %get3A_266 = arith.constant 48 : index
    %get3A_267 = tpu.vector_load %arg6[%get3A_265, %get3A_266] {strides = array<i32>} : memref<80x128xi32, #tpu.memory_space<vmem>>, vector<1x16xi32>,
    %get3A_268 = vector.shape_cast %get3A_267 : vector<1x16xi32> to vector<16xi32>
    %shift_right_arithmetic3A_269 = arith.constant 16 : i32
    %shift_right_arithmetic3A_270 = vector.broadcast %shift_right_arithmetic3A_269 : i32 to vector<16xi32>
    %shift_right_arithmetic3A_271 = arith.shrsi %get3A_268, %shift_right_arithmetic3A_270 : vector<16xi32>
    %swap3A_272 = arith.constant 0 : i32
    %swap3A_273 = arith.index_cast %swap3A_272 : i32 to index
    %swap3A_274 = arith.constant 48 : index
    %swap3A_275 = tpu.vector_load %arg8[%swap3A_273, %swap3A_274] {strides = array<i32>} : memref<1x128xi32, #tpu.memory_space<vmem>>, vector<1x16xi32>,
    %swap3A_276 = vector.shape_cast %swap3A_275 : vector<1x16xi32> to vector<16xi32>
    %swap3A_277 = vector.shape_cast %shift_right_arithmetic3A_271 : vector<16xi32> to vector<1x16xi32>
    tpu.vector_store %arg8[%swap3A_273, %swap3A_274], %swap3A_277 {strides = array<i32>} : memref<1x128xi32, #tpu.memory_space<vmem>>, vector<1x16xi32>,
    %and3A_278 = arith.constant 65535 : i32
    %and3A_279 = vector.broadcast %and3A_278 : i32 to vector<16xi32>
    %and3A_280 = arith.andi %get3A_268, %and3A_279 : vector<16xi32>
    %swap3A_281 = arith.constant 0 : i32
    %swap3A_282 = arith.index_cast %swap3A_281 : i32 to index
    %swap3A_283 = arith.constant 48 : index
    %swap3A_284 = tpu.vector_load %arg10[%swap3A_282, %swap3A_283] {strides = array<i32>} : memref<1x128xi32, #tpu.memory_space<vmem>>, vector<1x16xi32>,
    %swap3A_285 = vector.shape_cast %swap3A_284 : vector<1x16xi32> to vector<16xi32>
    %swap3A_286 = vector.shape_cast %and3A_280 : vector<16xi32> to vector<1x16xi32>
    tpu.vector_store %arg10[%swap3A_282, %swap3A_283], %swap3A_286 {strides = array<i32>} : memref<1x128xi32, #tpu.memory_space<vmem>>, vector<1x16xi32>,
    %get3A_287 = arith.constant 1 : i32
    %get3A_288 = arith.index_cast %get3A_287 : i32 to index
    %get3A_289 = arith.constant 64 : index
    %get3A_290 = tpu.vector_load %arg6[%get3A_288, %get3A_289] {strides = array<i32>} : memref<80x128xi32, #tpu.memory_space<vmem>>, vector<1x16xi32>,
    %get3A_291 = vector.shape_cast %get3A_290 : vector<1x16xi32> to vector<16xi32>
    %shift_right_arithmetic3A_292 = arith.constant 16 : i32
    %shift_right_arithmetic3A_293 = vector.broadcast %shift_right_arithmetic3A_292 : i32 to vector<16xi32>
    %shift_right_arithmetic3A_294 = arith.shrsi %get3A_291, %shift_right_arithmetic3A_293 : vector<16xi32>
    %swap3A_295 = arith.constant 0 : i32
    %swap3A_296 = arith.index_cast %swap3A_295 : i32 to index
    %swap3A_297 = arith.constant 64 : index
    %swap3A_298 = tpu.vector_load %arg8[%swap3A_296, %swap3A_297] {strides = array<i32>} : memref<1x128xi32, #tpu.memory_space<vmem>>, vector<1x16xi32>,
    %swap3A_299 = vector.shape_cast %swap3A_298 : vector<1x16xi32> to vector<16xi32>
    %swap3A_300 = vector.shape_cast %shift_right_arithmetic3A_294 : vector<16xi32> to vector<1x16xi32>
    tpu.vector_store %arg8[%swap3A_296, %swap3A_297], %swap3A_300 {strides = array<i32>} : memref<1x128xi32, #tpu.memory_space<vmem>>, vector<1x16xi32>,
    %and3A_301 = arith.constant 65535 : i32
    %and3A_302 = vector.broadcast %and3A_301 : i32 to vector<16xi32>
    %and3A_303 = arith.andi %get3A_291, %and3A_302 : vector<16xi32>
    %swap3A_304 = arith.constant 0 : i32
    %swap3A_305 = arith.index_cast %swap3A_304 : i32 to index
    %swap3A_306 = arith.constant 64 : index
    %swap3A_307 = tpu.vector_load %arg10[%swap3A_305, %swap3A_306] {strides = array<i32>} : memref<1x128xi32, #tpu.memory_space<vmem>>, vector<1x16xi32>,
    %swap3A_308 = vector.shape_cast %swap3A_307 : vector<1x16xi32> to vector<16xi32>
    %swap3A_309 = vector.shape_cast %and3A_303 : vector<16xi32> to vector<1x16xi32>
    tpu.vector_store %arg10[%swap3A_305, %swap3A_306], %swap3A_309 {strides = array<i32>} : memref<1x128xi32, #tpu.memory_space<vmem>>, vector<1x16xi32>,
    %get3A_310 = arith.constant 1 : i32
    %get3A_311 = arith.index_cast %get3A_310 : i32 to index
    %get3A_312 = arith.constant 80 : index
    %get3A_313 = tpu.vector_load %arg6[%get3A_311, %get3A_312] {strides = array<i32>} : memref<80x128xi32, #tpu.memory_space<vmem>>, vector<1x16xi32>,
    %get3A_314 = vector.shape_cast %get3A_313 : vector<1x16xi32> to vector<16xi32>
    %shift_right_arithmetic3A_315 = arith.constant 16 : i32
    %shift_right_arithmetic3A_316 = vector.broadcast %shift_right_arithmetic3A_315 : i32 to vector<16xi32>
    %shift_right_arithmetic3A_317 = arith.shrsi %get3A_314, %shift_right_arithmetic3A_316 : vector<16xi32>
    %swap3A_318 = arith.constant 0 : i32
    %swap3A_319 = arith.index_cast %swap3A_318 : i32 to index
    %swap3A_320 = arith.constant 80 : index
    %swap3A_321 = tpu.vector_load %arg8[%swap3A_319, %swap3A_320] {strides = array<i32>} : memref<1x128xi32, #tpu.memory_space<vmem>>, vector<1x16xi32>,
    %swap3A_322 = vector.shape_cast %swap3A_321 : vector<1x16xi32> to vector<16xi32>
    %swap3A_323 = vector.shape_cast %shift_right_arithmetic3A_317 : vector<16xi32> to vector<1x16xi32>
    tpu.vector_store %arg8[%swap3A_319, %swap3A_320], %swap3A_323 {strides = array<i32>} : memref<1x128xi32, #tpu.memory_space<vmem>>, vector<1x16xi32>,
    %and3A_324 = arith.constant 65535 : i32
    %and3A_325 = vector.broadcast %and3A_324 : i32 to vector<16xi32>
    %and3A_326 = arith.andi %get3A_314, %and3A_325 : vector<16xi32>
    %swap3A_327 = arith.constant 0 : i32
    %swap3A_328 = arith.index_cast %swap3A_327 : i32 to index
    %swap3A_329 = arith.constant 80 : index
    %swap3A_330 = tpu.vector_load %arg10[%swap3A_328, %swap3A_329] {strides = array<i32>} : memref<1x128xi32, #tpu.memory_space<vmem>>, vector<1x16xi32>,
    %swap3A_331 = vector.shape_cast %swap3A_330 : vector<1x16xi32> to vector<16xi32>
    %swap3A_332 = vector.shape_cast %and3A_326 : vector<16xi32> to vector<1x16xi32>
    tpu.vector_store %arg10[%swap3A_328, %swap3A_329], %swap3A_332 {strides = array<i32>} : memref<1x128xi32, #tpu.memory_space<vmem>>, vector<1x16xi32>,
    %get3A_333 = arith.constant 1 : i32
    %get3A_334 = arith.index_cast %get3A_333 : i32 to index
    %get3A_335 = arith.constant 96 : index
    %get3A_336 = tpu.vector_load %arg6[%get3A_334, %get3A_335] {strides = array<i32>} : memref<80x128xi32, #tpu.memory_space<vmem>>, vector<1x16xi32>,
    %get3A_337 = vector.shape_cast %get3A_336 : vector<1x16xi32> to vector<16xi32>
    %shift_right_arithmetic3A_338 = arith.constant 16 : i32
    %shift_right_arithmetic3A_339 = vector.broadcast %shift_right_arithmetic3A_338 : i32 to vector<16xi32>
    %shift_right_arithmetic3A_340 = arith.shrsi %get3A_337, %shift_right_arithmetic3A_339 : vector<16xi32>
    %swap3A_341 = arith.constant 0 : i32
    %swap3A_342 = arith.index_cast %swap3A_341 : i32 to index
    %swap3A_343 = arith.constant 96 : index
    %swap3A_344 = tpu.vector_load %arg8[%swap3A_342, %swap3A_343] {strides = array<i32>} : memref<1x128xi32, #tpu.memory_space<vmem>>, vector<1x16xi32>,
    %swap3A_345 = vector.shape_cast %swap3A_344 : vector<1x16xi32> to vector<16xi32>
    %swap3A_346 = vector.shape_cast %shift_right_arithmetic3A_340 : vector<16xi32> to vector<1x16xi32>
    tpu.vector_store %arg8[%swap3A_342, %swap3A_343], %swap3A_346 {strides = array<i32>} : memref<1x128xi32, #tpu.memory_space<vmem>>, vector<1x16xi32>,
    %and3A_347 = arith.constant 65535 : i32
    %and3A_348 = vector.broadcast %and3A_347 : i32 to vector<16xi32>
    %and3A_349 = arith.andi %get3A_337, %and3A_348 : vector<16xi32>
    %swap3A_350 = arith.constant 0 : i32
    %swap3A_351 = arith.index_cast %swap3A_350 : i32 to index
    %swap3A_352 = arith.constant 96 : index
    %swap3A_353 = tpu.vector_load %arg10[%swap3A_351, %swap3A_352] {strides = array<i32>} : memref<1x128xi32, #tpu.memory_space<vmem>>, vector<1x16xi32>,
    %swap3A_354 = vector.shape_cast %swap3A_353 : vector<1x16xi32> to vector<16xi32>
    %swap3A_355 = vector.shape_cast %and3A_349 : vector<16xi32> to vector<1x16xi32>
    tpu.vector_store %arg10[%swap3A_351, %swap3A_352], %swap3A_355 {strides = array<i32>} : memref<1x128xi32, #tpu.memory_space<vmem>>, vector<1x16xi32>,
    %get3A_356 = arith.constant 1 : i32
    %get3A_357 = arith.index_cast %get3A_356 : i32 to index
    %get3A_358 = arith.constant 112 : index
    %get3A_359 = tpu.vector_load %arg6[%get3A_357, %get3A_358] {strides = array<i32>} : memref<80x128xi32, #tpu.memory_space<vmem>>, vector<1x16xi32>,
    %get3A_360 = vector.shape_cast %get3A_359 : vector<1x16xi32> to vector<16xi32>
    %shift_right_arithmetic3A_361 = arith.constant 16 : i32
    %shift_right_arithmetic3A_362 = vector.broadcast %shift_right_arithmetic3A_361 : i32 to vector<16xi32>
    %shift_right_arithmetic3A_363 = arith.shrsi %get3A_360, %shift_right_arithmetic3A_362 : vector<16xi32>
    %swap3A_364 = arith.constant 0 : i32
    %swap3A_365 = arith.index_cast %swap3A_364 : i32 to index
    %swap3A_366 = arith.constant 112 : index
    %swap3A_367 = tpu.vector_load %arg8[%swap3A_365, %swap3A_366] {strides = array<i32>} : memref<1x128xi32, #tpu.memory_space<vmem>>, vector<1x16xi32>,
    %swap3A_368 = vector.shape_cast %swap3A_367 : vector<1x16xi32> to vector<16xi32>
    %swap3A_369 = vector.shape_cast %shift_right_arithmetic3A_363 : vector<16xi32> to vector<1x16xi32>
    tpu.vector_store %arg8[%swap3A_365, %swap3A_366], %swap3A_369 {strides = array<i32>} : memref<1x128xi32, #tpu.memory_space<vmem>>, vector<1x16xi32>,
    %and3A_370 = arith.constant 65535 : i32
    %and3A_371 = vector.broadcast %and3A_370 : i32 to vector<16xi32>
    %and3A_372 = arith.andi %get3A_360, %and3A_371 : vector<16xi32>
    %swap3A_373 = arith.constant 0 : i32
    %swap3A_374 = arith.index_cast %swap3A_373 : i32 to index
    %swap3A_375 = arith.constant 112 : index
    %swap3A_376 = tpu.vector_load %arg10[%swap3A_374, %swap3A_375] {strides = array<i32>} : memref<1x128xi32, #tpu.memory_space<vmem>>, vector<1x16xi32>,
    %swap3A_377 = vector.shape_cast %swap3A_376 : vector<1x16xi32> to vector<16xi32>
    %swap3A_378 = vector.shape_cast %and3A_372 : vector<16xi32> to vector<1x16xi32>
    tpu.vector_store %arg10[%swap3A_374, %swap3A_375], %swap3A_378 {strides = array<i32>} : memref<1x128xi32, #tpu.memory_space<vmem>>, vector<1x16xi32>,
    %dma_start3A_379 = arith.constant 0 : i32
    %dma_start3A_380 = arith.constant 0 : i32
    %dma_start3A_381 = tpu.memref_slice %arg8[%dma_start3A_379, %dma_start3A_380] : memref<1x128xi32, #tpu.memory_space<vmem>> -> memref<1x128xi32, #tpu.memory_space<vmem>>
    %dma_start3A_382 = tpu.memref_squeeze %dma_start3A_381 : memref<1x128xi32, #tpu.memory_space<vmem>> -> memref<128xi32, #tpu.memory_space<vmem>>
    %dma_start3A_383 = arith.constant 0 : i32
    %dma_start3A_384 = arith.constant 0 : i32
    %dma_start3A_385 = tpu.memref_slice %arg2[%dma_start3A_383, %dma_start3A_384] : memref<10000x128xf32, #tpu.memory_space<hbm>> -> memref<10000x128xf32, #tpu.memory_space<hbm>>
    tpu.enqueue_indirect_dma source(%dma_start3A_385 : memref<10000x128xf32, #tpu.memory_space<hbm>>) target(%arg12 : memref<128x128xf32, #tpu.memory_space<vmem>>) offsets(%dma_start3A_382 : memref<128xi32, #tpu.memory_space<vmem>>) semaphore(%arg14 : memref<!tpu.dma_semaphore, #tpu.memory_space<semaphore_mem>>)
    %scan3A = arith.constant 0 : i32
    %scan3A_386 = arith.constant 0 : i32
    %scan3A_387 = arith.constant 40 : i32
    %scan3A_388 = arith.addi %scan3A_386, %scan3A_387 : i32
    %scan3A_389 = arith.constant 1 : i32
    scf.for %scan3A_402 = %scan3A_386 to %scan3A_388 step %scan3A_389  : i32 {
      %mul3A_403 = arith.constant 2 : i32
      %mul3A_404 = arith.muli %scan3A_402, %mul3A_403 : i32
      %add3A_405 = arith.constant 0 : i32
      %add3A_406 = arith.addi %mul3A_404, %add3A_405 : i32
      %dma_wait3A = arith.constant 0 : i32
      %dma_wait3A_407 = arith.constant 0 : i32
      %dma_wait3A_408 = tpu.memref_slice %arg7[%dma_wait3A, %dma_wait3A_407] : memref<1x128xi32, #tpu.memory_space<vmem>> -> memref<1x128xi32, #tpu.memory_space<vmem>>
      %dma_wait3A_409 = tpu.memref_squeeze %dma_wait3A_408 : memref<1x128xi32, #tpu.memory_space<vmem>> -> memref<128xi32, #tpu.memory_space<vmem>>
      %dma_wait3A_410 = arith.constant 0 : i32
      %dma_wait3A_411 = arith.constant 0 : i32
      %dma_wait3A_412 = tpu.memref_slice %arg2[%dma_wait3A_410, %dma_wait3A_411] : memref<10000x128xf32, #tpu.memory_space<hbm>> -> memref<10000x128xf32, #tpu.memory_space<hbm>>
      tpu.wait_indirect_dma semaphore(%arg13 : memref<!tpu.dma_semaphore, #tpu.memory_space<semaphore_mem>>) src(%dma_wait3A_412 : memref<10000x128xf32, #tpu.memory_space<hbm>>) dst(%arg11 : memref<128x128xf32, #tpu.memory_space<vmem>>)
      %run_scoped3A = arith.constant 0 : i32
      "tpu.region"() ({
        %run_scoped3A_437 = tpu.sem_alloc : memref<!tpu.dma_semaphore, #tpu.memory_space<semaphore_mem>>
        %dma_start3A_438 = arith.constant 0 : i32
        %dma_start3A_439 = tpu.memref_slice %arg9[%run_scoped3A, %dma_start3A_438] : memref<1x128xi32, #tpu.memory_space<vmem>> -> memref<1x128xi32, #tpu.memory_space<vmem>>
        %dma_start3A_440 = tpu.memref_squeeze %dma_start3A_439 : memref<1x128xi32, #tpu.memory_space<vmem>> -> memref<128xi32, #tpu.memory_space<vmem>>
        %dma_start3A_441 = arith.constant 0 : i32
        %dma_start3A_442 = arith.constant 0 : i32
        %dma_start3A_443 = tpu.memref_slice %arg5[%dma_start3A_441, %dma_start3A_442] : memref<10240x128xf32, #tpu.memory_space<vmem_shared>> -> memref<10240x128xf32, #tpu.memory_space<vmem_shared>>
        tpu.enqueue_indirect_dma source(%arg11 : memref<128x128xf32, #tpu.memory_space<vmem>>) target(%dma_start3A_443 : memref<10240x128xf32, #tpu.memory_space<vmem_shared>>) offsets(%dma_start3A_440 : memref<128xi32, #tpu.memory_space<vmem>>) semaphore(%run_scoped3A_437 : memref<!tpu.dma_semaphore, #tpu.memory_space<semaphore_mem>>) {add = true}
        %dma_wait3A_444 = arith.constant 0 : i32
        %dma_wait3A_445 = tpu.memref_slice %arg9[%run_scoped3A, %dma_wait3A_444] : memref<1x128xi32, #tpu.memory_space<vmem>> -> memref<1x128xi32, #tpu.memory_space<vmem>>
        %dma_wait3A_446 = tpu.memref_squeeze %dma_wait3A_445 : memref<1x128xi32, #tpu.memory_space<vmem>> -> memref<128xi32, #tpu.memory_space<vmem>>
        %dma_wait3A_447 = arith.constant 0 : i32
        %dma_wait3A_448 = arith.constant 0 : i32
        %dma_wait3A_449 = tpu.memref_slice %arg5[%dma_wait3A_447, %dma_wait3A_448] : memref<10240x128xf32, #tpu.memory_space<vmem_shared>> -> memref<10240x128xf32, #tpu.memory_space<vmem_shared>>
        tpu.wait_indirect_dma semaphore(%run_scoped3A_437 : memref<!tpu.dma_semaphore, #tpu.memory_space<semaphore_mem>>) src(%arg11 : memref<128x128xf32, #tpu.memory_space<vmem>>) dst(%dma_wait3A_449 : memref<10240x128xf32, #tpu.memory_space<vmem_shared>>)
        tpu.yield
      }) : () -> ()
      %add3A_413 = arith.constant 2 : i32
      %add3A_414 = arith.addi %add3A_406, %add3A_413 : i32
      %lt3A_415 = arith.constant 80 : i32
      %lt3A_416 = arith.cmpi slt, %add3A_414, %lt3A_415 : i32
      %convert_element_type3A_417 = arith.extui %lt3A_416 : i1 to i32
      %cond3A_418 = arith.constant 0 : i32
      %cond3A_419 = arith.cmpi ne, %convert_element_type3A_417, %cond3A_418 : i32
      scf.if %cond3A_419 {
        %get3A_437 = arith.index_cast %add3A_414 : i32 to index
        %get3A_438 = arith.constant 0 : index
        %get3A_439 = tpu.vector_load %arg6[%get3A_437, %get3A_438] {strides = array<i32>} : memref<80x128xi32, #tpu.memory_space<vmem>>, vector<1x16xi32>,
        %get3A_440 = vector.shape_cast %get3A_439 : vector<1x16xi32> to vector<16xi32>
        %shift_right_arithmetic3A_441 = arith.constant 16 : i32
        %shift_right_arithmetic3A_442 = vector.broadcast %shift_right_arithmetic3A_441 : i32 to vector<16xi32>
        %shift_right_arithmetic3A_443 = arith.shrsi %get3A_440, %shift_right_arithmetic3A_442 : vector<16xi32>
        %swap3A_444 = arith.constant 0 : i32
        %swap3A_445 = arith.index_cast %swap3A_444 : i32 to index
        %swap3A_446 = arith.constant 0 : index
        %swap3A_447 = tpu.vector_load %arg7[%swap3A_445, %swap3A_446] {strides = array<i32>} : memref<1x128xi32, #tpu.memory_space<vmem>>, vector<1x16xi32>,
        %swap3A_448 = vector.shape_cast %swap3A_447 : vector<1x16xi32> to vector<16xi32>
        %swap3A_449 = vector.shape_cast %shift_right_arithmetic3A_443 : vector<16xi32> to vector<1x16xi32>
        tpu.vector_store %arg7[%swap3A_445, %swap3A_446], %swap3A_449 {strides = array<i32>} : memref<1x128xi32, #tpu.memory_space<vmem>>, vector<1x16xi32>,
        %and3A_450 = arith.constant 65535 : i32
        %and3A_451 = vector.broadcast %and3A_450 : i32 to vector<16xi32>
        %and3A_452 = arith.andi %get3A_440, %and3A_451 : vector<16xi32>
        %swap3A_453 = arith.constant 0 : i32
        %swap3A_454 = arith.index_cast %swap3A_453 : i32 to index
        %swap3A_455 = arith.constant 0 : index
        %swap3A_456 = tpu.vector_load %arg9[%swap3A_454, %swap3A_455] {strides = array<i32>} : memref<1x128xi32, #tpu.memory_space<vmem>>, vector<1x16xi32>,
        %swap3A_457 = vector.shape_cast %swap3A_456 : vector<1x16xi32> to vector<16xi32>
        %swap3A_458 = vector.shape_cast %and3A_452 : vector<16xi32> to vector<1x16xi32>
        tpu.vector_store %arg9[%swap3A_454, %swap3A_455], %swap3A_458 {strides = array<i32>} : memref<1x128xi32, #tpu.memory_space<vmem>>, vector<1x16xi32>,
        %get3A_459 = arith.index_cast %add3A_414 : i32 to index
        %get3A_460 = arith.constant 16 : index
        %get3A_461 = tpu.vector_load %arg6[%get3A_459, %get3A_460] {strides = array<i32>} : memref<80x128xi32, #tpu.memory_space<vmem>>, vector<1x16xi32>,
        %get3A_462 = vector.shape_cast %get3A_461 : vector<1x16xi32> to vector<16xi32>
        %shift_right_arithmetic3A_463 = arith.constant 16 : i32
        %shift_right_arithmetic3A_464 = vector.broadcast %shift_right_arithmetic3A_463 : i32 to vector<16xi32>
        %shift_right_arithmetic3A_465 = arith.shrsi %get3A_462, %shift_right_arithmetic3A_464 : vector<16xi32>
        %swap3A_466 = arith.constant 0 : i32
        %swap3A_467 = arith.index_cast %swap3A_466 : i32 to index
        %swap3A_468 = arith.constant 16 : index
        %swap3A_469 = tpu.vector_load %arg7[%swap3A_467, %swap3A_468] {strides = array<i32>} : memref<1x128xi32, #tpu.memory_space<vmem>>, vector<1x16xi32>,
        %swap3A_470 = vector.shape_cast %swap3A_469 : vector<1x16xi32> to vector<16xi32>
        %swap3A_471 = vector.shape_cast %shift_right_arithmetic3A_465 : vector<16xi32> to vector<1x16xi32>
        tpu.vector_store %arg7[%swap3A_467, %swap3A_468], %swap3A_471 {strides = array<i32>} : memref<1x128xi32, #tpu.memory_space<vmem>>, vector<1x16xi32>,
        %and3A_472 = arith.constant 65535 : i32
        %and3A_473 = vector.broadcast %and3A_472 : i32 to vector<16xi32>
        %and3A_474 = arith.andi %get3A_462, %and3A_473 : vector<16xi32>
        %swap3A_475 = arith.constant 0 : i32
        %swap3A_476 = arith.index_cast %swap3A_475 : i32 to index
        %swap3A_477 = arith.constant 16 : index
        %swap3A_478 = tpu.vector_load %arg9[%swap3A_476, %swap3A_477] {strides = array<i32>} : memref<1x128xi32, #tpu.memory_space<vmem>>, vector<1x16xi32>,
        %swap3A_479 = vector.shape_cast %swap3A_478 : vector<1x16xi32> to vector<16xi32>
        %swap3A_480 = vector.shape_cast %and3A_474 : vector<16xi32> to vector<1x16xi32>
        tpu.vector_store %arg9[%swap3A_476, %swap3A_477], %swap3A_480 {strides = array<i32>} : memref<1x128xi32, #tpu.memory_space<vmem>>, vector<1x16xi32>,
        %get3A_481 = arith.index_cast %add3A_414 : i32 to index
        %get3A_482 = arith.constant 32 : index
        %get3A_483 = tpu.vector_load %arg6[%get3A_481, %get3A_482] {strides = array<i32>} : memref<80x128xi32, #tpu.memory_space<vmem>>, vector<1x16xi32>,
        %get3A_484 = vector.shape_cast %get3A_483 : vector<1x16xi32> to vector<16xi32>
        %shift_right_arithmetic3A_485 = arith.constant 16 : i32
        %shift_right_arithmetic3A_486 = vector.broadcast %shift_right_arithmetic3A_485 : i32 to vector<16xi32>
        %shift_right_arithmetic3A_487 = arith.shrsi %get3A_484, %shift_right_arithmetic3A_486 : vector<16xi32>
        %swap3A_488 = arith.constant 0 : i32
        %swap3A_489 = arith.index_cast %swap3A_488 : i32 to index
        %swap3A_490 = arith.constant 32 : index
        %swap3A_491 = tpu.vector_load %arg7[%swap3A_489, %swap3A_490] {strides = array<i32>} : memref<1x128xi32, #tpu.memory_space<vmem>>, vector<1x16xi32>,
        %swap3A_492 = vector.shape_cast %swap3A_491 : vector<1x16xi32> to vector<16xi32>
        %swap3A_493 = vector.shape_cast %shift_right_arithmetic3A_487 : vector<16xi32> to vector<1x16xi32>
        tpu.vector_store %arg7[%swap3A_489, %swap3A_490], %swap3A_493 {strides = array<i32>} : memref<1x128xi32, #tpu.memory_space<vmem>>, vector<1x16xi32>,
        %and3A_494 = arith.constant 65535 : i32
        %and3A_495 = vector.broadcast %and3A_494 : i32 to vector<16xi32>
        %and3A_496 = arith.andi %get3A_484, %and3A_495 : vector<16xi32>
        %swap3A_497 = arith.constant 0 : i32
        %swap3A_498 = arith.index_cast %swap3A_497 : i32 to index
        %swap3A_499 = arith.constant 32 : index
        %swap3A_500 = tpu.vector_load %arg9[%swap3A_498, %swap3A_499] {strides = array<i32>} : memref<1x128xi32, #tpu.memory_space<vmem>>, vector<1x16xi32>,
        %swap3A_501 = vector.shape_cast %swap3A_500 : vector<1x16xi32> to vector<16xi32>
        %swap3A_502 = vector.shape_cast %and3A_496 : vector<16xi32> to vector<1x16xi32>
        tpu.vector_store %arg9[%swap3A_498, %swap3A_499], %swap3A_502 {strides = array<i32>} : memref<1x128xi32, #tpu.memory_space<vmem>>, vector<1x16xi32>,
        %get3A_503 = arith.index_cast %add3A_414 : i32 to index
        %get3A_504 = arith.constant 48 : index
        %get3A_505 = tpu.vector_load %arg6[%get3A_503, %get3A_504] {strides = array<i32>} : memref<80x128xi32, #tpu.memory_space<vmem>>, vector<1x16xi32>,
        %get3A_506 = vector.shape_cast %get3A_505 : vector<1x16xi32> to vector<16xi32>
        %shift_right_arithmetic3A_507 = arith.constant 16 : i32
        %shift_right_arithmetic3A_508 = vector.broadcast %shift_right_arithmetic3A_507 : i32 to vector<16xi32>
        %shift_right_arithmetic3A_509 = arith.shrsi %get3A_506, %shift_right_arithmetic3A_508 : vector<16xi32>
        %swap3A_510 = arith.constant 0 : i32
        %swap3A_511 = arith.index_cast %swap3A_510 : i32 to index
        %swap3A_512 = arith.constant 48 : index
        %swap3A_513 = tpu.vector_load %arg7[%swap3A_511, %swap3A_512] {strides = array<i32>} : memref<1x128xi32, #tpu.memory_space<vmem>>, vector<1x16xi32>,
        %swap3A_514 = vector.shape_cast %swap3A_513 : vector<1x16xi32> to vector<16xi32>
        %swap3A_515 = vector.shape_cast %shift_right_arithmetic3A_509 : vector<16xi32> to vector<1x16xi32>
        tpu.vector_store %arg7[%swap3A_511, %swap3A_512], %swap3A_515 {strides = array<i32>} : memref<1x128xi32, #tpu.memory_space<vmem>>, vector<1x16xi32>,
        %and3A_516 = arith.constant 65535 : i32
        %and3A_517 = vector.broadcast %and3A_516 : i32 to vector<16xi32>
        %and3A_518 = arith.andi %get3A_506, %and3A_517 : vector<16xi32>
        %swap3A_519 = arith.constant 0 : i32
        %swap3A_520 = arith.index_cast %swap3A_519 : i32 to index
        %swap3A_521 = arith.constant 48 : index
        %swap3A_522 = tpu.vector_load %arg9[%swap3A_520, %swap3A_521] {strides = array<i32>} : memref<1x128xi32, #tpu.memory_space<vmem>>, vector<1x16xi32>,
        %swap3A_523 = vector.shape_cast %swap3A_522 : vector<1x16xi32> to vector<16xi32>
        %swap3A_524 = vector.shape_cast %and3A_518 : vector<16xi32> to vector<1x16xi32>
        tpu.vector_store %arg9[%swap3A_520, %swap3A_521], %swap3A_524 {strides = array<i32>} : memref<1x128xi32, #tpu.memory_space<vmem>>, vector<1x16xi32>,
        %get3A_525 = arith.index_cast %add3A_414 : i32 to index
        %get3A_526 = arith.constant 64 : index
        %get3A_527 = tpu.vector_load %arg6[%get3A_525, %get3A_526] {strides = array<i32>} : memref<80x128xi32, #tpu.memory_space<vmem>>, vector<1x16xi32>,
        %get3A_528 = vector.shape_cast %get3A_527 : vector<1x16xi32> to vector<16xi32>
        %shift_right_arithmetic3A_529 = arith.constant 16 : i32
        %shift_right_arithmetic3A_530 = vector.broadcast %shift_right_arithmetic3A_529 : i32 to vector<16xi32>
        %shift_right_arithmetic3A_531 = arith.shrsi %get3A_528, %shift_right_arithmetic3A_530 : vector<16xi32>
        %swap3A_532 = arith.constant 0 : i32
        %swap3A_533 = arith.index_cast %swap3A_532 : i32 to index
        %swap3A_534 = arith.constant 64 : index
        %swap3A_535 = tpu.vector_load %arg7[%swap3A_533, %swap3A_534] {strides = array<i32>} : memref<1x128xi32, #tpu.memory_space<vmem>>, vector<1x16xi32>,
        %swap3A_536 = vector.shape_cast %swap3A_535 : vector<1x16xi32> to vector<16xi32>
        %swap3A_537 = vector.shape_cast %shift_right_arithmetic3A_531 : vector<16xi32> to vector<1x16xi32>
        tpu.vector_store %arg7[%swap3A_533, %swap3A_534], %swap3A_537 {strides = array<i32>} : memref<1x128xi32, #tpu.memory_space<vmem>>, vector<1x16xi32>,
        %and3A_538 = arith.constant 65535 : i32
        %and3A_539 = vector.broadcast %and3A_538 : i32 to vector<16xi32>
        %and3A_540 = arith.andi %get3A_528, %and3A_539 : vector<16xi32>
        %swap3A_541 = arith.constant 0 : i32
        %swap3A_542 = arith.index_cast %swap3A_541 : i32 to index
        %swap3A_543 = arith.constant 64 : index
        %swap3A_544 = tpu.vector_load %arg9[%swap3A_542, %swap3A_543] {strides = array<i32>} : memref<1x128xi32, #tpu.memory_space<vmem>>, vector<1x16xi32>,
        %swap3A_545 = vector.shape_cast %swap3A_544 : vector<1x16xi32> to vector<16xi32>
        %swap3A_546 = vector.shape_cast %and3A_540 : vector<16xi32> to vector<1x16xi32>
        tpu.vector_store %arg9[%swap3A_542, %swap3A_543], %swap3A_546 {strides = array<i32>} : memref<1x128xi32, #tpu.memory_space<vmem>>, vector<1x16xi32>,
        %get3A_547 = arith.index_cast %add3A_414 : i32 to index
        %get3A_548 = arith.constant 80 : index
        %get3A_549 = tpu.vector_load %arg6[%get3A_547, %get3A_548] {strides = array<i32>} : memref<80x128xi32, #tpu.memory_space<vmem>>, vector<1x16xi32>,
        %get3A_550 = vector.shape_cast %get3A_549 : vector<1x16xi32> to vector<16xi32>
        %shift_right_arithmetic3A_551 = arith.constant 16 : i32
        %shift_right_arithmetic3A_552 = vector.broadcast %shift_right_arithmetic3A_551 : i32 to vector<16xi32>
        %shift_right_arithmetic3A_553 = arith.shrsi %get3A_550, %shift_right_arithmetic3A_552 : vector<16xi32>
        %swap3A_554 = arith.constant 0 : i32
        %swap3A_555 = arith.index_cast %swap3A_554 : i32 to index
        %swap3A_556 = arith.constant 80 : index
        %swap3A_557 = tpu.vector_load %arg7[%swap3A_555, %swap3A_556] {strides = array<i32>} : memref<1x128xi32, #tpu.memory_space<vmem>>, vector<1x16xi32>,
        %swap3A_558 = vector.shape_cast %swap3A_557 : vector<1x16xi32> to vector<16xi32>
        %swap3A_559 = vector.shape_cast %shift_right_arithmetic3A_553 : vector<16xi32> to vector<1x16xi32>
        tpu.vector_store %arg7[%swap3A_555, %swap3A_556], %swap3A_559 {strides = array<i32>} : memref<1x128xi32, #tpu.memory_space<vmem>>, vector<1x16xi32>,
        %and3A_560 = arith.constant 65535 : i32
        %and3A_561 = vector.broadcast %and3A_560 : i32 to vector<16xi32>
        %and3A_562 = arith.andi %get3A_550, %and3A_561 : vector<16xi32>
        %swap3A_563 = arith.constant 0 : i32
        %swap3A_564 = arith.index_cast %swap3A_563 : i32 to index
        %swap3A_565 = arith.constant 80 : index
        %swap3A_566 = tpu.vector_load %arg9[%swap3A_564, %swap3A_565] {strides = array<i32>} : memref<1x128xi32, #tpu.memory_space<vmem>>, vector<1x16xi32>,
        %swap3A_567 = vector.shape_cast %swap3A_566 : vector<1x16xi32> to vector<16xi32>
        %swap3A_568 = vector.shape_cast %and3A_562 : vector<16xi32> to vector<1x16xi32>
        tpu.vector_store %arg9[%swap3A_564, %swap3A_565], %swap3A_568 {strides = array<i32>} : memref<1x128xi32, #tpu.memory_space<vmem>>, vector<1x16xi32>,
        %get3A_569 = arith.index_cast %add3A_414 : i32 to index
        %get3A_570 = arith.constant 96 : index
        %get3A_571 = tpu.vector_load %arg6[%get3A_569, %get3A_570] {strides = array<i32>} : memref<80x128xi32, #tpu.memory_space<vmem>>, vector<1x16xi32>,
        %get3A_572 = vector.shape_cast %get3A_571 : vector<1x16xi32> to vector<16xi32>
        %shift_right_arithmetic3A_573 = arith.constant 16 : i32
        %shift_right_arithmetic3A_574 = vector.broadcast %shift_right_arithmetic3A_573 : i32 to vector<16xi32>
        %shift_right_arithmetic3A_575 = arith.shrsi %get3A_572, %shift_right_arithmetic3A_574 : vector<16xi32>
        %swap3A_576 = arith.constant 0 : i32
        %swap3A_577 = arith.index_cast %swap3A_576 : i32 to index
        %swap3A_578 = arith.constant 96 : index
        %swap3A_579 = tpu.vector_load %arg7[%swap3A_577, %swap3A_578] {strides = array<i32>} : memref<1x128xi32, #tpu.memory_space<vmem>>, vector<1x16xi32>,
        %swap3A_580 = vector.shape_cast %swap3A_579 : vector<1x16xi32> to vector<16xi32>
        %swap3A_581 = vector.shape_cast %shift_right_arithmetic3A_575 : vector<16xi32> to vector<1x16xi32>
        tpu.vector_store %arg7[%swap3A_577, %swap3A_578], %swap3A_581 {strides = array<i32>} : memref<1x128xi32, #tpu.memory_space<vmem>>, vector<1x16xi32>,
        %and3A_582 = arith.constant 65535 : i32
        %and3A_583 = vector.broadcast %and3A_582 : i32 to vector<16xi32>
        %and3A_584 = arith.andi %get3A_572, %and3A_583 : vector<16xi32>
        %swap3A_585 = arith.constant 0 : i32
        %swap3A_586 = arith.index_cast %swap3A_585 : i32 to index
        %swap3A_587 = arith.constant 96 : index
        %swap3A_588 = tpu.vector_load %arg9[%swap3A_586, %swap3A_587] {strides = array<i32>} : memref<1x128xi32, #tpu.memory_space<vmem>>, vector<1x16xi32>,
        %swap3A_589 = vector.shape_cast %swap3A_588 : vector<1x16xi32> to vector<16xi32>
        %swap3A_590 = vector.shape_cast %and3A_584 : vector<16xi32> to vector<1x16xi32>
        tpu.vector_store %arg9[%swap3A_586, %swap3A_587], %swap3A_590 {strides = array<i32>} : memref<1x128xi32, #tpu.memory_space<vmem>>, vector<1x16xi32>,
        %get3A_591 = arith.index_cast %add3A_414 : i32 to index
        %get3A_592 = arith.constant 112 : index
        %get3A_593 = tpu.vector_load %arg6[%get3A_591, %get3A_592] {strides = array<i32>} : memref<80x128xi32, #tpu.memory_space<vmem>>, vector<1x16xi32>,
        %get3A_594 = vector.shape_cast %get3A_593 : vector<1x16xi32> to vector<16xi32>
        %shift_right_arithmetic3A_595 = arith.constant 16 : i32
        %shift_right_arithmetic3A_596 = vector.broadcast %shift_right_arithmetic3A_595 : i32 to vector<16xi32>
        %shift_right_arithmetic3A_597 = arith.shrsi %get3A_594, %shift_right_arithmetic3A_596 : vector<16xi32>
        %swap3A_598 = arith.constant 0 : i32
        %swap3A_599 = arith.index_cast %swap3A_598 : i32 to index
        %swap3A_600 = arith.constant 112 : index
        %swap3A_601 = tpu.vector_load %arg7[%swap3A_599, %swap3A_600] {strides = array<i32>} : memref<1x128xi32, #tpu.memory_space<vmem>>, vector<1x16xi32>,
        %swap3A_602 = vector.shape_cast %swap3A_601 : vector<1x16xi32> to vector<16xi32>
        %swap3A_603 = vector.shape_cast %shift_right_arithmetic3A_597 : vector<16xi32> to vector<1x16xi32>
        tpu.vector_store %arg7[%swap3A_599, %swap3A_600], %swap3A_603 {strides = array<i32>} : memref<1x128xi32, #tpu.memory_space<vmem>>, vector<1x16xi32>,
        %and3A_604 = arith.constant 65535 : i32
        %and3A_605 = vector.broadcast %and3A_604 : i32 to vector<16xi32>
        %and3A_606 = arith.andi %get3A_594, %and3A_605 : vector<16xi32>
        %swap3A_607 = arith.constant 0 : i32
        %swap3A_608 = arith.index_cast %swap3A_607 : i32 to index
        %swap3A_609 = arith.constant 112 : index
        %swap3A_610 = tpu.vector_load %arg9[%swap3A_608, %swap3A_609] {strides = array<i32>} : memref<1x128xi32, #tpu.memory_space<vmem>>, vector<1x16xi32>,
        %swap3A_611 = vector.shape_cast %swap3A_610 : vector<1x16xi32> to vector<16xi32>
        %swap3A_612 = vector.shape_cast %and3A_606 : vector<16xi32> to vector<1x16xi32>
        tpu.vector_store %arg9[%swap3A_608, %swap3A_609], %swap3A_612 {strides = array<i32>} : memref<1x128xi32, #tpu.memory_space<vmem>>, vector<1x16xi32>,
        %dma_start3A_613 = arith.constant 0 : i32
        %dma_start3A_614 = arith.constant 0 : i32
        %dma_start3A_615 = tpu.memref_slice %arg7[%dma_start3A_613, %dma_start3A_614] : memref<1x128xi32, #tpu.memory_space<vmem>> -> memref<1x128xi32, #tpu.memory_space<vmem>>
        %dma_start3A_616 = tpu.memref_squeeze %dma_start3A_615 : memref<1x128xi32, #tpu.memory_space<vmem>> -> memref<128xi32, #tpu.memory_space<vmem>>
        %dma_start3A_617 = arith.constant 0 : i32
        %dma_start3A_618 = arith.constant 0 : i32
        %dma_start3A_619 = tpu.memref_slice %arg2[%dma_start3A_617, %dma_start3A_618] : memref<10000x128xf32, #tpu.memory_space<hbm>> -> memref<10000x128xf32, #tpu.memory_space<hbm>>
        tpu.enqueue_indirect_dma source(%dma_start3A_619 : memref<10000x128xf32, #tpu.memory_space<hbm>>) target(%arg11 : memref<128x128xf32, #tpu.memory_space<vmem>>) offsets(%dma_start3A_616 : memref<128xi32, #tpu.memory_space<vmem>>) semaphore(%arg13 : memref<!tpu.dma_semaphore, #tpu.memory_space<semaphore_mem>>)
      } else {
      }
      %add3A_420 = arith.constant 1 : i32
      %add3A_421 = arith.addi %mul3A_404, %add3A_420 : i32
      %dma_wait3A_422 = arith.constant 0 : i32
      %dma_wait3A_423 = arith.constant 0 : i32
      %dma_wait3A_424 = tpu.memref_slice %arg8[%dma_wait3A_422, %dma_wait3A_423] : memref<1x128xi32, #tpu.memory_space<vmem>> -> memref<1x128xi32, #tpu.memory_space<vmem>>
      %dma_wait3A_425 = tpu.memref_squeeze %dma_wait3A_424 : memref<1x128xi32, #tpu.memory_space<vmem>> -> memref<128xi32, #tpu.memory_space<vmem>>
      %dma_wait3A_426 = arith.constant 0 : i32
      %dma_wait3A_427 = arith.constant 0 : i32
      %dma_wait3A_428 = tpu.memref_slice %arg2[%dma_wait3A_426, %dma_wait3A_427] : memref<10000x128xf32, #tpu.memory_space<hbm>> -> memref<10000x128xf32, #tpu.memory_space<hbm>>
      tpu.wait_indirect_dma semaphore(%arg14 : memref<!tpu.dma_semaphore, #tpu.memory_space<semaphore_mem>>) src(%dma_wait3A_428 : memref<10000x128xf32, #tpu.memory_space<hbm>>) dst(%arg12 : memref<128x128xf32, #tpu.memory_space<vmem>>)
      %run_scoped3A_429 = arith.constant 0 : i32
      "tpu.region"() ({
        %run_scoped3A_437 = tpu.sem_alloc : memref<!tpu.dma_semaphore, #tpu.memory_space<semaphore_mem>>
        %dma_start3A_438 = arith.constant 0 : i32
        %dma_start3A_439 = tpu.memref_slice %arg10[%run_scoped3A_429, %dma_start3A_438] : memref<1x128xi32, #tpu.memory_space<vmem>> -> memref<1x128xi32, #tpu.memory_space<vmem>>
        %dma_start3A_440 = tpu.memref_squeeze %dma_start3A_439 : memref<1x128xi32, #tpu.memory_space<vmem>> -> memref<128xi32, #tpu.memory_space<vmem>>
        %dma_start3A_441 = arith.constant 0 : i32
        %dma_start3A_442 = arith.constant 0 : i32
        %dma_start3A_443 = tpu.memref_slice %arg5[%dma_start3A_441, %dma_start3A_442] : memref<10240x128xf32, #tpu.memory_space<vmem_shared>> -> memref<10240x128xf32, #tpu.memory_space<vmem_shared>>
        tpu.enqueue_indirect_dma source(%arg12 : memref<128x128xf32, #tpu.memory_space<vmem>>) target(%dma_start3A_443 : memref<10240x128xf32, #tpu.memory_space<vmem_shared>>) offsets(%dma_start3A_440 : memref<128xi32, #tpu.memory_space<vmem>>) semaphore(%run_scoped3A_437 : memref<!tpu.dma_semaphore, #tpu.memory_space<semaphore_mem>>) {add = true}
        %dma_wait3A_444 = arith.constant 0 : i32
        %dma_wait3A_445 = tpu.memref_slice %arg10[%run_scoped3A_429, %dma_wait3A_444] : memref<1x128xi32, #tpu.memory_space<vmem>> -> memref<1x128xi32, #tpu.memory_space<vmem>>
        %dma_wait3A_446 = tpu.memref_squeeze %dma_wait3A_445 : memref<1x128xi32, #tpu.memory_space<vmem>> -> memref<128xi32, #tpu.memory_space<vmem>>
        %dma_wait3A_447 = arith.constant 0 : i32
        %dma_wait3A_448 = arith.constant 0 : i32
        %dma_wait3A_449 = tpu.memref_slice %arg5[%dma_wait3A_447, %dma_wait3A_448] : memref<10240x128xf32, #tpu.memory_space<vmem_shared>> -> memref<10240x128xf32, #tpu.memory_space<vmem_shared>>
        tpu.wait_indirect_dma semaphore(%run_scoped3A_437 : memref<!tpu.dma_semaphore, #tpu.memory_space<semaphore_mem>>) src(%arg12 : memref<128x128xf32, #tpu.memory_space<vmem>>) dst(%dma_wait3A_449 : memref<10240x128xf32, #tpu.memory_space<vmem_shared>>)
        tpu.yield
      }) : () -> ()
      %add3A_430 = arith.constant 2 : i32
      %add3A_431 = arith.addi %add3A_421, %add3A_430 : i32
      %lt3A_432 = arith.constant 80 : i32
      %lt3A_433 = arith.cmpi slt, %add3A_431, %lt3A_432 : i32
      %convert_element_type3A_434 = arith.extui %lt3A_433 : i1 to i32
      %cond3A_435 = arith.constant 0 : i32
      %cond3A_436 = arith.cmpi ne, %convert_element_type3A_434, %cond3A_435 : i32
      scf.if %cond3A_436 {
        %get3A_437 = arith.index_cast %add3A_431 : i32 to index
        %get3A_438 = arith.constant 0 : index
        %get3A_439 = tpu.vector_load %arg6[%get3A_437, %get3A_438] {strides = array<i32>} : memref<80x128xi32, #tpu.memory_space<vmem>>, vector<1x16xi32>,
        %get3A_440 = vector.shape_cast %get3A_439 : vector<1x16xi32> to vector<16xi32>
        %shift_right_arithmetic3A_441 = arith.constant 16 : i32
        %shift_right_arithmetic3A_442 = vector.broadcast %shift_right_arithmetic3A_441 : i32 to vector<16xi32>
        %shift_right_arithmetic3A_443 = arith.shrsi %get3A_440, %shift_right_arithmetic3A_442 : vector<16xi32>
        %swap3A_444 = arith.constant 0 : i32
        %swap3A_445 = arith.index_cast %swap3A_444 : i32 to index
        %swap3A_446 = arith.constant 0 : index
        %swap3A_447 = tpu.vector_load %arg8[%swap3A_445, %swap3A_446] {strides = array<i32>} : memref<1x128xi32, #tpu.memory_space<vmem>>, vector<1x16xi32>,
        %swap3A_448 = vector.shape_cast %swap3A_447 : vector<1x16xi32> to vector<16xi32>
        %swap3A_449 = vector.shape_cast %shift_right_arithmetic3A_443 : vector<16xi32> to vector<1x16xi32>
        tpu.vector_store %arg8[%swap3A_445, %swap3A_446], %swap3A_449 {strides = array<i32>} : memref<1x128xi32, #tpu.memory_space<vmem>>, vector<1x16xi32>,
        %and3A_450 = arith.constant 65535 : i32
        %and3A_451 = vector.broadcast %and3A_450 : i32 to vector<16xi32>
        %and3A_452 = arith.andi %get3A_440, %and3A_451 : vector<16xi32>
        %swap3A_453 = arith.constant 0 : i32
        %swap3A_454 = arith.index_cast %swap3A_453 : i32 to index
        %swap3A_455 = arith.constant 0 : index
        %swap3A_456 = tpu.vector_load %arg10[%swap3A_454, %swap3A_455] {strides = array<i32>} : memref<1x128xi32, #tpu.memory_space<vmem>>, vector<1x16xi32>,
        %swap3A_457 = vector.shape_cast %swap3A_456 : vector<1x16xi32> to vector<16xi32>
        %swap3A_458 = vector.shape_cast %and3A_452 : vector<16xi32> to vector<1x16xi32>
        tpu.vector_store %arg10[%swap3A_454, %swap3A_455], %swap3A_458 {strides = array<i32>} : memref<1x128xi32, #tpu.memory_space<vmem>>, vector<1x16xi32>,
        %get3A_459 = arith.index_cast %add3A_431 : i32 to index
        %get3A_460 = arith.constant 16 : index
        %get3A_461 = tpu.vector_load %arg6[%get3A_459, %get3A_460] {strides = array<i32>} : memref<80x128xi32, #tpu.memory_space<vmem>>, vector<1x16xi32>,
        %get3A_462 = vector.shape_cast %get3A_461 : vector<1x16xi32> to vector<16xi32>
        %shift_right_arithmetic3A_463 = arith.constant 16 : i32
        %shift_right_arithmetic3A_464 = vector.broadcast %shift_right_arithmetic3A_463 : i32 to vector<16xi32>
        %shift_right_arithmetic3A_465 = arith.shrsi %get3A_462, %shift_right_arithmetic3A_464 : vector<16xi32>
        %swap3A_466 = arith.constant 0 : i32
        %swap3A_467 = arith.index_cast %swap3A_466 : i32 to index
        %swap3A_468 = arith.constant 16 : index
        %swap3A_469 = tpu.vector_load %arg8[%swap3A_467, %swap3A_468] {strides = array<i32>} : memref<1x128xi32, #tpu.memory_space<vmem>>, vector<1x16xi32>,
        %swap3A_470 = vector.shape_cast %swap3A_469 : vector<1x16xi32> to vector<16xi32>
        %swap3A_471 = vector.shape_cast %shift_right_arithmetic3A_465 : vector<16xi32> to vector<1x16xi32>
        tpu.vector_store %arg8[%swap3A_467, %swap3A_468], %swap3A_471 {strides = array<i32>} : memref<1x128xi32, #tpu.memory_space<vmem>>, vector<1x16xi32>,
        %and3A_472 = arith.constant 65535 : i32
        %and3A_473 = vector.broadcast %and3A_472 : i32 to vector<16xi32>
        %and3A_474 = arith.andi %get3A_462, %and3A_473 : vector<16xi32>
        %swap3A_475 = arith.constant 0 : i32
        %swap3A_476 = arith.index_cast %swap3A_475 : i32 to index
        %swap3A_477 = arith.constant 16 : index
        %swap3A_478 = tpu.vector_load %arg10[%swap3A_476, %swap3A_477] {strides = array<i32>} : memref<1x128xi32, #tpu.memory_space<vmem>>, vector<1x16xi32>,
        %swap3A_479 = vector.shape_cast %swap3A_478 : vector<1x16xi32> to vector<16xi32>
        %swap3A_480 = vector.shape_cast %and3A_474 : vector<16xi32> to vector<1x16xi32>
        tpu.vector_store %arg10[%swap3A_476, %swap3A_477], %swap3A_480 {strides = array<i32>} : memref<1x128xi32, #tpu.memory_space<vmem>>, vector<1x16xi32>,
        %get3A_481 = arith.index_cast %add3A_431 : i32 to index
        %get3A_482 = arith.constant 32 : index
        %get3A_483 = tpu.vector_load %arg6[%get3A_481, %get3A_482] {strides = array<i32>} : memref<80x128xi32, #tpu.memory_space<vmem>>, vector<1x16xi32>,
        %get3A_484 = vector.shape_cast %get3A_483 : vector<1x16xi32> to vector<16xi32>
        %shift_right_arithmetic3A_485 = arith.constant 16 : i32
        %shift_right_arithmetic3A_486 = vector.broadcast %shift_right_arithmetic3A_485 : i32 to vector<16xi32>
        %shift_right_arithmetic3A_487 = arith.shrsi %get3A_484, %shift_right_arithmetic3A_486 : vector<16xi32>
        %swap3A_488 = arith.constant 0 : i32
        %swap3A_489 = arith.index_cast %swap3A_488 : i32 to index
        %swap3A_490 = arith.constant 32 : index
        %swap3A_491 = tpu.vector_load %arg8[%swap3A_489, %swap3A_490] {strides = array<i32>} : memref<1x128xi32, #tpu.memory_space<vmem>>, vector<1x16xi32>,
        %swap3A_492 = vector.shape_cast %swap3A_491 : vector<1x16xi32> to vector<16xi32>
        %swap3A_493 = vector.shape_cast %shift_right_arithmetic3A_487 : vector<16xi32> to vector<1x16xi32>
        tpu.vector_store %arg8[%swap3A_489, %swap3A_490], %swap3A_493 {strides = array<i32>} : memref<1x128xi32, #tpu.memory_space<vmem>>, vector<1x16xi32>,
        %and3A_494 = arith.constant 65535 : i32
        %and3A_495 = vector.broadcast %and3A_494 : i32 to vector<16xi32>
        %and3A_496 = arith.andi %get3A_484, %and3A_495 : vector<16xi32>
        %swap3A_497 = arith.constant 0 : i32
        %swap3A_498 = arith.index_cast %swap3A_497 : i32 to index
        %swap3A_499 = arith.constant 32 : index
        %swap3A_500 = tpu.vector_load %arg10[%swap3A_498, %swap3A_499] {strides = array<i32>} : memref<1x128xi32, #tpu.memory_space<vmem>>, vector<1x16xi32>,
        %swap3A_501 = vector.shape_cast %swap3A_500 : vector<1x16xi32> to vector<16xi32>
        %swap3A_502 = vector.shape_cast %and3A_496 : vector<16xi32> to vector<1x16xi32>
        tpu.vector_store %arg10[%swap3A_498, %swap3A_499], %swap3A_502 {strides = array<i32>} : memref<1x128xi32, #tpu.memory_space<vmem>>, vector<1x16xi32>,
        %get3A_503 = arith.index_cast %add3A_431 : i32 to index
        %get3A_504 = arith.constant 48 : index
        %get3A_505 = tpu.vector_load %arg6[%get3A_503, %get3A_504] {strides = array<i32>} : memref<80x128xi32, #tpu.memory_space<vmem>>, vector<1x16xi32>,
        %get3A_506 = vector.shape_cast %get3A_505 : vector<1x16xi32> to vector<16xi32>
        %shift_right_arithmetic3A_507 = arith.constant 16 : i32
        %shift_right_arithmetic3A_508 = vector.broadcast %shift_right_arithmetic3A_507 : i32 to vector<16xi32>
        %shift_right_arithmetic3A_509 = arith.shrsi %get3A_506, %shift_right_arithmetic3A_508 : vector<16xi32>
        %swap3A_510 = arith.constant 0 : i32
        %swap3A_511 = arith.index_cast %swap3A_510 : i32 to index
        %swap3A_512 = arith.constant 48 : index
        %swap3A_513 = tpu.vector_load %arg8[%swap3A_511, %swap3A_512] {strides = array<i32>} : memref<1x128xi32, #tpu.memory_space<vmem>>, vector<1x16xi32>,
        %swap3A_514 = vector.shape_cast %swap3A_513 : vector<1x16xi32> to vector<16xi32>
        %swap3A_515 = vector.shape_cast %shift_right_arithmetic3A_509 : vector<16xi32> to vector<1x16xi32>
        tpu.vector_store %arg8[%swap3A_511, %swap3A_512], %swap3A_515 {strides = array<i32>} : memref<1x128xi32, #tpu.memory_space<vmem>>, vector<1x16xi32>,
        %and3A_516 = arith.constant 65535 : i32
        %and3A_517 = vector.broadcast %and3A_516 : i32 to vector<16xi32>
        %and3A_518 = arith.andi %get3A_506, %and3A_517 : vector<16xi32>
        %swap3A_519 = arith.constant 0 : i32
        %swap3A_520 = arith.index_cast %swap3A_519 : i32 to index
        %swap3A_521 = arith.constant 48 : index
        %swap3A_522 = tpu.vector_load %arg10[%swap3A_520, %swap3A_521] {strides = array<i32>} : memref<1x128xi32, #tpu.memory_space<vmem>>, vector<1x16xi32>,
        %swap3A_523 = vector.shape_cast %swap3A_522 : vector<1x16xi32> to vector<16xi32>
        %swap3A_524 = vector.shape_cast %and3A_518 : vector<16xi32> to vector<1x16xi32>
        tpu.vector_store %arg10[%swap3A_520, %swap3A_521], %swap3A_524 {strides = array<i32>} : memref<1x128xi32, #tpu.memory_space<vmem>>, vector<1x16xi32>,
        %get3A_525 = arith.index_cast %add3A_431 : i32 to index
        %get3A_526 = arith.constant 64 : index
        %get3A_527 = tpu.vector_load %arg6[%get3A_525, %get3A_526] {strides = array<i32>} : memref<80x128xi32, #tpu.memory_space<vmem>>, vector<1x16xi32>,
        %get3A_528 = vector.shape_cast %get3A_527 : vector<1x16xi32> to vector<16xi32>
        %shift_right_arithmetic3A_529 = arith.constant 16 : i32
        %shift_right_arithmetic3A_530 = vector.broadcast %shift_right_arithmetic3A_529 : i32 to vector<16xi32>
        %shift_right_arithmetic3A_531 = arith.shrsi %get3A_528, %shift_right_arithmetic3A_530 : vector<16xi32>
        %swap3A_532 = arith.constant 0 : i32
        %swap3A_533 = arith.index_cast %swap3A_532 : i32 to index
        %swap3A_534 = arith.constant 64 : index
        %swap3A_535 = tpu.vector_load %arg8[%swap3A_533, %swap3A_534] {strides = array<i32>} : memref<1x128xi32, #tpu.memory_space<vmem>>, vector<1x16xi32>,
        %swap3A_536 = vector.shape_cast %swap3A_535 : vector<1x16xi32> to vector<16xi32>
        %swap3A_537 = vector.shape_cast %shift_right_arithmetic3A_531 : vector<16xi32> to vector<1x16xi32>
        tpu.vector_store %arg8[%swap3A_533, %swap3A_534], %swap3A_537 {strides = array<i32>} : memref<1x128xi32, #tpu.memory_space<vmem>>, vector<1x16xi32>,
        %and3A_538 = arith.constant 65535 : i32
        %and3A_539 = vector.broadcast %and3A_538 : i32 to vector<16xi32>
        %and3A_540 = arith.andi %get3A_528, %and3A_539 : vector<16xi32>
        %swap3A_541 = arith.constant 0 : i32
        %swap3A_542 = arith.index_cast %swap3A_541 : i32 to index
        %swap3A_543 = arith.constant 64 : index
        %swap3A_544 = tpu.vector_load %arg10[%swap3A_542, %swap3A_543] {strides = array<i32>} : memref<1x128xi32, #tpu.memory_space<vmem>>, vector<1x16xi32>,
        %swap3A_545 = vector.shape_cast %swap3A_544 : vector<1x16xi32> to vector<16xi32>
        %swap3A_546 = vector.shape_cast %and3A_540 : vector<16xi32> to vector<1x16xi32>
        tpu.vector_store %arg10[%swap3A_542, %swap3A_543], %swap3A_546 {strides = array<i32>} : memref<1x128xi32, #tpu.memory_space<vmem>>, vector<1x16xi32>,
        %get3A_547 = arith.index_cast %add3A_431 : i32 to index
        %get3A_548 = arith.constant 80 : index
        %get3A_549 = tpu.vector_load %arg6[%get3A_547, %get3A_548] {strides = array<i32>} : memref<80x128xi32, #tpu.memory_space<vmem>>, vector<1x16xi32>,
        %get3A_550 = vector.shape_cast %get3A_549 : vector<1x16xi32> to vector<16xi32>
        %shift_right_arithmetic3A_551 = arith.constant 16 : i32
        %shift_right_arithmetic3A_552 = vector.broadcast %shift_right_arithmetic3A_551 : i32 to vector<16xi32>
        %shift_right_arithmetic3A_553 = arith.shrsi %get3A_550, %shift_right_arithmetic3A_552 : vector<16xi32>
        %swap3A_554 = arith.constant 0 : i32
        %swap3A_555 = arith.index_cast %swap3A_554 : i32 to index
        %swap3A_556 = arith.constant 80 : index
        %swap3A_557 = tpu.vector_load %arg8[%swap3A_555, %swap3A_556] {strides = array<i32>} : memref<1x128xi32, #tpu.memory_space<vmem>>, vector<1x16xi32>,
        %swap3A_558 = vector.shape_cast %swap3A_557 : vector<1x16xi32> to vector<16xi32>
        %swap3A_559 = vector.shape_cast %shift_right_arithmetic3A_553 : vector<16xi32> to vector<1x16xi32>
        tpu.vector_store %arg8[%swap3A_555, %swap3A_556], %swap3A_559 {strides = array<i32>} : memref<1x128xi32, #tpu.memory_space<vmem>>, vector<1x16xi32>,
        %and3A_560 = arith.constant 65535 : i32
        %and3A_561 = vector.broadcast %and3A_560 : i32 to vector<16xi32>
        %and3A_562 = arith.andi %get3A_550, %and3A_561 : vector<16xi32>
        %swap3A_563 = arith.constant 0 : i32
        %swap3A_564 = arith.index_cast %swap3A_563 : i32 to index
        %swap3A_565 = arith.constant 80 : index
        %swap3A_566 = tpu.vector_load %arg10[%swap3A_564, %swap3A_565] {strides = array<i32>} : memref<1x128xi32, #tpu.memory_space<vmem>>, vector<1x16xi32>,
        %swap3A_567 = vector.shape_cast %swap3A_566 : vector<1x16xi32> to vector<16xi32>
        %swap3A_568 = vector.shape_cast %and3A_562 : vector<16xi32> to vector<1x16xi32>
        tpu.vector_store %arg10[%swap3A_564, %swap3A_565], %swap3A_568 {strides = array<i32>} : memref<1x128xi32, #tpu.memory_space<vmem>>, vector<1x16xi32>,
        %get3A_569 = arith.index_cast %add3A_431 : i32 to index
        %get3A_570 = arith.constant 96 : index
        %get3A_571 = tpu.vector_load %arg6[%get3A_569, %get3A_570] {strides = array<i32>} : memref<80x128xi32, #tpu.memory_space<vmem>>, vector<1x16xi32>,
        %get3A_572 = vector.shape_cast %get3A_571 : vector<1x16xi32> to vector<16xi32>
        %shift_right_arithmetic3A_573 = arith.constant 16 : i32
        %shift_right_arithmetic3A_574 = vector.broadcast %shift_right_arithmetic3A_573 : i32 to vector<16xi32>
        %shift_right_arithmetic3A_575 = arith.shrsi %get3A_572, %shift_right_arithmetic3A_574 : vector<16xi32>
        %swap3A_576 = arith.constant 0 : i32
        %swap3A_577 = arith.index_cast %swap3A_576 : i32 to index
        %swap3A_578 = arith.constant 96 : index
        %swap3A_579 = tpu.vector_load %arg8[%swap3A_577, %swap3A_578] {strides = array<i32>} : memref<1x128xi32, #tpu.memory_space<vmem>>, vector<1x16xi32>,
        %swap3A_580 = vector.shape_cast %swap3A_579 : vector<1x16xi32> to vector<16xi32>
        %swap3A_581 = vector.shape_cast %shift_right_arithmetic3A_575 : vector<16xi32> to vector<1x16xi32>
        tpu.vector_store %arg8[%swap3A_577, %swap3A_578], %swap3A_581 {strides = array<i32>} : memref<1x128xi32, #tpu.memory_space<vmem>>, vector<1x16xi32>,
        %and3A_582 = arith.constant 65535 : i32
        %and3A_583 = vector.broadcast %and3A_582 : i32 to vector<16xi32>
        %and3A_584 = arith.andi %get3A_572, %and3A_583 : vector<16xi32>
        %swap3A_585 = arith.constant 0 : i32
        %swap3A_586 = arith.index_cast %swap3A_585 : i32 to index
        %swap3A_587 = arith.constant 96 : index
        %swap3A_588 = tpu.vector_load %arg10[%swap3A_586, %swap3A_587] {strides = array<i32>} : memref<1x128xi32, #tpu.memory_space<vmem>>, vector<1x16xi32>,
        %swap3A_589 = vector.shape_cast %swap3A_588 : vector<1x16xi32> to vector<16xi32>
        %swap3A_590 = vector.shape_cast %and3A_584 : vector<16xi32> to vector<1x16xi32>
        tpu.vector_store %arg10[%swap3A_586, %swap3A_587], %swap3A_590 {strides = array<i32>} : memref<1x128xi32, #tpu.memory_space<vmem>>, vector<1x16xi32>,
        %get3A_591 = arith.index_cast %add3A_431 : i32 to index
        %get3A_592 = arith.constant 112 : index
        %get3A_593 = tpu.vector_load %arg6[%get3A_591, %get3A_592] {strides = array<i32>} : memref<80x128xi32, #tpu.memory_space<vmem>>, vector<1x16xi32>,
        %get3A_594 = vector.shape_cast %get3A_593 : vector<1x16xi32> to vector<16xi32>
        %shift_right_arithmetic3A_595 = arith.constant 16 : i32
        %shift_right_arithmetic3A_596 = vector.broadcast %shift_right_arithmetic3A_595 : i32 to vector<16xi32>
        %shift_right_arithmetic3A_597 = arith.shrsi %get3A_594, %shift_right_arithmetic3A_596 : vector<16xi32>
        %swap3A_598 = arith.constant 0 : i32
        %swap3A_599 = arith.index_cast %swap3A_598 : i32 to index
        %swap3A_600 = arith.constant 112 : index
        %swap3A_601 = tpu.vector_load %arg8[%swap3A_599, %swap3A_600] {strides = array<i32>} : memref<1x128xi32, #tpu.memory_space<vmem>>, vector<1x16xi32>,
        %swap3A_602 = vector.shape_cast %swap3A_601 : vector<1x16xi32> to vector<16xi32>
        %swap3A_603 = vector.shape_cast %shift_right_arithmetic3A_597 : vector<16xi32> to vector<1x16xi32>
        tpu.vector_store %arg8[%swap3A_599, %swap3A_600], %swap3A_603 {strides = array<i32>} : memref<1x128xi32, #tpu.memory_space<vmem>>, vector<1x16xi32>,
        %and3A_604 = arith.constant 65535 : i32
        %and3A_605 = vector.broadcast %and3A_604 : i32 to vector<16xi32>
        %and3A_606 = arith.andi %get3A_594, %and3A_605 : vector<16xi32>
        %swap3A_607 = arith.constant 0 : i32
        %swap3A_608 = arith.index_cast %swap3A_607 : i32 to index
        %swap3A_609 = arith.constant 112 : index
        %swap3A_610 = tpu.vector_load %arg10[%swap3A_608, %swap3A_609] {strides = array<i32>} : memref<1x128xi32, #tpu.memory_space<vmem>>, vector<1x16xi32>,
        %swap3A_611 = vector.shape_cast %swap3A_610 : vector<1x16xi32> to vector<16xi32>
        %swap3A_612 = vector.shape_cast %and3A_606 : vector<16xi32> to vector<1x16xi32>
        tpu.vector_store %arg10[%swap3A_608, %swap3A_609], %swap3A_612 {strides = array<i32>} : memref<1x128xi32, #tpu.memory_space<vmem>>, vector<1x16xi32>,
        %dma_start3A_613 = arith.constant 0 : i32
        %dma_start3A_614 = arith.constant 0 : i32
        %dma_start3A_615 = tpu.memref_slice %arg8[%dma_start3A_613, %dma_start3A_614] : memref<1x128xi32, #tpu.memory_space<vmem>> -> memref<1x128xi32, #tpu.memory_space<vmem>>
        %dma_start3A_616 = tpu.memref_squeeze %dma_start3A_615 : memref<1x128xi32, #tpu.memory_space<vmem>> -> memref<128xi32, #tpu.memory_space<vmem>>
        %dma_start3A_617 = arith.constant 0 : i32
        %dma_start3A_618 = arith.constant 0 : i32
        %dma_start3A_619 = tpu.memref_slice %arg2[%dma_start3A_617, %dma_start3A_618] : memref<10000x128xf32, #tpu.memory_space<hbm>> -> memref<10000x128xf32, #tpu.memory_space<hbm>>
        tpu.enqueue_indirect_dma source(%dma_start3A_619 : memref<10000x128xf32, #tpu.memory_space<hbm>>) target(%arg12 : memref<128x128xf32, #tpu.memory_space<vmem>>) offsets(%dma_start3A_616 : memref<128xi32, #tpu.memory_space<vmem>>) semaphore(%arg14 : memref<!tpu.dma_semaphore, #tpu.memory_space<semaphore_mem>>)
      } else {
      }
    }
    %scan3A_390 = arith.constant 40 : i32
    %barrier3A_391 = arith.constant 0 : index
    tpu.barrier barrier_id(%barrier3A_391)
    %lt3A_392 = arith.constant 15 : i32
    %lt3A_393 = arith.cmpi slt, %arg1, %lt3A_392 : i32
    %convert_element_type3A_394 = arith.extui %lt3A_393 : i1 to i32
    %cond3A_395 = arith.constant 0 : i32
    %cond3A_396 = arith.cmpi ne, %convert_element_type3A_394, %cond3A_395 : i32
    scf.if %cond3A_396 {
      "tpu.region"() ({
        %run_scoped3A = tpu.sem_alloc : memref<!tpu.dma_semaphore, #tpu.memory_space<semaphore_mem>>
        %dma_start3A_402 = arith.constant 0 : i32
        %dma_start3A_403 = tpu.memref_slice %arg4[%arg0, %mul3A_2, %dma_start3A_402] : memref<2x10000x128xf32, #tpu.memory_space<hbm>> -> memref<1x632x128xf32, #tpu.memory_space<hbm>>
        %dma_start3A_404 = tpu.memref_squeeze %dma_start3A_403 : memref<1x632x128xf32, #tpu.memory_space<hbm>> -> memref<632x128xf32, #tpu.memory_space<hbm>>
        %dma_start3A_405 = arith.constant 0 : i32
        %dma_start3A_406 = tpu.memref_slice %arg5[%mul3A_2, %dma_start3A_405] : memref<10240x128xf32, #tpu.memory_space<vmem_shared>> -> memref<632x128xf32, #tpu.memory_space<vmem_shared>>
        tpu.enqueue_dma source(%dma_start3A_406 : memref<632x128xf32, #tpu.memory_space<vmem_shared>>) target(%dma_start3A_404 : memref<632x128xf32, #tpu.memory_space<hbm>>) target_semaphore(%run_scoped3A : memref<!tpu.dma_semaphore, #tpu.memory_space<semaphore_mem>>)
        %dma_wait3A = arith.constant 0 : i32
        %dma_wait3A_407 = tpu.memref_slice %arg4[%arg0, %mul3A_2, %dma_wait3A] : memref<2x10000x128xf32, #tpu.memory_space<hbm>> -> memref<1x632x128xf32, #tpu.memory_space<hbm>>
        %dma_wait3A_408 = tpu.memref_squeeze %dma_wait3A_407 : memref<1x632x128xf32, #tpu.memory_space<hbm>> -> memref<632x128xf32, #tpu.memory_space<hbm>>
        %dma_wait3A_409 = arith.constant 0 : i32
        %dma_wait3A_410 = tpu.memref_slice %arg5[%mul3A_2, %dma_wait3A_409] : memref<10240x128xf32, #tpu.memory_space<vmem_shared>> -> memref<632x128xf32, #tpu.memory_space<vmem_shared>>
        tpu.wait_dma2 semaphore(%run_scoped3A : memref<!tpu.dma_semaphore, #tpu.memory_space<semaphore_mem>>) src(%dma_wait3A_410 : memref<632x128xf32, #tpu.memory_space<vmem_shared>>) dst(%dma_wait3A_408 : memref<632x128xf32, #tpu.memory_space<hbm>>)
        tpu.yield
      }) : () -> ()
    } else {
    }
    %eq3A_397 = arith.constant 15 : i32
    %eq3A_398 = arith.cmpi eq, %arg1, %eq3A_397 : i32
    %convert_element_type3A_399 = arith.extui %eq3A_398 : i1 to i32
    %cond3A_400 = arith.constant 0 : i32
    %cond3A_401 = arith.cmpi ne, %convert_element_type3A_399, %cond3A_400 : i32
    scf.if %cond3A_401 {
      "tpu.region"() ({
        %run_scoped3A = tpu.sem_alloc : memref<!tpu.dma_semaphore, #tpu.memory_space<semaphore_mem>>
        %dma_start3A_402 = arith.constant 0 : i32
        %dma_start3A_403 = tpu.memref_slice %arg4[%arg0, %mul3A_2, %dma_start3A_402] : memref<2x10000x128xf32, #tpu.memory_space<hbm>> -> memref<1x520x128xf32, #tpu.memory_space<hbm>>
        %dma_start3A_404 = tpu.memref_squeeze %dma_start3A_403 : memref<1x520x128xf32, #tpu.memory_space<hbm>> -> memref<520x128xf32, #tpu.memory_space<hbm>>
        %dma_start3A_405 = arith.constant 0 : i32
        %dma_start3A_406 = tpu.memref_slice %arg5[%mul3A_2, %dma_start3A_405] : memref<10240x128xf32, #tpu.memory_space<vmem_shared>> -> memref<520x128xf32, #tpu.memory_space<vmem_shared>>
        tpu.enqueue_dma source(%dma_start3A_406 : memref<520x128xf32, #tpu.memory_space<vmem_shared>>) target(%dma_start3A_404 : memref<520x128xf32, #tpu.memory_space<hbm>>) target_semaphore(%run_scoped3A : memref<!tpu.dma_semaphore, #tpu.memory_space<semaphore_mem>>)
        %dma_wait3A = arith.constant 0 : i32
        %dma_wait3A_407 = tpu.memref_slice %arg4[%arg0, %mul3A_2, %dma_wait3A] : memref<2x10000x128xf32, #tpu.memory_space<hbm>> -> memref<1x520x128xf32, #tpu.memory_space<hbm>>
        %dma_wait3A_408 = tpu.memref_squeeze %dma_wait3A_407 : memref<1x520x128xf32, #tpu.memory_space<hbm>> -> memref<520x128xf32, #tpu.memory_space<hbm>>
        %dma_wait3A_409 = arith.constant 0 : i32
        %dma_wait3A_410 = tpu.memref_slice %arg5[%mul3A_2, %dma_wait3A_409] : memref<10240x128xf32, #tpu.memory_space<vmem_shared>> -> memref<520x128xf32, #tpu.memory_space<vmem_shared>>
        tpu.wait_dma2 semaphore(%run_scoped3A : memref<!tpu.dma_semaphore, #tpu.memory_space<semaphore_mem>>) src(%dma_wait3A_410 : memref<520x128xf32, #tpu.memory_space<vmem_shared>>) dst(%dma_wait3A_408 : memref<520x128xf32, #tpu.memory_space<hbm>>)
        tpu.yield
      }) : () -> ()
    } else {
    }
    return
  }
}

#map = affine_map<(d0, d1) -> (0, 0)>
#map1 = affine_map<(d0, d1) -> (0, 0, 0)>
module attributes {stable_mosaic.version = 14 : i64} {
  func.func @_scatter_kernel(%arg0: i32, %arg1: i32, %arg2: memref<10000x128xf32, #tpu.memory_space<hbm>>, %arg3: memref<32x80x128xi32, #tpu.memory_space<hbm>>, %arg4: memref<2x10000x128xf32, #tpu.memory_space<hbm>>, %arg5: memref<10240x128xf32, #tpu.memory_space<vmem_shared>>, %arg6: memref<80x128xi32, #tpu.memory_space<vmem>>, %arg7: memref<1x128xi32, #tpu.memory_space<vmem>>, %arg8: memref<1x128xi32, #tpu.memory_space<vmem>>, %arg9: memref<1x128xi32, #tpu.memory_space<vmem>>, %arg10: memref<1x128xi32, #tpu.memory_space<vmem>>, %arg11: memref<128x128xf32, #tpu.memory_space<vmem>>, %arg12: memref<128x128xf32, #tpu.memory_space<vmem>>, %arg13: memref<!tpu.dma_semaphore, #tpu.memory_space<semaphore_mem>>, %arg14: memref<!tpu.dma_semaphore, #tpu.memory_space<semaphore_mem>>) attributes {dimension_semantics = [#tpu.dimension_semantics<core_parallel>, #tpu.dimension_semantics<subcore_parallel>], iteration_bounds = array<i64: 2, 16>, scalar_prefetch = 0 : i64, scratch_operands = 10 : i64, tpu.core_type = #tpu.core_type<sc_vector_subcore>, window_params = [{transform_indices = #map}, {transform_indices = #map1}, {transform_indices = #map1}]} {
    %mul3A = arith.constant 2 : i32
    %mul3A_0 = arith.muli %arg1, %mul3A : i32
    %add3A = arith.addi %mul3A_0, %arg0 : i32
    %mul3A_1 = arith.constant 632 : i32
    %mul3A_2 = arith.muli %arg1, %mul3A_1 : i32
    %lt3A = arith.constant 15 : i32
    %lt3A_3 = arith.cmpi slt, %arg1, %lt3A : i32
    %convert_element_type3A = arith.extui %lt3A_3 : i1 to i32
    %cond3A = arith.constant 0 : i32
    %cond3A_4 = arith.cmpi ne, %convert_element_type3A, %cond3A : i32
    scf.if %cond3A_4 {
      "tpu.region"() ({
        %run_scoped3A = tpu.sem_alloc : memref<!tpu.dma_semaphore, #tpu.memory_space<semaphore_mem>>
        %dma_start3A_402 = arith.constant 0 : i32
        %dma_start3A_403 = tpu.memref_slice %arg5[%mul3A_2, %dma_start3A_402] : memref<10240x128xf32, #tpu.memory_space<vmem_shared>> -> memref<632x128xf32, #tpu.memory_space<vmem_shared>>
        %dma_start3A_404 = arith.constant 0 : i32
        %dma_start3A_405 = tpu.memref_slice %arg2[%mul3A_2, %dma_start3A_404] : memref<10000x128xf32, #tpu.memory_space<hbm>> -> memref<632x128xf32, #tpu.memory_space<hbm>>
        tpu.enqueue_dma source(%dma_start3A_405 : memref<632x128xf32, #tpu.memory_space<hbm>>) target(%dma_start3A_403 : memref<632x128xf32, #tpu.memory_space<vmem_shared>>) target_semaphore(%run_scoped3A : memref<!tpu.dma_semaphore, #tpu.memory_space<semaphore_mem>>)
        %dma_wait3A = arith.constant 0 : i32
        %dma_wait3A_406 = tpu.memref_slice %arg5[%mul3A_2, %dma_wait3A] : memref<10240x128xf32, #tpu.memory_space<vmem_shared>> -> memref<632x128xf32, #tpu.memory_space<vmem_shared>>
        %dma_wait3A_407 = arith.constant 0 : i32
        %dma_wait3A_408 = tpu.memref_slice %arg2[%mul3A_2, %dma_wait3A_407] : memref<10000x128xf32, #tpu.memory_space<hbm>> -> memref<632x128xf32, #tpu.memory_space<hbm>>
        tpu.wait_dma2 semaphore(%run_scoped3A : memref<!tpu.dma_semaphore, #tpu.memory_space<semaphore_mem>>) src(%dma_wait3A_408 : memref<632x128xf32, #tpu.memory_space<hbm>>) dst(%dma_wait3A_406 : memref<632x128xf32, #tpu.memory_space<vmem_shared>>)
        tpu.yield
      }) : () -> ()
    } else {
    }
    %eq3A = arith.constant 15 : i32
    %eq3A_5 = arith.cmpi eq, %arg1, %eq3A : i32
    %convert_element_type3A_6 = arith.extui %eq3A_5 : i1 to i32
    %cond3A_7 = arith.constant 0 : i32
    %cond3A_8 = arith.cmpi ne, %convert_element_type3A_6, %cond3A_7 : i32
    scf.if %cond3A_8 {
      "tpu.region"() ({
        %run_scoped3A = tpu.sem_alloc : memref<!tpu.dma_semaphore, #tpu.memory_space<semaphore_mem>>
        %dma_start3A_402 = arith.constant 0 : i32
        %dma_start3A_403 = tpu.memref_slice %arg5[%mul3A_2, %dma_start3A_402] : memref<10240x128xf32, #tpu.memory_space<vmem_shared>> -> memref<520x128xf32, #tpu.memory_space<vmem_shared>>
        %dma_start3A_404 = arith.constant 0 : i32
        %dma_start3A_405 = tpu.memref_slice %arg2[%mul3A_2, %dma_start3A_404] : memref<10000x128xf32, #tpu.memory_space<hbm>> -> memref<520x128xf32, #tpu.memory_space<hbm>>
        tpu.enqueue_dma source(%dma_start3A_405 : memref<520x128xf32, #tpu.memory_space<hbm>>) target(%dma_start3A_403 : memref<520x128xf32, #tpu.memory_space<vmem_shared>>) target_semaphore(%run_scoped3A : memref<!tpu.dma_semaphore, #tpu.memory_space<semaphore_mem>>)
        %dma_wait3A = arith.constant 0 : i32
        %dma_wait3A_406 = tpu.memref_slice %arg5[%mul3A_2, %dma_wait3A] : memref<10240x128xf32, #tpu.memory_space<vmem_shared>> -> memref<520x128xf32, #tpu.memory_space<vmem_shared>>
        %dma_wait3A_407 = arith.constant 0 : i32
        %dma_wait3A_408 = tpu.memref_slice %arg2[%mul3A_2, %dma_wait3A_407] : memref<10000x128xf32, #tpu.memory_space<hbm>> -> memref<520x128xf32, #tpu.memory_space<hbm>>
        tpu.wait_dma2 semaphore(%run_scoped3A : memref<!tpu.dma_semaphore, #tpu.memory_space<semaphore_mem>>) src(%dma_wait3A_408 : memref<520x128xf32, #tpu.memory_space<hbm>>) dst(%dma_wait3A_406 : memref<520x128xf32, #tpu.memory_space<vmem_shared>>)
        tpu.yield
      }) : () -> ()
    } else {
    }
    "tpu.region"() ({
      %run_scoped3A = tpu.sem_alloc : memref<!tpu.dma_semaphore, #tpu.memory_space<semaphore_mem>>
      %dma_start3A_402 = arith.constant 0 : i32
      %dma_start3A_403 = arith.constant 0 : i32
      %dma_start3A_404 = tpu.memref_slice %arg3[%add3A, %dma_start3A_402, %dma_start3A_403] : memref<32x80x128xi32, #tpu.memory_space<hbm>> -> memref<1x80x128xi32, #tpu.memory_space<hbm>>
      %dma_start3A_405 = tpu.memref_squeeze %dma_start3A_404 : memref<1x80x128xi32, #tpu.memory_space<hbm>> -> memref<80x128xi32, #tpu.memory_space<hbm>>
      %dma_start3A_406 = arith.constant 0 : i32
      %dma_start3A_407 = arith.constant 0 : i32
      %dma_start3A_408 = tpu.memref_slice %arg3[%add3A, %dma_start3A_406, %dma_start3A_407] : memref<32x80x128xi32, #tpu.memory_space<hbm>> -> memref<1x80x128xi32, #tpu.memory_space<hbm>>
      %dma_start3A_409 = tpu.memref_squeeze %dma_start3A_408 : memref<1x80x128xi32, #tpu.memory_space<hbm>> -> memref<80x128xi32, #tpu.memory_space<hbm>>
      tpu.enqueue_dma source(%dma_start3A_409 : memref<80x128xi32, #tpu.memory_space<hbm>>) target(%arg6 : memref<80x128xi32, #tpu.memory_space<vmem>>) target_semaphore(%run_scoped3A : memref<!tpu.dma_semaphore, #tpu.memory_space<semaphore_mem>>)
      %dma_wait3A = arith.constant 0 : i32
      %dma_wait3A_410 = arith.constant 0 : i32
      %dma_wait3A_411 = tpu.memref_slice %arg3[%add3A, %dma_wait3A, %dma_wait3A_410] : memref<32x80x128xi32, #tpu.memory_space<hbm>> -> memref<1x80x128xi32, #tpu.memory_space<hbm>>
      %dma_wait3A_412 = tpu.memref_squeeze %dma_wait3A_411 : memref<1x80x128xi32, #tpu.memory_space<hbm>> -> memref<80x128xi32, #tpu.memory_space<hbm>>
      %dma_wait3A_413 = arith.constant 0 : i32
      %dma_wait3A_414 = arith.constant 0 : i32
      %dma_wait3A_415 = tpu.memref_slice %arg3[%add3A, %dma_wait3A_413, %dma_wait3A_414] : memref<32x80x128xi32, #tpu.memory_space<hbm>> -> memref<1x80x128xi32, #tpu.memory_space<hbm>>
      %dma_wait3A_416 = tpu.memref_squeeze %dma_wait3A_415 : memref<1x80x128xi32, #tpu.memory_space<hbm>> -> memref<80x128xi32, #tpu.memory_space<hbm>>
      tpu.wait_dma2 semaphore(%run_scoped3A : memref<!tpu.dma_semaphore, #tpu.memory_space<semaphore_mem>>) src(%dma_wait3A_416 : memref<80x128xi32, #tpu.memory_space<hbm>>) dst(%arg6 : memref<80x128xi32, #tpu.memory_space<vmem>>)
      tpu.yield
    }) : () -> ()
    %barrier3A = arith.constant 0 : index
    tpu.barrier barrier_id(%barrier3A)
    %get3A = arith.constant 0 : i32
    %get3A_9 = arith.index_cast %get3A : i32 to index
    %get3A_10 = arith.constant 0 : index
    %get3A_11 = tpu.vector_load %arg6[%get3A_9, %get3A_10] {strides = array<i32>} : memref<80x128xi32, #tpu.memory_space<vmem>>, vector<1x16xi32>,
    %get3A_12 = vector.shape_cast %get3A_11 : vector<1x16xi32> to vector<16xi32>
    %shift_right_arithmetic3A = arith.constant 16 : i32
    %shift_right_arithmetic3A_13 = vector.broadcast %shift_right_arithmetic3A : i32 to vector<16xi32>
    %shift_right_arithmetic3A_14 = arith.shrsi %get3A_12, %shift_right_arithmetic3A_13 : vector<16xi32>
    %swap3A = arith.constant 0 : i32
    %swap3A_15 = arith.index_cast %swap3A : i32 to index
    %swap3A_16 = arith.constant 0 : index
    %swap3A_17 = tpu.vector_load %arg7[%swap3A_15, %swap3A_16] {strides = array<i32>} : memref<1x128xi32, #tpu.memory_space<vmem>>, vector<1x16xi32>,
    %swap3A_18 = vector.shape_cast %swap3A_17 : vector<1x16xi32> to vector<16xi32>
    %swap3A_19 = vector.shape_cast %shift_right_arithmetic3A_14 : vector<16xi32> to vector<1x16xi32>
    tpu.vector_store %arg7[%swap3A_15, %swap3A_16], %swap3A_19 {strides = array<i32>} : memref<1x128xi32, #tpu.memory_space<vmem>>, vector<1x16xi32>,
    %and3A = arith.constant 65535 : i32
    %and3A_20 = vector.broadcast %and3A : i32 to vector<16xi32>
    %and3A_21 = arith.andi %get3A_12, %and3A_20 : vector<16xi32>
    %swap3A_22 = arith.constant 0 : i32
    %swap3A_23 = arith.index_cast %swap3A_22 : i32 to index
    %swap3A_24 = arith.constant 0 : index
    %swap3A_25 = tpu.vector_load %arg9[%swap3A_23, %swap3A_24] {strides = array<i32>} : memref<1x128xi32, #tpu.memory_space<vmem>>, vector<1x16xi32>,
    %swap3A_26 = vector.shape_cast %swap3A_25 : vector<1x16xi32> to vector<16xi32>
    %swap3A_27 = vector.shape_cast %and3A_21 : vector<16xi32> to vector<1x16xi32>
    tpu.vector_store %arg9[%swap3A_23, %swap3A_24], %swap3A_27 {strides = array<i32>} : memref<1x128xi32, #tpu.memory_space<vmem>>, vector<1x16xi32>,
    %get3A_28 = arith.constant 0 : i32
    %get3A_29 = arith.index_cast %get3A_28 : i32 to index
    %get3A_30 = arith.constant 16 : index
    %get3A_31 = tpu.vector_load %arg6[%get3A_29, %get3A_30] {strides = array<i32>} : memref<80x128xi32, #tpu.memory_space<vmem>>, vector<1x16xi32>,
    %get3A_32 = vector.shape_cast %get3A_31 : vector<1x16xi32> to vector<16xi32>
    %shift_right_arithmetic3A_33 = arith.constant 16 : i32
    %shift_right_arithmetic3A_34 = vector.broadcast %shift_right_arithmetic3A_33 : i32 to vector<16xi32>
    %shift_right_arithmetic3A_35 = arith.shrsi %get3A_32, %shift_right_arithmetic3A_34 : vector<16xi32>
    %swap3A_36 = arith.constant 0 : i32
    %swap3A_37 = arith.index_cast %swap3A_36 : i32 to index
    %swap3A_38 = arith.constant 16 : index
    %swap3A_39 = tpu.vector_load %arg7[%swap3A_37, %swap3A_38] {strides = array<i32>} : memref<1x128xi32, #tpu.memory_space<vmem>>, vector<1x16xi32>,
    %swap3A_40 = vector.shape_cast %swap3A_39 : vector<1x16xi32> to vector<16xi32>
    %swap3A_41 = vector.shape_cast %shift_right_arithmetic3A_35 : vector<16xi32> to vector<1x16xi32>
    tpu.vector_store %arg7[%swap3A_37, %swap3A_38], %swap3A_41 {strides = array<i32>} : memref<1x128xi32, #tpu.memory_space<vmem>>, vector<1x16xi32>,
    %and3A_42 = arith.constant 65535 : i32
    %and3A_43 = vector.broadcast %and3A_42 : i32 to vector<16xi32>
    %and3A_44 = arith.andi %get3A_32, %and3A_43 : vector<16xi32>
    %swap3A_45 = arith.constant 0 : i32
    %swap3A_46 = arith.index_cast %swap3A_45 : i32 to index
    %swap3A_47 = arith.constant 16 : index
    %swap3A_48 = tpu.vector_load %arg9[%swap3A_46, %swap3A_47] {strides = array<i32>} : memref<1x128xi32, #tpu.memory_space<vmem>>, vector<1x16xi32>,
    %swap3A_49 = vector.shape_cast %swap3A_48 : vector<1x16xi32> to vector<16xi32>
    %swap3A_50 = vector.shape_cast %and3A_44 : vector<16xi32> to vector<1x16xi32>
    tpu.vector_store %arg9[%swap3A_46, %swap3A_47], %swap3A_50 {strides = array<i32>} : memref<1x128xi32, #tpu.memory_space<vmem>>, vector<1x16xi32>,
    %get3A_51 = arith.constant 0 : i32
    %get3A_52 = arith.index_cast %get3A_51 : i32 to index
    %get3A_53 = arith.constant 32 : index
    %get3A_54 = tpu.vector_load %arg6[%get3A_52, %get3A_53] {strides = array<i32>} : memref<80x128xi32, #tpu.memory_space<vmem>>, vector<1x16xi32>,
    %get3A_55 = vector.shape_cast %get3A_54 : vector<1x16xi32> to vector<16xi32>
    %shift_right_arithmetic3A_56 = arith.constant 16 : i32
    %shift_right_arithmetic3A_57 = vector.broadcast %shift_right_arithmetic3A_56 : i32 to vector<16xi32>
    %shift_right_arithmetic3A_58 = arith.shrsi %get3A_55, %shift_right_arithmetic3A_57 : vector<16xi32>
    %swap3A_59 = arith.constant 0 : i32
    %swap3A_60 = arith.index_cast %swap3A_59 : i32 to index
    %swap3A_61 = arith.constant 32 : index
    %swap3A_62 = tpu.vector_load %arg7[%swap3A_60, %swap3A_61] {strides = array<i32>} : memref<1x128xi32, #tpu.memory_space<vmem>>, vector<1x16xi32>,
    %swap3A_63 = vector.shape_cast %swap3A_62 : vector<1x16xi32> to vector<16xi32>
    %swap3A_64 = vector.shape_cast %shift_right_arithmetic3A_58 : vector<16xi32> to vector<1x16xi32>
    tpu.vector_store %arg7[%swap3A_60, %swap3A_61], %swap3A_64 {strides = array<i32>} : memref<1x128xi32, #tpu.memory_space<vmem>>, vector<1x16xi32>,
    %and3A_65 = arith.constant 65535 : i32
    %and3A_66 = vector.broadcast %and3A_65 : i32 to vector<16xi32>
    %and3A_67 = arith.andi %get3A_55, %and3A_66 : vector<16xi32>
    %swap3A_68 = arith.constant 0 : i32
    %swap3A_69 = arith.index_cast %swap3A_68 : i32 to index
    %swap3A_70 = arith.constant 32 : index
    %swap3A_71 = tpu.vector_load %arg9[%swap3A_69, %swap3A_70] {strides = array<i32>} : memref<1x128xi32, #tpu.memory_space<vmem>>, vector<1x16xi32>,
    %swap3A_72 = vector.shape_cast %swap3A_71 : vector<1x16xi32> to vector<16xi32>
    %swap3A_73 = vector.shape_cast %and3A_67 : vector<16xi32> to vector<1x16xi32>
    tpu.vector_store %arg9[%swap3A_69, %swap3A_70], %swap3A_73 {strides = array<i32>} : memref<1x128xi32, #tpu.memory_space<vmem>>, vector<1x16xi32>,
    %get3A_74 = arith.constant 0 : i32
    %get3A_75 = arith.index_cast %get3A_74 : i32 to index
    %get3A_76 = arith.constant 48 : index
    %get3A_77 = tpu.vector_load %arg6[%get3A_75, %get3A_76] {strides = array<i32>} : memref<80x128xi32, #tpu.memory_space<vmem>>, vector<1x16xi32>,
    %get3A_78 = vector.shape_cast %get3A_77 : vector<1x16xi32> to vector<16xi32>
    %shift_right_arithmetic3A_79 = arith.constant 16 : i32
    %shift_right_arithmetic3A_80 = vector.broadcast %shift_right_arithmetic3A_79 : i32 to vector<16xi32>
    %shift_right_arithmetic3A_81 = arith.shrsi %get3A_78, %shift_right_arithmetic3A_80 : vector<16xi32>
    %swap3A_82 = arith.constant 0 : i32
    %swap3A_83 = arith.index_cast %swap3A_82 : i32 to index
    %swap3A_84 = arith.constant 48 : index
    %swap3A_85 = tpu.vector_load %arg7[%swap3A_83, %swap3A_84] {strides = array<i32>} : memref<1x128xi32, #tpu.memory_space<vmem>>, vector<1x16xi32>,
    %swap3A_86 = vector.shape_cast %swap3A_85 : vector<1x16xi32> to vector<16xi32>
    %swap3A_87 = vector.shape_cast %shift_right_arithmetic3A_81 : vector<16xi32> to vector<1x16xi32>
    tpu.vector_store %arg7[%swap3A_83, %swap3A_84], %swap3A_87 {strides = array<i32>} : memref<1x128xi32, #tpu.memory_space<vmem>>, vector<1x16xi32>,
    %and3A_88 = arith.constant 65535 : i32
    %and3A_89 = vector.broadcast %and3A_88 : i32 to vector<16xi32>
    %and3A_90 = arith.andi %get3A_78, %and3A_89 : vector<16xi32>
    %swap3A_91 = arith.constant 0 : i32
    %swap3A_92 = arith.index_cast %swap3A_91 : i32 to index
    %swap3A_93 = arith.constant 48 : index
    %swap3A_94 = tpu.vector_load %arg9[%swap3A_92, %swap3A_93] {strides = array<i32>} : memref<1x128xi32, #tpu.memory_space<vmem>>, vector<1x16xi32>,
    %swap3A_95 = vector.shape_cast %swap3A_94 : vector<1x16xi32> to vector<16xi32>
    %swap3A_96 = vector.shape_cast %and3A_90 : vector<16xi32> to vector<1x16xi32>
    tpu.vector_store %arg9[%swap3A_92, %swap3A_93], %swap3A_96 {strides = array<i32>} : memref<1x128xi32, #tpu.memory_space<vmem>>, vector<1x16xi32>,
    %get3A_97 = arith.constant 0 : i32
    %get3A_98 = arith.index_cast %get3A_97 : i32 to index
    %get3A_99 = arith.constant 64 : index
    %get3A_100 = tpu.vector_load %arg6[%get3A_98, %get3A_99] {strides = array<i32>} : memref<80x128xi32, #tpu.memory_space<vmem>>, vector<1x16xi32>,
    %get3A_101 = vector.shape_cast %get3A_100 : vector<1x16xi32> to vector<16xi32>
    %shift_right_arithmetic3A_102 = arith.constant 16 : i32
    %shift_right_arithmetic3A_103 = vector.broadcast %shift_right_arithmetic3A_102 : i32 to vector<16xi32>
    %shift_right_arithmetic3A_104 = arith.shrsi %get3A_101, %shift_right_arithmetic3A_103 : vector<16xi32>
    %swap3A_105 = arith.constant 0 : i32
    %swap3A_106 = arith.index_cast %swap3A_105 : i32 to index
    %swap3A_107 = arith.constant 64 : index
    %swap3A_108 = tpu.vector_load %arg7[%swap3A_106, %swap3A_107] {strides = array<i32>} : memref<1x128xi32, #tpu.memory_space<vmem>>, vector<1x16xi32>,
    %swap3A_109 = vector.shape_cast %swap3A_108 : vector<1x16xi32> to vector<16xi32>
    %swap3A_110 = vector.shape_cast %shift_right_arithmetic3A_104 : vector<16xi32> to vector<1x16xi32>
    tpu.vector_store %arg7[%swap3A_106, %swap3A_107], %swap3A_110 {strides = array<i32>} : memref<1x128xi32, #tpu.memory_space<vmem>>, vector<1x16xi32>,
    %and3A_111 = arith.constant 65535 : i32
    %and3A_112 = vector.broadcast %and3A_111 : i32 to vector<16xi32>
    %and3A_113 = arith.andi %get3A_101, %and3A_112 : vector<16xi32>
    %swap3A_114 = arith.constant 0 : i32
    %swap3A_115 = arith.index_cast %swap3A_114 : i32 to index
    %swap3A_116 = arith.constant 64 : index
    %swap3A_117 = tpu.vector_load %arg9[%swap3A_115, %swap3A_116] {strides = array<i32>} : memref<1x128xi32, #tpu.memory_space<vmem>>, vector<1x16xi32>,
    %swap3A_118 = vector.shape_cast %swap3A_117 : vector<1x16xi32> to vector<16xi32>
    %swap3A_119 = vector.shape_cast %and3A_113 : vector<16xi32> to vector<1x16xi32>
    tpu.vector_store %arg9[%swap3A_115, %swap3A_116], %swap3A_119 {strides = array<i32>} : memref<1x128xi32, #tpu.memory_space<vmem>>, vector<1x16xi32>,
    %get3A_120 = arith.constant 0 : i32
    %get3A_121 = arith.index_cast %get3A_120 : i32 to index
    %get3A_122 = arith.constant 80 : index
    %get3A_123 = tpu.vector_load %arg6[%get3A_121, %get3A_122] {strides = array<i32>} : memref<80x128xi32, #tpu.memory_space<vmem>>, vector<1x16xi32>,
    %get3A_124 = vector.shape_cast %get3A_123 : vector<1x16xi32> to vector<16xi32>
    %shift_right_arithmetic3A_125 = arith.constant 16 : i32
    %shift_right_arithmetic3A_126 = vector.broadcast %shift_right_arithmetic3A_125 : i32 to vector<16xi32>
    %shift_right_arithmetic3A_127 = arith.shrsi %get3A_124, %shift_right_arithmetic3A_126 : vector<16xi32>
    %swap3A_128 = arith.constant 0 : i32
    %swap3A_129 = arith.index_cast %swap3A_128 : i32 to index
    %swap3A_130 = arith.constant 80 : index
    %swap3A_131 = tpu.vector_load %arg7[%swap3A_129, %swap3A_130] {strides = array<i32>} : memref<1x128xi32, #tpu.memory_space<vmem>>, vector<1x16xi32>,
    %swap3A_132 = vector.shape_cast %swap3A_131 : vector<1x16xi32> to vector<16xi32>
    %swap3A_133 = vector.shape_cast %shift_right_arithmetic3A_127 : vector<16xi32> to vector<1x16xi32>
    tpu.vector_store %arg7[%swap3A_129, %swap3A_130], %swap3A_133 {strides = array<i32>} : memref<1x128xi32, #tpu.memory_space<vmem>>, vector<1x16xi32>,
    %and3A_134 = arith.constant 65535 : i32
    %and3A_135 = vector.broadcast %and3A_134 : i32 to vector<16xi32>
    %and3A_136 = arith.andi %get3A_124, %and3A_135 : vector<16xi32>
    %swap3A_137 = arith.constant 0 : i32
    %swap3A_138 = arith.index_cast %swap3A_137 : i32 to index
    %swap3A_139 = arith.constant 80 : index
    %swap3A_140 = tpu.vector_load %arg9[%swap3A_138, %swap3A_139] {strides = array<i32>} : memref<1x128xi32, #tpu.memory_space<vmem>>, vector<1x16xi32>,
    %swap3A_141 = vector.shape_cast %swap3A_140 : vector<1x16xi32> to vector<16xi32>
    %swap3A_142 = vector.shape_cast %and3A_136 : vector<16xi32> to vector<1x16xi32>
    tpu.vector_store %arg9[%swap3A_138, %swap3A_139], %swap3A_142 {strides = array<i32>} : memref<1x128xi32, #tpu.memory_space<vmem>>, vector<1x16xi32>,
    %get3A_143 = arith.constant 0 : i32
    %get3A_144 = arith.index_cast %get3A_143 : i32 to index
    %get3A_145 = arith.constant 96 : index
    %get3A_146 = tpu.vector_load %arg6[%get3A_144, %get3A_145] {strides = array<i32>} : memref<80x128xi32, #tpu.memory_space<vmem>>, vector<1x16xi32>,
    %get3A_147 = vector.shape_cast %get3A_146 : vector<1x16xi32> to vector<16xi32>
    %shift_right_arithmetic3A_148 = arith.constant 16 : i32
    %shift_right_arithmetic3A_149 = vector.broadcast %shift_right_arithmetic3A_148 : i32 to vector<16xi32>
    %shift_right_arithmetic3A_150 = arith.shrsi %get3A_147, %shift_right_arithmetic3A_149 : vector<16xi32>
    %swap3A_151 = arith.constant 0 : i32
    %swap3A_152 = arith.index_cast %swap3A_151 : i32 to index
    %swap3A_153 = arith.constant 96 : index
    %swap3A_154 = tpu.vector_load %arg7[%swap3A_152, %swap3A_153] {strides = array<i32>} : memref<1x128xi32, #tpu.memory_space<vmem>>, vector<1x16xi32>,
    %swap3A_155 = vector.shape_cast %swap3A_154 : vector<1x16xi32> to vector<16xi32>
    %swap3A_156 = vector.shape_cast %shift_right_arithmetic3A_150 : vector<16xi32> to vector<1x16xi32>
    tpu.vector_store %arg7[%swap3A_152, %swap3A_153], %swap3A_156 {strides = array<i32>} : memref<1x128xi32, #tpu.memory_space<vmem>>, vector<1x16xi32>,
    %and3A_157 = arith.constant 65535 : i32
    %and3A_158 = vector.broadcast %and3A_157 : i32 to vector<16xi32>
    %and3A_159 = arith.andi %get3A_147, %and3A_158 : vector<16xi32>
    %swap3A_160 = arith.constant 0 : i32
    %swap3A_161 = arith.index_cast %swap3A_160 : i32 to index
    %swap3A_162 = arith.constant 96 : index
    %swap3A_163 = tpu.vector_load %arg9[%swap3A_161, %swap3A_162] {strides = array<i32>} : memref<1x128xi32, #tpu.memory_space<vmem>>, vector<1x16xi32>,
    %swap3A_164 = vector.shape_cast %swap3A_163 : vector<1x16xi32> to vector<16xi32>
    %swap3A_165 = vector.shape_cast %and3A_159 : vector<16xi32> to vector<1x16xi32>
    tpu.vector_store %arg9[%swap3A_161, %swap3A_162], %swap3A_165 {strides = array<i32>} : memref<1x128xi32, #tpu.memory_space<vmem>>, vector<1x16xi32>,
    %get3A_166 = arith.constant 0 : i32
    %get3A_167 = arith.index_cast %get3A_166 : i32 to index
    %get3A_168 = arith.constant 112 : index
    %get3A_169 = tpu.vector_load %arg6[%get3A_167, %get3A_168] {strides = array<i32>} : memref<80x128xi32, #tpu.memory_space<vmem>>, vector<1x16xi32>,
    %get3A_170 = vector.shape_cast %get3A_169 : vector<1x16xi32> to vector<16xi32>
    %shift_right_arithmetic3A_171 = arith.constant 16 : i32
    %shift_right_arithmetic3A_172 = vector.broadcast %shift_right_arithmetic3A_171 : i32 to vector<16xi32>
    %shift_right_arithmetic3A_173 = arith.shrsi %get3A_170, %shift_right_arithmetic3A_172 : vector<16xi32>
    %swap3A_174 = arith.constant 0 : i32
    %swap3A_175 = arith.index_cast %swap3A_174 : i32 to index
    %swap3A_176 = arith.constant 112 : index
    %swap3A_177 = tpu.vector_load %arg7[%swap3A_175, %swap3A_176] {strides = array<i32>} : memref<1x128xi32, #tpu.memory_space<vmem>>, vector<1x16xi32>,
    %swap3A_178 = vector.shape_cast %swap3A_177 : vector<1x16xi32> to vector<16xi32>
    %swap3A_179 = vector.shape_cast %shift_right_arithmetic3A_173 : vector<16xi32> to vector<1x16xi32>
    tpu.vector_store %arg7[%swap3A_175, %swap3A_176], %swap3A_179 {strides = array<i32>} : memref<1x128xi32, #tpu.memory_space<vmem>>, vector<1x16xi32>,
    %and3A_180 = arith.constant 65535 : i32
    %and3A_181 = vector.broadcast %and3A_180 : i32 to vector<16xi32>
    %and3A_182 = arith.andi %get3A_170, %and3A_181 : vector<16xi32>
    %swap3A_183 = arith.constant 0 : i32
    %swap3A_184 = arith.index_cast %swap3A_183 : i32 to index
    %swap3A_185 = arith.constant 112 : index
    %swap3A_186 = tpu.vector_load %arg9[%swap3A_184, %swap3A_185] {strides = array<i32>} : memref<1x128xi32, #tpu.memory_space<vmem>>, vector<1x16xi32>,
    %swap3A_187 = vector.shape_cast %swap3A_186 : vector<1x16xi32> to vector<16xi32>
    %swap3A_188 = vector.shape_cast %and3A_182 : vector<16xi32> to vector<1x16xi32>
    tpu.vector_store %arg9[%swap3A_184, %swap3A_185], %swap3A_188 {strides = array<i32>} : memref<1x128xi32, #tpu.memory_space<vmem>>, vector<1x16xi32>,
    %dma_start3A = arith.constant 0 : i32
    %dma_start3A_189 = arith.constant 0 : i32
    %dma_start3A_190 = tpu.memref_slice %arg7[%dma_start3A, %dma_start3A_189] : memref<1x128xi32, #tpu.memory_space<vmem>> -> memref<1x128xi32, #tpu.memory_space<vmem>>
    %dma_start3A_191 = tpu.memref_squeeze %dma_start3A_190 : memref<1x128xi32, #tpu.memory_space<vmem>> -> memref<128xi32, #tpu.memory_space<vmem>>
    %dma_start3A_192 = arith.constant 0 : i32
    %dma_start3A_193 = arith.constant 0 : i32
    %dma_start3A_194 = tpu.memref_slice %arg2[%dma_start3A_192, %dma_start3A_193] : memref<10000x128xf32, #tpu.memory_space<hbm>> -> memref<10000x128xf32, #tpu.memory_space<hbm>>
    tpu.enqueue_indirect_dma source(%dma_start3A_194 : memref<10000x128xf32, #tpu.memory_space<hbm>>) target(%arg11 : memref<128x128xf32, #tpu.memory_space<vmem>>) offsets(%dma_start3A_191 : memref<128xi32, #tpu.memory_space<vmem>>) semaphore(%arg13 : memref<!tpu.dma_semaphore, #tpu.memory_space<semaphore_mem>>)
    %get3A_195 = arith.constant 1 : i32
    %get3A_196 = arith.index_cast %get3A_195 : i32 to index
    %get3A_197 = arith.constant 0 : index
    %get3A_198 = tpu.vector_load %arg6[%get3A_196, %get3A_197] {strides = array<i32>} : memref<80x128xi32, #tpu.memory_space<vmem>>, vector<1x16xi32>,
    %get3A_199 = vector.shape_cast %get3A_198 : vector<1x16xi32> to vector<16xi32>
    %shift_right_arithmetic3A_200 = arith.constant 16 : i32
    %shift_right_arithmetic3A_201 = vector.broadcast %shift_right_arithmetic3A_200 : i32 to vector<16xi32>
    %shift_right_arithmetic3A_202 = arith.shrsi %get3A_199, %shift_right_arithmetic3A_201 : vector<16xi32>
    %swap3A_203 = arith.constant 0 : i32
    %swap3A_204 = arith.index_cast %swap3A_203 : i32 to index
    %swap3A_205 = arith.constant 0 : index
    %swap3A_206 = tpu.vector_load %arg8[%swap3A_204, %swap3A_205] {strides = array<i32>} : memref<1x128xi32, #tpu.memory_space<vmem>>, vector<1x16xi32>,
    %swap3A_207 = vector.shape_cast %swap3A_206 : vector<1x16xi32> to vector<16xi32>
    %swap3A_208 = vector.shape_cast %shift_right_arithmetic3A_202 : vector<16xi32> to vector<1x16xi32>
    tpu.vector_store %arg8[%swap3A_204, %swap3A_205], %swap3A_208 {strides = array<i32>} : memref<1x128xi32, #tpu.memory_space<vmem>>, vector<1x16xi32>,
    %and3A_209 = arith.constant 65535 : i32
    %and3A_210 = vector.broadcast %and3A_209 : i32 to vector<16xi32>
    %and3A_211 = arith.andi %get3A_199, %and3A_210 : vector<16xi32>
    %swap3A_212 = arith.constant 0 : i32
    %swap3A_213 = arith.index_cast %swap3A_212 : i32 to index
    %swap3A_214 = arith.constant 0 : index
    %swap3A_215 = tpu.vector_load %arg10[%swap3A_213, %swap3A_214] {strides = array<i32>} : memref<1x128xi32, #tpu.memory_space<vmem>>, vector<1x16xi32>,
    %swap3A_216 = vector.shape_cast %swap3A_215 : vector<1x16xi32> to vector<16xi32>
    %swap3A_217 = vector.shape_cast %and3A_211 : vector<16xi32> to vector<1x16xi32>
    tpu.vector_store %arg10[%swap3A_213, %swap3A_214], %swap3A_217 {strides = array<i32>} : memref<1x128xi32, #tpu.memory_space<vmem>>, vector<1x16xi32>,
    %get3A_218 = arith.constant 1 : i32
    %get3A_219 = arith.index_cast %get3A_218 : i32 to index
    %get3A_220 = arith.constant 16 : index
    %get3A_221 = tpu.vector_load %arg6[%get3A_219, %get3A_220] {strides = array<i32>} : memref<80x128xi32, #tpu.memory_space<vmem>>, vector<1x16xi32>,
    %get3A_222 = vector.shape_cast %get3A_221 : vector<1x16xi32> to vector<16xi32>
    %shift_right_arithmetic3A_223 = arith.constant 16 : i32
    %shift_right_arithmetic3A_224 = vector.broadcast %shift_right_arithmetic3A_223 : i32 to vector<16xi32>
    %shift_right_arithmetic3A_225 = arith.shrsi %get3A_222, %shift_right_arithmetic3A_224 : vector<16xi32>
    %swap3A_226 = arith.constant 0 : i32
    %swap3A_227 = arith.index_cast %swap3A_226 : i32 to index
    %swap3A_228 = arith.constant 16 : index
    %swap3A_229 = tpu.vector_load %arg8[%swap3A_227, %swap3A_228] {strides = array<i32>} : memref<1x128xi32, #tpu.memory_space<vmem>>, vector<1x16xi32>,
    %swap3A_230 = vector.shape_cast %swap3A_229 : vector<1x16xi32> to vector<16xi32>
    %swap3A_231 = vector.shape_cast %shift_right_arithmetic3A_225 : vector<16xi32> to vector<1x16xi32>
    tpu.vector_store %arg8[%swap3A_227, %swap3A_228], %swap3A_231 {strides = array<i32>} : memref<1x128xi32, #tpu.memory_space<vmem>>, vector<1x16xi32>,
    %and3A_232 = arith.constant 65535 : i32
    %and3A_233 = vector.broadcast %and3A_232 : i32 to vector<16xi32>
    %and3A_234 = arith.andi %get3A_222, %and3A_233 : vector<16xi32>
    %swap3A_235 = arith.constant 0 : i32
    %swap3A_236 = arith.index_cast %swap3A_235 : i32 to index
    %swap3A_237 = arith.constant 16 : index
    %swap3A_238 = tpu.vector_load %arg10[%swap3A_236, %swap3A_237] {strides = array<i32>} : memref<1x128xi32, #tpu.memory_space<vmem>>, vector<1x16xi32>,
    %swap3A_239 = vector.shape_cast %swap3A_238 : vector<1x16xi32> to vector<16xi32>
    %swap3A_240 = vector.shape_cast %and3A_234 : vector<16xi32> to vector<1x16xi32>
    tpu.vector_store %arg10[%swap3A_236, %swap3A_237], %swap3A_240 {strides = array<i32>} : memref<1x128xi32, #tpu.memory_space<vmem>>, vector<1x16xi32>,
    %get3A_241 = arith.constant 1 : i32
    %get3A_242 = arith.index_cast %get3A_241 : i32 to index
    %get3A_243 = arith.constant 32 : index
    %get3A_244 = tpu.vector_load %arg6[%get3A_242, %get3A_243] {strides = array<i32>} : memref<80x128xi32, #tpu.memory_space<vmem>>, vector<1x16xi32>,
    %get3A_245 = vector.shape_cast %get3A_244 : vector<1x16xi32> to vector<16xi32>
    %shift_right_arithmetic3A_246 = arith.constant 16 : i32
    %shift_right_arithmetic3A_247 = vector.broadcast %shift_right_arithmetic3A_246 : i32 to vector<16xi32>
    %shift_right_arithmetic3A_248 = arith.shrsi %get3A_245, %shift_right_arithmetic3A_247 : vector<16xi32>
    %swap3A_249 = arith.constant 0 : i32
    %swap3A_250 = arith.index_cast %swap3A_249 : i32 to index
    %swap3A_251 = arith.constant 32 : index
    %swap3A_252 = tpu.vector_load %arg8[%swap3A_250, %swap3A_251] {strides = array<i32>} : memref<1x128xi32, #tpu.memory_space<vmem>>, vector<1x16xi32>,
    %swap3A_253 = vector.shape_cast %swap3A_252 : vector<1x16xi32> to vector<16xi32>
    %swap3A_254 = vector.shape_cast %shift_right_arithmetic3A_248 : vector<16xi32> to vector<1x16xi32>
    tpu.vector_store %arg8[%swap3A_250, %swap3A_251], %swap3A_254 {strides = array<i32>} : memref<1x128xi32, #tpu.memory_space<vmem>>, vector<1x16xi32>,
    %and3A_255 = arith.constant 65535 : i32
    %and3A_256 = vector.broadcast %and3A_255 : i32 to vector<16xi32>
    %and3A_257 = arith.andi %get3A_245, %and3A_256 : vector<16xi32>
    %swap3A_258 = arith.constant 0 : i32
    %swap3A_259 = arith.index_cast %swap3A_258 : i32 to index
    %swap3A_260 = arith.constant 32 : index
    %swap3A_261 = tpu.vector_load %arg10[%swap3A_259, %swap3A_260] {strides = array<i32>} : memref<1x128xi32, #tpu.memory_space<vmem>>, vector<1x16xi32>,
    %swap3A_262 = vector.shape_cast %swap3A_261 : vector<1x16xi32> to vector<16xi32>
    %swap3A_263 = vector.shape_cast %and3A_257 : vector<16xi32> to vector<1x16xi32>
    tpu.vector_store %arg10[%swap3A_259, %swap3A_260], %swap3A_263 {strides = array<i32>} : memref<1x128xi32, #tpu.memory_space<vmem>>, vector<1x16xi32>,
    %get3A_264 = arith.constant 1 : i32
    %get3A_265 = arith.index_cast %get3A_264 : i32 to index
    %get3A_266 = arith.constant 48 : index
    %get3A_267 = tpu.vector_load %arg6[%get3A_265, %get3A_266] {strides = array<i32>} : memref<80x128xi32, #tpu.memory_space<vmem>>, vector<1x16xi32>,
    %get3A_268 = vector.shape_cast %get3A_267 : vector<1x16xi32> to vector<16xi32>
    %shift_right_arithmetic3A_269 = arith.constant 16 : i32
    %shift_right_arithmetic3A_270 = vector.broadcast %shift_right_arithmetic3A_269 : i32 to vector<16xi32>
    %shift_right_arithmetic3A_271 = arith.shrsi %get3A_268, %shift_right_arithmetic3A_270 : vector<16xi32>
    %swap3A_272 = arith.constant 0 : i32
    %swap3A_273 = arith.index_cast %swap3A_272 : i32 to index
    %swap3A_274 = arith.constant 48 : index
    %swap3A_275 = tpu.vector_load %arg8[%swap3A_273, %swap3A_274] {strides = array<i32>} : memref<1x128xi32, #tpu.memory_space<vmem>>, vector<1x16xi32>,
    %swap3A_276 = vector.shape_cast %swap3A_275 : vector<1x16xi32> to vector<16xi32>
    %swap3A_277 = vector.shape_cast %shift_right_arithmetic3A_271 : vector<16xi32> to vector<1x16xi32>
    tpu.vector_store %arg8[%swap3A_273, %swap3A_274], %swap3A_277 {strides = array<i32>} : memref<1x128xi32, #tpu.memory_space<vmem>>, vector<1x16xi32>,
    %and3A_278 = arith.constant 65535 : i32
    %and3A_279 = vector.broadcast %and3A_278 : i32 to vector<16xi32>
    %and3A_280 = arith.andi %get3A_268, %and3A_279 : vector<16xi32>
    %swap3A_281 = arith.constant 0 : i32
    %swap3A_282 = arith.index_cast %swap3A_281 : i32 to index
    %swap3A_283 = arith.constant 48 : index
    %swap3A_284 = tpu.vector_load %arg10[%swap3A_282, %swap3A_283] {strides = array<i32>} : memref<1x128xi32, #tpu.memory_space<vmem>>, vector<1x16xi32>,
    %swap3A_285 = vector.shape_cast %swap3A_284 : vector<1x16xi32> to vector<16xi32>
    %swap3A_286 = vector.shape_cast %and3A_280 : vector<16xi32> to vector<1x16xi32>
    tpu.vector_store %arg10[%swap3A_282, %swap3A_283], %swap3A_286 {strides = array<i32>} : memref<1x128xi32, #tpu.memory_space<vmem>>, vector<1x16xi32>,
    %get3A_287 = arith.constant 1 : i32
    %get3A_288 = arith.index_cast %get3A_287 : i32 to index
    %get3A_289 = arith.constant 64 : index
    %get3A_290 = tpu.vector_load %arg6[%get3A_288, %get3A_289] {strides = array<i32>} : memref<80x128xi32, #tpu.memory_space<vmem>>, vector<1x16xi32>,
    %get3A_291 = vector.shape_cast %get3A_290 : vector<1x16xi32> to vector<16xi32>
    %shift_right_arithmetic3A_292 = arith.constant 16 : i32
    %shift_right_arithmetic3A_293 = vector.broadcast %shift_right_arithmetic3A_292 : i32 to vector<16xi32>
    %shift_right_arithmetic3A_294 = arith.shrsi %get3A_291, %shift_right_arithmetic3A_293 : vector<16xi32>
    %swap3A_295 = arith.constant 0 : i32
    %swap3A_296 = arith.index_cast %swap3A_295 : i32 to index
    %swap3A_297 = arith.constant 64 : index
    %swap3A_298 = tpu.vector_load %arg8[%swap3A_296, %swap3A_297] {strides = array<i32>} : memref<1x128xi32, #tpu.memory_space<vmem>>, vector<1x16xi32>,
    %swap3A_299 = vector.shape_cast %swap3A_298 : vector<1x16xi32> to vector<16xi32>
    %swap3A_300 = vector.shape_cast %shift_right_arithmetic3A_294 : vector<16xi32> to vector<1x16xi32>
    tpu.vector_store %arg8[%swap3A_296, %swap3A_297], %swap3A_300 {strides = array<i32>} : memref<1x128xi32, #tpu.memory_space<vmem>>, vector<1x16xi32>,
    %and3A_301 = arith.constant 65535 : i32
    %and3A_302 = vector.broadcast %and3A_301 : i32 to vector<16xi32>
    %and3A_303 = arith.andi %get3A_291, %and3A_302 : vector<16xi32>
    %swap3A_304 = arith.constant 0 : i32
    %swap3A_305 = arith.index_cast %swap3A_304 : i32 to index
    %swap3A_306 = arith.constant 64 : index
    %swap3A_307 = tpu.vector_load %arg10[%swap3A_305, %swap3A_306] {strides = array<i32>} : memref<1x128xi32, #tpu.memory_space<vmem>>, vector<1x16xi32>,
    %swap3A_308 = vector.shape_cast %swap3A_307 : vector<1x16xi32> to vector<16xi32>
    %swap3A_309 = vector.shape_cast %and3A_303 : vector<16xi32> to vector<1x16xi32>
    tpu.vector_store %arg10[%swap3A_305, %swap3A_306], %swap3A_309 {strides = array<i32>} : memref<1x128xi32, #tpu.memory_space<vmem>>, vector<1x16xi32>,
    %get3A_310 = arith.constant 1 : i32
    %get3A_311 = arith.index_cast %get3A_310 : i32 to index
    %get3A_312 = arith.constant 80 : index
    %get3A_313 = tpu.vector_load %arg6[%get3A_311, %get3A_312] {strides = array<i32>} : memref<80x128xi32, #tpu.memory_space<vmem>>, vector<1x16xi32>,
    %get3A_314 = vector.shape_cast %get3A_313 : vector<1x16xi32> to vector<16xi32>
    %shift_right_arithmetic3A_315 = arith.constant 16 : i32
    %shift_right_arithmetic3A_316 = vector.broadcast %shift_right_arithmetic3A_315 : i32 to vector<16xi32>
    %shift_right_arithmetic3A_317 = arith.shrsi %get3A_314, %shift_right_arithmetic3A_316 : vector<16xi32>
    %swap3A_318 = arith.constant 0 : i32
    %swap3A_319 = arith.index_cast %swap3A_318 : i32 to index
    %swap3A_320 = arith.constant 80 : index
    %swap3A_321 = tpu.vector_load %arg8[%swap3A_319, %swap3A_320] {strides = array<i32>} : memref<1x128xi32, #tpu.memory_space<vmem>>, vector<1x16xi32>,
    %swap3A_322 = vector.shape_cast %swap3A_321 : vector<1x16xi32> to vector<16xi32>
    %swap3A_323 = vector.shape_cast %shift_right_arithmetic3A_317 : vector<16xi32> to vector<1x16xi32>
    tpu.vector_store %arg8[%swap3A_319, %swap3A_320], %swap3A_323 {strides = array<i32>} : memref<1x128xi32, #tpu.memory_space<vmem>>, vector<1x16xi32>,
    %and3A_324 = arith.constant 65535 : i32
    %and3A_325 = vector.broadcast %and3A_324 : i32 to vector<16xi32>
    %and3A_326 = arith.andi %get3A_314, %and3A_325 : vector<16xi32>
    %swap3A_327 = arith.constant 0 : i32
    %swap3A_328 = arith.index_cast %swap3A_327 : i32 to index
    %swap3A_329 = arith.constant 80 : index
    %swap3A_330 = tpu.vector_load %arg10[%swap3A_328, %swap3A_329] {strides = array<i32>} : memref<1x128xi32, #tpu.memory_space<vmem>>, vector<1x16xi32>,
    %swap3A_331 = vector.shape_cast %swap3A_330 : vector<1x16xi32> to vector<16xi32>
    %swap3A_332 = vector.shape_cast %and3A_326 : vector<16xi32> to vector<1x16xi32>
    tpu.vector_store %arg10[%swap3A_328, %swap3A_329], %swap3A_332 {strides = array<i32>} : memref<1x128xi32, #tpu.memory_space<vmem>>, vector<1x16xi32>,
    %get3A_333 = arith.constant 1 : i32
    %get3A_334 = arith.index_cast %get3A_333 : i32 to index
    %get3A_335 = arith.constant 96 : index
    %get3A_336 = tpu.vector_load %arg6[%get3A_334, %get3A_335] {strides = array<i32>} : memref<80x128xi32, #tpu.memory_space<vmem>>, vector<1x16xi32>,
    %get3A_337 = vector.shape_cast %get3A_336 : vector<1x16xi32> to vector<16xi32>
    %shift_right_arithmetic3A_338 = arith.constant 16 : i32
    %shift_right_arithmetic3A_339 = vector.broadcast %shift_right_arithmetic3A_338 : i32 to vector<16xi32>
    %shift_right_arithmetic3A_340 = arith.shrsi %get3A_337, %shift_right_arithmetic3A_339 : vector<16xi32>
    %swap3A_341 = arith.constant 0 : i32
    %swap3A_342 = arith.index_cast %swap3A_341 : i32 to index
    %swap3A_343 = arith.constant 96 : index
    %swap3A_344 = tpu.vector_load %arg8[%swap3A_342, %swap3A_343] {strides = array<i32>} : memref<1x128xi32, #tpu.memory_space<vmem>>, vector<1x16xi32>,
    %swap3A_345 = vector.shape_cast %swap3A_344 : vector<1x16xi32> to vector<16xi32>
    %swap3A_346 = vector.shape_cast %shift_right_arithmetic3A_340 : vector<16xi32> to vector<1x16xi32>
    tpu.vector_store %arg8[%swap3A_342, %swap3A_343], %swap3A_346 {strides = array<i32>} : memref<1x128xi32, #tpu.memory_space<vmem>>, vector<1x16xi32>,
    %and3A_347 = arith.constant 65535 : i32
    %and3A_348 = vector.broadcast %and3A_347 : i32 to vector<16xi32>
    %and3A_349 = arith.andi %get3A_337, %and3A_348 : vector<16xi32>
    %swap3A_350 = arith.constant 0 : i32
    %swap3A_351 = arith.index_cast %swap3A_350 : i32 to index
    %swap3A_352 = arith.constant 96 : index
    %swap3A_353 = tpu.vector_load %arg10[%swap3A_351, %swap3A_352] {strides = array<i32>} : memref<1x128xi32, #tpu.memory_space<vmem>>, vector<1x16xi32>,
    %swap3A_354 = vector.shape_cast %swap3A_353 : vector<1x16xi32> to vector<16xi32>
    %swap3A_355 = vector.shape_cast %and3A_349 : vector<16xi32> to vector<1x16xi32>
    tpu.vector_store %arg10[%swap3A_351, %swap3A_352], %swap3A_355 {strides = array<i32>} : memref<1x128xi32, #tpu.memory_space<vmem>>, vector<1x16xi32>,
    %get3A_356 = arith.constant 1 : i32
    %get3A_357 = arith.index_cast %get3A_356 : i32 to index
    %get3A_358 = arith.constant 112 : index
    %get3A_359 = tpu.vector_load %arg6[%get3A_357, %get3A_358] {strides = array<i32>} : memref<80x128xi32, #tpu.memory_space<vmem>>, vector<1x16xi32>,
    %get3A_360 = vector.shape_cast %get3A_359 : vector<1x16xi32> to vector<16xi32>
    %shift_right_arithmetic3A_361 = arith.constant 16 : i32
    %shift_right_arithmetic3A_362 = vector.broadcast %shift_right_arithmetic3A_361 : i32 to vector<16xi32>
    %shift_right_arithmetic3A_363 = arith.shrsi %get3A_360, %shift_right_arithmetic3A_362 : vector<16xi32>
    %swap3A_364 = arith.constant 0 : i32
    %swap3A_365 = arith.index_cast %swap3A_364 : i32 to index
    %swap3A_366 = arith.constant 112 : index
    %swap3A_367 = tpu.vector_load %arg8[%swap3A_365, %swap3A_366] {strides = array<i32>} : memref<1x128xi32, #tpu.memory_space<vmem>>, vector<1x16xi32>,
    %swap3A_368 = vector.shape_cast %swap3A_367 : vector<1x16xi32> to vector<16xi32>
    %swap3A_369 = vector.shape_cast %shift_right_arithmetic3A_363 : vector<16xi32> to vector<1x16xi32>
    tpu.vector_store %arg8[%swap3A_365, %swap3A_366], %swap3A_369 {strides = array<i32>} : memref<1x128xi32, #tpu.memory_space<vmem>>, vector<1x16xi32>,
    %and3A_370 = arith.constant 65535 : i32
    %and3A_371 = vector.broadcast %and3A_370 : i32 to vector<16xi32>
    %and3A_372 = arith.andi %get3A_360, %and3A_371 : vector<16xi32>
    %swap3A_373 = arith.constant 0 : i32
    %swap3A_374 = arith.index_cast %swap3A_373 : i32 to index
    %swap3A_375 = arith.constant 112 : index
    %swap3A_376 = tpu.vector_load %arg10[%swap3A_374, %swap3A_375] {strides = array<i32>} : memref<1x128xi32, #tpu.memory_space<vmem>>, vector<1x16xi32>,
    %swap3A_377 = vector.shape_cast %swap3A_376 : vector<1x16xi32> to vector<16xi32>
    %swap3A_378 = vector.shape_cast %and3A_372 : vector<16xi32> to vector<1x16xi32>
    tpu.vector_store %arg10[%swap3A_374, %swap3A_375], %swap3A_378 {strides = array<i32>} : memref<1x128xi32, #tpu.memory_space<vmem>>, vector<1x16xi32>,
    %dma_start3A_379 = arith.constant 0 : i32
    %dma_start3A_380 = arith.constant 0 : i32
    %dma_start3A_381 = tpu.memref_slice %arg8[%dma_start3A_379, %dma_start3A_380] : memref<1x128xi32, #tpu.memory_space<vmem>> -> memref<1x128xi32, #tpu.memory_space<vmem>>
    %dma_start3A_382 = tpu.memref_squeeze %dma_start3A_381 : memref<1x128xi32, #tpu.memory_space<vmem>> -> memref<128xi32, #tpu.memory_space<vmem>>
    %dma_start3A_383 = arith.constant 0 : i32
    %dma_start3A_384 = arith.constant 0 : i32
    %dma_start3A_385 = tpu.memref_slice %arg2[%dma_start3A_383, %dma_start3A_384] : memref<10000x128xf32, #tpu.memory_space<hbm>> -> memref<10000x128xf32, #tpu.memory_space<hbm>>
    tpu.enqueue_indirect_dma source(%dma_start3A_385 : memref<10000x128xf32, #tpu.memory_space<hbm>>) target(%arg12 : memref<128x128xf32, #tpu.memory_space<vmem>>) offsets(%dma_start3A_382 : memref<128xi32, #tpu.memory_space<vmem>>) semaphore(%arg14 : memref<!tpu.dma_semaphore, #tpu.memory_space<semaphore_mem>>)
    %scan3A = arith.constant 0 : i32
    %scan3A_386 = arith.constant 0 : i32
    %scan3A_387 = arith.constant 40 : i32
    %scan3A_388 = arith.addi %scan3A_386, %scan3A_387 : i32
    %scan3A_389 = arith.constant 1 : i32
    scf.for %scan3A_402 = %scan3A_386 to %scan3A_388 step %scan3A_389  : i32 {
      %mul3A_403 = arith.constant 2 : i32
      %mul3A_404 = arith.muli %scan3A_402, %mul3A_403 : i32
      %add3A_405 = arith.constant 0 : i32
      %add3A_406 = arith.addi %mul3A_404, %add3A_405 : i32
      %dma_wait3A = arith.constant 0 : i32
      %dma_wait3A_407 = arith.constant 0 : i32
      %dma_wait3A_408 = tpu.memref_slice %arg7[%dma_wait3A, %dma_wait3A_407] : memref<1x128xi32, #tpu.memory_space<vmem>> -> memref<1x128xi32, #tpu.memory_space<vmem>>
      %dma_wait3A_409 = tpu.memref_squeeze %dma_wait3A_408 : memref<1x128xi32, #tpu.memory_space<vmem>> -> memref<128xi32, #tpu.memory_space<vmem>>
      %dma_wait3A_410 = arith.constant 0 : i32
      %dma_wait3A_411 = arith.constant 0 : i32
      %dma_wait3A_412 = tpu.memref_slice %arg2[%dma_wait3A_410, %dma_wait3A_411] : memref<10000x128xf32, #tpu.memory_space<hbm>> -> memref<10000x128xf32, #tpu.memory_space<hbm>>
      tpu.wait_indirect_dma semaphore(%arg13 : memref<!tpu.dma_semaphore, #tpu.memory_space<semaphore_mem>>) src(%dma_wait3A_412 : memref<10000x128xf32, #tpu.memory_space<hbm>>) dst(%arg11 : memref<128x128xf32, #tpu.memory_space<vmem>>)
      %run_scoped3A = arith.constant 0 : i32
      "tpu.region"() ({
        %run_scoped3A_437 = tpu.sem_alloc : memref<!tpu.dma_semaphore, #tpu.memory_space<semaphore_mem>>
        %dma_start3A_438 = arith.constant 0 : i32
        %dma_start3A_439 = tpu.memref_slice %arg9[%run_scoped3A, %dma_start3A_438] : memref<1x128xi32, #tpu.memory_space<vmem>> -> memref<1x128xi32, #tpu.memory_space<vmem>>
        %dma_start3A_440 = tpu.memref_squeeze %dma_start3A_439 : memref<1x128xi32, #tpu.memory_space<vmem>> -> memref<128xi32, #tpu.memory_space<vmem>>
        %dma_start3A_441 = arith.constant 0 : i32
        %dma_start3A_442 = arith.constant 0 : i32
        %dma_start3A_443 = tpu.memref_slice %arg5[%dma_start3A_441, %dma_start3A_442] : memref<10240x128xf32, #tpu.memory_space<vmem_shared>> -> memref<10240x128xf32, #tpu.memory_space<vmem_shared>>
        tpu.enqueue_indirect_dma source(%arg11 : memref<128x128xf32, #tpu.memory_space<vmem>>) target(%dma_start3A_443 : memref<10240x128xf32, #tpu.memory_space<vmem_shared>>) offsets(%dma_start3A_440 : memref<128xi32, #tpu.memory_space<vmem>>) semaphore(%run_scoped3A_437 : memref<!tpu.dma_semaphore, #tpu.memory_space<semaphore_mem>>) {add = true}
        %dma_wait3A_444 = arith.constant 0 : i32
        %dma_wait3A_445 = tpu.memref_slice %arg9[%run_scoped3A, %dma_wait3A_444] : memref<1x128xi32, #tpu.memory_space<vmem>> -> memref<1x128xi32, #tpu.memory_space<vmem>>
        %dma_wait3A_446 = tpu.memref_squeeze %dma_wait3A_445 : memref<1x128xi32, #tpu.memory_space<vmem>> -> memref<128xi32, #tpu.memory_space<vmem>>
        %dma_wait3A_447 = arith.constant 0 : i32
        %dma_wait3A_448 = arith.constant 0 : i32
        %dma_wait3A_449 = tpu.memref_slice %arg5[%dma_wait3A_447, %dma_wait3A_448] : memref<10240x128xf32, #tpu.memory_space<vmem_shared>> -> memref<10240x128xf32, #tpu.memory_space<vmem_shared>>
        tpu.wait_indirect_dma semaphore(%run_scoped3A_437 : memref<!tpu.dma_semaphore, #tpu.memory_space<semaphore_mem>>) src(%arg11 : memref<128x128xf32, #tpu.memory_space<vmem>>) dst(%dma_wait3A_449 : memref<10240x128xf32, #tpu.memory_space<vmem_shared>>)
        tpu.yield
      }) : () -> ()
      %add3A_413 = arith.constant 2 : i32
      %add3A_414 = arith.addi %add3A_406, %add3A_413 : i32
      %lt3A_415 = arith.constant 80 : i32
      %lt3A_416 = arith.cmpi slt, %add3A_414, %lt3A_415 : i32
      %convert_element_type3A_417 = arith.extui %lt3A_416 : i1 to i32
      %cond3A_418 = arith.constant 0 : i32
      %cond3A_419 = arith.cmpi ne, %convert_element_type3A_417, %cond3A_418 : i32
      scf.if %cond3A_419 {
        %get3A_437 = arith.index_cast %add3A_414 : i32 to index
        %get3A_438 = arith.constant 0 : index
        %get3A_439 = tpu.vector_load %arg6[%get3A_437, %get3A_438] {strides = array<i32>} : memref<80x128xi32, #tpu.memory_space<vmem>>, vector<1x16xi32>,
        %get3A_440 = vector.shape_cast %get3A_439 : vector<1x16xi32> to vector<16xi32>
        %shift_right_arithmetic3A_441 = arith.constant 16 : i32
        %shift_right_arithmetic3A_442 = vector.broadcast %shift_right_arithmetic3A_441 : i32 to vector<16xi32>
        %shift_right_arithmetic3A_443 = arith.shrsi %get3A_440, %shift_right_arithmetic3A_442 : vector<16xi32>
        %swap3A_444 = arith.constant 0 : i32
        %swap3A_445 = arith.index_cast %swap3A_444 : i32 to index
        %swap3A_446 = arith.constant 0 : index
        %swap3A_447 = tpu.vector_load %arg7[%swap3A_445, %swap3A_446] {strides = array<i32>} : memref<1x128xi32, #tpu.memory_space<vmem>>, vector<1x16xi32>,
        %swap3A_448 = vector.shape_cast %swap3A_447 : vector<1x16xi32> to vector<16xi32>
        %swap3A_449 = vector.shape_cast %shift_right_arithmetic3A_443 : vector<16xi32> to vector<1x16xi32>
        tpu.vector_store %arg7[%swap3A_445, %swap3A_446], %swap3A_449 {strides = array<i32>} : memref<1x128xi32, #tpu.memory_space<vmem>>, vector<1x16xi32>,
        %and3A_450 = arith.constant 65535 : i32
        %and3A_451 = vector.broadcast %and3A_450 : i32 to vector<16xi32>
        %and3A_452 = arith.andi %get3A_440, %and3A_451 : vector<16xi32>
        %swap3A_453 = arith.constant 0 : i32
        %swap3A_454 = arith.index_cast %swap3A_453 : i32 to index
        %swap3A_455 = arith.constant 0 : index
        %swap3A_456 = tpu.vector_load %arg9[%swap3A_454, %swap3A_455] {strides = array<i32>} : memref<1x128xi32, #tpu.memory_space<vmem>>, vector<1x16xi32>,
        %swap3A_457 = vector.shape_cast %swap3A_456 : vector<1x16xi32> to vector<16xi32>
        %swap3A_458 = vector.shape_cast %and3A_452 : vector<16xi32> to vector<1x16xi32>
        tpu.vector_store %arg9[%swap3A_454, %swap3A_455], %swap3A_458 {strides = array<i32>} : memref<1x128xi32, #tpu.memory_space<vmem>>, vector<1x16xi32>,
        %get3A_459 = arith.index_cast %add3A_414 : i32 to index
        %get3A_460 = arith.constant 16 : index
        %get3A_461 = tpu.vector_load %arg6[%get3A_459, %get3A_460] {strides = array<i32>} : memref<80x128xi32, #tpu.memory_space<vmem>>, vector<1x16xi32>,
        %get3A_462 = vector.shape_cast %get3A_461 : vector<1x16xi32> to vector<16xi32>
        %shift_right_arithmetic3A_463 = arith.constant 16 : i32
        %shift_right_arithmetic3A_464 = vector.broadcast %shift_right_arithmetic3A_463 : i32 to vector<16xi32>
        %shift_right_arithmetic3A_465 = arith.shrsi %get3A_462, %shift_right_arithmetic3A_464 : vector<16xi32>
        %swap3A_466 = arith.constant 0 : i32
        %swap3A_467 = arith.index_cast %swap3A_466 : i32 to index
        %swap3A_468 = arith.constant 16 : index
        %swap3A_469 = tpu.vector_load %arg7[%swap3A_467, %swap3A_468] {strides = array<i32>} : memref<1x128xi32, #tpu.memory_space<vmem>>, vector<1x16xi32>,
        %swap3A_470 = vector.shape_cast %swap3A_469 : vector<1x16xi32> to vector<16xi32>
        %swap3A_471 = vector.shape_cast %shift_right_arithmetic3A_465 : vector<16xi32> to vector<1x16xi32>
        tpu.vector_store %arg7[%swap3A_467, %swap3A_468], %swap3A_471 {strides = array<i32>} : memref<1x128xi32, #tpu.memory_space<vmem>>, vector<1x16xi32>,
        %and3A_472 = arith.constant 65535 : i32
        %and3A_473 = vector.broadcast %and3A_472 : i32 to vector<16xi32>
        %and3A_474 = arith.andi %get3A_462, %and3A_473 : vector<16xi32>
        %swap3A_475 = arith.constant 0 : i32
        %swap3A_476 = arith.index_cast %swap3A_475 : i32 to index
        %swap3A_477 = arith.constant 16 : index
        %swap3A_478 = tpu.vector_load %arg9[%swap3A_476, %swap3A_477] {strides = array<i32>} : memref<1x128xi32, #tpu.memory_space<vmem>>, vector<1x16xi32>,
        %swap3A_479 = vector.shape_cast %swap3A_478 : vector<1x16xi32> to vector<16xi32>
        %swap3A_480 = vector.shape_cast %and3A_474 : vector<16xi32> to vector<1x16xi32>
        tpu.vector_store %arg9[%swap3A_476, %swap3A_477], %swap3A_480 {strides = array<i32>} : memref<1x128xi32, #tpu.memory_space<vmem>>, vector<1x16xi32>,
        %get3A_481 = arith.index_cast %add3A_414 : i32 to index
        %get3A_482 = arith.constant 32 : index
        %get3A_483 = tpu.vector_load %arg6[%get3A_481, %get3A_482] {strides = array<i32>} : memref<80x128xi32, #tpu.memory_space<vmem>>, vector<1x16xi32>,
        %get3A_484 = vector.shape_cast %get3A_483 : vector<1x16xi32> to vector<16xi32>
        %shift_right_arithmetic3A_485 = arith.constant 16 : i32
        %shift_right_arithmetic3A_486 = vector.broadcast %shift_right_arithmetic3A_485 : i32 to vector<16xi32>
        %shift_right_arithmetic3A_487 = arith.shrsi %get3A_484, %shift_right_arithmetic3A_486 : vector<16xi32>
        %swap3A_488 = arith.constant 0 : i32
        %swap3A_489 = arith.index_cast %swap3A_488 : i32 to index
        %swap3A_490 = arith.constant 32 : index
        %swap3A_491 = tpu.vector_load %arg7[%swap3A_489, %swap3A_490] {strides = array<i32>} : memref<1x128xi32, #tpu.memory_space<vmem>>, vector<1x16xi32>,
        %swap3A_492 = vector.shape_cast %swap3A_491 : vector<1x16xi32> to vector<16xi32>
        %swap3A_493 = vector.shape_cast %shift_right_arithmetic3A_487 : vector<16xi32> to vector<1x16xi32>
        tpu.vector_store %arg7[%swap3A_489, %swap3A_490], %swap3A_493 {strides = array<i32>} : memref<1x128xi32, #tpu.memory_space<vmem>>, vector<1x16xi32>,
        %and3A_494 = arith.constant 65535 : i32
        %and3A_495 = vector.broadcast %and3A_494 : i32 to vector<16xi32>
        %and3A_496 = arith.andi %get3A_484, %and3A_495 : vector<16xi32>
        %swap3A_497 = arith.constant 0 : i32
        %swap3A_498 = arith.index_cast %swap3A_497 : i32 to index
        %swap3A_499 = arith.constant 32 : index
        %swap3A_500 = tpu.vector_load %arg9[%swap3A_498, %swap3A_499] {strides = array<i32>} : memref<1x128xi32, #tpu.memory_space<vmem>>, vector<1x16xi32>,
        %swap3A_501 = vector.shape_cast %swap3A_500 : vector<1x16xi32> to vector<16xi32>
        %swap3A_502 = vector.shape_cast %and3A_496 : vector<16xi32> to vector<1x16xi32>
        tpu.vector_store %arg9[%swap3A_498, %swap3A_499], %swap3A_502 {strides = array<i32>} : memref<1x128xi32, #tpu.memory_space<vmem>>, vector<1x16xi32>,
        %get3A_503 = arith.index_cast %add3A_414 : i32 to index
        %get3A_504 = arith.constant 48 : index
        %get3A_505 = tpu.vector_load %arg6[%get3A_503, %get3A_504] {strides = array<i32>} : memref<80x128xi32, #tpu.memory_space<vmem>>, vector<1x16xi32>,
        %get3A_506 = vector.shape_cast %get3A_505 : vector<1x16xi32> to vector<16xi32>
        %shift_right_arithmetic3A_507 = arith.constant 16 : i32
        %shift_right_arithmetic3A_508 = vector.broadcast %shift_right_arithmetic3A_507 : i32 to vector<16xi32>
        %shift_right_arithmetic3A_509 = arith.shrsi %get3A_506, %shift_right_arithmetic3A_508 : vector<16xi32>
        %swap3A_510 = arith.constant 0 : i32
        %swap3A_511 = arith.index_cast %swap3A_510 : i32 to index
        %swap3A_512 = arith.constant 48 : index
        %swap3A_513 = tpu.vector_load %arg7[%swap3A_511, %swap3A_512] {strides = array<i32>} : memref<1x128xi32, #tpu.memory_space<vmem>>, vector<1x16xi32>,
        %swap3A_514 = vector.shape_cast %swap3A_513 : vector<1x16xi32> to vector<16xi32>
        %swap3A_515 = vector.shape_cast %shift_right_arithmetic3A_509 : vector<16xi32> to vector<1x16xi32>
        tpu.vector_store %arg7[%swap3A_511, %swap3A_512], %swap3A_515 {strides = array<i32>} : memref<1x128xi32, #tpu.memory_space<vmem>>, vector<1x16xi32>,
        %and3A_516 = arith.constant 65535 : i32
        %and3A_517 = vector.broadcast %and3A_516 : i32 to vector<16xi32>
        %and3A_518 = arith.andi %get3A_506, %and3A_517 : vector<16xi32>
        %swap3A_519 = arith.constant 0 : i32
        %swap3A_520 = arith.index_cast %swap3A_519 : i32 to index
        %swap3A_521 = arith.constant 48 : index
        %swap3A_522 = tpu.vector_load %arg9[%swap3A_520, %swap3A_521] {strides = array<i32>} : memref<1x128xi32, #tpu.memory_space<vmem>>, vector<1x16xi32>,
        %swap3A_523 = vector.shape_cast %swap3A_522 : vector<1x16xi32> to vector<16xi32>
        %swap3A_524 = vector.shape_cast %and3A_518 : vector<16xi32> to vector<1x16xi32>
        tpu.vector_store %arg9[%swap3A_520, %swap3A_521], %swap3A_524 {strides = array<i32>} : memref<1x128xi32, #tpu.memory_space<vmem>>, vector<1x16xi32>,
        %get3A_525 = arith.index_cast %add3A_414 : i32 to index
        %get3A_526 = arith.constant 64 : index
        %get3A_527 = tpu.vector_load %arg6[%get3A_525, %get3A_526] {strides = array<i32>} : memref<80x128xi32, #tpu.memory_space<vmem>>, vector<1x16xi32>,
        %get3A_528 = vector.shape_cast %get3A_527 : vector<1x16xi32> to vector<16xi32>
        %shift_right_arithmetic3A_529 = arith.constant 16 : i32
        %shift_right_arithmetic3A_530 = vector.broadcast %shift_right_arithmetic3A_529 : i32 to vector<16xi32>
        %shift_right_arithmetic3A_531 = arith.shrsi %get3A_528, %shift_right_arithmetic3A_530 : vector<16xi32>
        %swap3A_532 = arith.constant 0 : i32
        %swap3A_533 = arith.index_cast %swap3A_532 : i32 to index
        %swap3A_534 = arith.constant 64 : index
        %swap3A_535 = tpu.vector_load %arg7[%swap3A_533, %swap3A_534] {strides = array<i32>} : memref<1x128xi32, #tpu.memory_space<vmem>>, vector<1x16xi32>,
        %swap3A_536 = vector.shape_cast %swap3A_535 : vector<1x16xi32> to vector<16xi32>
        %swap3A_537 = vector.shape_cast %shift_right_arithmetic3A_531 : vector<16xi32> to vector<1x16xi32>
        tpu.vector_store %arg7[%swap3A_533, %swap3A_534], %swap3A_537 {strides = array<i32>} : memref<1x128xi32, #tpu.memory_space<vmem>>, vector<1x16xi32>,
        %and3A_538 = arith.constant 65535 : i32
        %and3A_539 = vector.broadcast %and3A_538 : i32 to vector<16xi32>
        %and3A_540 = arith.andi %get3A_528, %and3A_539 : vector<16xi32>
        %swap3A_541 = arith.constant 0 : i32
        %swap3A_542 = arith.index_cast %swap3A_541 : i32 to index
        %swap3A_543 = arith.constant 64 : index
        %swap3A_544 = tpu.vector_load %arg9[%swap3A_542, %swap3A_543] {strides = array<i32>} : memref<1x128xi32, #tpu.memory_space<vmem>>, vector<1x16xi32>,
        %swap3A_545 = vector.shape_cast %swap3A_544 : vector<1x16xi32> to vector<16xi32>
        %swap3A_546 = vector.shape_cast %and3A_540 : vector<16xi32> to vector<1x16xi32>
        tpu.vector_store %arg9[%swap3A_542, %swap3A_543], %swap3A_546 {strides = array<i32>} : memref<1x128xi32, #tpu.memory_space<vmem>>, vector<1x16xi32>,
        %get3A_547 = arith.index_cast %add3A_414 : i32 to index
        %get3A_548 = arith.constant 80 : index
        %get3A_549 = tpu.vector_load %arg6[%get3A_547, %get3A_548] {strides = array<i32>} : memref<80x128xi32, #tpu.memory_space<vmem>>, vector<1x16xi32>,
        %get3A_550 = vector.shape_cast %get3A_549 : vector<1x16xi32> to vector<16xi32>
        %shift_right_arithmetic3A_551 = arith.constant 16 : i32
        %shift_right_arithmetic3A_552 = vector.broadcast %shift_right_arithmetic3A_551 : i32 to vector<16xi32>
        %shift_right_arithmetic3A_553 = arith.shrsi %get3A_550, %shift_right_arithmetic3A_552 : vector<16xi32>
        %swap3A_554 = arith.constant 0 : i32
        %swap3A_555 = arith.index_cast %swap3A_554 : i32 to index
        %swap3A_556 = arith.constant 80 : index
        %swap3A_557 = tpu.vector_load %arg7[%swap3A_555, %swap3A_556] {strides = array<i32>} : memref<1x128xi32, #tpu.memory_space<vmem>>, vector<1x16xi32>,
        %swap3A_558 = vector.shape_cast %swap3A_557 : vector<1x16xi32> to vector<16xi32>
        %swap3A_559 = vector.shape_cast %shift_right_arithmetic3A_553 : vector<16xi32> to vector<1x16xi32>
        tpu.vector_store %arg7[%swap3A_555, %swap3A_556], %swap3A_559 {strides = array<i32>} : memref<1x128xi32, #tpu.memory_space<vmem>>, vector<1x16xi32>,
        %and3A_560 = arith.constant 65535 : i32
        %and3A_561 = vector.broadcast %and3A_560 : i32 to vector<16xi32>
        %and3A_562 = arith.andi %get3A_550, %and3A_561 : vector<16xi32>
        %swap3A_563 = arith.constant 0 : i32
        %swap3A_564 = arith.index_cast %swap3A_563 : i32 to index
        %swap3A_565 = arith.constant 80 : index
        %swap3A_566 = tpu.vector_load %arg9[%swap3A_564, %swap3A_565] {strides = array<i32>} : memref<1x128xi32, #tpu.memory_space<vmem>>, vector<1x16xi32>,
        %swap3A_567 = vector.shape_cast %swap3A_566 : vector<1x16xi32> to vector<16xi32>
        %swap3A_568 = vector.shape_cast %and3A_562 : vector<16xi32> to vector<1x16xi32>
        tpu.vector_store %arg9[%swap3A_564, %swap3A_565], %swap3A_568 {strides = array<i32>} : memref<1x128xi32, #tpu.memory_space<vmem>>, vector<1x16xi32>,
        %get3A_569 = arith.index_cast %add3A_414 : i32 to index
        %get3A_570 = arith.constant 96 : index
        %get3A_571 = tpu.vector_load %arg6[%get3A_569, %get3A_570] {strides = array<i32>} : memref<80x128xi32, #tpu.memory_space<vmem>>, vector<1x16xi32>,
        %get3A_572 = vector.shape_cast %get3A_571 : vector<1x16xi32> to vector<16xi32>
        %shift_right_arithmetic3A_573 = arith.constant 16 : i32
        %shift_right_arithmetic3A_574 = vector.broadcast %shift_right_arithmetic3A_573 : i32 to vector<16xi32>
        %shift_right_arithmetic3A_575 = arith.shrsi %get3A_572, %shift_right_arithmetic3A_574 : vector<16xi32>
        %swap3A_576 = arith.constant 0 : i32
        %swap3A_577 = arith.index_cast %swap3A_576 : i32 to index
        %swap3A_578 = arith.constant 96 : index
        %swap3A_579 = tpu.vector_load %arg7[%swap3A_577, %swap3A_578] {strides = array<i32>} : memref<1x128xi32, #tpu.memory_space<vmem>>, vector<1x16xi32>,
        %swap3A_580 = vector.shape_cast %swap3A_579 : vector<1x16xi32> to vector<16xi32>
        %swap3A_581 = vector.shape_cast %shift_right_arithmetic3A_575 : vector<16xi32> to vector<1x16xi32>
        tpu.vector_store %arg7[%swap3A_577, %swap3A_578], %swap3A_581 {strides = array<i32>} : memref<1x128xi32, #tpu.memory_space<vmem>>, vector<1x16xi32>,
        %and3A_582 = arith.constant 65535 : i32
        %and3A_583 = vector.broadcast %and3A_582 : i32 to vector<16xi32>
        %and3A_584 = arith.andi %get3A_572, %and3A_583 : vector<16xi32>
        %swap3A_585 = arith.constant 0 : i32
        %swap3A_586 = arith.index_cast %swap3A_585 : i32 to index
        %swap3A_587 = arith.constant 96 : index
        %swap3A_588 = tpu.vector_load %arg9[%swap3A_586, %swap3A_587] {strides = array<i32>} : memref<1x128xi32, #tpu.memory_space<vmem>>, vector<1x16xi32>,
        %swap3A_589 = vector.shape_cast %swap3A_588 : vector<1x16xi32> to vector<16xi32>
        %swap3A_590 = vector.shape_cast %and3A_584 : vector<16xi32> to vector<1x16xi32>
        tpu.vector_store %arg9[%swap3A_586, %swap3A_587], %swap3A_590 {strides = array<i32>} : memref<1x128xi32, #tpu.memory_space<vmem>>, vector<1x16xi32>,
        %get3A_591 = arith.index_cast %add3A_414 : i32 to index
        %get3A_592 = arith.constant 112 : index
        %get3A_593 = tpu.vector_load %arg6[%get3A_591, %get3A_592] {strides = array<i32>} : memref<80x128xi32, #tpu.memory_space<vmem>>, vector<1x16xi32>,
        %get3A_594 = vector.shape_cast %get3A_593 : vector<1x16xi32> to vector<16xi32>
        %shift_right_arithmetic3A_595 = arith.constant 16 : i32
        %shift_right_arithmetic3A_596 = vector.broadcast %shift_right_arithmetic3A_595 : i32 to vector<16xi32>
        %shift_right_arithmetic3A_597 = arith.shrsi %get3A_594, %shift_right_arithmetic3A_596 : vector<16xi32>
        %swap3A_598 = arith.constant 0 : i32
        %swap3A_599 = arith.index_cast %swap3A_598 : i32 to index
        %swap3A_600 = arith.constant 112 : index
        %swap3A_601 = tpu.vector_load %arg7[%swap3A_599, %swap3A_600] {strides = array<i32>} : memref<1x128xi32, #tpu.memory_space<vmem>>, vector<1x16xi32>,
        %swap3A_602 = vector.shape_cast %swap3A_601 : vector<1x16xi32> to vector<16xi32>
        %swap3A_603 = vector.shape_cast %shift_right_arithmetic3A_597 : vector<16xi32> to vector<1x16xi32>
        tpu.vector_store %arg7[%swap3A_599, %swap3A_600], %swap3A_603 {strides = array<i32>} : memref<1x128xi32, #tpu.memory_space<vmem>>, vector<1x16xi32>,
        %and3A_604 = arith.constant 65535 : i32
        %and3A_605 = vector.broadcast %and3A_604 : i32 to vector<16xi32>
        %and3A_606 = arith.andi %get3A_594, %and3A_605 : vector<16xi32>
        %swap3A_607 = arith.constant 0 : i32
        %swap3A_608 = arith.index_cast %swap3A_607 : i32 to index
        %swap3A_609 = arith.constant 112 : index
        %swap3A_610 = tpu.vector_load %arg9[%swap3A_608, %swap3A_609] {strides = array<i32>} : memref<1x128xi32, #tpu.memory_space<vmem>>, vector<1x16xi32>,
        %swap3A_611 = vector.shape_cast %swap3A_610 : vector<1x16xi32> to vector<16xi32>
        %swap3A_612 = vector.shape_cast %and3A_606 : vector<16xi32> to vector<1x16xi32>
        tpu.vector_store %arg9[%swap3A_608, %swap3A_609], %swap3A_612 {strides = array<i32>} : memref<1x128xi32, #tpu.memory_space<vmem>>, vector<1x16xi32>,
        %dma_start3A_613 = arith.constant 0 : i32
        %dma_start3A_614 = arith.constant 0 : i32
        %dma_start3A_615 = tpu.memref_slice %arg7[%dma_start3A_613, %dma_start3A_614] : memref<1x128xi32, #tpu.memory_space<vmem>> -> memref<1x128xi32, #tpu.memory_space<vmem>>
        %dma_start3A_616 = tpu.memref_squeeze %dma_start3A_615 : memref<1x128xi32, #tpu.memory_space<vmem>> -> memref<128xi32, #tpu.memory_space<vmem>>
        %dma_start3A_617 = arith.constant 0 : i32
        %dma_start3A_618 = arith.constant 0 : i32
        %dma_start3A_619 = tpu.memref_slice %arg2[%dma_start3A_617, %dma_start3A_618] : memref<10000x128xf32, #tpu.memory_space<hbm>> -> memref<10000x128xf32, #tpu.memory_space<hbm>>
        tpu.enqueue_indirect_dma source(%dma_start3A_619 : memref<10000x128xf32, #tpu.memory_space<hbm>>) target(%arg11 : memref<128x128xf32, #tpu.memory_space<vmem>>) offsets(%dma_start3A_616 : memref<128xi32, #tpu.memory_space<vmem>>) semaphore(%arg13 : memref<!tpu.dma_semaphore, #tpu.memory_space<semaphore_mem>>)
      } else {
      }
      %add3A_420 = arith.constant 1 : i32
      %add3A_421 = arith.addi %mul3A_404, %add3A_420 : i32
      %dma_wait3A_422 = arith.constant 0 : i32
      %dma_wait3A_423 = arith.constant 0 : i32
      %dma_wait3A_424 = tpu.memref_slice %arg8[%dma_wait3A_422, %dma_wait3A_423] : memref<1x128xi32, #tpu.memory_space<vmem>> -> memref<1x128xi32, #tpu.memory_space<vmem>>
      %dma_wait3A_425 = tpu.memref_squeeze %dma_wait3A_424 : memref<1x128xi32, #tpu.memory_space<vmem>> -> memref<128xi32, #tpu.memory_space<vmem>>
      %dma_wait3A_426 = arith.constant 0 : i32
      %dma_wait3A_427 = arith.constant 0 : i32
      %dma_wait3A_428 = tpu.memref_slice %arg2[%dma_wait3A_426, %dma_wait3A_427] : memref<10000x128xf32, #tpu.memory_space<hbm>> -> memref<10000x128xf32, #tpu.memory_space<hbm>>
      tpu.wait_indirect_dma semaphore(%arg14 : memref<!tpu.dma_semaphore, #tpu.memory_space<semaphore_mem>>) src(%dma_wait3A_428 : memref<10000x128xf32, #tpu.memory_space<hbm>>) dst(%arg12 : memref<128x128xf32, #tpu.memory_space<vmem>>)
      %run_scoped3A_429 = arith.constant 0 : i32
      "tpu.region"() ({
        %run_scoped3A_437 = tpu.sem_alloc : memref<!tpu.dma_semaphore, #tpu.memory_space<semaphore_mem>>
        %dma_start3A_438 = arith.constant 0 : i32
        %dma_start3A_439 = tpu.memref_slice %arg10[%run_scoped3A_429, %dma_start3A_438] : memref<1x128xi32, #tpu.memory_space<vmem>> -> memref<1x128xi32, #tpu.memory_space<vmem>>
        %dma_start3A_440 = tpu.memref_squeeze %dma_start3A_439 : memref<1x128xi32, #tpu.memory_space<vmem>> -> memref<128xi32, #tpu.memory_space<vmem>>
        %dma_start3A_441 = arith.constant 0 : i32
        %dma_start3A_442 = arith.constant 0 : i32
        %dma_start3A_443 = tpu.memref_slice %arg5[%dma_start3A_441, %dma_start3A_442] : memref<10240x128xf32, #tpu.memory_space<vmem_shared>> -> memref<10240x128xf32, #tpu.memory_space<vmem_shared>>
        tpu.enqueue_indirect_dma source(%arg12 : memref<128x128xf32, #tpu.memory_space<vmem>>) target(%dma_start3A_443 : memref<10240x128xf32, #tpu.memory_space<vmem_shared>>) offsets(%dma_start3A_440 : memref<128xi32, #tpu.memory_space<vmem>>) semaphore(%run_scoped3A_437 : memref<!tpu.dma_semaphore, #tpu.memory_space<semaphore_mem>>) {add = true}
        %dma_wait3A_444 = arith.constant 0 : i32
        %dma_wait3A_445 = tpu.memref_slice %arg10[%run_scoped3A_429, %dma_wait3A_444] : memref<1x128xi32, #tpu.memory_space<vmem>> -> memref<1x128xi32, #tpu.memory_space<vmem>>
        %dma_wait3A_446 = tpu.memref_squeeze %dma_wait3A_445 : memref<1x128xi32, #tpu.memory_space<vmem>> -> memref<128xi32, #tpu.memory_space<vmem>>
        %dma_wait3A_447 = arith.constant 0 : i32
        %dma_wait3A_448 = arith.constant 0 : i32
        %dma_wait3A_449 = tpu.memref_slice %arg5[%dma_wait3A_447, %dma_wait3A_448] : memref<10240x128xf32, #tpu.memory_space<vmem_shared>> -> memref<10240x128xf32, #tpu.memory_space<vmem_shared>>
        tpu.wait_indirect_dma semaphore(%run_scoped3A_437 : memref<!tpu.dma_semaphore, #tpu.memory_space<semaphore_mem>>) src(%arg12 : memref<128x128xf32, #tpu.memory_space<vmem>>) dst(%dma_wait3A_449 : memref<10240x128xf32, #tpu.memory_space<vmem_shared>>)
        tpu.yield
      }) : () -> ()
      %add3A_430 = arith.constant 2 : i32
      %add3A_431 = arith.addi %add3A_421, %add3A_430 : i32
      %lt3A_432 = arith.constant 80 : i32
      %lt3A_433 = arith.cmpi slt, %add3A_431, %lt3A_432 : i32
      %convert_element_type3A_434 = arith.extui %lt3A_433 : i1 to i32
      %cond3A_435 = arith.constant 0 : i32
      %cond3A_436 = arith.cmpi ne, %convert_element_type3A_434, %cond3A_435 : i32
      scf.if %cond3A_436 {
        %get3A_437 = arith.index_cast %add3A_431 : i32 to index
        %get3A_438 = arith.constant 0 : index
        %get3A_439 = tpu.vector_load %arg6[%get3A_437, %get3A_438] {strides = array<i32>} : memref<80x128xi32, #tpu.memory_space<vmem>>, vector<1x16xi32>,
        %get3A_440 = vector.shape_cast %get3A_439 : vector<1x16xi32> to vector<16xi32>
        %shift_right_arithmetic3A_441 = arith.constant 16 : i32
        %shift_right_arithmetic3A_442 = vector.broadcast %shift_right_arithmetic3A_441 : i32 to vector<16xi32>
        %shift_right_arithmetic3A_443 = arith.shrsi %get3A_440, %shift_right_arithmetic3A_442 : vector<16xi32>
        %swap3A_444 = arith.constant 0 : i32
        %swap3A_445 = arith.index_cast %swap3A_444 : i32 to index
        %swap3A_446 = arith.constant 0 : index
        %swap3A_447 = tpu.vector_load %arg8[%swap3A_445, %swap3A_446] {strides = array<i32>} : memref<1x128xi32, #tpu.memory_space<vmem>>, vector<1x16xi32>,
        %swap3A_448 = vector.shape_cast %swap3A_447 : vector<1x16xi32> to vector<16xi32>
        %swap3A_449 = vector.shape_cast %shift_right_arithmetic3A_443 : vector<16xi32> to vector<1x16xi32>
        tpu.vector_store %arg8[%swap3A_445, %swap3A_446], %swap3A_449 {strides = array<i32>} : memref<1x128xi32, #tpu.memory_space<vmem>>, vector<1x16xi32>,
        %and3A_450 = arith.constant 65535 : i32
        %and3A_451 = vector.broadcast %and3A_450 : i32 to vector<16xi32>
        %and3A_452 = arith.andi %get3A_440, %and3A_451 : vector<16xi32>
        %swap3A_453 = arith.constant 0 : i32
        %swap3A_454 = arith.index_cast %swap3A_453 : i32 to index
        %swap3A_455 = arith.constant 0 : index
        %swap3A_456 = tpu.vector_load %arg10[%swap3A_454, %swap3A_455] {strides = array<i32>} : memref<1x128xi32, #tpu.memory_space<vmem>>, vector<1x16xi32>,
        %swap3A_457 = vector.shape_cast %swap3A_456 : vector<1x16xi32> to vector<16xi32>
        %swap3A_458 = vector.shape_cast %and3A_452 : vector<16xi32> to vector<1x16xi32>
        tpu.vector_store %arg10[%swap3A_454, %swap3A_455], %swap3A_458 {strides = array<i32>} : memref<1x128xi32, #tpu.memory_space<vmem>>, vector<1x16xi32>,
        %get3A_459 = arith.index_cast %add3A_431 : i32 to index
        %get3A_460 = arith.constant 16 : index
        %get3A_461 = tpu.vector_load %arg6[%get3A_459, %get3A_460] {strides = array<i32>} : memref<80x128xi32, #tpu.memory_space<vmem>>, vector<1x16xi32>,
        %get3A_462 = vector.shape_cast %get3A_461 : vector<1x16xi32> to vector<16xi32>
        %shift_right_arithmetic3A_463 = arith.constant 16 : i32
        %shift_right_arithmetic3A_464 = vector.broadcast %shift_right_arithmetic3A_463 : i32 to vector<16xi32>
        %shift_right_arithmetic3A_465 = arith.shrsi %get3A_462, %shift_right_arithmetic3A_464 : vector<16xi32>
        %swap3A_466 = arith.constant 0 : i32
        %swap3A_467 = arith.index_cast %swap3A_466 : i32 to index
        %swap3A_468 = arith.constant 16 : index
        %swap3A_469 = tpu.vector_load %arg8[%swap3A_467, %swap3A_468] {strides = array<i32>} : memref<1x128xi32, #tpu.memory_space<vmem>>, vector<1x16xi32>,
        %swap3A_470 = vector.shape_cast %swap3A_469 : vector<1x16xi32> to vector<16xi32>
        %swap3A_471 = vector.shape_cast %shift_right_arithmetic3A_465 : vector<16xi32> to vector<1x16xi32>
        tpu.vector_store %arg8[%swap3A_467, %swap3A_468], %swap3A_471 {strides = array<i32>} : memref<1x128xi32, #tpu.memory_space<vmem>>, vector<1x16xi32>,
        %and3A_472 = arith.constant 65535 : i32
        %and3A_473 = vector.broadcast %and3A_472 : i32 to vector<16xi32>
        %and3A_474 = arith.andi %get3A_462, %and3A_473 : vector<16xi32>
        %swap3A_475 = arith.constant 0 : i32
        %swap3A_476 = arith.index_cast %swap3A_475 : i32 to index
        %swap3A_477 = arith.constant 16 : index
        %swap3A_478 = tpu.vector_load %arg10[%swap3A_476, %swap3A_477] {strides = array<i32>} : memref<1x128xi32, #tpu.memory_space<vmem>>, vector<1x16xi32>,
        %swap3A_479 = vector.shape_cast %swap3A_478 : vector<1x16xi32> to vector<16xi32>
        %swap3A_480 = vector.shape_cast %and3A_474 : vector<16xi32> to vector<1x16xi32>
        tpu.vector_store %arg10[%swap3A_476, %swap3A_477], %swap3A_480 {strides = array<i32>} : memref<1x128xi32, #tpu.memory_space<vmem>>, vector<1x16xi32>,
        %get3A_481 = arith.index_cast %add3A_431 : i32 to index
        %get3A_482 = arith.constant 32 : index
        %get3A_483 = tpu.vector_load %arg6[%get3A_481, %get3A_482] {strides = array<i32>} : memref<80x128xi32, #tpu.memory_space<vmem>>, vector<1x16xi32>,
        %get3A_484 = vector.shape_cast %get3A_483 : vector<1x16xi32> to vector<16xi32>
        %shift_right_arithmetic3A_485 = arith.constant 16 : i32
        %shift_right_arithmetic3A_486 = vector.broadcast %shift_right_arithmetic3A_485 : i32 to vector<16xi32>
        %shift_right_arithmetic3A_487 = arith.shrsi %get3A_484, %shift_right_arithmetic3A_486 : vector<16xi32>
        %swap3A_488 = arith.constant 0 : i32
        %swap3A_489 = arith.index_cast %swap3A_488 : i32 to index
        %swap3A_490 = arith.constant 32 : index
        %swap3A_491 = tpu.vector_load %arg8[%swap3A_489, %swap3A_490] {strides = array<i32>} : memref<1x128xi32, #tpu.memory_space<vmem>>, vector<1x16xi32>,
        %swap3A_492 = vector.shape_cast %swap3A_491 : vector<1x16xi32> to vector<16xi32>
        %swap3A_493 = vector.shape_cast %shift_right_arithmetic3A_487 : vector<16xi32> to vector<1x16xi32>
        tpu.vector_store %arg8[%swap3A_489, %swap3A_490], %swap3A_493 {strides = array<i32>} : memref<1x128xi32, #tpu.memory_space<vmem>>, vector<1x16xi32>,
        %and3A_494 = arith.constant 65535 : i32
        %and3A_495 = vector.broadcast %and3A_494 : i32 to vector<16xi32>
        %and3A_496 = arith.andi %get3A_484, %and3A_495 : vector<16xi32>
        %swap3A_497 = arith.constant 0 : i32
        %swap3A_498 = arith.index_cast %swap3A_497 : i32 to index
        %swap3A_499 = arith.constant 32 : index
        %swap3A_500 = tpu.vector_load %arg10[%swap3A_498, %swap3A_499] {strides = array<i32>} : memref<1x128xi32, #tpu.memory_space<vmem>>, vector<1x16xi32>,
        %swap3A_501 = vector.shape_cast %swap3A_500 : vector<1x16xi32> to vector<16xi32>
        %swap3A_502 = vector.shape_cast %and3A_496 : vector<16xi32> to vector<1x16xi32>
        tpu.vector_store %arg10[%swap3A_498, %swap3A_499], %swap3A_502 {strides = array<i32>} : memref<1x128xi32, #tpu.memory_space<vmem>>, vector<1x16xi32>,
        %get3A_503 = arith.index_cast %add3A_431 : i32 to index
        %get3A_504 = arith.constant 48 : index
        %get3A_505 = tpu.vector_load %arg6[%get3A_503, %get3A_504] {strides = array<i32>} : memref<80x128xi32, #tpu.memory_space<vmem>>, vector<1x16xi32>,
        %get3A_506 = vector.shape_cast %get3A_505 : vector<1x16xi32> to vector<16xi32>
        %shift_right_arithmetic3A_507 = arith.constant 16 : i32
        %shift_right_arithmetic3A_508 = vector.broadcast %shift_right_arithmetic3A_507 : i32 to vector<16xi32>
        %shift_right_arithmetic3A_509 = arith.shrsi %get3A_506, %shift_right_arithmetic3A_508 : vector<16xi32>
        %swap3A_510 = arith.constant 0 : i32
        %swap3A_511 = arith.index_cast %swap3A_510 : i32 to index
        %swap3A_512 = arith.constant 48 : index
        %swap3A_513 = tpu.vector_load %arg8[%swap3A_511, %swap3A_512] {strides = array<i32>} : memref<1x128xi32, #tpu.memory_space<vmem>>, vector<1x16xi32>,
        %swap3A_514 = vector.shape_cast %swap3A_513 : vector<1x16xi32> to vector<16xi32>
        %swap3A_515 = vector.shape_cast %shift_right_arithmetic3A_509 : vector<16xi32> to vector<1x16xi32>
        tpu.vector_store %arg8[%swap3A_511, %swap3A_512], %swap3A_515 {strides = array<i32>} : memref<1x128xi32, #tpu.memory_space<vmem>>, vector<1x16xi32>,
        %and3A_516 = arith.constant 65535 : i32
        %and3A_517 = vector.broadcast %and3A_516 : i32 to vector<16xi32>
        %and3A_518 = arith.andi %get3A_506, %and3A_517 : vector<16xi32>
        %swap3A_519 = arith.constant 0 : i32
        %swap3A_520 = arith.index_cast %swap3A_519 : i32 to index
        %swap3A_521 = arith.constant 48 : index
        %swap3A_522 = tpu.vector_load %arg10[%swap3A_520, %swap3A_521] {strides = array<i32>} : memref<1x128xi32, #tpu.memory_space<vmem>>, vector<1x16xi32>,
        %swap3A_523 = vector.shape_cast %swap3A_522 : vector<1x16xi32> to vector<16xi32>
        %swap3A_524 = vector.shape_cast %and3A_518 : vector<16xi32> to vector<1x16xi32>
        tpu.vector_store %arg10[%swap3A_520, %swap3A_521], %swap3A_524 {strides = array<i32>} : memref<1x128xi32, #tpu.memory_space<vmem>>, vector<1x16xi32>,
        %get3A_525 = arith.index_cast %add3A_431 : i32 to index
        %get3A_526 = arith.constant 64 : index
        %get3A_527 = tpu.vector_load %arg6[%get3A_525, %get3A_526] {strides = array<i32>} : memref<80x128xi32, #tpu.memory_space<vmem>>, vector<1x16xi32>,
        %get3A_528 = vector.shape_cast %get3A_527 : vector<1x16xi32> to vector<16xi32>
        %shift_right_arithmetic3A_529 = arith.constant 16 : i32
        %shift_right_arithmetic3A_530 = vector.broadcast %shift_right_arithmetic3A_529 : i32 to vector<16xi32>
        %shift_right_arithmetic3A_531 = arith.shrsi %get3A_528, %shift_right_arithmetic3A_530 : vector<16xi32>
        %swap3A_532 = arith.constant 0 : i32
        %swap3A_533 = arith.index_cast %swap3A_532 : i32 to index
        %swap3A_534 = arith.constant 64 : index
        %swap3A_535 = tpu.vector_load %arg8[%swap3A_533, %swap3A_534] {strides = array<i32>} : memref<1x128xi32, #tpu.memory_space<vmem>>, vector<1x16xi32>,
        %swap3A_536 = vector.shape_cast %swap3A_535 : vector<1x16xi32> to vector<16xi32>
        %swap3A_537 = vector.shape_cast %shift_right_arithmetic3A_531 : vector<16xi32> to vector<1x16xi32>
        tpu.vector_store %arg8[%swap3A_533, %swap3A_534], %swap3A_537 {strides = array<i32>} : memref<1x128xi32, #tpu.memory_space<vmem>>, vector<1x16xi32>,
        %and3A_538 = arith.constant 65535 : i32
        %and3A_539 = vector.broadcast %and3A_538 : i32 to vector<16xi32>
        %and3A_540 = arith.andi %get3A_528, %and3A_539 : vector<16xi32>
        %swap3A_541 = arith.constant 0 : i32
        %swap3A_542 = arith.index_cast %swap3A_541 : i32 to index
        %swap3A_543 = arith.constant 64 : index
        %swap3A_544 = tpu.vector_load %arg10[%swap3A_542, %swap3A_543] {strides = array<i32>} : memref<1x128xi32, #tpu.memory_space<vmem>>, vector<1x16xi32>,
        %swap3A_545 = vector.shape_cast %swap3A_544 : vector<1x16xi32> to vector<16xi32>
        %swap3A_546 = vector.shape_cast %and3A_540 : vector<16xi32> to vector<1x16xi32>
        tpu.vector_store %arg10[%swap3A_542, %swap3A_543], %swap3A_546 {strides = array<i32>} : memref<1x128xi32, #tpu.memory_space<vmem>>, vector<1x16xi32>,
        %get3A_547 = arith.index_cast %add3A_431 : i32 to index
        %get3A_548 = arith.constant 80 : index
        %get3A_549 = tpu.vector_load %arg6[%get3A_547, %get3A_548] {strides = array<i32>} : memref<80x128xi32, #tpu.memory_space<vmem>>, vector<1x16xi32>,
        %get3A_550 = vector.shape_cast %get3A_549 : vector<1x16xi32> to vector<16xi32>
        %shift_right_arithmetic3A_551 = arith.constant 16 : i32
        %shift_right_arithmetic3A_552 = vector.broadcast %shift_right_arithmetic3A_551 : i32 to vector<16xi32>
        %shift_right_arithmetic3A_553 = arith.shrsi %get3A_550, %shift_right_arithmetic3A_552 : vector<16xi32>
        %swap3A_554 = arith.constant 0 : i32
        %swap3A_555 = arith.index_cast %swap3A_554 : i32 to index
        %swap3A_556 = arith.constant 80 : index
        %swap3A_557 = tpu.vector_load %arg8[%swap3A_555, %swap3A_556] {strides = array<i32>} : memref<1x128xi32, #tpu.memory_space<vmem>>, vector<1x16xi32>,
        %swap3A_558 = vector.shape_cast %swap3A_557 : vector<1x16xi32> to vector<16xi32>
        %swap3A_559 = vector.shape_cast %shift_right_arithmetic3A_553 : vector<16xi32> to vector<1x16xi32>
        tpu.vector_store %arg8[%swap3A_555, %swap3A_556], %swap3A_559 {strides = array<i32>} : memref<1x128xi32, #tpu.memory_space<vmem>>, vector<1x16xi32>,
        %and3A_560 = arith.constant 65535 : i32
        %and3A_561 = vector.broadcast %and3A_560 : i32 to vector<16xi32>
        %and3A_562 = arith.andi %get3A_550, %and3A_561 : vector<16xi32>
        %swap3A_563 = arith.constant 0 : i32
        %swap3A_564 = arith.index_cast %swap3A_563 : i32 to index
        %swap3A_565 = arith.constant 80 : index
        %swap3A_566 = tpu.vector_load %arg10[%swap3A_564, %swap3A_565] {strides = array<i32>} : memref<1x128xi32, #tpu.memory_space<vmem>>, vector<1x16xi32>,
        %swap3A_567 = vector.shape_cast %swap3A_566 : vector<1x16xi32> to vector<16xi32>
        %swap3A_568 = vector.shape_cast %and3A_562 : vector<16xi32> to vector<1x16xi32>
        tpu.vector_store %arg10[%swap3A_564, %swap3A_565], %swap3A_568 {strides = array<i32>} : memref<1x128xi32, #tpu.memory_space<vmem>>, vector<1x16xi32>,
        %get3A_569 = arith.index_cast %add3A_431 : i32 to index
        %get3A_570 = arith.constant 96 : index
        %get3A_571 = tpu.vector_load %arg6[%get3A_569, %get3A_570] {strides = array<i32>} : memref<80x128xi32, #tpu.memory_space<vmem>>, vector<1x16xi32>,
        %get3A_572 = vector.shape_cast %get3A_571 : vector<1x16xi32> to vector<16xi32>
        %shift_right_arithmetic3A_573 = arith.constant 16 : i32
        %shift_right_arithmetic3A_574 = vector.broadcast %shift_right_arithmetic3A_573 : i32 to vector<16xi32>
        %shift_right_arithmetic3A_575 = arith.shrsi %get3A_572, %shift_right_arithmetic3A_574 : vector<16xi32>
        %swap3A_576 = arith.constant 0 : i32
        %swap3A_577 = arith.index_cast %swap3A_576 : i32 to index
        %swap3A_578 = arith.constant 96 : index
        %swap3A_579 = tpu.vector_load %arg8[%swap3A_577, %swap3A_578] {strides = array<i32>} : memref<1x128xi32, #tpu.memory_space<vmem>>, vector<1x16xi32>,
        %swap3A_580 = vector.shape_cast %swap3A_579 : vector<1x16xi32> to vector<16xi32>
        %swap3A_581 = vector.shape_cast %shift_right_arithmetic3A_575 : vector<16xi32> to vector<1x16xi32>
        tpu.vector_store %arg8[%swap3A_577, %swap3A_578], %swap3A_581 {strides = array<i32>} : memref<1x128xi32, #tpu.memory_space<vmem>>, vector<1x16xi32>,
        %and3A_582 = arith.constant 65535 : i32
        %and3A_583 = vector.broadcast %and3A_582 : i32 to vector<16xi32>
        %and3A_584 = arith.andi %get3A_572, %and3A_583 : vector<16xi32>
        %swap3A_585 = arith.constant 0 : i32
        %swap3A_586 = arith.index_cast %swap3A_585 : i32 to index
        %swap3A_587 = arith.constant 96 : index
        %swap3A_588 = tpu.vector_load %arg10[%swap3A_586, %swap3A_587] {strides = array<i32>} : memref<1x128xi32, #tpu.memory_space<vmem>>, vector<1x16xi32>,
        %swap3A_589 = vector.shape_cast %swap3A_588 : vector<1x16xi32> to vector<16xi32>
        %swap3A_590 = vector.shape_cast %and3A_584 : vector<16xi32> to vector<1x16xi32>
        tpu.vector_store %arg10[%swap3A_586, %swap3A_587], %swap3A_590 {strides = array<i32>} : memref<1x128xi32, #tpu.memory_space<vmem>>, vector<1x16xi32>,
        %get3A_591 = arith.index_cast %add3A_431 : i32 to index
        %get3A_592 = arith.constant 112 : index
        %get3A_593 = tpu.vector_load %arg6[%get3A_591, %get3A_592] {strides = array<i32>} : memref<80x128xi32, #tpu.memory_space<vmem>>, vector<1x16xi32>,
        %get3A_594 = vector.shape_cast %get3A_593 : vector<1x16xi32> to vector<16xi32>
        %shift_right_arithmetic3A_595 = arith.constant 16 : i32
        %shift_right_arithmetic3A_596 = vector.broadcast %shift_right_arithmetic3A_595 : i32 to vector<16xi32>
        %shift_right_arithmetic3A_597 = arith.shrsi %get3A_594, %shift_right_arithmetic3A_596 : vector<16xi32>
        %swap3A_598 = arith.constant 0 : i32
        %swap3A_599 = arith.index_cast %swap3A_598 : i32 to index
        %swap3A_600 = arith.constant 112 : index
        %swap3A_601 = tpu.vector_load %arg8[%swap3A_599, %swap3A_600] {strides = array<i32>} : memref<1x128xi32, #tpu.memory_space<vmem>>, vector<1x16xi32>,
        %swap3A_602 = vector.shape_cast %swap3A_601 : vector<1x16xi32> to vector<16xi32>
        %swap3A_603 = vector.shape_cast %shift_right_arithmetic3A_597 : vector<16xi32> to vector<1x16xi32>
        tpu.vector_store %arg8[%swap3A_599, %swap3A_600], %swap3A_603 {strides = array<i32>} : memref<1x128xi32, #tpu.memory_space<vmem>>, vector<1x16xi32>,
        %and3A_604 = arith.constant 65535 : i32
        %and3A_605 = vector.broadcast %and3A_604 : i32 to vector<16xi32>
        %and3A_606 = arith.andi %get3A_594, %and3A_605 : vector<16xi32>
        %swap3A_607 = arith.constant 0 : i32
        %swap3A_608 = arith.index_cast %swap3A_607 : i32 to index
        %swap3A_609 = arith.constant 112 : index
        %swap3A_610 = tpu.vector_load %arg10[%swap3A_608, %swap3A_609] {strides = array<i32>} : memref<1x128xi32, #tpu.memory_space<vmem>>, vector<1x16xi32>,
        %swap3A_611 = vector.shape_cast %swap3A_610 : vector<1x16xi32> to vector<16xi32>
        %swap3A_612 = vector.shape_cast %and3A_606 : vector<16xi32> to vector<1x16xi32>
        tpu.vector_store %arg10[%swap3A_608, %swap3A_609], %swap3A_612 {strides = array<i32>} : memref<1x128xi32, #tpu.memory_space<vmem>>, vector<1x16xi32>,
        %dma_start3A_613 = arith.constant 0 : i32
        %dma_start3A_614 = arith.constant 0 : i32
        %dma_start3A_615 = tpu.memref_slice %arg8[%dma_start3A_613, %dma_start3A_614] : memref<1x128xi32, #tpu.memory_space<vmem>> -> memref<1x128xi32, #tpu.memory_space<vmem>>
        %dma_start3A_616 = tpu.memref_squeeze %dma_start3A_615 : memref<1x128xi32, #tpu.memory_space<vmem>> -> memref<128xi32, #tpu.memory_space<vmem>>
        %dma_start3A_617 = arith.constant 0 : i32
        %dma_start3A_618 = arith.constant 0 : i32
        %dma_start3A_619 = tpu.memref_slice %arg2[%dma_start3A_617, %dma_start3A_618] : memref<10000x128xf32, #tpu.memory_space<hbm>> -> memref<10000x128xf32, #tpu.memory_space<hbm>>
        tpu.enqueue_indirect_dma source(%dma_start3A_619 : memref<10000x128xf32, #tpu.memory_space<hbm>>) target(%arg12 : memref<128x128xf32, #tpu.memory_space<vmem>>) offsets(%dma_start3A_616 : memref<128xi32, #tpu.memory_space<vmem>>) semaphore(%arg14 : memref<!tpu.dma_semaphore, #tpu.memory_space<semaphore_mem>>)
      } else {
      }
    }
    %scan3A_390 = arith.constant 40 : i32
    %barrier3A_391 = arith.constant 0 : index
    tpu.barrier barrier_id(%barrier3A_391)
    %lt3A_392 = arith.constant 15 : i32
    %lt3A_393 = arith.cmpi slt, %arg1, %lt3A_392 : i32
    %convert_element_type3A_394 = arith.extui %lt3A_393 : i1 to i32
    %cond3A_395 = arith.constant 0 : i32
    %cond3A_396 = arith.cmpi ne, %convert_element_type3A_394, %cond3A_395 : i32
    scf.if %cond3A_396 {
      "tpu.region"() ({
        %run_scoped3A = tpu.sem_alloc : memref<!tpu.dma_semaphore, #tpu.memory_space<semaphore_mem>>
        %dma_start3A_402 = arith.constant 0 : i32
        %dma_start3A_403 = tpu.memref_slice %arg4[%arg0, %mul3A_2, %dma_start3A_402] : memref<2x10000x128xf32, #tpu.memory_space<hbm>> -> memref<1x632x128xf32, #tpu.memory_space<hbm>>
        %dma_start3A_404 = tpu.memref_squeeze %dma_start3A_403 : memref<1x632x128xf32, #tpu.memory_space<hbm>> -> memref<632x128xf32, #tpu.memory_space<hbm>>
        %dma_start3A_405 = arith.constant 0 : i32
        %dma_start3A_406 = tpu.memref_slice %arg5[%mul3A_2, %dma_start3A_405] : memref<10240x128xf32, #tpu.memory_space<vmem_shared>> -> memref<632x128xf32, #tpu.memory_space<vmem_shared>>
        tpu.enqueue_dma source(%dma_start3A_406 : memref<632x128xf32, #tpu.memory_space<vmem_shared>>) target(%dma_start3A_404 : memref<632x128xf32, #tpu.memory_space<hbm>>) target_semaphore(%run_scoped3A : memref<!tpu.dma_semaphore, #tpu.memory_space<semaphore_mem>>)
        %dma_wait3A = arith.constant 0 : i32
        %dma_wait3A_407 = tpu.memref_slice %arg4[%arg0, %mul3A_2, %dma_wait3A] : memref<2x10000x128xf32, #tpu.memory_space<hbm>> -> memref<1x632x128xf32, #tpu.memory_space<hbm>>
        %dma_wait3A_408 = tpu.memref_squeeze %dma_wait3A_407 : memref<1x632x128xf32, #tpu.memory_space<hbm>> -> memref<632x128xf32, #tpu.memory_space<hbm>>
        %dma_wait3A_409 = arith.constant 0 : i32
        %dma_wait3A_410 = tpu.memref_slice %arg5[%mul3A_2, %dma_wait3A_409] : memref<10240x128xf32, #tpu.memory_space<vmem_shared>> -> memref<632x128xf32, #tpu.memory_space<vmem_shared>>
        tpu.wait_dma2 semaphore(%run_scoped3A : memref<!tpu.dma_semaphore, #tpu.memory_space<semaphore_mem>>) src(%dma_wait3A_410 : memref<632x128xf32, #tpu.memory_space<vmem_shared>>) dst(%dma_wait3A_408 : memref<632x128xf32, #tpu.memory_space<hbm>>)
        tpu.yield
      }) : () -> ()
    } else {
    }
    %eq3A_397 = arith.constant 15 : i32
    %eq3A_398 = arith.cmpi eq, %arg1, %eq3A_397 : i32
    %convert_element_type3A_399 = arith.extui %eq3A_398 : i1 to i32
    %cond3A_400 = arith.constant 0 : i32
    %cond3A_401 = arith.cmpi ne, %convert_element_type3A_399, %cond3A_400 : i32
    scf.if %cond3A_401 {
      "tpu.region"() ({
        %run_scoped3A = tpu.sem_alloc : memref<!tpu.dma_semaphore, #tpu.memory_space<semaphore_mem>>
        %dma_start3A_402 = arith.constant 0 : i32
        %dma_start3A_403 = tpu.memref_slice %arg4[%arg0, %mul3A_2, %dma_start3A_402] : memref<2x10000x128xf32, #tpu.memory_space<hbm>> -> memref<1x520x128xf32, #tpu.memory_space<hbm>>
        %dma_start3A_404 = tpu.memref_squeeze %dma_start3A_403 : memref<1x520x128xf32, #tpu.memory_space<hbm>> -> memref<520x128xf32, #tpu.memory_space<hbm>>
        %dma_start3A_405 = arith.constant 0 : i32
        %dma_start3A_406 = tpu.memref_slice %arg5[%mul3A_2, %dma_start3A_405] : memref<10240x128xf32, #tpu.memory_space<vmem_shared>> -> memref<520x128xf32, #tpu.memory_space<vmem_shared>>
        tpu.enqueue_dma source(%dma_start3A_406 : memref<520x128xf32, #tpu.memory_space<vmem_shared>>) target(%dma_start3A_404 : memref<520x128xf32, #tpu.memory_space<hbm>>) target_semaphore(%run_scoped3A : memref<!tpu.dma_semaphore, #tpu.memory_space<semaphore_mem>>)
        %dma_wait3A = arith.constant 0 : i32
        %dma_wait3A_407 = tpu.memref_slice %arg4[%arg0, %mul3A_2, %dma_wait3A] : memref<2x10000x128xf32, #tpu.memory_space<hbm>> -> memref<1x520x128xf32, #tpu.memory_space<hbm>>
        %dma_wait3A_408 = tpu.memref_squeeze %dma_wait3A_407 : memref<1x520x128xf32, #tpu.memory_space<hbm>> -> memref<520x128xf32, #tpu.memory_space<hbm>>
        %dma_wait3A_409 = arith.constant 0 : i32
        %dma_wait3A_410 = tpu.memref_slice %arg5[%mul3A_2, %dma_wait3A_409] : memref<10240x128xf32, #tpu.memory_space<vmem_shared>> -> memref<520x128xf32, #tpu.memory_space<vmem_shared>>
        tpu.wait_dma2 semaphore(%run_scoped3A : memref<!tpu.dma_semaphore, #tpu.memory_space<semaphore_mem>>) src(%dma_wait3A_410 : memref<520x128xf32, #tpu.memory_space<vmem_shared>>) dst(%dma_wait3A_408 : memref<520x128xf32, #tpu.memory_space<hbm>>)
        tpu.yield
      }) : () -> ()
    } else {
    }
    return
  }
}

module attributes {stable_mosaic.version = 14 : i64} {
  func.func @_mm1_body(%arg0: memref<10000x128xf32, #tpu.memory_space<vmem>>, %arg1: memref<128x128xf32, #tpu.memory_space<vmem>>, %arg2: memref<10000x128xf32, #tpu.memory_space<vmem>>) attributes {dimension_semantics = [], scalar_prefetch = 0 : i64, scratch_operands = 0 : i64, tpu.core_type = #tpu.core_type<tc>} {
    %get3A = arith.constant 0 : index
    %get3A_0 = arith.constant 0 : index
    %get3A_1 = vector.load %arg0[%get3A, %get3A_0] : memref<10000x128xf32, #tpu.memory_space<vmem>>, vector<10000x128xf32>
    %get3A_2 = arith.constant 0 : index
    %get3A_3 = arith.constant 0 : index
    %get3A_4 = vector.load %arg1[%get3A_2, %get3A_3] : memref<128x128xf32, #tpu.memory_space<vmem>>, vector<128x128xf32>
    %dot_general3A = arith.constant dense<0.000000e+00> : vector<10000x128xf32>
    %dot_general3A_5 = tpu.matmul %get3A_1, %get3A_4, %dot_general3A {dimension_numbers = #tpu.dot_dimension_numbers<[1], [0], [0], [1], [0, 0, 1, 1], [], []>, transpose_lhs_hint = false} : vector<10000x128xf32>, vector<128x128xf32>, vector<10000x128xf32> -> vector<10000x128xf32>
    %swap3A = arith.constant 0 : index
    %swap3A_6 = arith.constant 0 : index
    %swap3A_7 = vector.load %arg2[%swap3A, %swap3A_6] : memref<10000x128xf32, #tpu.memory_space<vmem>>, vector<10000x128xf32>
    tpu.vector_store %arg2[%swap3A, %swap3A_6], %dot_general3A_5 {strides = array<i32>} : memref<10000x128xf32, #tpu.memory_space<vmem>>, vector<10000x128xf32>,
    return
  }
}

module attributes {stable_mosaic.version = 14 : i64} {
  func.func @_prep_body(%arg0: memref<2x10240x16xf32, #tpu.memory_space<vmem>>, %arg1: memref<10000x128xf32, #tpu.memory_space<vmem>>, %arg2: memref<10000x128xf32, #tpu.memory_space<vmem>>, %arg3: memref<10000x1xf32, #tpu.memory_space<vmem>>) attributes {dimension_semantics = [], scalar_prefetch = 0 : i64, scratch_operands = 0 : i64, tpu.core_type = #tpu.core_type<tc>} {
    %get3A = arith.constant 0 : index
    %get3A_0 = arith.constant 0 : index
    %get3A_1 = arith.constant 0 : index
    %get3A_2 = vector.load %arg0[%get3A, %get3A_0, %get3A_1] : memref<2x10240x16xf32, #tpu.memory_space<vmem>>, vector<1x10240x16xf32>
    %get3A_3 = vector.shape_cast %get3A_2 : vector<1x10240x16xf32> to vector<10240x16xf32>
    %get3A_4 = arith.constant 1 : index
    %get3A_5 = arith.constant 0 : index
    %get3A_6 = arith.constant 0 : index
    %get3A_7 = vector.load %arg0[%get3A_4, %get3A_5, %get3A_6] : memref<2x10240x16xf32, #tpu.memory_space<vmem>>, vector<1x10240x16xf32>
    %get3A_8 = vector.shape_cast %get3A_7 : vector<1x10240x16xf32> to vector<10240x16xf32>
    %add3A = arith.addf %get3A_3, %get3A_8 : vector<10240x16xf32>
    %reduce_sum3A = arith.constant dense<0.000000e+00> : vector<10240xf32>
    %reduce_sum3A_9 = vector.multi_reduction <add>, %add3A, %reduce_sum3A [1] : vector<10240x16xf32> to vector<10240xf32>
    %broadcast_in_dim3A = vector.shape_cast %reduce_sum3A_9 : vector<10240xf32> to vector<10240x1xf32>
    %add3A_10 = arith.constant 1.000000e+00 : f32
    %add3A_11 = vector.broadcast %add3A_10 : f32 to vector<10240x1xf32>
    %add3A_12 = arith.addf %broadcast_in_dim3A, %add3A_11 : vector<10240x1xf32>
    %rsqrt3A = math.rsqrt %add3A_12 : vector<10240x1xf32>
    %slice3A = vector.extract_strided_slice %rsqrt3A {offsets = [0, 0], sizes = [10000, 1], strides = [1, 1]} : vector<10240x1xf32> to vector<10000x1xf32>
    %swap3A = arith.constant 0 : index
    %swap3A_13 = arith.constant 0 : index
    %swap3A_14 = vector.load %arg3[%swap3A, %swap3A_13] : memref<10000x1xf32, #tpu.memory_space<vmem>>, vector<10000x1xf32>
    tpu.vector_store %arg3[%swap3A, %swap3A_13], %slice3A {strides = array<i32>} : memref<10000x1xf32, #tpu.memory_space<vmem>>, vector<10000x1xf32>,
    %get3A_15 = arith.constant 0 : index
    %get3A_16 = arith.constant 0 : index
    %get3A_17 = vector.load %arg1[%get3A_15, %get3A_16] : memref<10000x128xf32, #tpu.memory_space<vmem>>, vector<10000x128xf32>
    %mul3A = vector.broadcast %slice3A : vector<10000x1xf32> to vector<10000x128xf32>
    %mul3A_18 = arith.mulf %get3A_17, %mul3A : vector<10000x128xf32>
    %swap3A_19 = arith.constant 0 : index
    %swap3A_20 = arith.constant 0 : index
    %swap3A_21 = vector.load %arg2[%swap3A_19, %swap3A_20] : memref<10000x128xf32, #tpu.memory_space<vmem>>, vector<10000x128xf32>
    tpu.vector_store %arg2[%swap3A_19, %swap3A_20], %mul3A_18 {strides = array<i32>} : memref<10000x128xf32, #tpu.memory_space<vmem>>, vector<10000x128xf32>,
    return
  }
}

module attributes {stable_mosaic.version = 14 : i64} {
  func.func @_mid_body(%arg0: memref<2x10000x128xf32, #tpu.memory_space<vmem>>, %arg1: memref<10000x128xf32, #tpu.memory_space<vmem>>, %arg2: memref<10000x1xf32, #tpu.memory_space<vmem>>, %arg3: memref<1x128xf32, #tpu.memory_space<vmem>>, %arg4: memref<128x128xf32, #tpu.memory_space<vmem>>, %arg5: memref<10000x128xf32, #tpu.memory_space<vmem>>) attributes {dimension_semantics = [], scalar_prefetch = 0 : i64, scratch_operands = 0 : i64, tpu.core_type = #tpu.core_type<tc>} {
    %get3A = arith.constant 0 : index
    %get3A_0 = arith.constant 0 : index
    %get3A_1 = vector.load %arg2[%get3A, %get3A_0] : memref<10000x1xf32, #tpu.memory_space<vmem>>, vector<10000x1xf32>
    %get3A_2 = arith.constant 0 : index
    %get3A_3 = arith.constant 0 : index
    %get3A_4 = arith.constant 0 : index
    %get3A_5 = vector.load %arg0[%get3A_2, %get3A_3, %get3A_4] : memref<2x10000x128xf32, #tpu.memory_space<vmem>>, vector<1x10000x128xf32>
    %get3A_6 = vector.shape_cast %get3A_5 : vector<1x10000x128xf32> to vector<10000x128xf32>
    %get3A_7 = arith.constant 1 : index
    %get3A_8 = arith.constant 0 : index
    %get3A_9 = arith.constant 0 : index
    %get3A_10 = vector.load %arg0[%get3A_7, %get3A_8, %get3A_9] : memref<2x10000x128xf32, #tpu.memory_space<vmem>>, vector<1x10000x128xf32>
    %get3A_11 = vector.shape_cast %get3A_10 : vector<1x10000x128xf32> to vector<10000x128xf32>
    %add3A = arith.addf %get3A_6, %get3A_11 : vector<10000x128xf32>
    %get3A_12 = arith.constant 0 : index
    %get3A_13 = arith.constant 0 : index
    %get3A_14 = vector.load %arg1[%get3A_12, %get3A_13] : memref<10000x128xf32, #tpu.memory_space<vmem>>, vector<10000x128xf32>
    %sub3A = arith.subf %add3A, %get3A_14 : vector<10000x128xf32>
    %mul3A = vector.broadcast %get3A_1 : vector<10000x1xf32> to vector<10000x128xf32>
    %mul3A_15 = arith.mulf %sub3A, %mul3A : vector<10000x128xf32>
    %get3A_16 = arith.constant 0 : index
    %get3A_17 = arith.constant 0 : index
    %get3A_18 = vector.load %arg3[%get3A_16, %get3A_17] : memref<1x128xf32, #tpu.memory_space<vmem>>, vector<1x128xf32>
    %add3A_19 = vector.broadcast %get3A_18 : vector<1x128xf32> to vector<10000x128xf32>
    %add3A_20 = arith.addf %mul3A_15, %add3A_19 : vector<10000x128xf32>
    %max3A = arith.constant 0.000000e+00 : f32
    %max3A_21 = vector.broadcast %max3A : f32 to vector<10000x128xf32>
    %max3A_22 = arith.maximumf %add3A_20, %max3A_21 : vector<10000x128xf32>
    %get3A_23 = arith.constant 0 : index
    %get3A_24 = arith.constant 0 : index
    %get3A_25 = vector.load %arg4[%get3A_23, %get3A_24] : memref<128x128xf32, #tpu.memory_space<vmem>>, vector<128x128xf32>
    %dot_general3A = arith.constant dense<0.000000e+00> : vector<10000x128xf32>
    %dot_general3A_26 = tpu.matmul %max3A_22, %get3A_25, %dot_general3A {dimension_numbers = #tpu.dot_dimension_numbers<[1], [0], [0], [1], [0, 0, 1, 1], [], []>, transpose_lhs_hint = false} : vector<10000x128xf32>, vector<128x128xf32>, vector<10000x128xf32> -> vector<10000x128xf32>
    %mul3A_27 = vector.broadcast %get3A_1 : vector<10000x1xf32> to vector<10000x128xf32>
    %mul3A_28 = arith.mulf %dot_general3A_26, %mul3A_27 : vector<10000x128xf32>
    %swap3A = arith.constant 0 : index
    %swap3A_29 = arith.constant 0 : index
    %swap3A_30 = vector.load %arg5[%swap3A, %swap3A_29] : memref<10000x128xf32, #tpu.memory_space<vmem>>, vector<10000x128xf32>
    tpu.vector_store %arg5[%swap3A, %swap3A_29], %mul3A_28 {strides = array<i32>} : memref<10000x128xf32, #tpu.memory_space<vmem>>, vector<10000x128xf32>,
    return
  }
}

module attributes {stable_mosaic.version = 14 : i64} {
  func.func @_final_body(%arg0: memref<2x10000x128xf32, #tpu.memory_space<vmem>>, %arg1: memref<10000x128xf32, #tpu.memory_space<vmem>>, %arg2: memref<10000x1xf32, #tpu.memory_space<vmem>>, %arg3: memref<1x128xf32, #tpu.memory_space<vmem>>, %arg4: memref<10000x1xi32, #tpu.memory_space<vmem>>, %arg5: memref<128x2xf32, #tpu.memory_space<vmem>>, %arg6: memref<1x2xf32, #tpu.memory_space<vmem>>, %arg7: memref<16x2xf32, #tpu.memory_space<vmem>>) attributes {dimension_semantics = [], scalar_prefetch = 0 : i64, scratch_operands = 0 : i64, tpu.core_type = #tpu.core_type<tc>} {
    %get3A = arith.constant 0 : index
    %get3A_0 = arith.constant 0 : index
    %get3A_1 = arith.constant 0 : index
    %get3A_2 = vector.load %arg0[%get3A, %get3A_0, %get3A_1] : memref<2x10000x128xf32, #tpu.memory_space<vmem>>, vector<1x10000x128xf32>
    %get3A_3 = vector.shape_cast %get3A_2 : vector<1x10000x128xf32> to vector<10000x128xf32>
    %get3A_4 = arith.constant 1 : index
    %get3A_5 = arith.constant 0 : index
    %get3A_6 = arith.constant 0 : index
    %get3A_7 = vector.load %arg0[%get3A_4, %get3A_5, %get3A_6] : memref<2x10000x128xf32, #tpu.memory_space<vmem>>, vector<1x10000x128xf32>
    %get3A_8 = vector.shape_cast %get3A_7 : vector<1x10000x128xf32> to vector<10000x128xf32>
    %add3A = arith.addf %get3A_3, %get3A_8 : vector<10000x128xf32>
    %get3A_9 = arith.constant 0 : index
    %get3A_10 = arith.constant 0 : index
    %get3A_11 = vector.load %arg1[%get3A_9, %get3A_10] : memref<10000x128xf32, #tpu.memory_space<vmem>>, vector<10000x128xf32>
    %sub3A = arith.subf %add3A, %get3A_11 : vector<10000x128xf32>
    %get3A_12 = arith.constant 0 : index
    %get3A_13 = arith.constant 0 : index
    %get3A_14 = vector.load %arg2[%get3A_12, %get3A_13] : memref<10000x1xf32, #tpu.memory_space<vmem>>, vector<10000x1xf32>
    %mul3A = vector.broadcast %get3A_14 : vector<10000x1xf32> to vector<10000x128xf32>
    %mul3A_15 = arith.mulf %sub3A, %mul3A : vector<10000x128xf32>
    %get3A_16 = arith.constant 0 : index
    %get3A_17 = arith.constant 0 : index
    %get3A_18 = vector.load %arg3[%get3A_16, %get3A_17] : memref<1x128xf32, #tpu.memory_space<vmem>>, vector<1x128xf32>
    %add3A_19 = vector.broadcast %get3A_18 : vector<1x128xf32> to vector<10000x128xf32>
    %add3A_20 = arith.addf %mul3A_15, %add3A_19 : vector<10000x128xf32>
    %max3A = arith.constant 0.000000e+00 : f32
    %max3A_21 = vector.broadcast %max3A : f32 to vector<10000x128xf32>
    %max3A_22 = arith.maximumf %add3A_20, %max3A_21 : vector<10000x128xf32>
    %iota3A = tpu.iota {dimensions = array<i32: 1>} : vector<10000x16xi32>
    %get3A_23 = arith.constant 0 : index
    %get3A_24 = arith.constant 0 : index
    %get3A_25 = vector.load %arg4[%get3A_23, %get3A_24] : memref<10000x1xi32, #tpu.memory_space<vmem>>, vector<10000x1xi32>
    %eq3A = vector.broadcast %get3A_25 : vector<10000x1xi32> to vector<10000x16xi32>
    %eq3A_26 = arith.cmpi eq, %eq3A, %iota3A : vector<10000x16xi32>
    %convert_element_type3A = arith.extui %eq3A_26 : vector<10000x16xi1> to vector<10000x16xi32>
    %convert_element_type3A_27 = arith.sitofp %convert_element_type3A : vector<10000x16xi32> to vector<10000x16xf32>
    %dot_general3A = arith.constant dense<0.000000e+00> : vector<16x128xf32>
    %dot_general3A_28 = tpu.matmul %convert_element_type3A_27, %max3A_22, %dot_general3A {dimension_numbers = #tpu.dot_dimension_numbers<[0], [0], [1], [1], [0, 1, 1, 1], [], []>, transpose_lhs_hint = false} : vector<10000x16xf32>, vector<10000x128xf32>, vector<16x128xf32> -> vector<16x128xf32>
    %reduce_sum3A = arith.constant dense<0.000000e+00> : vector<16xf32>
    %reduce_sum3A_29 = vector.multi_reduction <add>, %convert_element_type3A_27, %reduce_sum3A [0] : vector<10000x16xf32> to vector<16xf32>
    %broadcast_in_dim3A = vector.shape_cast %reduce_sum3A_29 : vector<16xf32> to vector<1x16xf32>
    %max3A_30 = arith.constant 1.000000e+00 : f32
    %max3A_31 = vector.broadcast %max3A_30 : f32 to vector<1x16xf32>
    %max3A_32 = arith.maximumf %broadcast_in_dim3A, %max3A_31 : vector<1x16xf32>
    %transpose3A = tpu.transpose %max3A_32, [1, 0] : vector<1x16xf32> -> vector<16x1xf32>
    %div3A = vector.broadcast %transpose3A : vector<16x1xf32> to vector<16x128xf32>
    %div3A_33 = arith.divf %dot_general3A_28, %div3A : vector<16x128xf32>
    %get3A_34 = arith.constant 0 : index
    %get3A_35 = arith.constant 0 : index
    %get3A_36 = vector.load %arg5[%get3A_34, %get3A_35] : memref<128x2xf32, #tpu.memory_space<vmem>>, vector<128x2xf32>
    %dot_general3A_37 = arith.constant dense<0.000000e+00> : vector<16x2xf32>
    %dot_general3A_38 = tpu.matmul %div3A_33, %get3A_36, %dot_general3A_37 {dimension_numbers = #tpu.dot_dimension_numbers<[1], [0], [0], [1], [0, 0, 1, 1], [], []>, transpose_lhs_hint = false} : vector<16x128xf32>, vector<128x2xf32>, vector<16x2xf32> -> vector<16x2xf32>
    %get3A_39 = arith.constant 0 : index
    %get3A_40 = arith.constant 0 : index
    %get3A_41 = vector.load %arg6[%get3A_39, %get3A_40] : memref<1x2xf32, #tpu.memory_space<vmem>>, vector<1x2xf32>
    %add3A_42 = vector.broadcast %get3A_41 : vector<1x2xf32> to vector<16x2xf32>
    %add3A_43 = arith.addf %dot_general3A_38, %add3A_42 : vector<16x2xf32>
    %swap3A = arith.constant 0 : index
    %swap3A_44 = arith.constant 0 : index
    %swap3A_45 = vector.load %arg7[%swap3A, %swap3A_44] : memref<16x2xf32, #tpu.memory_space<vmem>>, vector<16x2xf32>
    tpu.vector_store %arg7[%swap3A, %swap3A_44], %add3A_43 {strides = array<i32>} : memref<16x2xf32, #tpu.memory_space<vmem>>, vector<16x2xf32>,
    return
  }
}

</mosaic_0001>

<sc_bundles>
// kernel: kernel.11.cloned.1.call-start
scs
__scs_entry_jumppad:
0x0: {  	(pc) =	sbr.rel $0x88, $3  }
0x1: {  	(tag) =	ssettag $0x0;
	lr =	simm.s32 $0x1  }
0x2: {  	[smem:$0x3F96] =	sst lr;
	_ =	strace $0xD0000000  }
0x3: {  	_ = 	snop  }
0x4: {  	_ = 	snop  }
0x5: {  	_ = 	snop  }
0x6: {  	_ = 	snop  }
0x7: {  	_ = 	snop  }
__scs_overlays_trampoline_lowered:
0x8: {  	[smem:$0x3FA5] =	sst s0  }
0x9: {  	[smem:$0x3FA6] =	sst s1  }
0xa: {  	[smem:$0x3FA7] =	sst s2  }
0xb: {  	[smem:$0x3FA8] =	sst s3  }
0xc: {  	[smem:$0x3FA9] =	sst s4  }
0xd: {  	[smem:$0x3FAA] =	sst s5  }
0xe: {  	[smem:$0x3FAB] =	sst s6  }
0xf: {  	[smem:$0x3FAC] =	sst s7  }
0x10: {  	[smem:$0x3FAD] =	sst s8  }
0x11: {  	[smem:$0x3FAE] =	sst s9;
	s0 =	simm.s32 @!p0 $0x0  }
0x12: {  	s1 =	sld [smem:$0x3F94];
	s0 =	simm.s32 @p0 $0x1  }
0x13: {  	[smem:$0x3FAF] =	sst s0;
	s0 =	simm.s32 @!p1 $0x0  }
0x14: {  	s2 =	sld [smem:$0x3F93];
	s0 =	simm.s32 @p1 $0x1  }
0x15: {  	[smem:$0x3FB0] =	sst s0;
	s0 =	simm.s32 @!p2 $0x0  }
0x16: {  	s3 =	sld [smem:$0x3FDB];
	s0 =	simm.s32 @p2 $0x1  }
0x17: {  	s4 =	simm.s32 $0x1BF5;
	[smem:$0x3FB2] =	sst s0  }
0x18: {  	s0 =	sld [smem:$0x3F95];
	_ =	swait.ge [sflag:s4], $0x0  }
0x19: {  	s7 =	sld [smem:$0x3F96]  }
0x1a: {  	s8 =	sadd.s32 $0xFFFFE003, lr  }
0x1b: {  	s9 =	sadd.s32 $0xFFFFFEF7, lr;
	s5 =	simm.s32 $0xFFFFFFFF;
	p2 =	slt.u32 s8, $0xFFFFF086  }
0x1c: {  	p1 =	slt.u32 s9, $0xF7A;
	s5 =	simm.s32 @!p2 $0x0  }
0x1d: {  	s5 =	simm.s32 @p1 $0x1;
	p0 =	seq.s32 s7, s2  }
0x1e: {  	s7 =	smul.u32 @!p0 $0xF7A, s2;
	p2 =	seq.s32 @!p0 s5, $0x0  }
0x1f: {  	s9 =	smul.u32 $0xF7A, s1;
	s8 =	simm.s32 @!p0 $0x1BF5;
	p2 =	por !p2, p0  }
0x20: {  	[sflag:s8] =	ssyncset.s32 @!p0 $0xFFFFF086;
	s6 =	sadd.s32 @!p0 s3, s7;
	s7 =	simm.s32 @!p0 $0x108  }
0x21: {  	s3 =	sadd.s32 s3, s9;
	s6 =	sadd.s32 @!p0 $0x88, s6;
	s7 =	simm.s32 @p2 $0x1082  }
0x22: {  	[simem:s7], [sflag:s8] =	dma.local @!p0 [hbm:s6], $0xF7A  }
0x23: {  	s9 =	sor.u32 $0xD0000000, s2;
	s6 =	simm.s32 $0x108;
	_ =	swait.ge @!p0 [sflag:s8], $0x0  }
0x24: {  	s3 =	sadd.s32 $0x88, s3;
	s6 =	simm.s32 @!p1 $0x1082;
	[sflag:s4] =	ssyncset.s32 $0xFFFFF086  }
0x25: {  	[simem:s6], [sflag:s4] =	dma.local [hbm:s3], $0xF7A  }
0x26: {  	[smem:$0x3F96] =	sst s1;
	(tag) =	ssettag s2;
	_ =	strace s9  }
0x27: {  	s1 =	sld [smem:$0x3FA6]  }
0x28: {  	s2 =	sld [smem:$0x3FA7]  }
0x29: {  	s4 =	sld [smem:$0x3FA9]  }
0x2a: {  	p0 =	seq.s32 s5, $0x0;
	s5 =	sld [smem:$0x3FAA]  }
0x2b: {  	s6 =	sld [smem:$0x3FAB]  }
0x2c: {  	s7 =	sld [smem:$0x3FAC]  }
0x2d: {  	s3 =	simm.s32 $0x108;
	s8 =	sld [smem:$0x3FAD]  }
0x2e: {  	s3 =	simm.s32 @!p0 $0x1082;
	s9 =	sld [smem:$0x3FAE]  }
0x2f: {  	lr =	sadd.s32 s0, s3;
	s0 =	sld [smem:$0x3FA5]  }
0x30: {  	s3 =	sld [smem:$0x3FA8]  }
0x31: {  	[smem:$0x3FB1] =	sst s10  }
0x32: {  	s10 =	sld [smem:$0x3FAF];
	_ =	sdelay $0x3  }
0x33: {  	p0 =	seq.s32 s10, $0x1;
	s10 =	sld [smem:$0x3FB1];
	_ =	sdelay $0x3  }
0x34: {  	[smem:$0x3FB1] =	sst s10  }
0x35: {  	s10 =	sld [smem:$0x3FB0];
	_ =	sdelay $0x3  }
0x36: {  	p1 =	seq.s32 s10, $0x1;
	s10 =	sld [smem:$0x3FB1];
	_ =	sdelay $0x3  }
0x37: {  	[smem:$0x3FB1] =	sst s10  }
0x38: {  	s10 =	sld [smem:$0x3FB2]  }
0x39: {  	_ = 	snop;
	(pc) =	sbr.ind lr, $3  }
0x3a: {  	_ = 	snop  }
0x3b: {  	_ = 	snop  }
0x3c: {  	p2 =	seq.s32 s10, $0x1;
	s10 =	sld [smem:$0x3FB1]  }
0x3d: {  	_ =	shalt  }
0x3e: {  	_ =	shalt  }
0x3f: {  	_ =	shalt  }
0x40: {  	_ =	shalt  }
0x41: {  	_ =	shalt  }
0x42: {  	_ =	shalt  }
0x43: {  	_ =	shalt  }
0x44: {  	_ =	shalt  }
0x45: {  	_ =	shalt  }
0x46: {  	_ =	shalt  }
0x47: {  	_ =	shalt  }
0x48: {  	_ =	shalt  }
0x49: {  	_ =	shalt  }
0x4a: {  	_ =	shalt  }
0x4b: {  	_ =	shalt  }
0x4c: {  	_ =	shalt  }
0x4d: {  	_ =	shalt  }
0x4e: {  	_ =	shalt  }
0x4f: {  	_ =	shalt  }
0x50: {  	_ =	shalt  }
0x51: {  	_ =	shalt  }
0x52: {  	_ =	shalt  }
0x53: {  	_ =	shalt  }
0x54: {  	_ =	shalt  }
0x55: {  	_ =	shalt  }
0x56: {  	_ =	shalt  }
0x57: {  	_ =	shalt  }
0x58: {  	_ =	shalt  }
0x59: {  	_ =	shalt  }
0x5a: {  	_ =	shalt  }
0x5b: {  	_ =	shalt  }
0x5c: {  	_ =	shalt  }
0x5d: {  	_ =	shalt  }
0x5e: {  	_ =	shalt  }
0x5f: {  	_ =	shalt  }
0x60: {  	_ =	shalt  }
0x61: {  	_ =	shalt  }
0x62: {  	_ =	shalt  }
0x63: {  	_ =	shalt  }
0x64: {  	_ =	shalt  }
0x65: {  	_ =	shalt  }
0x66: {  	_ =	shalt  }
0x67: {  	_ =	shalt  }
0x68: {  	_ =	shalt  }
0x69: {  	_ =	shalt  }
0x6a: {  	_ =	shalt  }
0x6b: {  	_ =	shalt  }
0x6c: {  	_ =	shalt  }
0x6d: {  	_ =	shalt  }
0x6e: {  	_ =	shalt  }
0x6f: {  	_ =	shalt  }
0x70: {  	_ =	shalt  }
0x71: {  	_ =	shalt  }
0x72: {  	_ =	shalt  }
0x73: {  	_ =	shalt  }
0x74: {  	_ =	shalt  }
0x75: {  	_ =	shalt  }
0x76: {  	_ =	shalt  }
0x77: {  	_ =	shalt  }
0x78: {  	_ =	shalt  }
0x79: {  	_ =	shalt  }
0x7a: {  	_ =	shalt  }
0x7b: {  	_ =	shalt  }
0x7c: {  	_ =	shalt  }
0x7d: {  	_ =	shalt  }
0x7e: {  	_ =	shalt  }
0x7f: {  	_ =	shalt  }
0x80: {  	_ =	shalt  }
0x81: {  	_ =	shalt  }
0x82: {  	_ =	shalt  }
0x83: {  	_ =	shalt  }
0x84: {  	_ =	shalt  }
0x85: {  	_ =	shalt  }
0x86: {  	_ =	shalt  }
0x87: {  	_ =	shalt  }
.Lfunc_end0:
.L_simem_size_0:
called_computation_lowered:
.L_overlay_start_0:
0x88: {  	s2 =	sld [smem:$0x3FD9]  }
0x89: {  	s3 =	sld [smem:$0x3FFE];
	_ =	sdelay $0x1  }
0x8a: {  	s1 =	srdreg.scid  }
0x8b: {  	s0 =	sand.u32 $0x1, s1  }
0x8c: {  	s16 =	sshll.u32 s0, $0xA;
	s2 =	sadd.s32 s3, s2  }
0x8d: {  	s2 =	sadd.s32 s2, s16  }
0x8e: {  	[smem:$0x3FBD] =	sst s2  }
0x8f: {  	_ = 	snop  }
0x90: {  	(tm) =	ssettm $0x1  }
0x91: {  	s17 =	sld [smem:$0x3FFB];
	_ =	sdelay $0x3  }
0x92: {  	_ =	strace s17  }
0x93: {  	s2 =	sld [smem:$0x3FFC];
	_ =	sdelay $0x3  }
0x94: {  	_ =	strace s2  }
0x95: {  	s2 =	sld [smem:$0x3FFD];
	_ =	sdelay $0x3  }
0x96: {  	_ =	strace s2  }
0x97: {  	_ =	strace $0x8FFFFFFF  }
0x98: {  	s18 =	sld [smem:$0x3FDB];
	_ =	sdelay $0x1  }
0x99: {  	s19 =	simm.s32 $_scs_section_size  }
0x9a: {  	s4 =	simm.s32 $_size__tile_overlayer_lowered;
	s5 =	simm.s32 $_tile_overlayer_lowered  }
0x9b: {  	s22 =	simm.s32 $0x1BFF;
	s21 =	sshll.u32 s5, $0x1;
	s2 =	sadd.s32 s19, s18  }
0x9c: {  	s6 =	simm.s32 $0x0;
	s20 =	sshll.u32 s4, $0x1;
	s4 =	sadd.s32 s21, s2  }
0x9d: {  	[timem:s6], [sflag:s22] =	dma.local [hbm:s4], s20  }
0x9e: {  	_ =	swait.ge [sflag:s22], s20  }
0x9f: {  	s3 =	ssub.s32 $0x0, s20;
	[sflag:s22] =	ssyncset.done $0x0  }
0xa0: {  	[sflag:s22] =	ssyncadd.s32 s3;
	_ =	sdelay $0x1  }
0xa1: {  	s23 =	simm.s32 $0x1B8B  }
0xa2: {  	_ =	swait.ge [sflag:s23], $0x1  }
0xa3: {  	[sflag:s23] =	ssyncset.done $0x0  }
0xa4: {  	s25 =	simm.s32 $0x1B8E;
	s24 =	sld [smem:$0x3FFE];
	[sflag:s23] =	ssyncadd.s32 $0xFFFFFFFF  }
0xa5: {  	s26 =	simm.s32 $execute0_lowered;
	[smem:$0x3FD2] =	sst s25  }
0xa6: {  	s4 =	sshll.u32 s26, $0x1;
	_ =	strace $0x80000046;
	[dreg:$0x1] =	wrdreg $0xFFFFFFFF  }
0xa7: {  	s28 =	simm.s32 $_size_execute0_lowered;
	s2 =	sadd.s32 s2, s4;
	[dreg:$0x0] =	wrdreg $0x0  }
0xa8: {  	s4 =	sshll.u32 s28, $0x1;
	[dreg:$0x2] =	wrdreg s2  }
0xa9: {  	[dreg:$0x3] =	wrdreg s4  }
0xaa: {  	[dreg:$0x4] =	wrdreg $0xC0  }
0xab: {  	_ =	task [dreg:s6], $0x5FFFF  }
0xac: {  	[dreg:$0x1] =	wrdreg $0xFFFFFFFF  }
0xad: {  	[dreg:$0x0] =	wrdreg $0x60  }
0xae: {  	[dreg:$0x2] =	wrdreg s24  }
0xaf: {  	[dreg:$0x3] =	wrdreg $0x0  }
0xb0: {  	[dreg:$0x4] =	wrdreg $0x9  }
0xb1: {  	_ =	task.clear_ibuf [dreg:s6], $0x5FFFF;
	_ =	strace $0x90000046  }
0xb2: {  	s29 =	simm.s32 $0x9;
	_ =	strace $0x80000048  }
0xb3: {  	_ =	swait.ge [sflag:s29], $0x1  }
0xb4: {  	[sflag:s29] =	ssyncadd.s32 $0xFFFFFFFF  }
0xb5: {  	_ =	strace $0x90000048  }
0xb6: {  	_ =	sfence  }
0xb7: {  	s30 =	sld [smem:$0x0];
	_ =	sdelay $0x2  }
0xb8: {  	s31 =	sshll.u32 s1, $0xD;
	s1 =	sshrl.u32 s1, $0x2  }
0xb9: {  	s3 =	sand.u32 $0x4000, s31;
	s1 =	sadd.s32 s1, s30  }
0xba: {  	s0 =	sor.u32 s3, s0;
	s1 =	sshll.u32 s1, $0x11  }
0xbb: {  	s0 =	sor.u32 s1, s0  }
0xbc: {  	s0 =	sadd.s32 $0x8F2B, s0  }
0xbd: {  	[sflag:s0] =	ssyncadd.remote.s32 $0x1  }
0xbe: {  	_ =	sfence.sel $0xFFFF  }
0xbf: {  	[dreg:$0x0] =	wrdreg $0xFFFFFFFF;
	(pc) =	sbr.abs _section_cstart, $3  }
0xc0: {  	[dreg:$0x1] =	wrdreg $0xFFFFFFFF  }
0xc1: {  	_ =	task.clear_ibuf [dreg:s6], $0x2FFFF;
	_ =	strace $0x9FFFFFFF  }
0xc2: {  	(tm) =	ssettm $0x7FFFFFFF  }
0xc3: {  	_ =	shalt  }
tec
execute0_lowered:
.L_overlay_start_1:
0x0: {  	(tag) =	ssettag $0x1  }
0x1: {  	s1 =	srdreg.scid;
	s7 =	rddreg [dreg:$0x0]  }
0x2: {  	s0 =	stileid.u32;
	s2 =	rddreg [dreg:$0x1]  }
0x3: {  	s3 =	simm.s32 $0x0;
	s13 =	simm.s32 $0x2800;
	s14 =	simm.s32 $0x80  }
0x4: {  	s15 =	simm.s32 $0x0;
	s6 =	sand.u32 $0x1, s1;
	s8 =	smul.u32 $0x14000, s0  }
0x5: {  	s30 =	sshll.u32 s0, $0x1;
	[smem:$0x7FF] =	sst s3;
	s10 =	smul.u32 $0x50000, s0  }
0x6: {  	s11 =	sshll.u32 s0, $0x6;
	s1 =	sor.u32 s6, s30;
	s5 =	smul.u32 $0x140000, s6  }
0x7: {  	s6 =	ssub.s32 $0x2, s6;
	s4 =	smul.u32 $0x500, s1;
	s1 =	rddreg [dreg:$0x2]  }
0x8: {  	_ =	strace $0x80000047;
	s31 =	sshrl.u32 s6, $0x1;
	s10 =	sshrl.u32 s10, $0x2  }
0x9: {  	s5 =	sadd.s32 s8, s5;
	s12 =	ssub.s32 s6, s31;
	s10 =	sadd.s32 s10, s2  }
0xa: {  	s6 =	sor.u32 $0x1C01, s11;
	s11 =	simm.s32 $0x1;
	s9 =	sadd.s32 s4, s7  }
0xb: {  	s4 =	sadd.s32 $0x1A000, s7;
	s8 =	sshrl.u32 s5, $0x3;
	s5 =	sadd.s32 $0x17800, s7  }
0xc: {  	s10 =	sshrl.u32 s10, $0x3;
	s8 =	sadd.s32 s8, s7;
	s7 =	sadd.s32 $0x3800, s9  }
0xd: {  	s9 =	smax.u32 s12, $0x1;
	s12 =	simm.s32 $0x5000;
	s8 =	sadd.s32 $0x1A800, s8  }
.LBB2_1:
0xe: {  	[spmem:s10], [sflag:s6] =	dma.local [hbm:s5], $0x2800  }
0xf: {  	_ =	swait.ge [sflag:s11], $0x2800  }
0x10: {  	[sflag:s11] =	ssyncset.done $0x0  }
0x11: {  	[sflag:s11] =	ssyncadd.s32 $0xFFFFD800  }
0x12: {  	[tilespmem:s12], [sflag:$0x1] =	stream.linear.gather [hbm4b:s4+s3], $0x4000, $0x38;
	[tilespmem:$0x9000] =	vst v63  }
0x13: {  	_ =	swait.ge [sflag:s11], $0x4000  }
0x14: {  	[sflag:s11] =	ssyncset.done $0x0  }
0x15: {  	[sflag:s11] =	ssyncadd.s32 $0xFFFFC000  }
0x16: {  	[tilespmem:s13], [sflag:$0x1] =	stream.linear.gather [hbm4b:s7+s3], $0x2800, $0x38;
	[tilespmem:$0x9000] =	vst v63  }
0x17: {  	_ =	swait.ge [sflag:s11], $0x2800  }
0x18: {  	[sflag:s11] =	ssyncset.done $0x0  }
0x19: {  	[sflag:s11] =	ssyncadd.s32 $0xFFFFD800  }
0x1a: {  	s16 =	simm.s32 $0x2800;
	[bflag:$0x0] =	sbarrier.arrive $0xFFFF  }
0x1b: {  	[spmem:s2] =	stream.indirect.scatter.add.f32 [tilespmem:s12], [sflag:$0x1], $0x10, s16, s14, $0xb8;
	[tilespmem:$0x9000] =	vst v63  }
0x1c: {  	s16 =	simm.s32 $0x200;
	_ =	swait.ge [sflag:s11], $0x800  }
.LBB2_2:
0x1d: {  	s17 =	sshra.s32 s16, $0x2;
	[sflag:s11] =	ssyncset.done $0x0;
	p0 =	sne.s32 s16, $0x9E00  }
.Ltmp0:
0x1e: {  	s17 =	sadd.s32 $0x2800, s17;
	[sflag:s11] =	ssyncadd.s32 $0xFFFFF800;
	(pc) =	sbr.rel @p0 .LBB2_2-.Ltmp0, $3  }
0x1f: {  	[spmem:s2] =	stream.indirect.scatter.add.f32 [tilespmem:s12], [sflag:$0x1], $0x10, s17, s14, $0xb8;
	[tilespmem:$0x9000] =	vst v63  }
0x20: {  	s16 =	sadd.s32 $0x200, s16;
	_ =	sdelay $0x1  }
0x21: {  	_ =	swait.ge [sflag:s11], $0x800  }
0x22: {  	[sflag:s11] =	ssyncset.done $0x0;
	s15 =	sadd.s32 $0x1, s15  }
0x23: {  	[sflag:s11] =	ssyncadd.s32 $0xFFFFF800;
	p0 =	sne.s32 s15, s9  }
.Ltmp1:
0x24: {  	[bflag:$0x0] =	sbarrier.arrive $0xFFFF;
	(pc) =	sbr.rel @p0 .LBB2_1-.Ltmp1, $4  }
0x25: {  	[hbm:s8], [sflag:s6] =	dma.local [spmem:s10], $0x2800  }
0x26: {  	_ =	swait.ge [sflag:s11], $0x2800  }
0x27: {  	[sflag:s11] =	ssyncset.done $0x0  }
0x28: {  	[sflag:s11] =	ssyncadd.s32 $0xFFFFD800  }
0x29: {  	_ =	sfence.sel $0x180000  }
0x2a: {  	[bflag:$0x0] =	sbarrier.arrive $0xFFFF  }
0x2b: {  	p0 =	sne.s32 s0, $0x0;
	_ =	strace $0x90000047  }
0x2c: {  	s0 =	sadd.s32 @!p0 $0x100000, s1;
	[bflag:$0x2] =	sbarrier.arrive $0xFFFF  }
0x2d: {  	[sflag:s0] =	ssyncadd.tile.s32 @!p0 $0x1;
	_ =	shalt  }
.Lfunc_end2:
_tile_overlayer_lowered:
.L_overlay_start_2:
0x2e: {  	(tag) =	ssettag $0x2  }
0x2f: {  	s0 =	rddreg [dreg:$0x0];
	s2 =	stileid.u32  }
0x30: {  	s1 =	rddreg [dreg:$0x1];
	p0 =	sne.s32 s2, $0x0  }
0x31: {  	s3 =	rddreg [dreg:$0x2];
	[bflag:$0x3] =	sbarrier.arrive $0xFFFF;
	s2 =	simm.s32 @!p0 $0x1C01  }
0x32: {  	[timem:s3], [sflag:s2] =	dma.local @!p0 [hbm:s0], s1  }
0x33: {  	s0 =	simm.s32 @!p0 $0x1  }
0x34: {  	_ =	swait.ge @!p0 [sflag:s0], s1  }
0x35: {  	s1 =	ssub.s32 @!p0 $0x0, s1;
	[sflag:s0] =	ssyncset.done @!p0 $0x0  }
0x36: {  	[sflag:s0] =	ssyncadd.s32 @!p0 s1  }
0x37: {  	[bflag:$0x3] =	sbarrier.arrive $0xFFFF  }
0x38: {  	_ =	shalt  }

// kernel: kernel.14.cloned.1.call-start
scs
__scs_entry_jumppad:
0x0: {  	(pc) =	sbr.rel $0x88, $3  }
0x1: {  	(tag) =	ssettag $0x0;
	lr =	simm.s32 $0x1  }
0x2: {  	[smem:$0x3F96] =	sst lr;
	_ =	strace $0xD0000000  }
0x3: {  	_ = 	snop  }
0x4: {  	_ = 	snop  }
0x5: {  	_ = 	snop  }
0x6: {  	_ = 	snop  }
0x7: {  	_ = 	snop  }
__scs_overlays_trampoline_lowered:
0x8: {  	[smem:$0x3FA5] =	sst s0  }
0x9: {  	[smem:$0x3FA6] =	sst s1  }
0xa: {  	[smem:$0x3FA7] =	sst s2  }
0xb: {  	[smem:$0x3FA8] =	sst s3  }
0xc: {  	[smem:$0x3FA9] =	sst s4  }
0xd: {  	[smem:$0x3FAA] =	sst s5  }
0xe: {  	[smem:$0x3FAB] =	sst s6  }
0xf: {  	[smem:$0x3FAC] =	sst s7  }
0x10: {  	[smem:$0x3FAD] =	sst s8  }
0x11: {  	[smem:$0x3FAE] =	sst s9;
	s0 =	simm.s32 @!p0 $0x0  }
0x12: {  	s1 =	sld [smem:$0x3F94];
	s0 =	simm.s32 @p0 $0x1  }
0x13: {  	[smem:$0x3FAF] =	sst s0;
	s0 =	simm.s32 @!p1 $0x0  }
0x14: {  	s2 =	sld [smem:$0x3F93];
	s0 =	simm.s32 @p1 $0x1  }
0x15: {  	[smem:$0x3FB0] =	sst s0;
	s0 =	simm.s32 @!p2 $0x0  }
0x16: {  	s3 =	sld [smem:$0x3FDB];
	s0 =	simm.s32 @p2 $0x1  }
0x17: {  	s4 =	simm.s32 $0x1BF5;
	[smem:$0x3FB2] =	sst s0  }
0x18: {  	s0 =	sld [smem:$0x3F95];
	_ =	swait.ge [sflag:s4], $0x0  }
0x19: {  	s7 =	sld [smem:$0x3F96]  }
0x1a: {  	s8 =	sadd.s32 $0xFFFFE003, lr  }
0x1b: {  	s9 =	sadd.s32 $0xFFFFFEF7, lr;
	s5 =	simm.s32 $0xFFFFFFFF;
	p2 =	slt.u32 s8, $0xFFFFF086  }
0x1c: {  	p1 =	slt.u32 s9, $0xF7A;
	s5 =	simm.s32 @!p2 $0x0  }
0x1d: {  	s5 =	simm.s32 @p1 $0x1;
	p0 =	seq.s32 s7, s2  }
0x1e: {  	s7 =	smul.u32 @!p0 $0xF7A, s2;
	p2 =	seq.s32 @!p0 s5, $0x0  }
0x1f: {  	s9 =	smul.u32 $0xF7A, s1;
	s8 =	simm.s32 @!p0 $0x1BF5;
	p2 =	por !p2, p0  }
0x20: {  	[sflag:s8] =	ssyncset.s32 @!p0 $0xFFFFF086;
	s6 =	sadd.s32 @!p0 s3, s7;
	s7 =	simm.s32 @!p0 $0x108  }
0x21: {  	s3 =	sadd.s32 s3, s9;
	s6 =	sadd.s32 @!p0 $0x88, s6;
	s7 =	simm.s32 @p2 $0x1082  }
0x22: {  	[simem:s7], [sflag:s8] =	dma.local @!p0 [hbm:s6], $0xF7A  }
0x23: {  	s9 =	sor.u32 $0xD0000000, s2;
	s6 =	simm.s32 $0x108;
	_ =	swait.ge @!p0 [sflag:s8], $0x0  }
0x24: {  	s3 =	sadd.s32 $0x88, s3;
	s6 =	simm.s32 @!p1 $0x1082;
	[sflag:s4] =	ssyncset.s32 $0xFFFFF086  }
0x25: {  	[simem:s6], [sflag:s4] =	dma.local [hbm:s3], $0xF7A  }
0x26: {  	[smem:$0x3F96] =	sst s1;
	(tag) =	ssettag s2;
	_ =	strace s9  }
0x27: {  	s1 =	sld [smem:$0x3FA6]  }
0x28: {  	s2 =	sld [smem:$0x3FA7]  }
0x29: {  	s4 =	sld [smem:$0x3FA9]  }
0x2a: {  	p0 =	seq.s32 s5, $0x0;
	s5 =	sld [smem:$0x3FAA]  }
0x2b: {  	s6 =	sld [smem:$0x3FAB]  }
0x2c: {  	s7 =	sld [smem:$0x3FAC]  }
0x2d: {  	s3 =	simm.s32 $0x108;
	s8 =	sld [smem:$0x3FAD]  }
0x2e: {  	s3 =	simm.s32 @!p0 $0x1082;
	s9 =	sld [smem:$0x3FAE]  }
0x2f: {  	lr =	sadd.s32 s0, s3;
	s0 =	sld [smem:$0x3FA5]  }
0x30: {  	s3 =	sld [smem:$0x3FA8]  }
0x31: {  	[smem:$0x3FB1] =	sst s10  }
0x32: {  	s10 =	sld [smem:$0x3FAF];
	_ =	sdelay $0x3  }
0x33: {  	p0 =	seq.s32 s10, $0x1;
	s10 =	sld [smem:$0x3FB1];
	_ =	sdelay $0x3  }
0x34: {  	[smem:$0x3FB1] =	sst s10  }
0x35: {  	s10 =	sld [smem:$0x3FB0];
	_ =	sdelay $0x3  }
0x36: {  	p1 =	seq.s32 s10, $0x1;
	s10 =	sld [smem:$0x3FB1];
	_ =	sdelay $0x3  }
0x37: {  	[smem:$0x3FB1] =	sst s10  }
0x38: {  	s10 =	sld [smem:$0x3FB2]  }
0x39: {  	_ = 	snop;
	(pc) =	sbr.ind lr, $3  }
0x3a: {  	_ = 	snop  }
0x3b: {  	_ = 	snop  }
0x3c: {  	p2 =	seq.s32 s10, $0x1;
	s10 =	sld [smem:$0x3FB1]  }
0x3d: {  	_ =	shalt  }
0x3e: {  	_ =	shalt  }
0x3f: {  	_ =	shalt  }
0x40: {  	_ =	shalt  }
0x41: {  	_ =	shalt  }
0x42: {  	_ =	shalt  }
0x43: {  	_ =	shalt  }
0x44: {  	_ =	shalt  }
0x45: {  	_ =	shalt  }
0x46: {  	_ =	shalt  }
0x47: {  	_ =	shalt  }
0x48: {  	_ =	shalt  }
0x49: {  	_ =	shalt  }
0x4a: {  	_ =	shalt  }
0x4b: {  	_ =	shalt  }
0x4c: {  	_ =	shalt  }
0x4d: {  	_ =	shalt  }
0x4e: {  	_ =	shalt  }
0x4f: {  	_ =	shalt  }
0x50: {  	_ =	shalt  }
0x51: {  	_ =	shalt  }
0x52: {  	_ =	shalt  }
0x53: {  	_ =	shalt  }
0x54: {  	_ =	shalt  }
0x55: {  	_ =	shalt  }
0x56: {  	_ =	shalt  }
0x57: {  	_ =	shalt  }
0x58: {  	_ =	shalt  }
0x59: {  	_ =	shalt  }
0x5a: {  	_ =	shalt  }
0x5b: {  	_ =	shalt  }
0x5c: {  	_ =	shalt  }
0x5d: {  	_ =	shalt  }
0x5e: {  	_ =	shalt  }
0x5f: {  	_ =	shalt  }
0x60: {  	_ =	shalt  }
0x61: {  	_ =	shalt  }
0x62: {  	_ =	shalt  }
0x63: {  	_ =	shalt  }
0x64: {  	_ =	shalt  }
0x65: {  	_ =	shalt  }
0x66: {  	_ =	shalt  }
0x67: {  	_ =	shalt  }
0x68: {  	_ =	shalt  }
0x69: {  	_ =	shalt  }
0x6a: {  	_ =	shalt  }
0x6b: {  	_ =	shalt  }
0x6c: {  	_ =	shalt  }
0x6d: {  	_ =	shalt  }
0x6e: {  	_ =	shalt  }
0x6f: {  	_ =	shalt  }
0x70: {  	_ =	shalt  }
0x71: {  	_ =	shalt  }
0x72: {  	_ =	shalt  }
0x73: {  	_ =	shalt  }
0x74: {  	_ =	shalt  }
0x75: {  	_ =	shalt  }
0x76: {  	_ =	shalt  }
0x77: {  	_ =	shalt  }
0x78: {  	_ =	shalt  }
0x79: {  	_ =	shalt  }
0x7a: {  	_ =	shalt  }
0x7b: {  	_ =	shalt  }
0x7c: {  	_ =	shalt  }
0x7d: {  	_ =	shalt  }
0x7e: {  	_ =	shalt  }
0x7f: {  	_ =	shalt  }
0x80: {  	_ =	shalt  }
0x81: {  	_ =	shalt  }
0x82: {  	_ =	shalt  }
0x83: {  	_ =	shalt  }
0x84: {  	_ =	shalt  }
0x85: {  	_ =	shalt  }
0x86: {  	_ =	shalt  }
0x87: {  	_ =	shalt  }
.Lfunc_end0:
.L_simem_size_0:
called_computation.1_lowered:
.L_overlay_start_0:
0x88: {  	s2 =	sld [smem:$0x3FD9]  }
0x89: {  	s3 =	sld [smem:$0x3FFE];
	_ =	sdelay $0x1  }
0x8a: {  	s1 =	srdreg.scid  }
0x8b: {  	s0 =	sand.u32 $0x1, s1  }
0x8c: {  	s16 =	sshll.u32 s0, $0xA;
	s2 =	sadd.s32 s3, s2  }
0x8d: {  	s2 =	sadd.s32 s2, s16  }
0x8e: {  	[smem:$0x3FBD] =	sst s2  }
0x8f: {  	_ = 	snop  }
0x90: {  	(tm) =	ssettm $0x1  }
0x91: {  	s17 =	sld [smem:$0x3FFB];
	_ =	sdelay $0x3  }
0x92: {  	_ =	strace s17  }
0x93: {  	s2 =	sld [smem:$0x3FFC];
	_ =	sdelay $0x3  }
0x94: {  	_ =	strace s2  }
0x95: {  	s2 =	sld [smem:$0x3FFD];
	_ =	sdelay $0x3  }
0x96: {  	_ =	strace s2  }
0x97: {  	_ =	strace $0x8FFFFFFF  }
0x98: {  	s18 =	sld [smem:$0x3FDB];
	_ =	sdelay $0x1  }
0x99: {  	s19 =	simm.s32 $_scs_section_size  }
0x9a: {  	s4 =	simm.s32 $_size__tile_overlayer_lowered;
	s5 =	simm.s32 $_tile_overlayer_lowered  }
0x9b: {  	s22 =	simm.s32 $0x1BFF;
	s21 =	sshll.u32 s5, $0x1;
	s2 =	sadd.s32 s19, s18  }
0x9c: {  	s6 =	simm.s32 $0x0;
	s20 =	sshll.u32 s4, $0x1;
	s4 =	sadd.s32 s21, s2  }
0x9d: {  	[timem:s6], [sflag:s22] =	dma.local [hbm:s4], s20  }
0x9e: {  	_ =	swait.ge [sflag:s22], s20  }
0x9f: {  	s3 =	ssub.s32 $0x0, s20;
	[sflag:s22] =	ssyncset.done $0x0  }
0xa0: {  	[sflag:s22] =	ssyncadd.s32 s3;
	_ =	sdelay $0x1  }
0xa1: {  	s23 =	simm.s32 $0x1B8B  }
0xa2: {  	_ =	swait.ge [sflag:s23], $0x1  }
0xa3: {  	[sflag:s23] =	ssyncset.done $0x0  }
0xa4: {  	s25 =	simm.s32 $0x1B8E;
	s24 =	sld [smem:$0x3FFE];
	[sflag:s23] =	ssyncadd.s32 $0xFFFFFFFF  }
0xa5: {  	s26 =	simm.s32 $execute0_lowered;
	[smem:$0x3FD2] =	sst s25  }
0xa6: {  	s4 =	sshll.u32 s26, $0x1;
	_ =	strace $0x80000049;
	[dreg:$0x1] =	wrdreg $0xFFFFFFFF  }
0xa7: {  	s28 =	simm.s32 $_size_execute0_lowered;
	s2 =	sadd.s32 s2, s4;
	[dreg:$0x0] =	wrdreg $0x0  }
0xa8: {  	s4 =	sshll.u32 s28, $0x1;
	[dreg:$0x2] =	wrdreg s2  }
0xa9: {  	[dreg:$0x3] =	wrdreg s4  }
0xaa: {  	[dreg:$0x4] =	wrdreg $0xC0  }
0xab: {  	_ =	task [dreg:s6], $0x5FFFF  }
0xac: {  	[dreg:$0x1] =	wrdreg $0xFFFFFFFF  }
0xad: {  	[dreg:$0x0] =	wrdreg $0x60  }
0xae: {  	[dreg:$0x2] =	wrdreg s24  }
0xaf: {  	[dreg:$0x3] =	wrdreg $0x0  }
0xb0: {  	[dreg:$0x4] =	wrdreg $0x9  }
0xb1: {  	_ =	task.clear_ibuf [dreg:s6], $0x5FFFF;
	_ =	strace $0x90000049  }
0xb2: {  	s29 =	simm.s32 $0x9;
	_ =	strace $0x8000004B  }
0xb3: {  	_ =	swait.ge [sflag:s29], $0x1  }
0xb4: {  	[sflag:s29] =	ssyncadd.s32 $0xFFFFFFFF  }
0xb5: {  	_ =	strace $0x9000004B  }
0xb6: {  	_ =	sfence  }
0xb7: {  	s30 =	sld [smem:$0x0];
	_ =	sdelay $0x2  }
0xb8: {  	s31 =	sshll.u32 s1, $0xD;
	s1 =	sshrl.u32 s1, $0x2  }
0xb9: {  	s3 =	sand.u32 $0x4000, s31;
	s1 =	sadd.s32 s1, s30  }
0xba: {  	s0 =	sor.u32 s3, s0;
	s1 =	sshll.u32 s1, $0x11  }
0xbb: {  	s0 =	sor.u32 s1, s0  }
0xbc: {  	s0 =	sadd.s32 $0x8F2B, s0  }
0xbd: {  	[sflag:s0] =	ssyncadd.remote.s32 $0x1  }
0xbe: {  	_ =	sfence.sel $0xFFFF  }
0xbf: {  	[dreg:$0x0] =	wrdreg $0xFFFFFFFF;
	(pc) =	sbr.abs _section_cstart, $3  }
0xc0: {  	[dreg:$0x1] =	wrdreg $0xFFFFFFFF  }
0xc1: {  	_ =	task.clear_ibuf [dreg:s6], $0x2FFFF;
	_ =	strace $0x9FFFFFFF  }
0xc2: {  	(tm) =	ssettm $0x7FFFFFFF  }
0xc3: {  	_ =	shalt  }
tec
execute0_lowered:
.L_overlay_start_1:
0x0: {  	(tag) =	ssettag $0x1  }
0x1: {  	s6 =	rddreg [dreg:$0x0];
	s1 =	srdreg.scid  }
0x2: {  	s0 =	stileid.u32;
	s2 =	rddreg [dreg:$0x1]  }
0x3: {  	s3 =	simm.s32 $0x0;
	s16 =	simm.s32 $0x80;
	s17 =	simm.s32 $0x16800  }
0x4: {  	s18 =	simm.s32 $0x16A00;
	s19 =	simm.s32 $0x16880;
	s20 =	simm.s32 $0x1AA00  }
0x5: {  	s21 =	simm.s32 $0x1;
	s22 =	simm.s32 $0x16900;
	s23 =	simm.s32 $0x2  }
0x6: {  	s24 =	simm.s32 $0x16980;
	s25 =	simm.s32 $0x0;
	s5 =	sand.u32 $0x1, s1  }
0x7: {  	s4 =	sshll.u32 s0, $0x1;
	s1 =	rddreg [dreg:$0x2];
	s8 =	smul.u32 $0x4F000, s0  }
0x8: {  	[smem:$0x7FF] =	sst s3;
	s9 =	smul.u32 $0x2780, s0;
	s10 =	sadd.s32 $0x3EA00, s6  }
0x9: {  	s13 =	smul.u32 $0x13C00, s0;
	s15 =	sadd.s32 $0x128400, s2;
	p0 =	seq.s32 s0, $0xF  }
0xa: {  	s4 =	sor.u32 s5, s4;
	s11 =	ssub.s32 $0x2, s5;
	s12 =	smul.u32 $0x138800, s5  }
0xb: {  	_ =	strace $0x8000004A;
	s7 =	smul.u32 $0x500, s4;
	s29 =	sshrl.u32 s11, $0x1  }
0xc: {  	s4 =	sadd.s32 $0x17800, s6;
	s8 =	sshrl.u32 s8, $0x2;
	s11 =	ssub.s32 s11, s29  }
0xd: {  	s14 =	sadd.s32 s8, s2;
	s5 =	sadd.s32 s4, s9;
	s30 =	sadd.s32 s13, s12  }
0xe: {  	s31 =	sshrl.u32 s12, $0x3;
	s12 =	sshll.u32 @!p0 s0, $0x6;
	s7 =	sadd.s32 s7, s6  }
0xf: {  	s6 =	sadd.s32 $0x3C880, s6;
	s8 =	sshrl.u32 s30, $0x3;
	s9 =	sadd.s32 s10, s31  }
0x10: {  	s12 =	sor.u32 @!p0 $0x1C03, s12;
	s13 =	sshrl.u32 @!p0 s14, $0x3;
	s14 =	simm.s32 $0x14000  }
0x11: {  	s7 =	sadd.s32 $0xD800, s7;
	s8 =	sadd.s32 s10, s8;
	s9 =	sadd.s32 $0x25080, s9  }
0x12: {  	s10 =	smax.u32 s11, $0x1;
	s11 =	sshrl.u32 @p0 s15, $0x3;
	s15 =	simm.s32 $0x3  }
.LBB2_1:
0x13: {  	s26 =	simm.s32 @p0 $0x1FC3  }
0x14: {  	[spmem:s11], [sflag:s26] =	dma.local @p0 [hbm:s6], $0x2080  }
0x15: {  	s26 =	simm.s32 @p0 $0x3  }
0x16: {  	_ =	swait.ge @p0 [sflag:s26], $0x2080  }
0x17: {  	[sflag:s26] =	ssyncset.done @p0 $0x0  }
0x18: {  	[sflag:s26] =	ssyncadd.s32 @p0 $0xFFFFDF80;
	s26 =	simm.s32 @!p0 $0x3  }
0x19: {  	[spmem:s13], [sflag:s12] =	dma.local @!p0 [hbm:s5], $0x2780  }
0x1a: {  	_ =	swait.ge @!p0 [sflag:s26], $0x2780  }
0x1b: {  	[sflag:s26] =	ssyncset.done @!p0 $0x0  }
0x1c: {  	[sflag:s26] =	ssyncadd.s32 @!p0 $0xFFFFD880  }
0x1d: {  	[tilespmem:s14], [sflag:$0x3] =	stream.linear.gather [hbm4b:s7+s3], $0x2800, $0x38;
	[tilespmem:$0x1EA00] =	vst v63  }
0x1e: {  	_ =	swait.ge [sflag:s15], $0x2800  }
0x1f: {  	[sflag:s15] =	ssyncset.done $0x0  }
0x20: {  	[sflag:s15] =	ssyncadd.s32 $0xFFFFD800  }
0x21: {  	[bflag:$0x0] =	sbarrier.arrive $0xFFFF  }
0x22: {  	v0 =	vld [tilespmem:$0x14000];
	_ =	sdelay $0x1  }
0x23: {  	v1 =	vld [tilespmem:$0x14010];
	_ =	sdelay $0x1  }
0x24: {  	v2 =	vld [tilespmem:$0x14020]  }
0x25: {  	v3 =	vshra.s32 v0, $0x10  }
0x26: {  	v0 =	vand.u32 $0xFFFF, v0;
	[tilespmem:$0x16800] =	vst v3;
	v3 =	vld [tilespmem:$0x14030]  }
0x27: {  	[tilespmem:$0x16900] =	vst v0;
	v0 =	vshra.s32 v1, $0x10  }
0x28: {  	[tilespmem:$0x16810] =	vst v0;
	v0 =	vand.u32 $0xFFFF, v1;
	v1 =	vld [tilespmem:$0x14040]  }
0x29: {  	[tilespmem:$0x16910] =	vst v0;
	v0 =	vshra.s32 v2, $0x10  }
0x2a: {  	[tilespmem:$0x16820] =	vst v0;
	v0 =	vand.u32 $0xFFFF, v2;
	v2 =	vld [tilespmem:$0x14050]  }
0x2b: {  	[tilespmem:$0x16920] =	vst v0;
	v0 =	vshra.s32 v3, $0x10  }
0x2c: {  	[tilespmem:$0x16830] =	vst v0;
	v0 =	vand.u32 $0xFFFF, v3;
	v3 =	vld [tilespmem:$0x14060]  }
0x2d: {  	[tilespmem:$0x16930] =	vst v0;
	v0 =	vshra.s32 v1, $0x10  }
0x2e: {  	[tilespmem:$0x16840] =	vst v0;
	v0 =	vand.u32 $0xFFFF, v1;
	v1 =	vld [tilespmem:$0x14070]  }
0x2f: {  	[tilespmem:$0x16940] =	vst v0;
	v0 =	vshra.s32 v2, $0x10  }
0x30: {  	[tilespmem:$0x16850] =	vst v0;
	v0 =	vand.u32 $0xFFFF, v2  }
0x31: {  	[tilespmem:$0x16950] =	vst v0;
	v0 =	vshra.s32 v3, $0x10  }
0x32: {  	[tilespmem:$0x16860] =	vst v0;
	v0 =	vand.u32 $0xFFFF, v3  }
0x33: {  	[tilespmem:$0x16960] =	vst v0;
	v0 =	vshra.s32 v1, $0x10  }
0x34: {  	[tilespmem:$0x16870] =	vst v0;
	v0 =	vand.u32 $0xFFFF, v1  }
0x35: {  	[tilespmem:$0x16970] =	vst v0  }
0x36: {  	[tilespmem:s18], [sflag:$0x1] =	stream.indirect.gather [hbm4b:s4+s16], $0x80, s17, s16, $0xb8;
	[tilespmem:$0x1EA00] =	vst v63  }
0x37: {  	v0 =	vld [tilespmem:$0x14080];
	_ =	sdelay $0x1  }
0x38: {  	v1 =	vld [tilespmem:$0x14090];
	_ =	sdelay $0x1  }
0x39: {  	v2 =	vld [tilespmem:$0x140A0]  }
0x3a: {  	v3 =	vshra.s32 v0, $0x10  }
0x3b: {  	v0 =	vand.u32 $0xFFFF, v0;
	[tilespmem:$0x16880] =	vst v3;
	v3 =	vld [tilespmem:$0x140B0]  }
0x3c: {  	[tilespmem:$0x16980] =	vst v0;
	v0 =	vshra.s32 v1, $0x10  }
0x3d: {  	[tilespmem:$0x16890] =	vst v0;
	v0 =	vand.u32 $0xFFFF, v1;
	v1 =	vld [tilespmem:$0x140C0]  }
0x3e: {  	[tilespmem:$0x16990] =	vst v0;
	v0 =	vshra.s32 v2, $0x10  }
0x3f: {  	[tilespmem:$0x168A0] =	vst v0;
	v0 =	vand.u32 $0xFFFF, v2;
	v2 =	vld [tilespmem:$0x140D0]  }
0x40: {  	[tilespmem:$0x169A0] =	vst v0;
	v0 =	vshra.s32 v3, $0x10  }
0x41: {  	[tilespmem:$0x168B0] =	vst v0;
	v0 =	vand.u32 $0xFFFF, v3;
	v3 =	vld [tilespmem:$0x140E0]  }
0x42: {  	[tilespmem:$0x169B0] =	vst v0;
	v0 =	vshra.s32 v1, $0x10  }
0x43: {  	[tilespmem:$0x168C0] =	vst v0;
	v0 =	vand.u32 $0xFFFF, v1;
	v1 =	vld [tilespmem:$0x140F0]  }
0x44: {  	[tilespmem:$0x169C0] =	vst v0;
	v0 =	vshra.s32 v2, $0x10  }
0x45: {  	[tilespmem:$0x168D0] =	vst v0;
	v0 =	vand.u32 $0xFFFF, v2  }
0x46: {  	[tilespmem:$0x169D0] =	vst v0;
	v0 =	vshra.s32 v3, $0x10  }
0x47: {  	[tilespmem:$0x168E0] =	vst v0;
	v0 =	vand.u32 $0xFFFF, v3  }
0x48: {  	[tilespmem:$0x169E0] =	vst v0;
	v0 =	vshra.s32 v1, $0x10  }
0x49: {  	[tilespmem:$0x168F0] =	vst v0;
	v0 =	vand.u32 $0xFFFF, v1  }
0x4a: {  	[tilespmem:$0x169F0] =	vst v0  }
0x4b: {  	[tilespmem:s20], [sflag:$0x2] =	stream.indirect.gather [hbm4b:s4+s16], $0x80, s19, s16, $0xb8;
	[tilespmem:$0x1EA00] =	vst v63  }
0x4c: {  	_ =	swait.ge [sflag:s21], $0x4000  }
0x4d: {  	[sflag:s21] =	ssyncset.done $0x0  }
0x4e: {  	[sflag:s21] =	ssyncadd.s32 $0xFFFFC000  }
0x4f: {  	[spmem:s2] =	stream.indirect.scatter.add.f32 [tilespmem:s18], [sflag:$0x3], $0x80, s22, s16, $0xb8;
	[tilespmem:$0x1EA00] =	vst v63  }
0x50: {  	_ =	swait.ge [sflag:s15], $0x4000  }
0x51: {  	[sflag:s15] =	ssyncset.done $0x0  }
0x52: {  	s26 =	simm.s32 $0x1F0;
	[sflag:s15] =	ssyncadd.s32 $0xFFFFC000  }
0x53: {  	v0 =	vld [tilespmem:s26+$0x13F10];
	_ =	sdelay $0x4  }
0x54: {  	v1 =	vshra.s32 v0, $0x10  }
0x55: {  	v0 =	vand.u32 $0xFFFF, v0;
	[tilespmem:$0x16800] =	vst v1  }
0x56: {  	[tilespmem:$0x16900] =	vst v0  }
0x57: {  	v0 =	vld [tilespmem:s26+$0x13F20];
	_ =	sdelay $0x4  }
0x58: {  	v1 =	vshra.s32 v0, $0x10  }
0x59: {  	v0 =	vand.u32 $0xFFFF, v0;
	[tilespmem:$0x16810] =	vst v1  }
0x5a: {  	[tilespmem:$0x16910] =	vst v0  }
0x5b: {  	v0 =	vld [tilespmem:s26+$0x13F30];
	_ =	sdelay $0x4  }
0x5c: {  	v1 =	vshra.s32 v0, $0x10  }
0x5d: {  	v0 =	vand.u32 $0xFFFF, v0;
	[tilespmem:$0x16820] =	vst v1  }
0x5e: {  	[tilespmem:$0x16920] =	vst v0  }
0x5f: {  	v0 =	vld [tilespmem:s26+$0x13F40];
	_ =	sdelay $0x4  }
0x60: {  	v1 =	vshra.s32 v0, $0x10  }
0x61: {  	v0 =	vand.u32 $0xFFFF, v0;
	[tilespmem:$0x16830] =	vst v1  }
0x62: {  	[tilespmem:$0x16930] =	vst v0  }
0x63: {  	v0 =	vld [tilespmem:s26+$0x13F50];
	_ =	sdelay $0x4  }
0x64: {  	v1 =	vshra.s32 v0, $0x10  }
0x65: {  	v0 =	vand.u32 $0xFFFF, v0;
	[tilespmem:$0x16840] =	vst v1  }
0x66: {  	[tilespmem:$0x16940] =	vst v0  }
0x67: {  	v0 =	vld [tilespmem:s26+$0x13F60];
	_ =	sdelay $0x4  }
0x68: {  	v1 =	vshra.s32 v0, $0x10  }
0x69: {  	v0 =	vand.u32 $0xFFFF, v0;
	[tilespmem:$0x16850] =	vst v1  }
0x6a: {  	[tilespmem:$0x16950] =	vst v0  }
0x6b: {  	v0 =	vld [tilespmem:s26+$0x13F70];
	_ =	sdelay $0x4  }
0x6c: {  	v1 =	vshra.s32 v0, $0x10  }
0x6d: {  	v0 =	vand.u32 $0xFFFF, v0;
	[tilespmem:$0x16860] =	vst v1  }
0x6e: {  	[tilespmem:$0x16960] =	vst v0  }
0x6f: {  	v0 =	vld [tilespmem:s26+$0x13F80];
	_ =	sdelay $0x4  }
0x70: {  	v1 =	vshra.s32 v0, $0x10  }
0x71: {  	v0 =	vand.u32 $0xFFFF, v0;
	[tilespmem:$0x16870] =	vst v1  }
0x72: {  	[tilespmem:$0x16970] =	vst v0  }
0x73: {  	[tilespmem:s18], [sflag:$0x1] =	stream.indirect.gather [hbm4b:s4+s16], $0x80, s17, s16, $0xb8;
	[tilespmem:$0x1EA00] =	vst v63  }
0x74: {  	_ =	swait.ge [sflag:s23], $0x4000  }
0x75: {  	[sflag:s23] =	ssyncset.done $0x0  }
0x76: {  	[sflag:s23] =	ssyncadd.s32 $0xFFFFC000  }
0x77: {  	[spmem:s2] =	stream.indirect.scatter.add.f32 [tilespmem:s20], [sflag:$0x3], $0x80, s24, s16, $0xb8;
	[tilespmem:$0x1EA00] =	vst v63  }
0x78: {  	_ =	swait.ge [sflag:s15], $0x4000  }
0x79: {  	[sflag:s15] =	ssyncset.done $0x0  }
0x7a: {  	[sflag:s15] =	ssyncadd.s32 $0xFFFFC000  }
0x7b: {  	v0 =	vld [tilespmem:s26+$0x13F90];
	_ =	sdelay $0x4  }
0x7c: {  	v1 =	vshra.s32 v0, $0x10  }
0x7d: {  	v0 =	vand.u32 $0xFFFF, v0;
	[tilespmem:$0x16880] =	vst v1  }
0x7e: {  	[tilespmem:$0x16980] =	vst v0  }
0x7f: {  	v0 =	vld [tilespmem:s26+$0x13FA0];
	_ =	sdelay $0x4  }
0x80: {  	v1 =	vshra.s32 v0, $0x10  }
0x81: {  	v0 =	vand.u32 $0xFFFF, v0;
	[tilespmem:$0x16890] =	vst v1  }
0x82: {  	[tilespmem:$0x16990] =	vst v0  }
0x83: {  	v0 =	vld [tilespmem:s26+$0x13FB0];
	_ =	sdelay $0x4  }
0x84: {  	v1 =	vshra.s32 v0, $0x10  }
0x85: {  	v0 =	vand.u32 $0xFFFF, v0;
	[tilespmem:$0x168A0] =	vst v1  }
0x86: {  	[tilespmem:$0x169A0] =	vst v0  }
0x87: {  	v0 =	vld [tilespmem:s26+$0x13FC0];
	_ =	sdelay $0x4  }
0x88: {  	v1 =	vshra.s32 v0, $0x10  }
0x89: {  	v0 =	vand.u32 $0xFFFF, v0;
	[tilespmem:$0x168B0] =	vst v1  }
0x8a: {  	[tilespmem:$0x169B0] =	vst v0  }
0x8b: {  	v0 =	vld [tilespmem:s26+$0x13FD0];
	_ =	sdelay $0x4  }
0x8c: {  	v1 =	vshra.s32 v0, $0x10  }
0x8d: {  	v0 =	vand.u32 $0xFFFF, v0;
	[tilespmem:$0x168C0] =	vst v1  }
0x8e: {  	[tilespmem:$0x169C0] =	vst v0  }
0x8f: {  	v0 =	vld [tilespmem:s26+$0x13FE0];
	_ =	sdelay $0x4  }
0x90: {  	v1 =	vshra.s32 v0, $0x10  }
0x91: {  	v0 =	vand.u32 $0xFFFF, v0;
	[tilespmem:$0x168D0] =	vst v1  }
0x92: {  	[tilespmem:$0x169D0] =	vst v0  }
0x93: {  	v0 =	vld [tilespmem:s26+$0x13FF0];
	_ =	sdelay $0x4  }
0x94: {  	v1 =	vshra.s32 v0, $0x10  }
0x95: {  	s28 =	simm.s32 $0xBC0;
	v0 =	vand.u32 $0xFFFF, v0;
	[tilespmem:$0x168E0] =	vst v1  }
.LBB2_2:
0x96: {  	p1 =	sne.s32 s28, $0x9FC0;
	[tilespmem:$0x169E0] =	vst v0;
	s29 =	smov.u32 s28;
	s28 =	sadd.s32 $0x400, s28  }
0x97: {  	v0 =	vld [tilespmem:s26+$0x14000];
	_ =	sdelay $0x4  }
0x98: {  	v1 =	vshra.s32 v0, $0x10;
	v0 =	vand.u32 $0xFFFF, v0  }
0x99: {  	[tilespmem:$0x168F0] =	vst v1  }
0x9a: {  	[tilespmem:$0x169F0] =	vst v0  }
0x9b: {  	[tilespmem:s20], [sflag:$0x2] =	stream.indirect.gather [hbm4b:s4+s16], $0x80, s19, s16, $0xb8;
	[tilespmem:$0x1EA00] =	vst v63  }
0x9c: {  	_ =	swait.ge [sflag:s21], $0x4000  }
0x9d: {  	[sflag:s21] =	ssyncset.done $0x0  }
0x9e: {  	[sflag:s21] =	ssyncadd.s32 $0xFFFFC000  }
0x9f: {  	[spmem:s2] =	stream.indirect.scatter.add.f32 [tilespmem:s18], [sflag:$0x3], $0x80, s22, s16, $0xb8;
	[tilespmem:$0x1EA00] =	vst v63  }
0xa0: {  	_ =	swait.ge [sflag:s15], $0x4000  }
0xa1: {  	[sflag:s15] =	ssyncset.done $0x0  }
0xa2: {  	s26 =	sshra.s32 s29, $0x2;
	[sflag:s15] =	ssyncadd.s32 $0xFFFFC000  }
0xa3: {  	v0 =	vld [tilespmem:s26+$0x13F10];
	_ =	sdelay $0x4  }
0xa4: {  	v1 =	vshra.s32 v0, $0x10;
	v0 =	vand.u32 $0xFFFF, v0  }
0xa5: {  	[tilespmem:$0x16800] =	vst v1  }
0xa6: {  	[tilespmem:$0x16900] =	vst v0  }
0xa7: {  	v0 =	vld [tilespmem:s26+$0x13F20];
	_ =	sdelay $0x4  }
0xa8: {  	v1 =	vshra.s32 v0, $0x10;
	v0 =	vand.u32 $0xFFFF, v0  }
0xa9: {  	[tilespmem:$0x16810] =	vst v1  }
0xaa: {  	[tilespmem:$0x16910] =	vst v0  }
0xab: {  	v0 =	vld [tilespmem:s26+$0x13F30];
	_ =	sdelay $0x4  }
0xac: {  	v1 =	vshra.s32 v0, $0x10;
	v0 =	vand.u32 $0xFFFF, v0  }
0xad: {  	[tilespmem:$0x16820] =	vst v1  }
0xae: {  	[tilespmem:$0x16920] =	vst v0  }
0xaf: {  	v0 =	vld [tilespmem:s26+$0x13F40];
	_ =	sdelay $0x4  }
0xb0: {  	v1 =	vshra.s32 v0, $0x10;
	v0 =	vand.u32 $0xFFFF, v0  }
0xb1: {  	[tilespmem:$0x16830] =	vst v1  }
0xb2: {  	[tilespmem:$0x16930] =	vst v0  }
0xb3: {  	v0 =	vld [tilespmem:s26+$0x13F50];
	_ =	sdelay $0x4  }
0xb4: {  	v1 =	vshra.s32 v0, $0x10;
	v0 =	vand.u32 $0xFFFF, v0  }
0xb5: {  	[tilespmem:$0x16840] =	vst v1  }
0xb6: {  	[tilespmem:$0x16940] =	vst v0  }
0xb7: {  	v0 =	vld [tilespmem:s26+$0x13F60];
	_ =	sdelay $0x4  }
0xb8: {  	v1 =	vshra.s32 v0, $0x10;
	v0 =	vand.u32 $0xFFFF, v0  }
0xb9: {  	[tilespmem:$0x16850] =	vst v1  }
0xba: {  	[tilespmem:$0x16950] =	vst v0  }
0xbb: {  	v0 =	vld [tilespmem:s26+$0x13F70];
	_ =	sdelay $0x4  }
0xbc: {  	v1 =	vshra.s32 v0, $0x10;
	v0 =	vand.u32 $0xFFFF, v0  }
0xbd: {  	[tilespmem:$0x16860] =	vst v1  }
0xbe: {  	[tilespmem:$0x16960] =	vst v0  }
0xbf: {  	v0 =	vld [tilespmem:s26+$0x13F80];
	_ =	sdelay $0x4  }
0xc0: {  	v1 =	vshra.s32 v0, $0x10;
	v0 =	vand.u32 $0xFFFF, v0  }
0xc1: {  	[tilespmem:$0x16870] =	vst v1  }
0xc2: {  	[tilespmem:$0x16970] =	vst v0  }
0xc3: {  	[tilespmem:s18], [sflag:$0x1] =	stream.indirect.gather [hbm4b:s4+s16], $0x80, s17, s16, $0xb8;
	[tilespmem:$0x1EA00] =	vst v63  }
0xc4: {  	_ =	swait.ge [sflag:s23], $0x4000  }
0xc5: {  	[sflag:s23] =	ssyncset.done $0x0  }
0xc6: {  	[sflag:s23] =	ssyncadd.s32 $0xFFFFC000  }
0xc7: {  	[spmem:s2] =	stream.indirect.scatter.add.f32 [tilespmem:s20], [sflag:$0x3], $0x80, s24, s16, $0xb8;
	[tilespmem:$0x1EA00] =	vst v63  }
0xc8: {  	_ =	swait.ge [sflag:s15], $0x4000  }
0xc9: {  	[sflag:s15] =	ssyncset.done $0x0  }
0xca: {  	[sflag:s15] =	ssyncadd.s32 $0xFFFFC000  }
0xcb: {  	v0 =	vld [tilespmem:s26+$0x13F90];
	_ =	sdelay $0x4  }
0xcc: {  	v1 =	vshra.s32 v0, $0x10;
	v0 =	vand.u32 $0xFFFF, v0  }
0xcd: {  	[tilespmem:$0x16880] =	vst v1  }
0xce: {  	[tilespmem:$0x16980] =	vst v0  }
0xcf: {  	v0 =	vld [tilespmem:s26+$0x13FA0];
	_ =	sdelay $0x4  }
0xd0: {  	v1 =	vshra.s32 v0, $0x10;
	v0 =	vand.u32 $0xFFFF, v0  }
0xd1: {  	[tilespmem:$0x16890] =	vst v1  }
0xd2: {  	[tilespmem:$0x16990] =	vst v0  }
0xd3: {  	v0 =	vld [tilespmem:s26+$0x13FB0];
	_ =	sdelay $0x4  }
0xd4: {  	v1 =	vshra.s32 v0, $0x10;
	v0 =	vand.u32 $0xFFFF, v0  }
0xd5: {  	[tilespmem:$0x168A0] =	vst v1  }
0xd6: {  	[tilespmem:$0x169A0] =	vst v0  }
0xd7: {  	v0 =	vld [tilespmem:s26+$0x13FC0];
	_ =	sdelay $0x4  }
0xd8: {  	v1 =	vshra.s32 v0, $0x10;
	v0 =	vand.u32 $0xFFFF, v0  }
0xd9: {  	[tilespmem:$0x168B0] =	vst v1  }
0xda: {  	[tilespmem:$0x169B0] =	vst v0  }
0xdb: {  	v0 =	vld [tilespmem:s26+$0x13FD0];
	_ =	sdelay $0x4  }
0xdc: {  	v1 =	vshra.s32 v0, $0x10;
	v0 =	vand.u32 $0xFFFF, v0  }
0xdd: {  	[tilespmem:$0x168C0] =	vst v1  }
0xde: {  	[tilespmem:$0x169C0] =	vst v0  }
0xdf: {  	v0 =	vld [tilespmem:s26+$0x13FE0];
	_ =	sdelay $0x4  }
0xe0: {  	v1 =	vshra.s32 v0, $0x10;
	v0 =	vand.u32 $0xFFFF, v0  }
0xe1: {  	[tilespmem:$0x168D0] =	vst v1  }
0xe2: {  	[tilespmem:$0x169D0] =	vst v0  }
0xe3: {  	v0 =	vld [tilespmem:s26+$0x13FF0];
	_ =	sdelay $0x1  }
.Ltmp0:
0xe4: {  	(pc) =	sbr.rel @p1 .LBB2_2-.Ltmp0, $3  }
0xe5: {  	_ =	sdelay $0x1  }
0xe6: {  	v1 =	vshra.s32 v0, $0x10;
	v0 =	vand.u32 $0xFFFF, v0  }
0xe7: {  	[tilespmem:$0x168E0] =	vst v1  }
0xe8: {  	[tilespmem:$0x169E0] =	vst v0  }
0xe9: {  	v0 =	vld [tilespmem:s26+$0x14000];
	_ =	sdelay $0x4  }
0xea: {  	v1 =	vshra.s32 v0, $0x10  }
0xeb: {  	v0 =	vand.u32 $0xFFFF, v0;
	[tilespmem:$0x168F0] =	vst v1  }
0xec: {  	[tilespmem:$0x169F0] =	vst v0  }
0xed: {  	[tilespmem:s20], [sflag:$0x2] =	stream.indirect.gather [hbm4b:s4+s16], $0x80, s19, s16, $0xb8;
	[tilespmem:$0x1EA00] =	vst v63  }
0xee: {  	_ =	swait.ge [sflag:s21], $0x4000  }
0xef: {  	[sflag:s21] =	ssyncset.done $0x0  }
0xf0: {  	[sflag:s21] =	ssyncadd.s32 $0xFFFFC000  }
0xf1: {  	[spmem:s2] =	stream.indirect.scatter.add.f32 [tilespmem:s18], [sflag:$0x3], $0x80, s22, s16, $0xb8;
	[tilespmem:$0x1EA00] =	vst v63  }
0xf2: {  	_ =	swait.ge [sflag:s15], $0x4000  }
0xf3: {  	[sflag:s15] =	ssyncset.done $0x0  }
0xf4: {  	[sflag:s15] =	ssyncadd.s32 $0xFFFFC000  }
0xf5: {  	_ =	swait.ge [sflag:s23], $0x4000  }
0xf6: {  	[sflag:s23] =	ssyncset.done $0x0  }
0xf7: {  	[sflag:s23] =	ssyncadd.s32 $0xFFFFC000  }
0xf8: {  	[spmem:s2] =	stream.indirect.scatter.add.f32 [tilespmem:s20], [sflag:$0x3], $0x80, s24, s16, $0xb8;
	[tilespmem:$0x1EA00] =	vst v63  }
0xf9: {  	_ =	swait.ge [sflag:s15], $0x4000  }
0xfa: {  	[sflag:s15] =	ssyncset.done $0x0  }
0xfb: {  	[sflag:s15] =	ssyncadd.s32 $0xFFFFC000  }
0xfc: {  	s26 =	simm.s32 @p0 $0x1FC3;
	[bflag:$0x0] =	sbarrier.arrive $0xFFFF  }
0xfd: {  	[hbm:s9], [sflag:s26] =	dma.local @p0 [spmem:s11], $0x2080  }
0xfe: {  	s26 =	simm.s32 @p0 $0x3  }
0xff: {  	s25 =	sadd.s32 $0x1, s25;
	_ =	swait.ge @p0 [sflag:s26], $0x2080  }
0x100: {  	p1 =	sne.s32 s25, s10;
	[sflag:s26] =	ssyncset.done @p0 $0x0  }
.Ltmp1:
0x101: {  	[sflag:s26] =	ssyncadd.s32 @p0 $0xFFFFDF80;
	s26 =	simm.s32 @!p0 $0x3;
	(pc) =	sbr.rel @p1 .LBB2_1-.Ltmp1, $4  }
0x102: {  	[hbm:s8], [sflag:s12] =	dma.local @!p0 [spmem:s13], $0x2780  }
0x103: {  	_ =	swait.ge @!p0 [sflag:s26], $0x2780  }
0x104: {  	[sflag:s26] =	ssyncset.done @!p0 $0x0  }
0x105: {  	[sflag:s26] =	ssyncadd.s32 @!p0 $0xFFFFD880  }
0x106: {  	_ =	sfence.sel $0x180000  }
0x107: {  	[bflag:$0x0] =	sbarrier.arrive $0xFFFF  }
0x108: {  	p0 =	sne.s32 s0, $0x0;
	_ =	strace $0x9000004A  }
0x109: {  	s0 =	sadd.s32 @!p0 $0x100000, s1;
	[bflag:$0x2] =	sbarrier.arrive $0xFFFF  }
0x10a: {  	[sflag:s0] =	ssyncadd.tile.s32 @!p0 $0x1;
	_ =	shalt  }
.Lfunc_end2:
_tile_overlayer_lowered:
.L_overlay_start_2:
0x10b: {  	(tag) =	ssettag $0x2  }
0x10c: {  	s0 =	rddreg [dreg:$0x0];
	s2 =	stileid.u32  }
0x10d: {  	s1 =	rddreg [dreg:$0x1];
	p0 =	sne.s32 s2, $0x0  }
0x10e: {  	s3 =	rddreg [dreg:$0x2];
	[bflag:$0x3] =	sbarrier.arrive $0xFFFF;
	s2 =	simm.s32 @!p0 $0x1C03  }
0x10f: {  	[timem:s3], [sflag:s2] =	dma.local @!p0 [hbm:s0], s1  }
0x110: {  	s0 =	simm.s32 @!p0 $0x3  }
0x111: {  	_ =	swait.ge @!p0 [sflag:s0], s1  }
0x112: {  	s1 =	ssub.s32 @!p0 $0x0, s1;
	[sflag:s0] =	ssyncset.done @!p0 $0x0  }
0x113: {  	[sflag:s0] =	ssyncadd.s32 @!p0 s1  }
0x114: {  	[bflag:$0x3] =	sbarrier.arrive $0xFFFF  }
0x115: {  	_ =	shalt  }

// kernel: kernel.17.cloned.1.call-start
scs
__scs_entry_jumppad:
0x0: {  	(pc) =	sbr.rel $0x88, $3  }
0x1: {  	(tag) =	ssettag $0x0;
	lr =	simm.s32 $0x1  }
0x2: {  	[smem:$0x3F96] =	sst lr;
	_ =	strace $0xD0000000  }
0x3: {  	_ = 	snop  }
0x4: {  	_ = 	snop  }
0x5: {  	_ = 	snop  }
0x6: {  	_ = 	snop  }
0x7: {  	_ = 	snop  }
__scs_overlays_trampoline_lowered:
0x8: {  	[smem:$0x3FA5] =	sst s0  }
0x9: {  	[smem:$0x3FA6] =	sst s1  }
0xa: {  	[smem:$0x3FA7] =	sst s2  }
0xb: {  	[smem:$0x3FA8] =	sst s3  }
0xc: {  	[smem:$0x3FA9] =	sst s4  }
0xd: {  	[smem:$0x3FAA] =	sst s5  }
0xe: {  	[smem:$0x3FAB] =	sst s6  }
0xf: {  	[smem:$0x3FAC] =	sst s7  }
0x10: {  	[smem:$0x3FAD] =	sst s8  }
0x11: {  	[smem:$0x3FAE] =	sst s9;
	s0 =	simm.s32 @!p0 $0x0  }
0x12: {  	s1 =	sld [smem:$0x3F94];
	s0 =	simm.s32 @p0 $0x1  }
0x13: {  	[smem:$0x3FAF] =	sst s0;
	s0 =	simm.s32 @!p1 $0x0  }
0x14: {  	s2 =	sld [smem:$0x3F93];
	s0 =	simm.s32 @p1 $0x1  }
0x15: {  	[smem:$0x3FB0] =	sst s0;
	s0 =	simm.s32 @!p2 $0x0  }
0x16: {  	s3 =	sld [smem:$0x3FDB];
	s0 =	simm.s32 @p2 $0x1  }
0x17: {  	s4 =	simm.s32 $0x1BF5;
	[smem:$0x3FB2] =	sst s0  }
0x18: {  	s0 =	sld [smem:$0x3F95];
	_ =	swait.ge [sflag:s4], $0x0  }
0x19: {  	s7 =	sld [smem:$0x3F96]  }
0x1a: {  	s8 =	sadd.s32 $0xFFFFE003, lr  }
0x1b: {  	s9 =	sadd.s32 $0xFFFFFEF7, lr;
	s5 =	simm.s32 $0xFFFFFFFF;
	p2 =	slt.u32 s8, $0xFFFFF086  }
0x1c: {  	p1 =	slt.u32 s9, $0xF7A;
	s5 =	simm.s32 @!p2 $0x0  }
0x1d: {  	s5 =	simm.s32 @p1 $0x1;
	p0 =	seq.s32 s7, s2  }
0x1e: {  	s7 =	smul.u32 @!p0 $0xF7A, s2;
	p2 =	seq.s32 @!p0 s5, $0x0  }
0x1f: {  	s9 =	smul.u32 $0xF7A, s1;
	s8 =	simm.s32 @!p0 $0x1BF5;
	p2 =	por !p2, p0  }
0x20: {  	[sflag:s8] =	ssyncset.s32 @!p0 $0xFFFFF086;
	s6 =	sadd.s32 @!p0 s3, s7;
	s7 =	simm.s32 @!p0 $0x108  }
0x21: {  	s3 =	sadd.s32 s3, s9;
	s6 =	sadd.s32 @!p0 $0x88, s6;
	s7 =	simm.s32 @p2 $0x1082  }
0x22: {  	[simem:s7], [sflag:s8] =	dma.local @!p0 [hbm:s6], $0xF7A  }
0x23: {  	s9 =	sor.u32 $0xD0000000, s2;
	s6 =	simm.s32 $0x108;
	_ =	swait.ge @!p0 [sflag:s8], $0x0  }
0x24: {  	s3 =	sadd.s32 $0x88, s3;
	s6 =	simm.s32 @!p1 $0x1082;
	[sflag:s4] =	ssyncset.s32 $0xFFFFF086  }
0x25: {  	[simem:s6], [sflag:s4] =	dma.local [hbm:s3], $0xF7A  }
0x26: {  	[smem:$0x3F96] =	sst s1;
	(tag) =	ssettag s2;
	_ =	strace s9  }
0x27: {  	s1 =	sld [smem:$0x3FA6]  }
0x28: {  	s2 =	sld [smem:$0x3FA7]  }
0x29: {  	s4 =	sld [smem:$0x3FA9]  }
0x2a: {  	p0 =	seq.s32 s5, $0x0;
	s5 =	sld [smem:$0x3FAA]  }
0x2b: {  	s6 =	sld [smem:$0x3FAB]  }
0x2c: {  	s7 =	sld [smem:$0x3FAC]  }
0x2d: {  	s3 =	simm.s32 $0x108;
	s8 =	sld [smem:$0x3FAD]  }
0x2e: {  	s3 =	simm.s32 @!p0 $0x1082;
	s9 =	sld [smem:$0x3FAE]  }
0x2f: {  	lr =	sadd.s32 s0, s3;
	s0 =	sld [smem:$0x3FA5]  }
0x30: {  	s3 =	sld [smem:$0x3FA8]  }
0x31: {  	[smem:$0x3FB1] =	sst s10  }
0x32: {  	s10 =	sld [smem:$0x3FAF];
	_ =	sdelay $0x3  }
0x33: {  	p0 =	seq.s32 s10, $0x1;
	s10 =	sld [smem:$0x3FB1];
	_ =	sdelay $0x3  }
0x34: {  	[smem:$0x3FB1] =	sst s10  }
0x35: {  	s10 =	sld [smem:$0x3FB0];
	_ =	sdelay $0x3  }
0x36: {  	p1 =	seq.s32 s10, $0x1;
	s10 =	sld [smem:$0x3FB1];
	_ =	sdelay $0x3  }
0x37: {  	[smem:$0x3FB1] =	sst s10  }
0x38: {  	s10 =	sld [smem:$0x3FB2]  }
0x39: {  	_ = 	snop;
	(pc) =	sbr.ind lr, $3  }
0x3a: {  	_ = 	snop  }
0x3b: {  	_ = 	snop  }
0x3c: {  	p2 =	seq.s32 s10, $0x1;
	s10 =	sld [smem:$0x3FB1]  }
0x3d: {  	_ =	shalt  }
0x3e: {  	_ =	shalt  }
0x3f: {  	_ =	shalt  }
0x40: {  	_ =	shalt  }
0x41: {  	_ =	shalt  }
0x42: {  	_ =	shalt  }
0x43: {  	_ =	shalt  }
0x44: {  	_ =	shalt  }
0x45: {  	_ =	shalt  }
0x46: {  	_ =	shalt  }
0x47: {  	_ =	shalt  }
0x48: {  	_ =	shalt  }
0x49: {  	_ =	shalt  }
0x4a: {  	_ =	shalt  }
0x4b: {  	_ =	shalt  }
0x4c: {  	_ =	shalt  }
0x4d: {  	_ =	shalt  }
0x4e: {  	_ =	shalt  }
0x4f: {  	_ =	shalt  }
0x50: {  	_ =	shalt  }
0x51: {  	_ =	shalt  }
0x52: {  	_ =	shalt  }
0x53: {  	_ =	shalt  }
0x54: {  	_ =	shalt  }
0x55: {  	_ =	shalt  }
0x56: {  	_ =	shalt  }
0x57: {  	_ =	shalt  }
0x58: {  	_ =	shalt  }
0x59: {  	_ =	shalt  }
0x5a: {  	_ =	shalt  }
0x5b: {  	_ =	shalt  }
0x5c: {  	_ =	shalt  }
0x5d: {  	_ =	shalt  }
0x5e: {  	_ =	shalt  }
0x5f: {  	_ =	shalt  }
0x60: {  	_ =	shalt  }
0x61: {  	_ =	shalt  }
0x62: {  	_ =	shalt  }
0x63: {  	_ =	shalt  }
0x64: {  	_ =	shalt  }
0x65: {  	_ =	shalt  }
0x66: {  	_ =	shalt  }
0x67: {  	_ =	shalt  }
0x68: {  	_ =	shalt  }
0x69: {  	_ =	shalt  }
0x6a: {  	_ =	shalt  }
0x6b: {  	_ =	shalt  }
0x6c: {  	_ =	shalt  }
0x6d: {  	_ =	shalt  }
0x6e: {  	_ =	shalt  }
0x6f: {  	_ =	shalt  }
0x70: {  	_ =	shalt  }
0x71: {  	_ =	shalt  }
0x72: {  	_ =	shalt  }
0x73: {  	_ =	shalt  }
0x74: {  	_ =	shalt  }
0x75: {  	_ =	shalt  }
0x76: {  	_ =	shalt  }
0x77: {  	_ =	shalt  }
0x78: {  	_ =	shalt  }
0x79: {  	_ =	shalt  }
0x7a: {  	_ =	shalt  }
0x7b: {  	_ =	shalt  }
0x7c: {  	_ =	shalt  }
0x7d: {  	_ =	shalt  }
0x7e: {  	_ =	shalt  }
0x7f: {  	_ =	shalt  }
0x80: {  	_ =	shalt  }
0x81: {  	_ =	shalt  }
0x82: {  	_ =	shalt  }
0x83: {  	_ =	shalt  }
0x84: {  	_ =	shalt  }
0x85: {  	_ =	shalt  }
0x86: {  	_ =	shalt  }
0x87: {  	_ =	shalt  }
.Lfunc_end0:
.L_simem_size_0:
called_computation.2_lowered:
.L_overlay_start_0:
0x88: {  	s2 =	sld [smem:$0x3FD9]  }
0x89: {  	s3 =	sld [smem:$0x3FFE];
	_ =	sdelay $0x1  }
0x8a: {  	s1 =	srdreg.scid  }
0x8b: {  	s0 =	sand.u32 $0x1, s1  }
0x8c: {  	s16 =	sshll.u32 s0, $0xA;
	s2 =	sadd.s32 s3, s2  }
0x8d: {  	s2 =	sadd.s32 s2, s16  }
0x8e: {  	[smem:$0x3FBD] =	sst s2  }
0x8f: {  	_ = 	snop  }
0x90: {  	(tm) =	ssettm $0x1  }
0x91: {  	s17 =	sld [smem:$0x3FFB];
	_ =	sdelay $0x3  }
0x92: {  	_ =	strace s17  }
0x93: {  	s2 =	sld [smem:$0x3FFC];
	_ =	sdelay $0x3  }
0x94: {  	_ =	strace s2  }
0x95: {  	s2 =	sld [smem:$0x3FFD];
	_ =	sdelay $0x3  }
0x96: {  	_ =	strace s2  }
0x97: {  	_ =	strace $0x8FFFFFFF  }
0x98: {  	s18 =	sld [smem:$0x3FDB];
	_ =	sdelay $0x1  }
0x99: {  	s19 =	simm.s32 $_scs_section_size  }
0x9a: {  	s4 =	simm.s32 $_size__tile_overlayer_lowered;
	s5 =	simm.s32 $_tile_overlayer_lowered  }
0x9b: {  	s22 =	simm.s32 $0x1BFF;
	s21 =	sshll.u32 s5, $0x1;
	s2 =	sadd.s32 s19, s18  }
0x9c: {  	s6 =	simm.s32 $0x0;
	s20 =	sshll.u32 s4, $0x1;
	s4 =	sadd.s32 s21, s2  }
0x9d: {  	[timem:s6], [sflag:s22] =	dma.local [hbm:s4], s20  }
0x9e: {  	_ =	swait.ge [sflag:s22], s20  }
0x9f: {  	s3 =	ssub.s32 $0x0, s20;
	[sflag:s22] =	ssyncset.done $0x0  }
0xa0: {  	[sflag:s22] =	ssyncadd.s32 s3;
	_ =	sdelay $0x1  }
0xa1: {  	s23 =	simm.s32 $0x1B8B  }
0xa2: {  	_ =	swait.ge [sflag:s23], $0x1  }
0xa3: {  	[sflag:s23] =	ssyncset.done $0x0  }
0xa4: {  	s25 =	simm.s32 $0x1B8E;
	s24 =	sld [smem:$0x3FFE];
	[sflag:s23] =	ssyncadd.s32 $0xFFFFFFFF  }
0xa5: {  	s26 =	simm.s32 $execute0_lowered;
	[smem:$0x3FD2] =	sst s25  }
0xa6: {  	s4 =	sshll.u32 s26, $0x1;
	_ =	strace $0x8000004C;
	[dreg:$0x1] =	wrdreg $0xFFFFFFFF  }
0xa7: {  	s28 =	simm.s32 $_size_execute0_lowered;
	s2 =	sadd.s32 s2, s4;
	[dreg:$0x0] =	wrdreg $0x0  }
0xa8: {  	s4 =	sshll.u32 s28, $0x1;
	[dreg:$0x2] =	wrdreg s2  }
0xa9: {  	[dreg:$0x3] =	wrdreg s4  }
0xaa: {  	[dreg:$0x4] =	wrdreg $0xC0  }
0xab: {  	_ =	task [dreg:s6], $0x5FFFF  }
0xac: {  	[dreg:$0x1] =	wrdreg $0xFFFFFFFF  }
0xad: {  	[dreg:$0x0] =	wrdreg $0x60  }
0xae: {  	[dreg:$0x2] =	wrdreg s24  }
0xaf: {  	[dreg:$0x3] =	wrdreg $0x0  }
0xb0: {  	[dreg:$0x4] =	wrdreg $0x9  }
0xb1: {  	_ =	task.clear_ibuf [dreg:s6], $0x5FFFF;
	_ =	strace $0x9000004C  }
0xb2: {  	s29 =	simm.s32 $0x9;
	_ =	strace $0x8000004E  }
0xb3: {  	_ =	swait.ge [sflag:s29], $0x1  }
0xb4: {  	[sflag:s29] =	ssyncadd.s32 $0xFFFFFFFF  }
0xb5: {  	_ =	strace $0x9000004E  }
0xb6: {  	_ =	sfence  }
0xb7: {  	s30 =	sld [smem:$0x0];
	_ =	sdelay $0x2  }
0xb8: {  	s31 =	sshll.u32 s1, $0xD;
	s1 =	sshrl.u32 s1, $0x2  }
0xb9: {  	s3 =	sand.u32 $0x4000, s31;
	s1 =	sadd.s32 s1, s30  }
0xba: {  	s0 =	sor.u32 s3, s0;
	s1 =	sshll.u32 s1, $0x11  }
0xbb: {  	s0 =	sor.u32 s1, s0  }
0xbc: {  	s0 =	sadd.s32 $0x8F2B, s0  }
0xbd: {  	[sflag:s0] =	ssyncadd.remote.s32 $0x1  }
0xbe: {  	_ =	sfence.sel $0xFFFF  }
0xbf: {  	[dreg:$0x0] =	wrdreg $0xFFFFFFFF;
	(pc) =	sbr.abs _section_cstart, $3  }
0xc0: {  	[dreg:$0x1] =	wrdreg $0xFFFFFFFF  }
0xc1: {  	_ =	task.clear_ibuf [dreg:s6], $0x2FFFF;
	_ =	strace $0x9FFFFFFF  }
0xc2: {  	(tm) =	ssettm $0x7FFFFFFF  }
0xc3: {  	_ =	shalt  }
tec
execute0_lowered:
.L_overlay_start_1:
0x0: {  	(tag) =	ssettag $0x1  }
0x1: {  	s6 =	rddreg [dreg:$0x0];
	s1 =	srdreg.scid  }
0x2: {  	s0 =	stileid.u32;
	s2 =	rddreg [dreg:$0x1]  }
0x3: {  	s3 =	simm.s32 $0x0;
	s16 =	simm.s32 $0x80;
	s17 =	simm.s32 $0x16800  }
0x4: {  	s18 =	simm.s32 $0x16A00;
	s19 =	simm.s32 $0x16880;
	s20 =	simm.s32 $0x1AA00  }
0x5: {  	s21 =	simm.s32 $0x1;
	s22 =	simm.s32 $0x16900;
	s23 =	simm.s32 $0x2  }
0x6: {  	s24 =	simm.s32 $0x16980;
	s25 =	simm.s32 $0x0;
	s5 =	sand.u32 $0x1, s1  }
0x7: {  	s4 =	sshll.u32 s0, $0x1;
	s1 =	rddreg [dreg:$0x2];
	s8 =	smul.u32 $0x4F000, s0  }
0x8: {  	[smem:$0x7FF] =	sst s3;
	s9 =	smul.u32 $0x2780, s0;
	s10 =	sadd.s32 $0x3EA00, s6  }
0x9: {  	s13 =	smul.u32 $0x13C00, s0;
	s15 =	sadd.s32 $0x128400, s2;
	p0 =	seq.s32 s0, $0xF  }
0xa: {  	s4 =	sor.u32 s5, s4;
	s11 =	ssub.s32 $0x2, s5;
	s12 =	smul.u32 $0x138800, s5  }
0xb: {  	_ =	strace $0x8000004D;
	s7 =	smul.u32 $0x500, s4;
	s29 =	sshrl.u32 s11, $0x1  }
0xc: {  	s4 =	sadd.s32 $0x17800, s6;
	s8 =	sshrl.u32 s8, $0x2;
	s11 =	ssub.s32 s11, s29  }
0xd: {  	s14 =	sadd.s32 s8, s2;
	s5 =	sadd.s32 s4, s9;
	s30 =	sadd.s32 s13, s12  }
0xe: {  	s31 =	sshrl.u32 s12, $0x3;
	s12 =	sshll.u32 @!p0 s0, $0x6;
	s7 =	sadd.s32 s7, s6  }
0xf: {  	s6 =	sadd.s32 $0x3C880, s6;
	s8 =	sshrl.u32 s30, $0x3;
	s9 =	sadd.s32 s10, s31  }
0x10: {  	s12 =	sor.u32 @!p0 $0x1C03, s12;
	s13 =	sshrl.u32 @!p0 s14, $0x3;
	s14 =	simm.s32 $0x14000  }
0x11: {  	s7 =	sadd.s32 $0xD800, s7;
	s8 =	sadd.s32 s10, s8;
	s9 =	sadd.s32 $0x25080, s9  }
0x12: {  	s10 =	smax.u32 s11, $0x1;
	s11 =	sshrl.u32 @p0 s15, $0x3;
	s15 =	simm.s32 $0x3  }
.LBB2_1:
0x13: {  	s26 =	simm.s32 @p0 $0x1FC3  }
0x14: {  	[spmem:s11], [sflag:s26] =	dma.local @p0 [hbm:s6], $0x2080  }
0x15: {  	s26 =	simm.s32 @p0 $0x3  }
0x16: {  	_ =	swait.ge @p0 [sflag:s26], $0x2080  }
0x17: {  	[sflag:s26] =	ssyncset.done @p0 $0x0  }
0x18: {  	[sflag:s26] =	ssyncadd.s32 @p0 $0xFFFFDF80;
	s26 =	simm.s32 @!p0 $0x3  }
0x19: {  	[spmem:s13], [sflag:s12] =	dma.local @!p0 [hbm:s5], $0x2780  }
0x1a: {  	_ =	swait.ge @!p0 [sflag:s26], $0x2780  }
0x1b: {  	[sflag:s26] =	ssyncset.done @!p0 $0x0  }
0x1c: {  	[sflag:s26] =	ssyncadd.s32 @!p0 $0xFFFFD880  }
0x1d: {  	[tilespmem:s14], [sflag:$0x3] =	stream.linear.gather [hbm4b:s7+s3], $0x2800, $0x38;
	[tilespmem:$0x1EA00] =	vst v63  }
0x1e: {  	_ =	swait.ge [sflag:s15], $0x2800  }
0x1f: {  	[sflag:s15] =	ssyncset.done $0x0  }
0x20: {  	[sflag:s15] =	ssyncadd.s32 $0xFFFFD800  }
0x21: {  	[bflag:$0x0] =	sbarrier.arrive $0xFFFF  }
0x22: {  	v0 =	vld [tilespmem:$0x14000];
	_ =	sdelay $0x1  }
0x23: {  	v1 =	vld [tilespmem:$0x14010];
	_ =	sdelay $0x1  }
0x24: {  	v2 =	vld [tilespmem:$0x14020]  }
0x25: {  	v3 =	vshra.s32 v0, $0x10  }
0x26: {  	v0 =	vand.u32 $0xFFFF, v0;
	[tilespmem:$0x16800] =	vst v3;
	v3 =	vld [tilespmem:$0x14030]  }
0x27: {  	[tilespmem:$0x16900] =	vst v0;
	v0 =	vshra.s32 v1, $0x10  }
0x28: {  	[tilespmem:$0x16810] =	vst v0;
	v0 =	vand.u32 $0xFFFF, v1;
	v1 =	vld [tilespmem:$0x14040]  }
0x29: {  	[tilespmem:$0x16910] =	vst v0;
	v0 =	vshra.s32 v2, $0x10  }
0x2a: {  	[tilespmem:$0x16820] =	vst v0;
	v0 =	vand.u32 $0xFFFF, v2;
	v2 =	vld [tilespmem:$0x14050]  }
0x2b: {  	[tilespmem:$0x16920] =	vst v0;
	v0 =	vshra.s32 v3, $0x10  }
0x2c: {  	[tilespmem:$0x16830] =	vst v0;
	v0 =	vand.u32 $0xFFFF, v3;
	v3 =	vld [tilespmem:$0x14060]  }
0x2d: {  	[tilespmem:$0x16930] =	vst v0;
	v0 =	vshra.s32 v1, $0x10  }
0x2e: {  	[tilespmem:$0x16840] =	vst v0;
	v0 =	vand.u32 $0xFFFF, v1;
	v1 =	vld [tilespmem:$0x14070]  }
0x2f: {  	[tilespmem:$0x16940] =	vst v0;
	v0 =	vshra.s32 v2, $0x10  }
0x30: {  	[tilespmem:$0x16850] =	vst v0;
	v0 =	vand.u32 $0xFFFF, v2  }
0x31: {  	[tilespmem:$0x16950] =	vst v0;
	v0 =	vshra.s32 v3, $0x10  }
0x32: {  	[tilespmem:$0x16860] =	vst v0;
	v0 =	vand.u32 $0xFFFF, v3  }
0x33: {  	[tilespmem:$0x16960] =	vst v0;
	v0 =	vshra.s32 v1, $0x10  }
0x34: {  	[tilespmem:$0x16870] =	vst v0;
	v0 =	vand.u32 $0xFFFF, v1  }
0x35: {  	[tilespmem:$0x16970] =	vst v0  }
0x36: {  	[tilespmem:s18], [sflag:$0x1] =	stream.indirect.gather [hbm4b:s4+s16], $0x80, s17, s16, $0xb8;
	[tilespmem:$0x1EA00] =	vst v63  }
0x37: {  	v0 =	vld [tilespmem:$0x14080];
	_ =	sdelay $0x1  }
0x38: {  	v1 =	vld [tilespmem:$0x14090];
	_ =	sdelay $0x1  }
0x39: {  	v2 =	vld [tilespmem:$0x140A0]  }
0x3a: {  	v3 =	vshra.s32 v0, $0x10  }
0x3b: {  	v0 =	vand.u32 $0xFFFF, v0;
	[tilespmem:$0x16880] =	vst v3;
	v3 =	vld [tilespmem:$0x140B0]  }
0x3c: {  	[tilespmem:$0x16980] =	vst v0;
	v0 =	vshra.s32 v1, $0x10  }
0x3d: {  	[tilespmem:$0x16890] =	vst v0;
	v0 =	vand.u32 $0xFFFF, v1;
	v1 =	vld [tilespmem:$0x140C0]  }
0x3e: {  	[tilespmem:$0x16990] =	vst v0;
	v0 =	vshra.s32 v2, $0x10  }
0x3f: {  	[tilespmem:$0x168A0] =	vst v0;
	v0 =	vand.u32 $0xFFFF, v2;
	v2 =	vld [tilespmem:$0x140D0]  }
0x40: {  	[tilespmem:$0x169A0] =	vst v0;
	v0 =	vshra.s32 v3, $0x10  }
0x41: {  	[tilespmem:$0x168B0] =	vst v0;
	v0 =	vand.u32 $0xFFFF, v3;
	v3 =	vld [tilespmem:$0x140E0]  }
0x42: {  	[tilespmem:$0x169B0] =	vst v0;
	v0 =	vshra.s32 v1, $0x10  }
0x43: {  	[tilespmem:$0x168C0] =	vst v0;
	v0 =	vand.u32 $0xFFFF, v1;
	v1 =	vld [tilespmem:$0x140F0]  }
0x44: {  	[tilespmem:$0x169C0] =	vst v0;
	v0 =	vshra.s32 v2, $0x10  }
0x45: {  	[tilespmem:$0x168D0] =	vst v0;
	v0 =	vand.u32 $0xFFFF, v2  }
0x46: {  	[tilespmem:$0x169D0] =	vst v0;
	v0 =	vshra.s32 v3, $0x10  }
0x47: {  	[tilespmem:$0x168E0] =	vst v0;
	v0 =	vand.u32 $0xFFFF, v3  }
0x48: {  	[tilespmem:$0x169E0] =	vst v0;
	v0 =	vshra.s32 v1, $0x10  }
0x49: {  	[tilespmem:$0x168F0] =	vst v0;
	v0 =	vand.u32 $0xFFFF, v1  }
0x4a: {  	[tilespmem:$0x169F0] =	vst v0  }
0x4b: {  	[tilespmem:s20], [sflag:$0x2] =	stream.indirect.gather [hbm4b:s4+s16], $0x80, s19, s16, $0xb8;
	[tilespmem:$0x1EA00] =	vst v63  }
0x4c: {  	_ =	swait.ge [sflag:s21], $0x4000  }
0x4d: {  	[sflag:s21] =	ssyncset.done $0x0  }
0x4e: {  	[sflag:s21] =	ssyncadd.s32 $0xFFFFC000  }
0x4f: {  	[spmem:s2] =	stream.indirect.scatter.add.f32 [tilespmem:s18], [sflag:$0x3], $0x80, s22, s16, $0xb8;
	[tilespmem:$0x1EA00] =	vst v63  }
0x50: {  	_ =	swait.ge [sflag:s15], $0x4000  }
0x51: {  	[sflag:s15] =	ssyncset.done $0x0  }
0x52: {  	s26 =	simm.s32 $0x1F0;
	[sflag:s15] =	ssyncadd.s32 $0xFFFFC000  }
0x53: {  	v0 =	vld [tilespmem:s26+$0x13F10];
	_ =	sdelay $0x4  }
0x54: {  	v1 =	vshra.s32 v0, $0x10  }
0x55: {  	v0 =	vand.u32 $0xFFFF, v0;
	[tilespmem:$0x16800] =	vst v1  }
0x56: {  	[tilespmem:$0x16900] =	vst v0  }
0x57: {  	v0 =	vld [tilespmem:s26+$0x13F20];
	_ =	sdelay $0x4  }
0x58: {  	v1 =	vshra.s32 v0, $0x10  }
0x59: {  	v0 =	vand.u32 $0xFFFF, v0;
	[tilespmem:$0x16810] =	vst v1  }
0x5a: {  	[tilespmem:$0x16910] =	vst v0  }
0x5b: {  	v0 =	vld [tilespmem:s26+$0x13F30];
	_ =	sdelay $0x4  }
0x5c: {  	v1 =	vshra.s32 v0, $0x10  }
0x5d: {  	v0 =	vand.u32 $0xFFFF, v0;
	[tilespmem:$0x16820] =	vst v1  }
0x5e: {  	[tilespmem:$0x16920] =	vst v0  }
0x5f: {  	v0 =	vld [tilespmem:s26+$0x13F40];
	_ =	sdelay $0x4  }
0x60: {  	v1 =	vshra.s32 v0, $0x10  }
0x61: {  	v0 =	vand.u32 $0xFFFF, v0;
	[tilespmem:$0x16830] =	vst v1  }
0x62: {  	[tilespmem:$0x16930] =	vst v0  }
0x63: {  	v0 =	vld [tilespmem:s26+$0x13F50];
	_ =	sdelay $0x4  }
0x64: {  	v1 =	vshra.s32 v0, $0x10  }
0x65: {  	v0 =	vand.u32 $0xFFFF, v0;
	[tilespmem:$0x16840] =	vst v1  }
0x66: {  	[tilespmem:$0x16940] =	vst v0  }
0x67: {  	v0 =	vld [tilespmem:s26+$0x13F60];
	_ =	sdelay $0x4  }
0x68: {  	v1 =	vshra.s32 v0, $0x10  }
0x69: {  	v0 =	vand.u32 $0xFFFF, v0;
	[tilespmem:$0x16850] =	vst v1  }
0x6a: {  	[tilespmem:$0x16950] =	vst v0  }
0x6b: {  	v0 =	vld [tilespmem:s26+$0x13F70];
	_ =	sdelay $0x4  }
0x6c: {  	v1 =	vshra.s32 v0, $0x10  }
0x6d: {  	v0 =	vand.u32 $0xFFFF, v0;
	[tilespmem:$0x16860] =	vst v1  }
0x6e: {  	[tilespmem:$0x16960] =	vst v0  }
0x6f: {  	v0 =	vld [tilespmem:s26+$0x13F80];
	_ =	sdelay $0x4  }
0x70: {  	v1 =	vshra.s32 v0, $0x10  }
0x71: {  	v0 =	vand.u32 $0xFFFF, v0;
	[tilespmem:$0x16870] =	vst v1  }
0x72: {  	[tilespmem:$0x16970] =	vst v0  }
0x73: {  	[tilespmem:s18], [sflag:$0x1] =	stream.indirect.gather [hbm4b:s4+s16], $0x80, s17, s16, $0xb8;
	[tilespmem:$0x1EA00] =	vst v63  }
0x74: {  	_ =	swait.ge [sflag:s23], $0x4000  }
0x75: {  	[sflag:s23] =	ssyncset.done $0x0  }
0x76: {  	[sflag:s23] =	ssyncadd.s32 $0xFFFFC000  }
0x77: {  	[spmem:s2] =	stream.indirect.scatter.add.f32 [tilespmem:s20], [sflag:$0x3], $0x80, s24, s16, $0xb8;
	[tilespmem:$0x1EA00] =	vst v63  }
0x78: {  	_ =	swait.ge [sflag:s15], $0x4000  }
0x79: {  	[sflag:s15] =	ssyncset.done $0x0  }
0x7a: {  	[sflag:s15] =	ssyncadd.s32 $0xFFFFC000  }
0x7b: {  	v0 =	vld [tilespmem:s26+$0x13F90];
	_ =	sdelay $0x4  }
0x7c: {  	v1 =	vshra.s32 v0, $0x10  }
0x7d: {  	v0 =	vand.u32 $0xFFFF, v0;
	[tilespmem:$0x16880] =	vst v1  }
0x7e: {  	[tilespmem:$0x16980] =	vst v0  }
0x7f: {  	v0 =	vld [tilespmem:s26+$0x13FA0];
	_ =	sdelay $0x4  }
0x80: {  	v1 =	vshra.s32 v0, $0x10  }
0x81: {  	v0 =	vand.u32 $0xFFFF, v0;
	[tilespmem:$0x16890] =	vst v1  }
0x82: {  	[tilespmem:$0x16990] =	vst v0  }
0x83: {  	v0 =	vld [tilespmem:s26+$0x13FB0];
	_ =	sdelay $0x4  }
0x84: {  	v1 =	vshra.s32 v0, $0x10  }
0x85: {  	v0 =	vand.u32 $0xFFFF, v0;
	[tilespmem:$0x168A0] =	vst v1  }
0x86: {  	[tilespmem:$0x169A0] =	vst v0  }
0x87: {  	v0 =	vld [tilespmem:s26+$0x13FC0];
	_ =	sdelay $0x4  }
0x88: {  	v1 =	vshra.s32 v0, $0x10  }
0x89: {  	v0 =	vand.u32 $0xFFFF, v0;
	[tilespmem:$0x168B0] =	vst v1  }
0x8a: {  	[tilespmem:$0x169B0] =	vst v0  }
0x8b: {  	v0 =	vld [tilespmem:s26+$0x13FD0];
	_ =	sdelay $0x4  }
0x8c: {  	v1 =	vshra.s32 v0, $0x10  }
0x8d: {  	v0 =	vand.u32 $0xFFFF, v0;
	[tilespmem:$0x168C0] =	vst v1  }
0x8e: {  	[tilespmem:$0x169C0] =	vst v0  }
0x8f: {  	v0 =	vld [tilespmem:s26+$0x13FE0];
	_ =	sdelay $0x4  }
0x90: {  	v1 =	vshra.s32 v0, $0x10  }
0x91: {  	v0 =	vand.u32 $0xFFFF, v0;
	[tilespmem:$0x168D0] =	vst v1  }
0x92: {  	[tilespmem:$0x169D0] =	vst v0  }
0x93: {  	v0 =	vld [tilespmem:s26+$0x13FF0];
	_ =	sdelay $0x4  }
0x94: {  	v1 =	vshra.s32 v0, $0x10  }
0x95: {  	s28 =	simm.s32 $0xBC0;
	v0 =	vand.u32 $0xFFFF, v0;
	[tilespmem:$0x168E0] =	vst v1  }
.LBB2_2:
0x96: {  	p1 =	sne.s32 s28, $0x9FC0;
	[tilespmem:$0x169E0] =	vst v0;
	s29 =	smov.u32 s28;
	s28 =	sadd.s32 $0x400, s28  }
0x97: {  	v0 =	vld [tilespmem:s26+$0x14000];
	_ =	sdelay $0x4  }
0x98: {  	v1 =	vshra.s32 v0, $0x10;
	v0 =	vand.u32 $0xFFFF, v0  }
0x99: {  	[tilespmem:$0x168F0] =	vst v1  }
0x9a: {  	[tilespmem:$0x169F0] =	vst v0  }
0x9b: {  	[tilespmem:s20], [sflag:$0x2] =	stream.indirect.gather [hbm4b:s4+s16], $0x80, s19, s16, $0xb8;
	[tilespmem:$0x1EA00] =	vst v63  }
0x9c: {  	_ =	swait.ge [sflag:s21], $0x4000  }
0x9d: {  	[sflag:s21] =	ssyncset.done $0x0  }
0x9e: {  	[sflag:s21] =	ssyncadd.s32 $0xFFFFC000  }
0x9f: {  	[spmem:s2] =	stream.indirect.scatter.add.f32 [tilespmem:s18], [sflag:$0x3], $0x80, s22, s16, $0xb8;
	[tilespmem:$0x1EA00] =	vst v63  }
0xa0: {  	_ =	swait.ge [sflag:s15], $0x4000  }
0xa1: {  	[sflag:s15] =	ssyncset.done $0x0  }
0xa2: {  	s26 =	sshra.s32 s29, $0x2;
	[sflag:s15] =	ssyncadd.s32 $0xFFFFC000  }
0xa3: {  	v0 =	vld [tilespmem:s26+$0x13F10];
	_ =	sdelay $0x4  }
0xa4: {  	v1 =	vshra.s32 v0, $0x10;
	v0 =	vand.u32 $0xFFFF, v0  }
0xa5: {  	[tilespmem:$0x16800] =	vst v1  }
0xa6: {  	[tilespmem:$0x16900] =	vst v0  }
0xa7: {  	v0 =	vld [tilespmem:s26+$0x13F20];
	_ =	sdelay $0x4  }
0xa8: {  	v1 =	vshra.s32 v0, $0x10;
	v0 =	vand.u32 $0xFFFF, v0  }
0xa9: {  	[tilespmem:$0x16810] =	vst v1  }
0xaa: {  	[tilespmem:$0x16910] =	vst v0  }
0xab: {  	v0 =	vld [tilespmem:s26+$0x13F30];
	_ =	sdelay $0x4  }
0xac: {  	v1 =	vshra.s32 v0, $0x10;
	v0 =	vand.u32 $0xFFFF, v0  }
0xad: {  	[tilespmem:$0x16820] =	vst v1  }
0xae: {  	[tilespmem:$0x16920] =	vst v0  }
0xaf: {  	v0 =	vld [tilespmem:s26+$0x13F40];
	_ =	sdelay $0x4  }
0xb0: {  	v1 =	vshra.s32 v0, $0x10;
	v0 =	vand.u32 $0xFFFF, v0  }
0xb1: {  	[tilespmem:$0x16830] =	vst v1  }
0xb2: {  	[tilespmem:$0x16930] =	vst v0  }
0xb3: {  	v0 =	vld [tilespmem:s26+$0x13F50];
	_ =	sdelay $0x4  }
0xb4: {  	v1 =	vshra.s32 v0, $0x10;
	v0 =	vand.u32 $0xFFFF, v0  }
0xb5: {  	[tilespmem:$0x16840] =	vst v1  }
0xb6: {  	[tilespmem:$0x16940] =	vst v0  }
0xb7: {  	v0 =	vld [tilespmem:s26+$0x13F60];
	_ =	sdelay $0x4  }
0xb8: {  	v1 =	vshra.s32 v0, $0x10;
	v0 =	vand.u32 $0xFFFF, v0  }
0xb9: {  	[tilespmem:$0x16850] =	vst v1  }
0xba: {  	[tilespmem:$0x16950] =	vst v0  }
0xbb: {  	v0 =	vld [tilespmem:s26+$0x13F70];
	_ =	sdelay $0x4  }
0xbc: {  	v1 =	vshra.s32 v0, $0x10;
	v0 =	vand.u32 $0xFFFF, v0  }
0xbd: {  	[tilespmem:$0x16860] =	vst v1  }
0xbe: {  	[tilespmem:$0x16960] =	vst v0  }
0xbf: {  	v0 =	vld [tilespmem:s26+$0x13F80];
	_ =	sdelay $0x4  }
0xc0: {  	v1 =	vshra.s32 v0, $0x10;
	v0 =	vand.u32 $0xFFFF, v0  }
0xc1: {  	[tilespmem:$0x16870] =	vst v1  }
0xc2: {  	[tilespmem:$0x16970] =	vst v0  }
0xc3: {  	[tilespmem:s18], [sflag:$0x1] =	stream.indirect.gather [hbm4b:s4+s16], $0x80, s17, s16, $0xb8;
	[tilespmem:$0x1EA00] =	vst v63  }
0xc4: {  	_ =	swait.ge [sflag:s23], $0x4000  }
0xc5: {  	[sflag:s23] =	ssyncset.done $0x0  }
0xc6: {  	[sflag:s23] =	ssyncadd.s32 $0xFFFFC000  }
0xc7: {  	[spmem:s2] =	stream.indirect.scatter.add.f32 [tilespmem:s20], [sflag:$0x3], $0x80, s24, s16, $0xb8;
	[tilespmem:$0x1EA00] =	vst v63  }
0xc8: {  	_ =	swait.ge [sflag:s15], $0x4000  }
0xc9: {  	[sflag:s15] =	ssyncset.done $0x0  }
0xca: {  	[sflag:s15] =	ssyncadd.s32 $0xFFFFC000  }
0xcb: {  	v0 =	vld [tilespmem:s26+$0x13F90];
	_ =	sdelay $0x4  }
0xcc: {  	v1 =	vshra.s32 v0, $0x10;
	v0 =	vand.u32 $0xFFFF, v0  }
0xcd: {  	[tilespmem:$0x16880] =	vst v1  }
0xce: {  	[tilespmem:$0x16980] =	vst v0  }
0xcf: {  	v0 =	vld [tilespmem:s26+$0x13FA0];
	_ =	sdelay $0x4  }
0xd0: {  	v1 =	vshra.s32 v0, $0x10;
	v0 =	vand.u32 $0xFFFF, v0  }
0xd1: {  	[tilespmem:$0x16890] =	vst v1  }
0xd2: {  	[tilespmem:$0x16990] =	vst v0  }
0xd3: {  	v0 =	vld [tilespmem:s26+$0x13FB0];
	_ =	sdelay $0x4  }
0xd4: {  	v1 =	vshra.s32 v0, $0x10;
	v0 =	vand.u32 $0xFFFF, v0  }
0xd5: {  	[tilespmem:$0x168A0] =	vst v1  }
0xd6: {  	[tilespmem:$0x169A0] =	vst v0  }
0xd7: {  	v0 =	vld [tilespmem:s26+$0x13FC0];
	_ =	sdelay $0x4  }
0xd8: {  	v1 =	vshra.s32 v0, $0x10;
	v0 =	vand.u32 $0xFFFF, v0  }
0xd9: {  	[tilespmem:$0x168B0] =	vst v1  }
0xda: {  	[tilespmem:$0x169B0] =	vst v0  }
0xdb: {  	v0 =	vld [tilespmem:s26+$0x13FD0];
	_ =	sdelay $0x4  }
0xdc: {  	v1 =	vshra.s32 v0, $0x10;
	v0 =	vand.u32 $0xFFFF, v0  }
0xdd: {  	[tilespmem:$0x168C0] =	vst v1  }
0xde: {  	[tilespmem:$0x169C0] =	vst v0  }
0xdf: {  	v0 =	vld [tilespmem:s26+$0x13FE0];
	_ =	sdelay $0x4  }
0xe0: {  	v1 =	vshra.s32 v0, $0x10;
	v0 =	vand.u32 $0xFFFF, v0  }
0xe1: {  	[tilespmem:$0x168D0] =	vst v1  }
0xe2: {  	[tilespmem:$0x169D0] =	vst v0  }
0xe3: {  	v0 =	vld [tilespmem:s26+$0x13FF0];
	_ =	sdelay $0x1  }
.Ltmp0:
0xe4: {  	(pc) =	sbr.rel @p1 .LBB2_2-.Ltmp0, $3  }
0xe5: {  	_ =	sdelay $0x1  }
0xe6: {  	v1 =	vshra.s32 v0, $0x10;
	v0 =	vand.u32 $0xFFFF, v0  }
0xe7: {  	[tilespmem:$0x168E0] =	vst v1  }
0xe8: {  	[tilespmem:$0x169E0] =	vst v0  }
0xe9: {  	v0 =	vld [tilespmem:s26+$0x14000];
	_ =	sdelay $0x4  }
0xea: {  	v1 =	vshra.s32 v0, $0x10  }
0xeb: {  	v0 =	vand.u32 $0xFFFF, v0;
	[tilespmem:$0x168F0] =	vst v1  }
0xec: {  	[tilespmem:$0x169F0] =	vst v0  }
0xed: {  	[tilespmem:s20], [sflag:$0x2] =	stream.indirect.gather [hbm4b:s4+s16], $0x80, s19, s16, $0xb8;
	[tilespmem:$0x1EA00] =	vst v63  }
0xee: {  	_ =	swait.ge [sflag:s21], $0x4000  }
0xef: {  	[sflag:s21] =	ssyncset.done $0x0  }
0xf0: {  	[sflag:s21] =	ssyncadd.s32 $0xFFFFC000  }
0xf1: {  	[spmem:s2] =	stream.indirect.scatter.add.f32 [tilespmem:s18], [sflag:$0x3], $0x80, s22, s16, $0xb8;
	[tilespmem:$0x1EA00] =	vst v63  }
0xf2: {  	_ =	swait.ge [sflag:s15], $0x4000  }
0xf3: {  	[sflag:s15] =	ssyncset.done $0x0  }
0xf4: {  	[sflag:s15] =	ssyncadd.s32 $0xFFFFC000  }
0xf5: {  	_ =	swait.ge [sflag:s23], $0x4000  }
0xf6: {  	[sflag:s23] =	ssyncset.done $0x0  }
0xf7: {  	[sflag:s23] =	ssyncadd.s32 $0xFFFFC000  }
0xf8: {  	[spmem:s2] =	stream.indirect.scatter.add.f32 [tilespmem:s20], [sflag:$0x3], $0x80, s24, s16, $0xb8;
	[tilespmem:$0x1EA00] =	vst v63  }
0xf9: {  	_ =	swait.ge [sflag:s15], $0x4000  }
0xfa: {  	[sflag:s15] =	ssyncset.done $0x0  }
0xfb: {  	[sflag:s15] =	ssyncadd.s32 $0xFFFFC000  }
0xfc: {  	s26 =	simm.s32 @p0 $0x1FC3;
	[bflag:$0x0] =	sbarrier.arrive $0xFFFF  }
0xfd: {  	[hbm:s9], [sflag:s26] =	dma.local @p0 [spmem:s11], $0x2080  }
0xfe: {  	s26 =	simm.s32 @p0 $0x3  }
0xff: {  	s25 =	sadd.s32 $0x1, s25;
	_ =	swait.ge @p0 [sflag:s26], $0x2080  }
0x100: {  	p1 =	sne.s32 s25, s10;
	[sflag:s26] =	ssyncset.done @p0 $0x0  }
.Ltmp1:
0x101: {  	[sflag:s26] =	ssyncadd.s32 @p0 $0xFFFFDF80;
	s26 =	simm.s32 @!p0 $0x3;
	(pc) =	sbr.rel @p1 .LBB2_1-.Ltmp1, $4  }
0x102: {  	[hbm:s8], [sflag:s12] =	dma.local @!p0 [spmem:s13], $0x2780  }
0x103: {  	_ =	swait.ge @!p0 [sflag:s26], $0x2780  }
0x104: {  	[sflag:s26] =	ssyncset.done @!p0 $0x0  }
0x105: {  	[sflag:s26] =	ssyncadd.s32 @!p0 $0xFFFFD880  }
0x106: {  	_ =	sfence.sel $0x180000  }
0x107: {  	[bflag:$0x0] =	sbarrier.arrive $0xFFFF  }
0x108: {  	p0 =	sne.s32 s0, $0x0;
	_ =	strace $0x9000004D  }
0x109: {  	s0 =	sadd.s32 @!p0 $0x100000, s1;
	[bflag:$0x2] =	sbarrier.arrive $0xFFFF  }
0x10a: {  	[sflag:s0] =	ssyncadd.tile.s32 @!p0 $0x1;
	_ =	shalt  }
.Lfunc_end2:
_tile_overlayer_lowered:
.L_overlay_start_2:
0x10b: {  	(tag) =	ssettag $0x2  }
0x10c: {  	s0 =	rddreg [dreg:$0x0];
	s2 =	stileid.u32  }
0x10d: {  	s1 =	rddreg [dreg:$0x1];
	p0 =	sne.s32 s2, $0x0  }
0x10e: {  	s3 =	rddreg [dreg:$0x2];
	[bflag:$0x3] =	sbarrier.arrive $0xFFFF;
	s2 =	simm.s32 @!p0 $0x1C03  }
0x10f: {  	[timem:s3], [sflag:s2] =	dma.local @!p0 [hbm:s0], s1  }
0x110: {  	s0 =	simm.s32 @!p0 $0x3  }
0x111: {  	_ =	swait.ge @!p0 [sflag:s0], s1  }
0x112: {  	s1 =	ssub.s32 @!p0 $0x0, s1;
	[sflag:s0] =	ssyncset.done @!p0 $0x0  }
0x113: {  	[sflag:s0] =	ssyncadd.s32 @!p0 s1  }
0x114: {  	[bflag:$0x3] =	sbarrier.arrive $0xFFFF  }
0x115: {  	_ =	shalt  }

// kernel: kernel.20.cloned.1.call-start
scs
__scs_entry_jumppad:
0x0: {  	(pc) =	sbr.rel $0x88, $3  }
0x1: {  	(tag) =	ssettag $0x0;
	lr =	simm.s32 $0x1  }
0x2: {  	[smem:$0x3F96] =	sst lr;
	_ =	strace $0xD0000000  }
0x3: {  	_ = 	snop  }
0x4: {  	_ = 	snop  }
0x5: {  	_ = 	snop  }
0x6: {  	_ = 	snop  }
0x7: {  	_ = 	snop  }
__scs_overlays_trampoline_lowered:
0x8: {  	[smem:$0x3FA5] =	sst s0  }
0x9: {  	[smem:$0x3FA6] =	sst s1  }
0xa: {  	[smem:$0x3FA7] =	sst s2  }
0xb: {  	[smem:$0x3FA8] =	sst s3  }
0xc: {  	[smem:$0x3FA9] =	sst s4  }
0xd: {  	[smem:$0x3FAA] =	sst s5  }
0xe: {  	[smem:$0x3FAB] =	sst s6  }
0xf: {  	[smem:$0x3FAC] =	sst s7  }
0x10: {  	[smem:$0x3FAD] =	sst s8  }
0x11: {  	[smem:$0x3FAE] =	sst s9;
	s0 =	simm.s32 @!p0 $0x0  }
0x12: {  	s1 =	sld [smem:$0x3F94];
	s0 =	simm.s32 @p0 $0x1  }
0x13: {  	[smem:$0x3FAF] =	sst s0;
	s0 =	simm.s32 @!p1 $0x0  }
0x14: {  	s2 =	sld [smem:$0x3F93];
	s0 =	simm.s32 @p1 $0x1  }
0x15: {  	[smem:$0x3FB0] =	sst s0;
	s0 =	simm.s32 @!p2 $0x0  }
0x16: {  	s3 =	sld [smem:$0x3FDB];
	s0 =	simm.s32 @p2 $0x1  }
0x17: {  	s4 =	simm.s32 $0x1BF5;
	[smem:$0x3FB2] =	sst s0  }
0x18: {  	s0 =	sld [smem:$0x3F95];
	_ =	swait.ge [sflag:s4], $0x0  }
0x19: {  	s7 =	sld [smem:$0x3F96]  }
0x1a: {  	s8 =	sadd.s32 $0xFFFFE003, lr  }
0x1b: {  	s9 =	sadd.s32 $0xFFFFFEF7, lr;
	s5 =	simm.s32 $0xFFFFFFFF;
	p2 =	slt.u32 s8, $0xFFFFF086  }
0x1c: {  	p1 =	slt.u32 s9, $0xF7A;
	s5 =	simm.s32 @!p2 $0x0  }
0x1d: {  	s5 =	simm.s32 @p1 $0x1;
	p0 =	seq.s32 s7, s2  }
0x1e: {  	s7 =	smul.u32 @!p0 $0xF7A, s2;
	p2 =	seq.s32 @!p0 s5, $0x0  }
0x1f: {  	s9 =	smul.u32 $0xF7A, s1;
	s8 =	simm.s32 @!p0 $0x1BF5;
	p2 =	por !p2, p0  }
0x20: {  	[sflag:s8] =	ssyncset.s32 @!p0 $0xFFFFF086;
	s6 =	sadd.s32 @!p0 s3, s7;
	s7 =	simm.s32 @!p0 $0x108  }
0x21: {  	s3 =	sadd.s32 s3, s9;
	s6 =	sadd.s32 @!p0 $0x88, s6;
	s7 =	simm.s32 @p2 $0x1082  }
0x22: {  	[simem:s7], [sflag:s8] =	dma.local @!p0 [hbm:s6], $0xF7A  }
0x23: {  	s9 =	sor.u32 $0xD0000000, s2;
	s6 =	simm.s32 $0x108;
	_ =	swait.ge @!p0 [sflag:s8], $0x0  }
0x24: {  	s3 =	sadd.s32 $0x88, s3;
	s6 =	simm.s32 @!p1 $0x1082;
	[sflag:s4] =	ssyncset.s32 $0xFFFFF086  }
0x25: {  	[simem:s6], [sflag:s4] =	dma.local [hbm:s3], $0xF7A  }
0x26: {  	[smem:$0x3F96] =	sst s1;
	(tag) =	ssettag s2;
	_ =	strace s9  }
0x27: {  	s1 =	sld [smem:$0x3FA6]  }
0x28: {  	s2 =	sld [smem:$0x3FA7]  }
0x29: {  	s4 =	sld [smem:$0x3FA9]  }
0x2a: {  	p0 =	seq.s32 s5, $0x0;
	s5 =	sld [smem:$0x3FAA]  }
0x2b: {  	s6 =	sld [smem:$0x3FAB]  }
0x2c: {  	s7 =	sld [smem:$0x3FAC]  }
0x2d: {  	s3 =	simm.s32 $0x108;
	s8 =	sld [smem:$0x3FAD]  }
0x2e: {  	s3 =	simm.s32 @!p0 $0x1082;
	s9 =	sld [smem:$0x3FAE]  }
0x2f: {  	lr =	sadd.s32 s0, s3;
	s0 =	sld [smem:$0x3FA5]  }
0x30: {  	s3 =	sld [smem:$0x3FA8]  }
0x31: {  	[smem:$0x3FB1] =	sst s10  }
0x32: {  	s10 =	sld [smem:$0x3FAF];
	_ =	sdelay $0x3  }
0x33: {  	p0 =	seq.s32 s10, $0x1;
	s10 =	sld [smem:$0x3FB1];
	_ =	sdelay $0x3  }
0x34: {  	[smem:$0x3FB1] =	sst s10  }
0x35: {  	s10 =	sld [smem:$0x3FB0];
	_ =	sdelay $0x3  }
0x36: {  	p1 =	seq.s32 s10, $0x1;
	s10 =	sld [smem:$0x3FB1];
	_ =	sdelay $0x3  }
0x37: {  	[smem:$0x3FB1] =	sst s10  }
0x38: {  	s10 =	sld [smem:$0x3FB2]  }
0x39: {  	_ = 	snop;
	(pc) =	sbr.ind lr, $3  }
0x3a: {  	_ = 	snop  }
0x3b: {  	_ = 	snop  }
0x3c: {  	p2 =	seq.s32 s10, $0x1;
	s10 =	sld [smem:$0x3FB1]  }
0x3d: {  	_ =	shalt  }
0x3e: {  	_ =	shalt  }
0x3f: {  	_ =	shalt  }
0x40: {  	_ =	shalt  }
0x41: {  	_ =	shalt  }
0x42: {  	_ =	shalt  }
0x43: {  	_ =	shalt  }
0x44: {  	_ =	shalt  }
0x45: {  	_ =	shalt  }
0x46: {  	_ =	shalt  }
0x47: {  	_ =	shalt  }
0x48: {  	_ =	shalt  }
0x49: {  	_ =	shalt  }
0x4a: {  	_ =	shalt  }
0x4b: {  	_ =	shalt  }
0x4c: {  	_ =	shalt  }
0x4d: {  	_ =	shalt  }
0x4e: {  	_ =	shalt  }
0x4f: {  	_ =	shalt  }
0x50: {  	_ =	shalt  }
0x51: {  	_ =	shalt  }
0x52: {  	_ =	shalt  }
0x53: {  	_ =	shalt  }
0x54: {  	_ =	shalt  }
0x55: {  	_ =	shalt  }
0x56: {  	_ =	shalt  }
0x57: {  	_ =	shalt  }
0x58: {  	_ =	shalt  }
0x59: {  	_ =	shalt  }
0x5a: {  	_ =	shalt  }
0x5b: {  	_ =	shalt  }
0x5c: {  	_ =	shalt  }
0x5d: {  	_ =	shalt  }
0x5e: {  	_ =	shalt  }
0x5f: {  	_ =	shalt  }
0x60: {  	_ =	shalt  }
0x61: {  	_ =	shalt  }
0x62: {  	_ =	shalt  }
0x63: {  	_ =	shalt  }
0x64: {  	_ =	shalt  }
0x65: {  	_ =	shalt  }
0x66: {  	_ =	shalt  }
0x67: {  	_ =	shalt  }
0x68: {  	_ =	shalt  }
0x69: {  	_ =	shalt  }
0x6a: {  	_ =	shalt  }
0x6b: {  	_ =	shalt  }
0x6c: {  	_ =	shalt  }
0x6d: {  	_ =	shalt  }
0x6e: {  	_ =	shalt  }
0x6f: {  	_ =	shalt  }
0x70: {  	_ =	shalt  }
0x71: {  	_ =	shalt  }
0x72: {  	_ =	shalt  }
0x73: {  	_ =	shalt  }
0x74: {  	_ =	shalt  }
0x75: {  	_ =	shalt  }
0x76: {  	_ =	shalt  }
0x77: {  	_ =	shalt  }
0x78: {  	_ =	shalt  }
0x79: {  	_ =	shalt  }
0x7a: {  	_ =	shalt  }
0x7b: {  	_ =	shalt  }
0x7c: {  	_ =	shalt  }
0x7d: {  	_ =	shalt  }
0x7e: {  	_ =	shalt  }
0x7f: {  	_ =	shalt  }
0x80: {  	_ =	shalt  }
0x81: {  	_ =	shalt  }
0x82: {  	_ =	shalt  }
0x83: {  	_ =	shalt  }
0x84: {  	_ =	shalt  }
0x85: {  	_ =	shalt  }
0x86: {  	_ =	shalt  }
0x87: {  	_ =	shalt  }
.Lfunc_end0:
.L_simem_size_0:
called_computation.3_lowered:
.L_overlay_start_0:
0x88: {  	s2 =	sld [smem:$0x3FD9]  }
0x89: {  	s3 =	sld [smem:$0x3FFE];
	_ =	sdelay $0x1  }
0x8a: {  	s1 =	srdreg.scid  }
0x8b: {  	s0 =	sand.u32 $0x1, s1  }
0x8c: {  	s16 =	sshll.u32 s0, $0xA;
	s2 =	sadd.s32 s3, s2  }
0x8d: {  	s2 =	sadd.s32 s2, s16  }
0x8e: {  	[smem:$0x3FBD] =	sst s2  }
0x8f: {  	_ = 	snop  }
0x90: {  	(tm) =	ssettm $0x1  }
0x91: {  	s17 =	sld [smem:$0x3FFB];
	_ =	sdelay $0x3  }
0x92: {  	_ =	strace s17  }
0x93: {  	s2 =	sld [smem:$0x3FFC];
	_ =	sdelay $0x3  }
0x94: {  	_ =	strace s2  }
0x95: {  	s2 =	sld [smem:$0x3FFD];
	_ =	sdelay $0x3  }
0x96: {  	_ =	strace s2  }
0x97: {  	_ =	strace $0x8FFFFFFF  }
0x98: {  	s18 =	sld [smem:$0x3FDB];
	_ =	sdelay $0x1  }
0x99: {  	s19 =	simm.s32 $_scs_section_size  }
0x9a: {  	s4 =	simm.s32 $_size__tile_overlayer_lowered;
	s5 =	simm.s32 $_tile_overlayer_lowered  }
0x9b: {  	s22 =	simm.s32 $0x1BFF;
	s21 =	sshll.u32 s5, $0x1;
	s2 =	sadd.s32 s19, s18  }
0x9c: {  	s6 =	simm.s32 $0x0;
	s20 =	sshll.u32 s4, $0x1;
	s4 =	sadd.s32 s21, s2  }
0x9d: {  	[timem:s6], [sflag:s22] =	dma.local [hbm:s4], s20  }
0x9e: {  	_ =	swait.ge [sflag:s22], s20  }
0x9f: {  	s3 =	ssub.s32 $0x0, s20;
	[sflag:s22] =	ssyncset.done $0x0  }
0xa0: {  	[sflag:s22] =	ssyncadd.s32 s3;
	_ =	sdelay $0x1  }
0xa1: {  	s23 =	simm.s32 $0x1B8B  }
0xa2: {  	_ =	swait.ge [sflag:s23], $0x1  }
0xa3: {  	[sflag:s23] =	ssyncset.done $0x0  }
0xa4: {  	s25 =	simm.s32 $0x1B8E;
	s24 =	sld [smem:$0x3FFE];
	[sflag:s23] =	ssyncadd.s32 $0xFFFFFFFF  }
0xa5: {  	s26 =	simm.s32 $execute0_lowered;
	[smem:$0x3FD2] =	sst s25  }
0xa6: {  	s4 =	sshll.u32 s26, $0x1;
	_ =	strace $0x8000004F;
	[dreg:$0x1] =	wrdreg $0xFFFFFFFF  }
0xa7: {  	s28 =	simm.s32 $_size_execute0_lowered;
	s2 =	sadd.s32 s2, s4;
	[dreg:$0x0] =	wrdreg $0x0  }
0xa8: {  	s4 =	sshll.u32 s28, $0x1;
	[dreg:$0x2] =	wrdreg s2  }
0xa9: {  	[dreg:$0x3] =	wrdreg s4  }
0xaa: {  	[dreg:$0x4] =	wrdreg $0xC0  }
0xab: {  	_ =	task [dreg:s6], $0x5FFFF  }
0xac: {  	[dreg:$0x1] =	wrdreg $0xFFFFFFFF  }
0xad: {  	[dreg:$0x0] =	wrdreg $0x60  }
0xae: {  	[dreg:$0x2] =	wrdreg s24  }
0xaf: {  	[dreg:$0x3] =	wrdreg $0x0  }
0xb0: {  	[dreg:$0x4] =	wrdreg $0x9  }
0xb1: {  	_ =	task.clear_ibuf [dreg:s6], $0x5FFFF;
	_ =	strace $0x9000004F  }
0xb2: {  	s29 =	simm.s32 $0x9;
	_ =	strace $0x80000051  }
0xb3: {  	_ =	swait.ge [sflag:s29], $0x1  }
0xb4: {  	[sflag:s29] =	ssyncadd.s32 $0xFFFFFFFF  }
0xb5: {  	_ =	strace $0x90000051  }
0xb6: {  	_ =	sfence  }
0xb7: {  	s30 =	sld [smem:$0x0];
	_ =	sdelay $0x2  }
0xb8: {  	s31 =	sshll.u32 s1, $0xD;
	s1 =	sshrl.u32 s1, $0x2  }
0xb9: {  	s3 =	sand.u32 $0x4000, s31;
	s1 =	sadd.s32 s1, s30  }
0xba: {  	s0 =	sor.u32 s3, s0;
	s1 =	sshll.u32 s1, $0x11  }
0xbb: {  	s0 =	sor.u32 s1, s0  }
0xbc: {  	s0 =	sadd.s32 $0x8F2B, s0  }
0xbd: {  	[sflag:s0] =	ssyncadd.remote.s32 $0x1  }
0xbe: {  	_ =	sfence.sel $0xFFFF  }
0xbf: {  	[dreg:$0x0] =	wrdreg $0xFFFFFFFF;
	(pc) =	sbr.abs _section_cstart, $3  }
0xc0: {  	[dreg:$0x1] =	wrdreg $0xFFFFFFFF  }
0xc1: {  	_ =	task.clear_ibuf [dreg:s6], $0x2FFFF;
	_ =	strace $0x9FFFFFFF  }
0xc2: {  	(tm) =	ssettm $0x7FFFFFFF  }
0xc3: {  	_ =	shalt  }
tec
execute0_lowered:
.L_overlay_start_1:
0x0: {  	(tag) =	ssettag $0x1  }
0x1: {  	s6 =	rddreg [dreg:$0x0];
	s1 =	srdreg.scid  }
0x2: {  	s0 =	stileid.u32;
	s2 =	rddreg [dreg:$0x1]  }
0x3: {  	s3 =	simm.s32 $0x0;
	s16 =	simm.s32 $0x80;
	s17 =	simm.s32 $0x16800  }
0x4: {  	s18 =	simm.s32 $0x16A00;
	s19 =	simm.s32 $0x16880;
	s20 =	simm.s32 $0x1AA00  }
0x5: {  	s21 =	simm.s32 $0x1;
	s22 =	simm.s32 $0x16900;
	s23 =	simm.s32 $0x2  }
0x6: {  	s24 =	simm.s32 $0x16980;
	s25 =	simm.s32 $0x0;
	s5 =	sand.u32 $0x1, s1  }
0x7: {  	s4 =	sshll.u32 s0, $0x1;
	s1 =	rddreg [dreg:$0x2];
	s8 =	smul.u32 $0x4F000, s0  }
0x8: {  	[smem:$0x7FF] =	sst s3;
	s9 =	smul.u32 $0x2780, s0;
	s10 =	sadd.s32 $0x3EA00, s6  }
0x9: {  	s13 =	smul.u32 $0x13C00, s0;
	s15 =	sadd.s32 $0x128400, s2;
	p0 =	seq.s32 s0, $0xF  }
0xa: {  	s4 =	sor.u32 s5, s4;
	s11 =	ssub.s32 $0x2, s5;
	s12 =	smul.u32 $0x138800, s5  }
0xb: {  	_ =	strace $0x80000050;
	s7 =	smul.u32 $0x500, s4;
	s29 =	sshrl.u32 s11, $0x1  }
0xc: {  	s4 =	sadd.s32 $0x17800, s6;
	s8 =	sshrl.u32 s8, $0x2;
	s11 =	ssub.s32 s11, s29  }
0xd: {  	s14 =	sadd.s32 s8, s2;
	s5 =	sadd.s32 s4, s9;
	s30 =	sadd.s32 s13, s12  }
0xe: {  	s31 =	sshrl.u32 s12, $0x3;
	s12 =	sshll.u32 @!p0 s0, $0x6;
	s7 =	sadd.s32 s7, s6  }
0xf: {  	s6 =	sadd.s32 $0x3C880, s6;
	s8 =	sshrl.u32 s30, $0x3;
	s9 =	sadd.s32 s10, s31  }
0x10: {  	s12 =	sor.u32 @!p0 $0x1C03, s12;
	s13 =	sshrl.u32 @!p0 s14, $0x3;
	s14 =	simm.s32 $0x14000  }
0x11: {  	s7 =	sadd.s32 $0xD800, s7;
	s8 =	sadd.s32 s10, s8;
	s9 =	sadd.s32 $0x25080, s9  }
0x12: {  	s10 =	smax.u32 s11, $0x1;
	s11 =	sshrl.u32 @p0 s15, $0x3;
	s15 =	simm.s32 $0x3  }
.LBB2_1:
0x13: {  	s26 =	simm.s32 @p0 $0x1FC3  }
0x14: {  	[spmem:s11], [sflag:s26] =	dma.local @p0 [hbm:s6], $0x2080  }
0x15: {  	s26 =	simm.s32 @p0 $0x3  }
0x16: {  	_ =	swait.ge @p0 [sflag:s26], $0x2080  }
0x17: {  	[sflag:s26] =	ssyncset.done @p0 $0x0  }
0x18: {  	[sflag:s26] =	ssyncadd.s32 @p0 $0xFFFFDF80;
	s26 =	simm.s32 @!p0 $0x3  }
0x19: {  	[spmem:s13], [sflag:s12] =	dma.local @!p0 [hbm:s5], $0x2780  }
0x1a: {  	_ =	swait.ge @!p0 [sflag:s26], $0x2780  }
0x1b: {  	[sflag:s26] =	ssyncset.done @!p0 $0x0  }
0x1c: {  	[sflag:s26] =	ssyncadd.s32 @!p0 $0xFFFFD880  }
0x1d: {  	[tilespmem:s14], [sflag:$0x3] =	stream.linear.gather [hbm4b:s7+s3], $0x2800, $0x38;
	[tilespmem:$0x1EA00] =	vst v63  }
0x1e: {  	_ =	swait.ge [sflag:s15], $0x2800  }
0x1f: {  	[sflag:s15] =	ssyncset.done $0x0  }
0x20: {  	[sflag:s15] =	ssyncadd.s32 $0xFFFFD800  }
0x21: {  	[bflag:$0x0] =	sbarrier.arrive $0xFFFF  }
0x22: {  	v0 =	vld [tilespmem:$0x14000];
	_ =	sdelay $0x1  }
0x23: {  	v1 =	vld [tilespmem:$0x14010];
	_ =	sdelay $0x1  }
0x24: {  	v2 =	vld [tilespmem:$0x14020]  }
0x25: {  	v3 =	vshra.s32 v0, $0x10  }
0x26: {  	v0 =	vand.u32 $0xFFFF, v0;
	[tilespmem:$0x16800] =	vst v3;
	v3 =	vld [tilespmem:$0x14030]  }
0x27: {  	[tilespmem:$0x16900] =	vst v0;
	v0 =	vshra.s32 v1, $0x10  }
0x28: {  	[tilespmem:$0x16810] =	vst v0;
	v0 =	vand.u32 $0xFFFF, v1;
	v1 =	vld [tilespmem:$0x14040]  }
0x29: {  	[tilespmem:$0x16910] =	vst v0;
	v0 =	vshra.s32 v2, $0x10  }
0x2a: {  	[tilespmem:$0x16820] =	vst v0;
	v0 =	vand.u32 $0xFFFF, v2;
	v2 =	vld [tilespmem:$0x14050]  }
0x2b: {  	[tilespmem:$0x16920] =	vst v0;
	v0 =	vshra.s32 v3, $0x10  }
0x2c: {  	[tilespmem:$0x16830] =	vst v0;
	v0 =	vand.u32 $0xFFFF, v3;
	v3 =	vld [tilespmem:$0x14060]  }
0x2d: {  	[tilespmem:$0x16930] =	vst v0;
	v0 =	vshra.s32 v1, $0x10  }
0x2e: {  	[tilespmem:$0x16840] =	vst v0;
	v0 =	vand.u32 $0xFFFF, v1;
	v1 =	vld [tilespmem:$0x14070]  }
0x2f: {  	[tilespmem:$0x16940] =	vst v0;
	v0 =	vshra.s32 v2, $0x10  }
0x30: {  	[tilespmem:$0x16850] =	vst v0;
	v0 =	vand.u32 $0xFFFF, v2  }
0x31: {  	[tilespmem:$0x16950] =	vst v0;
	v0 =	vshra.s32 v3, $0x10  }
0x32: {  	[tilespmem:$0x16860] =	vst v0;
	v0 =	vand.u32 $0xFFFF, v3  }
0x33: {  	[tilespmem:$0x16960] =	vst v0;
	v0 =	vshra.s32 v1, $0x10  }
0x34: {  	[tilespmem:$0x16870] =	vst v0;
	v0 =	vand.u32 $0xFFFF, v1  }
0x35: {  	[tilespmem:$0x16970] =	vst v0  }
0x36: {  	[tilespmem:s18], [sflag:$0x1] =	stream.indirect.gather [hbm4b:s4+s16], $0x80, s17, s16, $0xb8;
	[tilespmem:$0x1EA00] =	vst v63  }
0x37: {  	v0 =	vld [tilespmem:$0x14080];
	_ =	sdelay $0x1  }
0x38: {  	v1 =	vld [tilespmem:$0x14090];
	_ =	sdelay $0x1  }
0x39: {  	v2 =	vld [tilespmem:$0x140A0]  }
0x3a: {  	v3 =	vshra.s32 v0, $0x10  }
0x3b: {  	v0 =	vand.u32 $0xFFFF, v0;
	[tilespmem:$0x16880] =	vst v3;
	v3 =	vld [tilespmem:$0x140B0]  }
0x3c: {  	[tilespmem:$0x16980] =	vst v0;
	v0 =	vshra.s32 v1, $0x10  }
0x3d: {  	[tilespmem:$0x16890] =	vst v0;
	v0 =	vand.u32 $0xFFFF, v1;
	v1 =	vld [tilespmem:$0x140C0]  }
0x3e: {  	[tilespmem:$0x16990] =	vst v0;
	v0 =	vshra.s32 v2, $0x10  }
0x3f: {  	[tilespmem:$0x168A0] =	vst v0;
	v0 =	vand.u32 $0xFFFF, v2;
	v2 =	vld [tilespmem:$0x140D0]  }
0x40: {  	[tilespmem:$0x169A0] =	vst v0;
	v0 =	vshra.s32 v3, $0x10  }
0x41: {  	[tilespmem:$0x168B0] =	vst v0;
	v0 =	vand.u32 $0xFFFF, v3;
	v3 =	vld [tilespmem:$0x140E0]  }
0x42: {  	[tilespmem:$0x169B0] =	vst v0;
	v0 =	vshra.s32 v1, $0x10  }
0x43: {  	[tilespmem:$0x168C0] =	vst v0;
	v0 =	vand.u32 $0xFFFF, v1;
	v1 =	vld [tilespmem:$0x140F0]  }
0x44: {  	[tilespmem:$0x169C0] =	vst v0;
	v0 =	vshra.s32 v2, $0x10  }
0x45: {  	[tilespmem:$0x168D0] =	vst v0;
	v0 =	vand.u32 $0xFFFF, v2  }
0x46: {  	[tilespmem:$0x169D0] =	vst v0;
	v0 =	vshra.s32 v3, $0x10  }
0x47: {  	[tilespmem:$0x168E0] =	vst v0;
	v0 =	vand.u32 $0xFFFF, v3  }
0x48: {  	[tilespmem:$0x169E0] =	vst v0;
	v0 =	vshra.s32 v1, $0x10  }
0x49: {  	[tilespmem:$0x168F0] =	vst v0;
	v0 =	vand.u32 $0xFFFF, v1  }
0x4a: {  	[tilespmem:$0x169F0] =	vst v0  }
0x4b: {  	[tilespmem:s20], [sflag:$0x2] =	stream.indirect.gather [hbm4b:s4+s16], $0x80, s19, s16, $0xb8;
	[tilespmem:$0x1EA00] =	vst v63  }
0x4c: {  	_ =	swait.ge [sflag:s21], $0x4000  }
0x4d: {  	[sflag:s21] =	ssyncset.done $0x0  }
0x4e: {  	[sflag:s21] =	ssyncadd.s32 $0xFFFFC000  }
0x4f: {  	[spmem:s2] =	stream.indirect.scatter.add.f32 [tilespmem:s18], [sflag:$0x3], $0x80, s22, s16, $0xb8;
	[tilespmem:$0x1EA00] =	vst v63  }
0x50: {  	_ =	swait.ge [sflag:s15], $0x4000  }
0x51: {  	[sflag:s15] =	ssyncset.done $0x0  }
0x52: {  	s26 =	simm.s32 $0x1F0;
	[sflag:s15] =	ssyncadd.s32 $0xFFFFC000  }
0x53: {  	v0 =	vld [tilespmem:s26+$0x13F10];
	_ =	sdelay $0x4  }
0x54: {  	v1 =	vshra.s32 v0, $0x10  }
0x55: {  	v0 =	vand.u32 $0xFFFF, v0;
	[tilespmem:$0x16800] =	vst v1  }
0x56: {  	[tilespmem:$0x16900] =	vst v0  }
0x57: {  	v0 =	vld [tilespmem:s26+$0x13F20];
	_ =	sdelay $0x4  }
0x58: {  	v1 =	vshra.s32 v0, $0x10  }
0x59: {  	v0 =	vand.u32 $0xFFFF, v0;
	[tilespmem:$0x16810] =	vst v1  }
0x5a: {  	[tilespmem:$0x16910] =	vst v0  }
0x5b: {  	v0 =	vld [tilespmem:s26+$0x13F30];
	_ =	sdelay $0x4  }
0x5c: {  	v1 =	vshra.s32 v0, $0x10  }
0x5d: {  	v0 =	vand.u32 $0xFFFF, v0;
	[tilespmem:$0x16820] =	vst v1  }
0x5e: {  	[tilespmem:$0x16920] =	vst v0  }
0x5f: {  	v0 =	vld [tilespmem:s26+$0x13F40];
	_ =	sdelay $0x4  }
0x60: {  	v1 =	vshra.s32 v0, $0x10  }
0x61: {  	v0 =	vand.u32 $0xFFFF, v0;
	[tilespmem:$0x16830] =	vst v1  }
0x62: {  	[tilespmem:$0x16930] =	vst v0  }
0x63: {  	v0 =	vld [tilespmem:s26+$0x13F50];
	_ =	sdelay $0x4  }
0x64: {  	v1 =	vshra.s32 v0, $0x10  }
0x65: {  	v0 =	vand.u32 $0xFFFF, v0;
	[tilespmem:$0x16840] =	vst v1  }
0x66: {  	[tilespmem:$0x16940] =	vst v0  }
0x67: {  	v0 =	vld [tilespmem:s26+$0x13F60];
	_ =	sdelay $0x4  }
0x68: {  	v1 =	vshra.s32 v0, $0x10  }
0x69: {  	v0 =	vand.u32 $0xFFFF, v0;
	[tilespmem:$0x16850] =	vst v1  }
0x6a: {  	[tilespmem:$0x16950] =	vst v0  }
0x6b: {  	v0 =	vld [tilespmem:s26+$0x13F70];
	_ =	sdelay $0x4  }
0x6c: {  	v1 =	vshra.s32 v0, $0x10  }
0x6d: {  	v0 =	vand.u32 $0xFFFF, v0;
	[tilespmem:$0x16860] =	vst v1  }
0x6e: {  	[tilespmem:$0x16960] =	vst v0  }
0x6f: {  	v0 =	vld [tilespmem:s26+$0x13F80];
	_ =	sdelay $0x4  }
0x70: {  	v1 =	vshra.s32 v0, $0x10  }
0x71: {  	v0 =	vand.u32 $0xFFFF, v0;
	[tilespmem:$0x16870] =	vst v1  }
0x72: {  	[tilespmem:$0x16970] =	vst v0  }
0x73: {  	[tilespmem:s18], [sflag:$0x1] =	stream.indirect.gather [hbm4b:s4+s16], $0x80, s17, s16, $0xb8;
	[tilespmem:$0x1EA00] =	vst v63  }
0x74: {  	_ =	swait.ge [sflag:s23], $0x4000  }
0x75: {  	[sflag:s23] =	ssyncset.done $0x0  }
0x76: {  	[sflag:s23] =	ssyncadd.s32 $0xFFFFC000  }
0x77: {  	[spmem:s2] =	stream.indirect.scatter.add.f32 [tilespmem:s20], [sflag:$0x3], $0x80, s24, s16, $0xb8;
	[tilespmem:$0x1EA00] =	vst v63  }
0x78: {  	_ =	swait.ge [sflag:s15], $0x4000  }
0x79: {  	[sflag:s15] =	ssyncset.done $0x0  }
0x7a: {  	[sflag:s15] =	ssyncadd.s32 $0xFFFFC000  }
0x7b: {  	v0 =	vld [tilespmem:s26+$0x13F90];
	_ =	sdelay $0x4  }
0x7c: {  	v1 =	vshra.s32 v0, $0x10  }
0x7d: {  	v0 =	vand.u32 $0xFFFF, v0;
	[tilespmem:$0x16880] =	vst v1  }
0x7e: {  	[tilespmem:$0x16980] =	vst v0  }
0x7f: {  	v0 =	vld [tilespmem:s26+$0x13FA0];
	_ =	sdelay $0x4  }
0x80: {  	v1 =	vshra.s32 v0, $0x10  }
0x81: {  	v0 =	vand.u32 $0xFFFF, v0;
	[tilespmem:$0x16890] =	vst v1  }
0x82: {  	[tilespmem:$0x16990] =	vst v0  }
0x83: {  	v0 =	vld [tilespmem:s26+$0x13FB0];
	_ =	sdelay $0x4  }
0x84: {  	v1 =	vshra.s32 v0, $0x10  }
0x85: {  	v0 =	vand.u32 $0xFFFF, v0;
	[tilespmem:$0x168A0] =	vst v1  }
0x86: {  	[tilespmem:$0x169A0] =	vst v0  }
0x87: {  	v0 =	vld [tilespmem:s26+$0x13FC0];
	_ =	sdelay $0x4  }
0x88: {  	v1 =	vshra.s32 v0, $0x10  }
0x89: {  	v0 =	vand.u32 $0xFFFF, v0;
	[tilespmem:$0x168B0] =	vst v1  }
0x8a: {  	[tilespmem:$0x169B0] =	vst v0  }
0x8b: {  	v0 =	vld [tilespmem:s26+$0x13FD0];
	_ =	sdelay $0x4  }
0x8c: {  	v1 =	vshra.s32 v0, $0x10  }
0x8d: {  	v0 =	vand.u32 $0xFFFF, v0;
	[tilespmem:$0x168C0] =	vst v1  }
0x8e: {  	[tilespmem:$0x169C0] =	vst v0  }
0x8f: {  	v0 =	vld [tilespmem:s26+$0x13FE0];
	_ =	sdelay $0x4  }
0x90: {  	v1 =	vshra.s32 v0, $0x10  }
0x91: {  	v0 =	vand.u32 $0xFFFF, v0;
	[tilespmem:$0x168D0] =	vst v1  }
0x92: {  	[tilespmem:$0x169D0] =	vst v0  }
0x93: {  	v0 =	vld [tilespmem:s26+$0x13FF0];
	_ =	sdelay $0x4  }
0x94: {  	v1 =	vshra.s32 v0, $0x10  }
0x95: {  	s28 =	simm.s32 $0xBC0;
	v0 =	vand.u32 $0xFFFF, v0;
	[tilespmem:$0x168E0] =	vst v1  }
.LBB2_2:
0x96: {  	p1 =	sne.s32 s28, $0x9FC0;
	[tilespmem:$0x169E0] =	vst v0;
	s29 =	smov.u32 s28;
	s28 =	sadd.s32 $0x400, s28  }
0x97: {  	v0 =	vld [tilespmem:s26+$0x14000];
	_ =	sdelay $0x4  }
0x98: {  	v1 =	vshra.s32 v0, $0x10;
	v0 =	vand.u32 $0xFFFF, v0  }
0x99: {  	[tilespmem:$0x168F0] =	vst v1  }
0x9a: {  	[tilespmem:$0x169F0] =	vst v0  }
0x9b: {  	[tilespmem:s20], [sflag:$0x2] =	stream.indirect.gather [hbm4b:s4+s16], $0x80, s19, s16, $0xb8;
	[tilespmem:$0x1EA00] =	vst v63  }
0x9c: {  	_ =	swait.ge [sflag:s21], $0x4000  }
0x9d: {  	[sflag:s21] =	ssyncset.done $0x0  }
0x9e: {  	[sflag:s21] =	ssyncadd.s32 $0xFFFFC000  }
0x9f: {  	[spmem:s2] =	stream.indirect.scatter.add.f32 [tilespmem:s18], [sflag:$0x3], $0x80, s22, s16, $0xb8;
	[tilespmem:$0x1EA00] =	vst v63  }
0xa0: {  	_ =	swait.ge [sflag:s15], $0x4000  }
0xa1: {  	[sflag:s15] =	ssyncset.done $0x0  }
0xa2: {  	s26 =	sshra.s32 s29, $0x2;
	[sflag:s15] =	ssyncadd.s32 $0xFFFFC000  }
0xa3: {  	v0 =	vld [tilespmem:s26+$0x13F10];
	_ =	sdelay $0x4  }
0xa4: {  	v1 =	vshra.s32 v0, $0x10;
	v0 =	vand.u32 $0xFFFF, v0  }
0xa5: {  	[tilespmem:$0x16800] =	vst v1  }
0xa6: {  	[tilespmem:$0x16900] =	vst v0  }
0xa7: {  	v0 =	vld [tilespmem:s26+$0x13F20];
	_ =	sdelay $0x4  }
0xa8: {  	v1 =	vshra.s32 v0, $0x10;
	v0 =	vand.u32 $0xFFFF, v0  }
0xa9: {  	[tilespmem:$0x16810] =	vst v1  }
0xaa: {  	[tilespmem:$0x16910] =	vst v0  }
0xab: {  	v0 =	vld [tilespmem:s26+$0x13F30];
	_ =	sdelay $0x4  }
0xac: {  	v1 =	vshra.s32 v0, $0x10;
	v0 =	vand.u32 $0xFFFF, v0  }
0xad: {  	[tilespmem:$0x16820] =	vst v1  }
0xae: {  	[tilespmem:$0x16920] =	vst v0  }
0xaf: {  	v0 =	vld [tilespmem:s26+$0x13F40];
	_ =	sdelay $0x4  }
0xb0: {  	v1 =	vshra.s32 v0, $0x10;
	v0 =	vand.u32 $0xFFFF, v0  }
0xb1: {  	[tilespmem:$0x16830] =	vst v1  }
0xb2: {  	[tilespmem:$0x16930] =	vst v0  }
0xb3: {  	v0 =	vld [tilespmem:s26+$0x13F50];
	_ =	sdelay $0x4  }
0xb4: {  	v1 =	vshra.s32 v0, $0x10;
	v0 =	vand.u32 $0xFFFF, v0  }
0xb5: {  	[tilespmem:$0x16840] =	vst v1  }
0xb6: {  	[tilespmem:$0x16940] =	vst v0  }
0xb7: {  	v0 =	vld [tilespmem:s26+$0x13F60];
	_ =	sdelay $0x4  }
0xb8: {  	v1 =	vshra.s32 v0, $0x10;
	v0 =	vand.u32 $0xFFFF, v0  }
0xb9: {  	[tilespmem:$0x16850] =	vst v1  }
0xba: {  	[tilespmem:$0x16950] =	vst v0  }
0xbb: {  	v0 =	vld [tilespmem:s26+$0x13F70];
	_ =	sdelay $0x4  }
0xbc: {  	v1 =	vshra.s32 v0, $0x10;
	v0 =	vand.u32 $0xFFFF, v0  }
0xbd: {  	[tilespmem:$0x16860] =	vst v1  }
0xbe: {  	[tilespmem:$0x16960] =	vst v0  }
0xbf: {  	v0 =	vld [tilespmem:s26+$0x13F80];
	_ =	sdelay $0x4  }
0xc0: {  	v1 =	vshra.s32 v0, $0x10;
	v0 =	vand.u32 $0xFFFF, v0  }
0xc1: {  	[tilespmem:$0x16870] =	vst v1  }
0xc2: {  	[tilespmem:$0x16970] =	vst v0  }
0xc3: {  	[tilespmem:s18], [sflag:$0x1] =	stream.indirect.gather [hbm4b:s4+s16], $0x80, s17, s16, $0xb8;
	[tilespmem:$0x1EA00] =	vst v63  }
0xc4: {  	_ =	swait.ge [sflag:s23], $0x4000  }
0xc5: {  	[sflag:s23] =	ssyncset.done $0x0  }
0xc6: {  	[sflag:s23] =	ssyncadd.s32 $0xFFFFC000  }
0xc7: {  	[spmem:s2] =	stream.indirect.scatter.add.f32 [tilespmem:s20], [sflag:$0x3], $0x80, s24, s16, $0xb8;
	[tilespmem:$0x1EA00] =	vst v63  }
0xc8: {  	_ =	swait.ge [sflag:s15], $0x4000  }
0xc9: {  	[sflag:s15] =	ssyncset.done $0x0  }
0xca: {  	[sflag:s15] =	ssyncadd.s32 $0xFFFFC000  }
0xcb: {  	v0 =	vld [tilespmem:s26+$0x13F90];
	_ =	sdelay $0x4  }
0xcc: {  	v1 =	vshra.s32 v0, $0x10;
	v0 =	vand.u32 $0xFFFF, v0  }
0xcd: {  	[tilespmem:$0x16880] =	vst v1  }
0xce: {  	[tilespmem:$0x16980] =	vst v0  }
0xcf: {  	v0 =	vld [tilespmem:s26+$0x13FA0];
	_ =	sdelay $0x4  }
0xd0: {  	v1 =	vshra.s32 v0, $0x10;
	v0 =	vand.u32 $0xFFFF, v0  }
0xd1: {  	[tilespmem:$0x16890] =	vst v1  }
0xd2: {  	[tilespmem:$0x16990] =	vst v0  }
0xd3: {  	v0 =	vld [tilespmem:s26+$0x13FB0];
	_ =	sdelay $0x4  }
0xd4: {  	v1 =	vshra.s32 v0, $0x10;
	v0 =	vand.u32 $0xFFFF, v0  }
0xd5: {  	[tilespmem:$0x168A0] =	vst v1  }
0xd6: {  	[tilespmem:$0x169A0] =	vst v0  }
0xd7: {  	v0 =	vld [tilespmem:s26+$0x13FC0];
	_ =	sdelay $0x4  }
0xd8: {  	v1 =	vshra.s32 v0, $0x10;
	v0 =	vand.u32 $0xFFFF, v0  }
0xd9: {  	[tilespmem:$0x168B0] =	vst v1  }
0xda: {  	[tilespmem:$0x169B0] =	vst v0  }
0xdb: {  	v0 =	vld [tilespmem:s26+$0x13FD0];
	_ =	sdelay $0x4  }
0xdc: {  	v1 =	vshra.s32 v0, $0x10;
	v0 =	vand.u32 $0xFFFF, v0  }
0xdd: {  	[tilespmem:$0x168C0] =	vst v1  }
0xde: {  	[tilespmem:$0x169C0] =	vst v0  }
0xdf: {  	v0 =	vld [tilespmem:s26+$0x13FE0];
	_ =	sdelay $0x4  }
0xe0: {  	v1 =	vshra.s32 v0, $0x10;
	v0 =	vand.u32 $0xFFFF, v0  }
0xe1: {  	[tilespmem:$0x168D0] =	vst v1  }
0xe2: {  	[tilespmem:$0x169D0] =	vst v0  }
0xe3: {  	v0 =	vld [tilespmem:s26+$0x13FF0];
	_ =	sdelay $0x1  }
.Ltmp0:
0xe4: {  	(pc) =	sbr.rel @p1 .LBB2_2-.Ltmp0, $3  }
0xe5: {  	_ =	sdelay $0x1  }
0xe6: {  	v1 =	vshra.s32 v0, $0x10;
	v0 =	vand.u32 $0xFFFF, v0  }
0xe7: {  	[tilespmem:$0x168E0] =	vst v1  }
0xe8: {  	[tilespmem:$0x169E0] =	vst v0  }
0xe9: {  	v0 =	vld [tilespmem:s26+$0x14000];
	_ =	sdelay $0x4  }
0xea: {  	v1 =	vshra.s32 v0, $0x10  }
0xeb: {  	v0 =	vand.u32 $0xFFFF, v0;
	[tilespmem:$0x168F0] =	vst v1  }
0xec: {  	[tilespmem:$0x169F0] =	vst v0  }
0xed: {  	[tilespmem:s20], [sflag:$0x2] =	stream.indirect.gather [hbm4b:s4+s16], $0x80, s19, s16, $0xb8;
	[tilespmem:$0x1EA00] =	vst v63  }
0xee: {  	_ =	swait.ge [sflag:s21], $0x4000  }
0xef: {  	[sflag:s21] =	ssyncset.done $0x0  }
0xf0: {  	[sflag:s21] =	ssyncadd.s32 $0xFFFFC000  }
0xf1: {  	[spmem:s2] =	stream.indirect.scatter.add.f32 [tilespmem:s18], [sflag:$0x3], $0x80, s22, s16, $0xb8;
	[tilespmem:$0x1EA00] =	vst v63  }
0xf2: {  	_ =	swait.ge [sflag:s15], $0x4000  }
0xf3: {  	[sflag:s15] =	ssyncset.done $0x0  }
0xf4: {  	[sflag:s15] =	ssyncadd.s32 $0xFFFFC000  }
0xf5: {  	_ =	swait.ge [sflag:s23], $0x4000  }
0xf6: {  	[sflag:s23] =	ssyncset.done $0x0  }
0xf7: {  	[sflag:s23] =	ssyncadd.s32 $0xFFFFC000  }
0xf8: {  	[spmem:s2] =	stream.indirect.scatter.add.f32 [tilespmem:s20], [sflag:$0x3], $0x80, s24, s16, $0xb8;
	[tilespmem:$0x1EA00] =	vst v63  }
0xf9: {  	_ =	swait.ge [sflag:s15], $0x4000  }
0xfa: {  	[sflag:s15] =	ssyncset.done $0x0  }
0xfb: {  	[sflag:s15] =	ssyncadd.s32 $0xFFFFC000  }
0xfc: {  	s26 =	simm.s32 @p0 $0x1FC3;
	[bflag:$0x0] =	sbarrier.arrive $0xFFFF  }
0xfd: {  	[hbm:s9], [sflag:s26] =	dma.local @p0 [spmem:s11], $0x2080  }
0xfe: {  	s26 =	simm.s32 @p0 $0x3  }
0xff: {  	s25 =	sadd.s32 $0x1, s25;
	_ =	swait.ge @p0 [sflag:s26], $0x2080  }
0x100: {  	p1 =	sne.s32 s25, s10;
	[sflag:s26] =	ssyncset.done @p0 $0x0  }
.Ltmp1:
0x101: {  	[sflag:s26] =	ssyncadd.s32 @p0 $0xFFFFDF80;
	s26 =	simm.s32 @!p0 $0x3;
	(pc) =	sbr.rel @p1 .LBB2_1-.Ltmp1, $4  }
0x102: {  	[hbm:s8], [sflag:s12] =	dma.local @!p0 [spmem:s13], $0x2780  }
0x103: {  	_ =	swait.ge @!p0 [sflag:s26], $0x2780  }
0x104: {  	[sflag:s26] =	ssyncset.done @!p0 $0x0  }
0x105: {  	[sflag:s26] =	ssyncadd.s32 @!p0 $0xFFFFD880  }
0x106: {  	_ =	sfence.sel $0x180000  }
0x107: {  	[bflag:$0x0] =	sbarrier.arrive $0xFFFF  }
0x108: {  	p0 =	sne.s32 s0, $0x0;
	_ =	strace $0x90000050  }
0x109: {  	s0 =	sadd.s32 @!p0 $0x100000, s1;
	[bflag:$0x2] =	sbarrier.arrive $0xFFFF  }
0x10a: {  	[sflag:s0] =	ssyncadd.tile.s32 @!p0 $0x1;
	_ =	shalt  }
.Lfunc_end2:
_tile_overlayer_lowered:
.L_overlay_start_2:
0x10b: {  	(tag) =	ssettag $0x2  }
0x10c: {  	s0 =	rddreg [dreg:$0x0];
	s2 =	stileid.u32  }
0x10d: {  	s1 =	rddreg [dreg:$0x1];
	p0 =	sne.s32 s2, $0x0  }
0x10e: {  	s3 =	rddreg [dreg:$0x2];
	[bflag:$0x3] =	sbarrier.arrive $0xFFFF;
	s2 =	simm.s32 @!p0 $0x1C03  }
0x10f: {  	[timem:s3], [sflag:s2] =	dma.local @!p0 [hbm:s0], s1  }
0x110: {  	s0 =	simm.s32 @!p0 $0x3  }
0x111: {  	_ =	swait.ge @!p0 [sflag:s0], s1  }
0x112: {  	s1 =	ssub.s32 @!p0 $0x0, s1;
	[sflag:s0] =	ssyncset.done @!p0 $0x0  }
0x113: {  	[sflag:s0] =	ssyncadd.s32 @!p0 s1  }
0x114: {  	[bflag:$0x3] =	sbarrier.arrive $0xFFFF  }
0x115: {  	_ =	shalt  }

</sc_bundles>
